<compile_context>
chip_gen: v7x
topology: tpu7x:2x2x1
jax: 0.10.2.dev20260603
libtpu: 0.0.44.dev20260713+nightly
codegen_flags: <defaults>
</compile_context>

<pallas_src>
import jax
import jax.numpy as jnp
from jax import lax
from jax.experimental import pallas as pl
from jax.experimental.pallas import tpu as pltpu
from jax.experimental.pallas import tpu_sc as plsc

NUM_EMB = 1_000_000
NUM_SUB = 8
CB_SIZE = 256
SUB_DIM = 16
EMB_DIM = NUM_SUB * SUB_DIM

N_TOKENS = 4096 * 50
NC, NS = 2, 16
NW = NC * NS
CHUNK = 128
PER_W = N_TOKENS // NW
N_CHUNKS = PER_W // CHUNK
TOTAL_CHUNKS = NW * N_CHUNKS
ROWS = CHUNK * NUM_SUB


def _pq_body(ids_hbm, cb_hbm, q0, q1, out_hbm,
             ids_v, codes_v, fidx_v, out_v, cb_sh, sg, sp, sw):
    qs = (q0, q1)
    cid = lax.axis_index("c")
    sid = lax.axis_index("s")
    wid = sid * NC + cid

    @pl.when(sid == 0)
    def _():
        pltpu.sync_copy(cb_hbm, cb_sh)

    plsc.subcore_barrier()

    iota = lax.iota(jnp.int32, 16)
    lane_div8 = iota // 8
    lane_mod8 = iota % 8
    bias = lane_mod8 * CB_SIZE
    lane_quad = lane_mod8 // 4
    lane_shift = (lane_mod8 % 4) * 8

    def chunk_base(g):
        return ((wid * N_CHUNKS + g) % TOTAL_CHUNKS) * CHUNK

    def prefetch(g, b):
        pltpu.sync_copy(ids_hbm.at[pl.ds(chunk_base(g), CHUNK)], ids_v[b])
        for q in range(2):
            pltpu.async_copy(qs[q].at[ids_v[b]], codes_v[b].at[q], sg[b])

    def expand(g, b):
        for q in range(2):
            pltpu.make_async_copy(qs[q].at[ids_v[b]], codes_v[b].at[q],
                                  sg[b]).wait()
        prefetch(g + 1, 1 - b)
        @pl.when(g >= 2)
        def _():
            pltpu.make_async_copy(
                out_v[b],
                out_hbm.at[pl.ds(chunk_base(g - 2) * NUM_SUB, ROWS)],
                sw[b]).wait()
        copies = []
        for j in range(NUM_SUB):
            for i in range(8 * j, 8 * j + 8):
                col = lane_div8 + (2 * i)
                quad = plsc.load_gather(codes_v[b], [lane_quad, col])
                code = (quad >> lane_shift) & 0xFF
                fidx_v[b][j, pl.ds((i % 8) * 16, 16)] = code + bias
            copies.append(
                pltpu.async_copy(cb_sh.at[fidx_v[b].at[j]],
                                 out_v[b].at[pl.ds(j * CHUNK, CHUNK)], sp[b]))
        for c in copies:
            c.wait()
        pltpu.async_copy(out_v[b],
                         out_hbm.at[pl.ds(chunk_base(g) * NUM_SUB, ROWS)],
                         sw[b])

    prefetch(0, 0)

    def pair_body(g2, carry):
        expand(2 * g2, 0)
        expand(2 * g2 + 1, 1)
        return carry

    lax.fori_loop(0, N_CHUNKS // 2, pair_body, 0)

    pltpu.make_async_copy(
        out_v[0], out_hbm.at[pl.ds(chunk_base(N_CHUNKS - 2) * NUM_SUB, ROWS)],
        sw[0]).wait()
    pltpu.make_async_copy(
        out_v[1], out_hbm.at[pl.ds(chunk_base(N_CHUNKS - 1) * NUM_SUB, ROWS)],
        sw[1]).wait()
    for q in range(2):
        pltpu.make_async_copy(qs[q].at[ids_v[0]], codes_v[0].at[q],
                              sg[0]).wait()


@jax.jit
def _pq_lookup(ids_flat, cb_flat, q0, q1):
    mesh = plsc.VectorSubcoreMesh(core_axis_name="c", subcore_axis_name="s")
    run = pl.kernel(
        _pq_body,
        out_type=jax.ShapeDtypeStruct((N_TOKENS * NUM_SUB, SUB_DIM),
                                      jnp.float32),
        mesh=mesh,
        compiler_params=pltpu.CompilerParams(use_tc_tiling_on_sc=False,
                                             needs_layout_passes=False),
        scratch_types=[
            [pltpu.VMEM((CHUNK,), jnp.int32)] * 2,
            [pltpu.VMEM((2, CHUNK), jnp.int32)] * 2,
            [pltpu.VMEM((NUM_SUB, CHUNK), jnp.int32)] * 2,
            [pltpu.VMEM((ROWS, SUB_DIM), jnp.float32)] * 2,
            pltpu.VMEM_SHARED((NUM_SUB * CB_SIZE, SUB_DIM), jnp.float32),
            [pltpu.SemaphoreType.DMA] * 2,
            [pltpu.SemaphoreType.DMA] * 2,
            [pltpu.SemaphoreType.DMA] * 2,
        ],
    )
    return run(ids_flat, cb_flat, q0, q1)


def kernel(input_ids, codebooks, codes):
    B, L = input_ids.shape
    ids_t = input_ids.T.reshape(-1).astype(jnp.int32)
    cb_flat = codebooks.reshape(NUM_SUB * CB_SIZE, SUB_DIM)
    w = jnp.zeros((NUM_SUB, 4), jnp.float32)
    w = w.at[0, 0].set(1.0).at[1, 0].set(256.0)
    w = w.at[2, 1].set(1.0).at[3, 1].set(256.0)
    w = w.at[4, 2].set(1.0).at[5, 2].set(256.0)
    w = w.at[6, 3].set(1.0).at[7, 3].set(256.0)
    halves = jax.lax.dot(codes.astype(jnp.float32), w,
                         precision=jax.lax.Precision.HIGHEST)
    h = halves.astype(jnp.int32)
    q0 = h[:, 0] | (h[:, 1] << 16)
    q1 = h[:, 2] | (h[:, 3] << 16)
    out = _pq_lookup(ids_t, cb_flat, q0, q1)
    return jnp.swapaxes(out.reshape(L, B, EMB_DIM), 0, 1)

# --- scband reference (transcript-rebuilt; emitter-appended) ---
"""Pipeline reference for scband-product-quantized-embedding-17927193493774 (READ-ONLY COPY).

The authoritative reference and input builder live on the scoring server;
editing this copy changes nothing except your own understanding.
"""

import jax, jax.numpy as jnp
import numpy as np

NUM_EMBEDDINGS = 1000000
EMBEDDING_DIM = 128
NUM_SUBVECTORS = 8
CODEBOOK_SIZE = 256
SUB_DIM = EMBEDDING_DIM // NUM_SUBVECTORS


def setup_inputs(seed: int = 0) -> dict:
    key = jax.random.key(seed)
    k1, k2, k3 = jax.random.split(key, 3)
    input_ids = jax.random.randint(k1, (4096, 50), 0, NUM_EMBEDDINGS, dtype=jnp.int64 if jax.config.jax_enable_x64 else jnp.int32)
    codebooks = jax.random.normal(k2, (NUM_SUBVECTORS, CODEBOOK_SIZE, SUB_DIM), dtype=jnp.float32) * 0.01
    codes = jax.random.randint(k3, (NUM_EMBEDDINGS, NUM_SUBVECTORS), 0, CODEBOOK_SIZE, dtype=jnp.int32)
    return {"input_ids": input_ids, "codebooks": codebooks, "codes": codes}


def reference(input_ids, codebooks, codes):
    # codes lookup: [B, L] -> [B, L, S]
    sel = jnp.take(codes, input_ids, axis=0)
    # per-subvector codebook gather, then concat along feature dim
    parts = []
    for s in range(NUM_SUBVECTORS):
        sub_codes = sel[:, :, s]                      # [B, L]
        sub_vectors = jnp.take(codebooks[s], sub_codes, axis=0)  # [B, L, SUB_DIM]
        parts.append(sub_vectors)
    result = jnp.concatenate(parts, axis=-1)          # [B, L, EMBEDDING_DIM]
    return result

if __name__ == "__main__":
    import jax
    _d = setup_inputs()
    print(jax.jit(kernel)(*tuple(_d.values())))

</pallas_src>

<mosaic_0001>
#map = affine_map<(d0, d1) -> (0)>
#map1 = affine_map<(d0, d1) -> (0, 0)>
module attributes {stable_mosaic.version = 14 : i64} {
  func.func @_pq_body(%arg0: i32, %arg1: i32, %arg2: memref<204800xi32, #tpu.memory_space<hbm>>, %arg3: memref<2048x16xf32, #tpu.memory_space<hbm>>, %arg4: memref<1000000xi32, #tpu.memory_space<hbm>>, %arg5: memref<1000000xi32, #tpu.memory_space<hbm>>, %arg6: memref<1638400x16xf32, #tpu.memory_space<hbm>>, %arg7: memref<128xi32, #tpu.memory_space<vmem>>, %arg8: memref<128xi32, #tpu.memory_space<vmem>>, %arg9: memref<2x128xi32, #tpu.memory_space<vmem>>, %arg10: memref<2x128xi32, #tpu.memory_space<vmem>>, %arg11: memref<8x128xi32, #tpu.memory_space<vmem>>, %arg12: memref<8x128xi32, #tpu.memory_space<vmem>>, %arg13: memref<1024x16xf32, #tpu.memory_space<vmem>>, %arg14: memref<1024x16xf32, #tpu.memory_space<vmem>>, %arg15: memref<2048x16xf32, #tpu.memory_space<vmem_shared>>, %arg16: memref<!tpu.dma_semaphore, #tpu.memory_space<semaphore_mem>>, %arg17: memref<!tpu.dma_semaphore, #tpu.memory_space<semaphore_mem>>, %arg18: memref<!tpu.dma_semaphore, #tpu.memory_space<semaphore_mem>>, %arg19: memref<!tpu.dma_semaphore, #tpu.memory_space<semaphore_mem>>, %arg20: memref<!tpu.dma_semaphore, #tpu.memory_space<semaphore_mem>>, %arg21: memref<!tpu.dma_semaphore, #tpu.memory_space<semaphore_mem>>) attributes {dimension_semantics = [#tpu.dimension_semantics<core_parallel>, #tpu.dimension_semantics<subcore_parallel>], iteration_bounds = array<i64: 2, 16>, scalar_prefetch = 0 : i64, scratch_operands = 15 : i64, tpu.core_type = #tpu.core_type<sc_vector_subcore>, window_params = [{transform_indices = #map}, {transform_indices = #map1}, {transform_indices = #map}, {transform_indices = #map}, {transform_indices = #map1}]} {
    %mul3A = arith.constant 2 : i32
    %mul3A_0 = arith.muli %arg1, %mul3A : i32
    %add3A = arith.addi %mul3A_0, %arg0 : i32
    %eq3A = arith.constant 0 : i32
    %eq3A_1 = arith.cmpi eq, %arg1, %eq3A : i32
    %convert_element_type3A = arith.extui %eq3A_1 : i1 to i32
    %cond3A = arith.constant 0 : i32
    %cond3A_2 = arith.cmpi ne, %convert_element_type3A, %cond3A : i32
    scf.if %cond3A_2 {
      "tpu.region"() ({
        %run_scoped3A = tpu.sem_alloc : memref<!tpu.dma_semaphore, #tpu.memory_space<semaphore_mem>>
        tpu.enqueue_dma source(%arg3 : memref<2048x16xf32, #tpu.memory_space<hbm>>) target(%arg15 : memref<2048x16xf32, #tpu.memory_space<vmem_shared>>) target_semaphore(%run_scoped3A : memref<!tpu.dma_semaphore, #tpu.memory_space<semaphore_mem>>)
        tpu.wait_dma2 semaphore(%run_scoped3A : memref<!tpu.dma_semaphore, #tpu.memory_space<semaphore_mem>>) src(%arg3 : memref<2048x16xf32, #tpu.memory_space<hbm>>) dst(%arg15 : memref<2048x16xf32, #tpu.memory_space<vmem_shared>>)
        tpu.yield
      }) : () -> ()
    } else {
    }
    %barrier3A = arith.constant 0 : index
    tpu.barrier barrier_id(%barrier3A)
    %iota3A = tpu.iota {dimensions = array<i32: 0>} : vector<16xi32>
    %jit3A = arith.constant 8 : i32
    %div3A = vector.broadcast %jit3A : i32 to vector<16xi32>
    %div3A_3 = arith.divsi %iota3A, %div3A : vector<16xi32>
    %sign3A = arith.constant 0 : i32
    %sign3A_4 = vector.broadcast %sign3A : i32 to vector<16xi32>
    %sign3A_5 = arith.cmpi sgt, %iota3A, %sign3A_4 : vector<16xi32>
    %sign3A_6 = arith.extui %sign3A_5 : vector<16xi1> to vector<16xi32>
    %sign3A_7 = arith.constant 0 : i32
    %sign3A_8 = vector.broadcast %sign3A_7 : i32 to vector<16xi32>
    %sign3A_9 = arith.cmpi slt, %iota3A, %sign3A_8 : vector<16xi32>
    %sign3A_10 = arith.extui %sign3A_9 : vector<16xi1> to vector<16xi32>
    %sign3A_11 = arith.subi %sign3A_6, %sign3A_10 : vector<16xi32>
    %sign3A_12 = arith.constant 0 : i32
    %sign3A_13 = arith.cmpi sgt, %jit3A, %sign3A_12 : i32
    %sign3A_14 = arith.extui %sign3A_13 : i1 to i32
    %sign3A_15 = arith.constant 0 : i32
    %sign3A_16 = arith.cmpi slt, %jit3A, %sign3A_15 : i32
    %sign3A_17 = arith.extui %sign3A_16 : i1 to i32
    %sign3A_18 = arith.subi %sign3A_14, %sign3A_17 : i32
    %ne3A = vector.broadcast %sign3A_18 : i32 to vector<16xi32>
    %ne3A_19 = arith.cmpi ne, %sign3A_11, %ne3A : vector<16xi32>
    %rem3A = vector.broadcast %jit3A : i32 to vector<16xi32>
    %rem3A_20 = arith.remsi %iota3A, %rem3A : vector<16xi32>
    %ne3A_21 = arith.constant 0 : i32
    %ne3A_22 = vector.broadcast %ne3A_21 : i32 to vector<16xi32>
    %ne3A_23 = arith.cmpi ne, %rem3A_20, %ne3A_22 : vector<16xi32>
    %and3A = arith.andi %ne3A_19, %ne3A_23 : vector<16xi1>
    %sub3A = arith.constant 1 : i32
    %sub3A_24 = vector.broadcast %sub3A : i32 to vector<16xi32>
    %sub3A_25 = arith.subi %div3A_3, %sub3A_24 : vector<16xi32>
    %select_n3A = arith.select %and3A, %sub3A_25, %div3A_3 : vector<16xi1>, vector<16xi32>
    %jit3A_26 = arith.constant 8 : i32
    %eq3A_27 = arith.constant 0 : i32
    %eq3A_28 = arith.cmpi eq, %jit3A_26, %eq3A_27 : i32
    %jit3A_29 = arith.constant 1 : i32
    %select_n3A_30 = arith.select %eq3A_28, %jit3A_29, %jit3A_26 : i32
    %rem3A_31 = vector.broadcast %select_n3A_30 : i32 to vector<16xi32>
    %rem3A_32 = arith.remsi %iota3A, %rem3A_31 : vector<16xi32>
    %ne3A_33 = arith.constant 0 : i32
    %ne3A_34 = vector.broadcast %ne3A_33 : i32 to vector<16xi32>
    %ne3A_35 = arith.cmpi ne, %rem3A_32, %ne3A_34 : vector<16xi32>
    %lt3A = arith.constant 0 : i32
    %lt3A_36 = vector.broadcast %lt3A : i32 to vector<16xi32>
    %lt3A_37 = arith.cmpi slt, %rem3A_32, %lt3A_36 : vector<16xi32>
    %lt3A_38 = arith.constant 0 : i32
    %lt3A_39 = arith.cmpi slt, %select_n3A_30, %lt3A_38 : i32
    %ne3A_40 = vector.broadcast %lt3A_39 : i1 to vector<16xi1>
    %ne3A_41 = vector.broadcast %ne3A_40 : vector<16xi1> to vector<16xi1>
    %ne3A_42 = arith.xori %lt3A_37, %ne3A_41 : vector<16xi1>
    %and3A_43 = arith.andi %ne3A_42, %ne3A_35 : vector<16xi1>
    %add3A_44 = vector.broadcast %select_n3A_30 : i32 to vector<16xi32>
    %add3A_45 = arith.addi %rem3A_32, %add3A_44 : vector<16xi32>
    %select_n3A_46 = arith.select %and3A_43, %add3A_45, %rem3A_32 : vector<16xi1>, vector<16xi32>
    %mul3A_47 = arith.constant 256 : i32
    %mul3A_48 = vector.broadcast %mul3A_47 : i32 to vector<16xi32>
    %mul3A_49 = arith.muli %select_n3A_46, %mul3A_48 : vector<16xi32>
    %jit3A_50 = arith.constant 4 : i32
    %div3A_51 = vector.broadcast %jit3A_50 : i32 to vector<16xi32>
    %div3A_52 = arith.divsi %select_n3A_46, %div3A_51 : vector<16xi32>
    %sign3A_53 = arith.constant 0 : i32
    %sign3A_54 = vector.broadcast %sign3A_53 : i32 to vector<16xi32>
    %sign3A_55 = arith.cmpi sgt, %select_n3A_46, %sign3A_54 : vector<16xi32>
    %sign3A_56 = arith.extui %sign3A_55 : vector<16xi1> to vector<16xi32>
    %sign3A_57 = arith.constant 0 : i32
    %sign3A_58 = vector.broadcast %sign3A_57 : i32 to vector<16xi32>
    %sign3A_59 = arith.cmpi slt, %select_n3A_46, %sign3A_58 : vector<16xi32>
    %sign3A_60 = arith.extui %sign3A_59 : vector<16xi1> to vector<16xi32>
    %sign3A_61 = arith.subi %sign3A_56, %sign3A_60 : vector<16xi32>
    %sign3A_62 = arith.constant 0 : i32
    %sign3A_63 = arith.cmpi sgt, %jit3A_50, %sign3A_62 : i32
    %sign3A_64 = arith.extui %sign3A_63 : i1 to i32
    %sign3A_65 = arith.constant 0 : i32
    %sign3A_66 = arith.cmpi slt, %jit3A_50, %sign3A_65 : i32
    %sign3A_67 = arith.extui %sign3A_66 : i1 to i32
    %sign3A_68 = arith.subi %sign3A_64, %sign3A_67 : i32
    %ne3A_69 = vector.broadcast %sign3A_68 : i32 to vector<16xi32>
    %ne3A_70 = arith.cmpi ne, %sign3A_61, %ne3A_69 : vector<16xi32>
    %rem3A_71 = vector.broadcast %jit3A_50 : i32 to vector<16xi32>
    %rem3A_72 = arith.remsi %select_n3A_46, %rem3A_71 : vector<16xi32>
    %ne3A_73 = arith.constant 0 : i32
    %ne3A_74 = vector.broadcast %ne3A_73 : i32 to vector<16xi32>
    %ne3A_75 = arith.cmpi ne, %rem3A_72, %ne3A_74 : vector<16xi32>
    %and3A_76 = arith.andi %ne3A_70, %ne3A_75 : vector<16xi1>
    %sub3A_77 = arith.constant 1 : i32
    %sub3A_78 = vector.broadcast %sub3A_77 : i32 to vector<16xi32>
    %sub3A_79 = arith.subi %div3A_52, %sub3A_78 : vector<16xi32>
    %select_n3A_80 = arith.select %and3A_76, %sub3A_79, %div3A_52 : vector<16xi1>, vector<16xi32>
    %jit3A_81 = arith.constant 4 : i32
    %eq3A_82 = arith.constant 0 : i32
    %eq3A_83 = arith.cmpi eq, %jit3A_81, %eq3A_82 : i32
    %jit3A_84 = arith.constant 1 : i32
    %select_n3A_85 = arith.select %eq3A_83, %jit3A_84, %jit3A_81 : i32
    %rem3A_86 = vector.broadcast %select_n3A_85 : i32 to vector<16xi32>
    %rem3A_87 = arith.remsi %select_n3A_46, %rem3A_86 : vector<16xi32>
    %ne3A_88 = arith.constant 0 : i32
    %ne3A_89 = vector.broadcast %ne3A_88 : i32 to vector<16xi32>
    %ne3A_90 = arith.cmpi ne, %rem3A_87, %ne3A_89 : vector<16xi32>
    %lt3A_91 = arith.constant 0 : i32
    %lt3A_92 = vector.broadcast %lt3A_91 : i32 to vector<16xi32>
    %lt3A_93 = arith.cmpi slt, %rem3A_87, %lt3A_92 : vector<16xi32>
    %lt3A_94 = arith.constant 0 : i32
    %lt3A_95 = arith.cmpi slt, %select_n3A_85, %lt3A_94 : i32
    %ne3A_96 = vector.broadcast %lt3A_95 : i1 to vector<16xi1>
    %ne3A_97 = vector.broadcast %ne3A_96 : vector<16xi1> to vector<16xi1>
    %ne3A_98 = arith.xori %lt3A_93, %ne3A_97 : vector<16xi1>
    %and3A_99 = arith.andi %ne3A_98, %ne3A_90 : vector<16xi1>
    %add3A_100 = vector.broadcast %select_n3A_85 : i32 to vector<16xi32>
    %add3A_101 = arith.addi %rem3A_87, %add3A_100 : vector<16xi32>
    %select_n3A_102 = arith.select %and3A_99, %add3A_101, %rem3A_87 : vector<16xi1>, vector<16xi32>
    %mul3A_103 = arith.constant 8 : i32
    %mul3A_104 = vector.broadcast %mul3A_103 : i32 to vector<16xi32>
    %mul3A_105 = arith.muli %select_n3A_102, %mul3A_104 : vector<16xi32>
    %mul3A_106 = arith.constant 50 : i32
    %mul3A_107 = arith.muli %add3A, %mul3A_106 : i32
    %add3A_108 = arith.constant 0 : i32
    %add3A_109 = arith.addi %mul3A_107, %add3A_108 : i32
    %jit3A_110 = arith.constant 1600 : i32
    %eq3A_111 = arith.constant 0 : i32
    %eq3A_112 = arith.cmpi eq, %jit3A_110, %eq3A_111 : i32
    %jit3A_113 = arith.constant 1 : i32
    %select_n3A_114 = arith.select %eq3A_112, %jit3A_113, %jit3A_110 : i32
    %rem3A_115 = arith.remsi %add3A_109, %select_n3A_114 : i32
    %ne3A_116 = arith.constant 0 : i32
    %ne3A_117 = arith.cmpi ne, %rem3A_115, %ne3A_116 : i32
    %lt3A_118 = arith.constant 0 : i32
    %lt3A_119 = arith.cmpi slt, %rem3A_115, %lt3A_118 : i32
    %lt3A_120 = arith.constant 0 : i32
    %lt3A_121 = arith.cmpi slt, %select_n3A_114, %lt3A_120 : i32
    %ne3A_122 = arith.xori %lt3A_119, %lt3A_121 : i1
    %and3A_123 = arith.andi %ne3A_122, %ne3A_117 : i1
    %add3A_124 = arith.addi %rem3A_115, %select_n3A_114 : i32
    %select_n3A_125 = arith.select %and3A_123, %add3A_124, %rem3A_115 : i32
    %mul3A_126 = arith.constant 128 : i32
    %mul3A_127 = arith.muli %select_n3A_125, %mul3A_126 : i32
    "tpu.region"() ({
      %run_scoped3A = tpu.sem_alloc : memref<!tpu.dma_semaphore, #tpu.memory_space<semaphore_mem>>
      %dma_start3A_211 = tpu.memref_slice %arg2[%mul3A_127] : memref<204800xi32, #tpu.memory_space<hbm>> -> memref<128xi32, #tpu.memory_space<hbm>>
      %dma_start3A_212 = tpu.memref_slice %arg2[%mul3A_127] : memref<204800xi32, #tpu.memory_space<hbm>> -> memref<128xi32, #tpu.memory_space<hbm>>
      tpu.enqueue_dma source(%dma_start3A_212 : memref<128xi32, #tpu.memory_space<hbm>>) target(%arg7 : memref<128xi32, #tpu.memory_space<vmem>>) target_semaphore(%run_scoped3A : memref<!tpu.dma_semaphore, #tpu.memory_space<semaphore_mem>>)
      %dma_wait3A_213 = tpu.memref_slice %arg2[%mul3A_127] : memref<204800xi32, #tpu.memory_space<hbm>> -> memref<128xi32, #tpu.memory_space<hbm>>
      %dma_wait3A_214 = tpu.memref_slice %arg2[%mul3A_127] : memref<204800xi32, #tpu.memory_space<hbm>> -> memref<128xi32, #tpu.memory_space<hbm>>
      tpu.wait_dma2 semaphore(%run_scoped3A : memref<!tpu.dma_semaphore, #tpu.memory_space<semaphore_mem>>) src(%dma_wait3A_214 : memref<128xi32, #tpu.memory_space<hbm>>) dst(%arg7 : memref<128xi32, #tpu.memory_space<vmem>>)
      tpu.yield
    }) : () -> ()
    %dma_start3A = arith.constant 0 : i32
    %dma_start3A_128 = arith.constant 0 : i32
    %dma_start3A_129 = tpu.memref_slice %arg9[%dma_start3A, %dma_start3A_128] : memref<2x128xi32, #tpu.memory_space<vmem>> -> memref<1x128xi32, #tpu.memory_space<vmem>>
    %dma_start3A_130 = tpu.memref_squeeze %dma_start3A_129 : memref<1x128xi32, #tpu.memory_space<vmem>> -> memref<128xi32, #tpu.memory_space<vmem>>
    %dma_start3A_131 = arith.constant 0 : i32
    %dma_start3A_132 = tpu.memref_slice %arg4[%dma_start3A_131] : memref<1000000xi32, #tpu.memory_space<hbm>> -> memref<1000000xi32, #tpu.memory_space<hbm>>
    tpu.enqueue_indirect_dma source(%dma_start3A_132 : memref<1000000xi32, #tpu.memory_space<hbm>>) target(%dma_start3A_130 : memref<128xi32, #tpu.memory_space<vmem>>) offsets(%arg7 : memref<128xi32, #tpu.memory_space<vmem>>) semaphore(%arg16 : memref<!tpu.dma_semaphore, #tpu.memory_space<semaphore_mem>>)
    %dma_start3A_133 = arith.constant 1 : i32
    %dma_start3A_134 = arith.constant 0 : i32
    %dma_start3A_135 = tpu.memref_slice %arg9[%dma_start3A_133, %dma_start3A_134] : memref<2x128xi32, #tpu.memory_space<vmem>> -> memref<1x128xi32, #tpu.memory_space<vmem>>
    %dma_start3A_136 = tpu.memref_squeeze %dma_start3A_135 : memref<1x128xi32, #tpu.memory_space<vmem>> -> memref<128xi32, #tpu.memory_space<vmem>>
    %dma_start3A_137 = arith.constant 0 : i32
    %dma_start3A_138 = tpu.memref_slice %arg5[%dma_start3A_137] : memref<1000000xi32, #tpu.memory_space<hbm>> -> memref<1000000xi32, #tpu.memory_space<hbm>>
    tpu.enqueue_indirect_dma source(%dma_start3A_138 : memref<1000000xi32, #tpu.memory_space<hbm>>) target(%dma_start3A_136 : memref<128xi32, #tpu.memory_space<vmem>>) offsets(%arg7 : memref<128xi32, #tpu.memory_space<vmem>>) semaphore(%arg16 : memref<!tpu.dma_semaphore, #tpu.memory_space<semaphore_mem>>)
    %scan3A = arith.constant 0 : i32
    %scan3A_139 = arith.constant 0 : i32
    %scan3A_140 = arith.constant 25 : i32
    %scan3A_141 = arith.addi %scan3A_139, %scan3A_140 : i32
    %scan3A_142 = arith.constant 1 : i32
    scf.for %scan3A_211 = %scan3A_139 to %scan3A_141 step %scan3A_142  : i32 {
      %mul3A_212 = arith.constant 2 : i32
      %mul3A_213 = arith.muli %mul3A_212, %scan3A_211 : i32
      %dma_wait3A_214 = arith.constant 0 : i32
      %dma_wait3A_215 = arith.constant 0 : i32
      %dma_wait3A_216 = tpu.memref_slice %arg9[%dma_wait3A_214, %dma_wait3A_215] : memref<2x128xi32, #tpu.memory_space<vmem>> -> memref<1x128xi32, #tpu.memory_space<vmem>>
      %dma_wait3A_217 = tpu.memref_squeeze %dma_wait3A_216 : memref<1x128xi32, #tpu.memory_space<vmem>> -> memref<128xi32, #tpu.memory_space<vmem>>
      %dma_wait3A_218 = arith.constant 0 : i32
      %dma_wait3A_219 = tpu.memref_slice %arg4[%dma_wait3A_218] : memref<1000000xi32, #tpu.memory_space<hbm>> -> memref<1000000xi32, #tpu.memory_space<hbm>>
      tpu.wait_indirect_dma semaphore(%arg16 : memref<!tpu.dma_semaphore, #tpu.memory_space<semaphore_mem>>) src(%dma_wait3A_219 : memref<1000000xi32, #tpu.memory_space<hbm>>) dst(%dma_wait3A_217 : memref<128xi32, #tpu.memory_space<vmem>>)
      %dma_wait3A_220 = arith.constant 1 : i32
      %dma_wait3A_221 = arith.constant 0 : i32
      %dma_wait3A_222 = tpu.memref_slice %arg9[%dma_wait3A_220, %dma_wait3A_221] : memref<2x128xi32, #tpu.memory_space<vmem>> -> memref<1x128xi32, #tpu.memory_space<vmem>>
      %dma_wait3A_223 = tpu.memref_squeeze %dma_wait3A_222 : memref<1x128xi32, #tpu.memory_space<vmem>> -> memref<128xi32, #tpu.memory_space<vmem>>
      %dma_wait3A_224 = arith.constant 0 : i32
      %dma_wait3A_225 = tpu.memref_slice %arg5[%dma_wait3A_224] : memref<1000000xi32, #tpu.memory_space<hbm>> -> memref<1000000xi32, #tpu.memory_space<hbm>>
      tpu.wait_indirect_dma semaphore(%arg16 : memref<!tpu.dma_semaphore, #tpu.memory_space<semaphore_mem>>) src(%dma_wait3A_225 : memref<1000000xi32, #tpu.memory_space<hbm>>) dst(%dma_wait3A_223 : memref<128xi32, #tpu.memory_space<vmem>>)
      %add3A_226 = arith.constant 1 : i32
      %add3A_227 = arith.addi %mul3A_213, %add3A_226 : i32
      %mul3A_228 = arith.constant 50 : i32
      %mul3A_229 = arith.muli %add3A, %mul3A_228 : i32
      %add3A_230 = arith.addi %mul3A_229, %add3A_227 : i32
      %jit3A_231 = arith.constant 1600 : i32
      %eq3A_232 = arith.constant 0 : i32
      %eq3A_233 = arith.cmpi eq, %jit3A_231, %eq3A_232 : i32
      %jit3A_234 = arith.constant 1 : i32
      %select_n3A_235 = arith.select %eq3A_233, %jit3A_234, %jit3A_231 : i32
      %rem3A_236 = arith.remsi %add3A_230, %select_n3A_235 : i32
      %ne3A_237 = arith.constant 0 : i32
      %ne3A_238 = arith.cmpi ne, %rem3A_236, %ne3A_237 : i32
      %lt3A_239 = arith.constant 0 : i32
      %lt3A_240 = arith.cmpi slt, %rem3A_236, %lt3A_239 : i32
      %lt3A_241 = arith.constant 0 : i32
      %lt3A_242 = arith.cmpi slt, %select_n3A_235, %lt3A_241 : i32
      %ne3A_243 = arith.xori %lt3A_240, %lt3A_242 : i1
      %and3A_244 = arith.andi %ne3A_243, %ne3A_238 : i1
      %add3A_245 = arith.addi %rem3A_236, %select_n3A_235 : i32
      %select_n3A_246 = arith.select %and3A_244, %add3A_245, %rem3A_236 : i32
      %mul3A_247 = arith.constant 128 : i32
      %mul3A_248 = arith.muli %select_n3A_246, %mul3A_247 : i32
      "tpu.region"() ({
        %run_scoped3A = tpu.sem_alloc : memref<!tpu.dma_semaphore, #tpu.memory_space<semaphore_mem>>
        %dma_start3A_2356 = tpu.memref_slice %arg2[%mul3A_248] : memref<204800xi32, #tpu.memory_space<hbm>> -> memref<128xi32, #tpu.memory_space<hbm>>
        %dma_start3A_2357 = tpu.memref_slice %arg2[%mul3A_248] : memref<204800xi32, #tpu.memory_space<hbm>> -> memref<128xi32, #tpu.memory_space<hbm>>
        tpu.enqueue_dma source(%dma_start3A_2357 : memref<128xi32, #tpu.memory_space<hbm>>) target(%arg8 : memref<128xi32, #tpu.memory_space<vmem>>) target_semaphore(%run_scoped3A : memref<!tpu.dma_semaphore, #tpu.memory_space<semaphore_mem>>)
        %dma_wait3A_2358 = tpu.memref_slice %arg2[%mul3A_248] : memref<204800xi32, #tpu.memory_space<hbm>> -> memref<128xi32, #tpu.memory_space<hbm>>
        %dma_wait3A_2359 = tpu.memref_slice %arg2[%mul3A_248] : memref<204800xi32, #tpu.memory_space<hbm>> -> memref<128xi32, #tpu.memory_space<hbm>>
        tpu.wait_dma2 semaphore(%run_scoped3A : memref<!tpu.dma_semaphore, #tpu.memory_space<semaphore_mem>>) src(%dma_wait3A_2359 : memref<128xi32, #tpu.memory_space<hbm>>) dst(%arg8 : memref<128xi32, #tpu.memory_space<vmem>>)
        tpu.yield
      }) : () -> ()
      %dma_start3A_249 = arith.constant 0 : i32
      %dma_start3A_250 = arith.constant 0 : i32
      %dma_start3A_251 = tpu.memref_slice %arg10[%dma_start3A_249, %dma_start3A_250] : memref<2x128xi32, #tpu.memory_space<vmem>> -> memref<1x128xi32, #tpu.memory_space<vmem>>
      %dma_start3A_252 = tpu.memref_squeeze %dma_start3A_251 : memref<1x128xi32, #tpu.memory_space<vmem>> -> memref<128xi32, #tpu.memory_space<vmem>>
      %dma_start3A_253 = arith.constant 0 : i32
      %dma_start3A_254 = tpu.memref_slice %arg4[%dma_start3A_253] : memref<1000000xi32, #tpu.memory_space<hbm>> -> memref<1000000xi32, #tpu.memory_space<hbm>>
      tpu.enqueue_indirect_dma source(%dma_start3A_254 : memref<1000000xi32, #tpu.memory_space<hbm>>) target(%dma_start3A_252 : memref<128xi32, #tpu.memory_space<vmem>>) offsets(%arg8 : memref<128xi32, #tpu.memory_space<vmem>>) semaphore(%arg17 : memref<!tpu.dma_semaphore, #tpu.memory_space<semaphore_mem>>)
      %dma_start3A_255 = arith.constant 1 : i32
      %dma_start3A_256 = arith.constant 0 : i32
      %dma_start3A_257 = tpu.memref_slice %arg10[%dma_start3A_255, %dma_start3A_256] : memref<2x128xi32, #tpu.memory_space<vmem>> -> memref<1x128xi32, #tpu.memory_space<vmem>>
      %dma_start3A_258 = tpu.memref_squeeze %dma_start3A_257 : memref<1x128xi32, #tpu.memory_space<vmem>> -> memref<128xi32, #tpu.memory_space<vmem>>
      %dma_start3A_259 = arith.constant 0 : i32
      %dma_start3A_260 = tpu.memref_slice %arg5[%dma_start3A_259] : memref<1000000xi32, #tpu.memory_space<hbm>> -> memref<1000000xi32, #tpu.memory_space<hbm>>
      tpu.enqueue_indirect_dma source(%dma_start3A_260 : memref<1000000xi32, #tpu.memory_space<hbm>>) target(%dma_start3A_258 : memref<128xi32, #tpu.memory_space<vmem>>) offsets(%arg8 : memref<128xi32, #tpu.memory_space<vmem>>) semaphore(%arg17 : memref<!tpu.dma_semaphore, #tpu.memory_space<semaphore_mem>>)
      %ge3A = arith.constant 2 : i32
      %ge3A_261 = arith.cmpi sge, %mul3A_213, %ge3A : i32
      %convert_element_type3A_262 = arith.extui %ge3A_261 : i1 to i32
      %cond3A_263 = arith.constant 0 : i32
      %cond3A_264 = arith.cmpi ne, %convert_element_type3A_262, %cond3A_263 : i32
      scf.if %cond3A_264 {
        %sub3A_2356 = arith.constant 2 : i32
        %sub3A_2357 = arith.subi %mul3A_213, %sub3A_2356 : i32
        %mul3A_2358 = arith.constant 50 : i32
        %mul3A_2359 = arith.muli %add3A, %mul3A_2358 : i32
        %add3A_2360 = arith.addi %mul3A_2359, %sub3A_2357 : i32
        %jit3A_2361 = arith.constant 1600 : i32
        %eq3A_2362 = arith.constant 0 : i32
        %eq3A_2363 = arith.cmpi eq, %jit3A_2361, %eq3A_2362 : i32
        %jit3A_2364 = arith.constant 1 : i32
        %select_n3A_2365 = arith.select %eq3A_2363, %jit3A_2364, %jit3A_2361 : i32
        %rem3A_2366 = arith.remsi %add3A_2360, %select_n3A_2365 : i32
        %ne3A_2367 = arith.constant 0 : i32
        %ne3A_2368 = arith.cmpi ne, %rem3A_2366, %ne3A_2367 : i32
        %lt3A_2369 = arith.constant 0 : i32
        %lt3A_2370 = arith.cmpi slt, %rem3A_2366, %lt3A_2369 : i32
        %lt3A_2371 = arith.constant 0 : i32
        %lt3A_2372 = arith.cmpi slt, %select_n3A_2365, %lt3A_2371 : i32
        %ne3A_2373 = arith.xori %lt3A_2370, %lt3A_2372 : i1
        %and3A_2374 = arith.andi %ne3A_2373, %ne3A_2368 : i1
        %add3A_2375 = arith.addi %rem3A_2366, %select_n3A_2365 : i32
        %select_n3A_2376 = arith.select %and3A_2374, %add3A_2375, %rem3A_2366 : i32
        %mul3A_2377 = arith.constant 128 : i32
        %mul3A_2378 = arith.muli %select_n3A_2376, %mul3A_2377 : i32
        %mul3A_2379 = arith.constant 8 : i32
        %mul3A_2380 = arith.muli %mul3A_2378, %mul3A_2379 : i32
        %dma_wait3A_2381 = arith.constant 0 : i32
        %dma_wait3A_2382 = tpu.memref_slice %arg6[%mul3A_2380, %dma_wait3A_2381] : memref<1638400x16xf32, #tpu.memory_space<hbm>> -> memref<1024x16xf32, #tpu.memory_space<hbm>>
        %dma_wait3A_2383 = arith.constant 0 : i32
        %dma_wait3A_2384 = tpu.memref_slice %arg6[%mul3A_2380, %dma_wait3A_2383] : memref<1638400x16xf32, #tpu.memory_space<hbm>> -> memref<1024x16xf32, #tpu.memory_space<hbm>>
        tpu.wait_dma2 semaphore(%arg20 : memref<!tpu.dma_semaphore, #tpu.memory_space<semaphore_mem>>) src(%arg13 : memref<1024x16xf32, #tpu.memory_space<vmem>>) dst(%dma_wait3A_2384 : memref<1024x16xf32, #tpu.memory_space<hbm>>)
      } else {
      }
      %add3A_265 = arith.constant 0 : i32
      %add3A_266 = vector.broadcast %add3A_265 : i32 to vector<16xi32>
      %add3A_267 = arith.addi %select_n3A, %add3A_266 : vector<16xi32>
      %gather3A = tpu.vector_load_idx %arg9[%select_n3A_80, %add3A_267] : memref<2x128xi32, #tpu.memory_space<vmem>>[vector<16xi32>, vector<16xi32>], vector<16xi32>,
      %shift_right_arithmetic3A = arith.shrsi %gather3A, %mul3A_105 : vector<16xi32>
      %and3A_268 = arith.constant 255 : i32
      %and3A_269 = vector.broadcast %and3A_268 : i32 to vector<16xi32>
      %and3A_270 = arith.andi %shift_right_arithmetic3A, %and3A_269 : vector<16xi32>
      %add3A_271 = arith.addi %and3A_270, %mul3A_49 : vector<16xi32>
      %swap3A = arith.constant 0 : i32
      %swap3A_272 = arith.index_cast %swap3A : i32 to index
      %swap3A_273 = arith.constant 0 : index
      %swap3A_274 = tpu.vector_load %arg11[%swap3A_272, %swap3A_273] {strides = array<i32>} : memref<8x128xi32, #tpu.memory_space<vmem>>, vector<16xi32>,
      tpu.vector_store %arg11[%swap3A_272, %swap3A_273], %add3A_271 {strides = array<i32>} : memref<8x128xi32, #tpu.memory_space<vmem>>, vector<16xi32>,
      %add3A_275 = arith.constant 2 : i32
      %add3A_276 = vector.broadcast %add3A_275 : i32 to vector<16xi32>
      %add3A_277 = arith.addi %select_n3A, %add3A_276 : vector<16xi32>
      %gather3A_278 = tpu.vector_load_idx %arg9[%select_n3A_80, %add3A_277] : memref<2x128xi32, #tpu.memory_space<vmem>>[vector<16xi32>, vector<16xi32>], vector<16xi32>,
      %shift_right_arithmetic3A_279 = arith.shrsi %gather3A_278, %mul3A_105 : vector<16xi32>
      %and3A_280 = arith.constant 255 : i32
      %and3A_281 = vector.broadcast %and3A_280 : i32 to vector<16xi32>
      %and3A_282 = arith.andi %shift_right_arithmetic3A_279, %and3A_281 : vector<16xi32>
      %add3A_283 = arith.addi %and3A_282, %mul3A_49 : vector<16xi32>
      %swap3A_284 = arith.constant 0 : i32
      %swap3A_285 = arith.index_cast %swap3A_284 : i32 to index
      %swap3A_286 = arith.constant 16 : index
      %swap3A_287 = tpu.vector_load %arg11[%swap3A_285, %swap3A_286] {strides = array<i32>} : memref<8x128xi32, #tpu.memory_space<vmem>>, vector<16xi32>,
      tpu.vector_store %arg11[%swap3A_285, %swap3A_286], %add3A_283 {strides = array<i32>} : memref<8x128xi32, #tpu.memory_space<vmem>>, vector<16xi32>,
      %add3A_288 = arith.constant 4 : i32
      %add3A_289 = vector.broadcast %add3A_288 : i32 to vector<16xi32>
      %add3A_290 = arith.addi %select_n3A, %add3A_289 : vector<16xi32>
      %gather3A_291 = tpu.vector_load_idx %arg9[%select_n3A_80, %add3A_290] : memref<2x128xi32, #tpu.memory_space<vmem>>[vector<16xi32>, vector<16xi32>], vector<16xi32>,
      %shift_right_arithmetic3A_292 = arith.shrsi %gather3A_291, %mul3A_105 : vector<16xi32>
      %and3A_293 = arith.constant 255 : i32
      %and3A_294 = vector.broadcast %and3A_293 : i32 to vector<16xi32>
      %and3A_295 = arith.andi %shift_right_arithmetic3A_292, %and3A_294 : vector<16xi32>
      %add3A_296 = arith.addi %and3A_295, %mul3A_49 : vector<16xi32>
      %swap3A_297 = arith.constant 0 : i32
      %swap3A_298 = arith.index_cast %swap3A_297 : i32 to index
      %swap3A_299 = arith.constant 32 : index
      %swap3A_300 = tpu.vector_load %arg11[%swap3A_298, %swap3A_299] {strides = array<i32>} : memref<8x128xi32, #tpu.memory_space<vmem>>, vector<16xi32>,
      tpu.vector_store %arg11[%swap3A_298, %swap3A_299], %add3A_296 {strides = array<i32>} : memref<8x128xi32, #tpu.memory_space<vmem>>, vector<16xi32>,
      %add3A_301 = arith.constant 6 : i32
      %add3A_302 = vector.broadcast %add3A_301 : i32 to vector<16xi32>
      %add3A_303 = arith.addi %select_n3A, %add3A_302 : vector<16xi32>
      %gather3A_304 = tpu.vector_load_idx %arg9[%select_n3A_80, %add3A_303] : memref<2x128xi32, #tpu.memory_space<vmem>>[vector<16xi32>, vector<16xi32>], vector<16xi32>,
      %shift_right_arithmetic3A_305 = arith.shrsi %gather3A_304, %mul3A_105 : vector<16xi32>
      %and3A_306 = arith.constant 255 : i32
      %and3A_307 = vector.broadcast %and3A_306 : i32 to vector<16xi32>
      %and3A_308 = arith.andi %shift_right_arithmetic3A_305, %and3A_307 : vector<16xi32>
      %add3A_309 = arith.addi %and3A_308, %mul3A_49 : vector<16xi32>
      %swap3A_310 = arith.constant 0 : i32
      %swap3A_311 = arith.index_cast %swap3A_310 : i32 to index
      %swap3A_312 = arith.constant 48 : index
      %swap3A_313 = tpu.vector_load %arg11[%swap3A_311, %swap3A_312] {strides = array<i32>} : memref<8x128xi32, #tpu.memory_space<vmem>>, vector<16xi32>,
      tpu.vector_store %arg11[%swap3A_311, %swap3A_312], %add3A_309 {strides = array<i32>} : memref<8x128xi32, #tpu.memory_space<vmem>>, vector<16xi32>,
      %add3A_314 = arith.constant 8 : i32
      %add3A_315 = vector.broadcast %add3A_314 : i32 to vector<16xi32>
      %add3A_316 = arith.addi %select_n3A, %add3A_315 : vector<16xi32>
      %gather3A_317 = tpu.vector_load_idx %arg9[%select_n3A_80, %add3A_316] : memref<2x128xi32, #tpu.memory_space<vmem>>[vector<16xi32>, vector<16xi32>], vector<16xi32>,
      %shift_right_arithmetic3A_318 = arith.shrsi %gather3A_317, %mul3A_105 : vector<16xi32>
      %and3A_319 = arith.constant 255 : i32
      %and3A_320 = vector.broadcast %and3A_319 : i32 to vector<16xi32>
      %and3A_321 = arith.andi %shift_right_arithmetic3A_318, %and3A_320 : vector<16xi32>
      %add3A_322 = arith.addi %and3A_321, %mul3A_49 : vector<16xi32>
      %swap3A_323 = arith.constant 0 : i32
      %swap3A_324 = arith.index_cast %swap3A_323 : i32 to index
      %swap3A_325 = arith.constant 64 : index
      %swap3A_326 = tpu.vector_load %arg11[%swap3A_324, %swap3A_325] {strides = array<i32>} : memref<8x128xi32, #tpu.memory_space<vmem>>, vector<16xi32>,
      tpu.vector_store %arg11[%swap3A_324, %swap3A_325], %add3A_322 {strides = array<i32>} : memref<8x128xi32, #tpu.memory_space<vmem>>, vector<16xi32>,
      %add3A_327 = arith.constant 10 : i32
      %add3A_328 = vector.broadcast %add3A_327 : i32 to vector<16xi32>
      %add3A_329 = arith.addi %select_n3A, %add3A_328 : vector<16xi32>
      %gather3A_330 = tpu.vector_load_idx %arg9[%select_n3A_80, %add3A_329] : memref<2x128xi32, #tpu.memory_space<vmem>>[vector<16xi32>, vector<16xi32>], vector<16xi32>,
      %shift_right_arithmetic3A_331 = arith.shrsi %gather3A_330, %mul3A_105 : vector<16xi32>
      %and3A_332 = arith.constant 255 : i32
      %and3A_333 = vector.broadcast %and3A_332 : i32 to vector<16xi32>
      %and3A_334 = arith.andi %shift_right_arithmetic3A_331, %and3A_333 : vector<16xi32>
      %add3A_335 = arith.addi %and3A_334, %mul3A_49 : vector<16xi32>
      %swap3A_336 = arith.constant 0 : i32
      %swap3A_337 = arith.index_cast %swap3A_336 : i32 to index
      %swap3A_338 = arith.constant 80 : index
      %swap3A_339 = tpu.vector_load %arg11[%swap3A_337, %swap3A_338] {strides = array<i32>} : memref<8x128xi32, #tpu.memory_space<vmem>>, vector<16xi32>,
      tpu.vector_store %arg11[%swap3A_337, %swap3A_338], %add3A_335 {strides = array<i32>} : memref<8x128xi32, #tpu.memory_space<vmem>>, vector<16xi32>,
      %add3A_340 = arith.constant 12 : i32
      %add3A_341 = vector.broadcast %add3A_340 : i32 to vector<16xi32>
      %add3A_342 = arith.addi %select_n3A, %add3A_341 : vector<16xi32>
      %gather3A_343 = tpu.vector_load_idx %arg9[%select_n3A_80, %add3A_342] : memref<2x128xi32, #tpu.memory_space<vmem>>[vector<16xi32>, vector<16xi32>], vector<16xi32>,
      %shift_right_arithmetic3A_344 = arith.shrsi %gather3A_343, %mul3A_105 : vector<16xi32>
      %and3A_345 = arith.constant 255 : i32
      %and3A_346 = vector.broadcast %and3A_345 : i32 to vector<16xi32>
      %and3A_347 = arith.andi %shift_right_arithmetic3A_344, %and3A_346 : vector<16xi32>
      %add3A_348 = arith.addi %and3A_347, %mul3A_49 : vector<16xi32>
      %swap3A_349 = arith.constant 0 : i32
      %swap3A_350 = arith.index_cast %swap3A_349 : i32 to index
      %swap3A_351 = arith.constant 96 : index
      %swap3A_352 = tpu.vector_load %arg11[%swap3A_350, %swap3A_351] {strides = array<i32>} : memref<8x128xi32, #tpu.memory_space<vmem>>, vector<16xi32>,
      tpu.vector_store %arg11[%swap3A_350, %swap3A_351], %add3A_348 {strides = array<i32>} : memref<8x128xi32, #tpu.memory_space<vmem>>, vector<16xi32>,
      %add3A_353 = arith.constant 14 : i32
      %add3A_354 = vector.broadcast %add3A_353 : i32 to vector<16xi32>
      %add3A_355 = arith.addi %select_n3A, %add3A_354 : vector<16xi32>
      %gather3A_356 = tpu.vector_load_idx %arg9[%select_n3A_80, %add3A_355] : memref<2x128xi32, #tpu.memory_space<vmem>>[vector<16xi32>, vector<16xi32>], vector<16xi32>,
      %shift_right_arithmetic3A_357 = arith.shrsi %gather3A_356, %mul3A_105 : vector<16xi32>
      %and3A_358 = arith.constant 255 : i32
      %and3A_359 = vector.broadcast %and3A_358 : i32 to vector<16xi32>
      %and3A_360 = arith.andi %shift_right_arithmetic3A_357, %and3A_359 : vector<16xi32>
      %add3A_361 = arith.addi %and3A_360, %mul3A_49 : vector<16xi32>
      %swap3A_362 = arith.constant 0 : i32
      %swap3A_363 = arith.index_cast %swap3A_362 : i32 to index
      %swap3A_364 = arith.constant 112 : index
      %swap3A_365 = tpu.vector_load %arg11[%swap3A_363, %swap3A_364] {strides = array<i32>} : memref<8x128xi32, #tpu.memory_space<vmem>>, vector<16xi32>,
      tpu.vector_store %arg11[%swap3A_363, %swap3A_364], %add3A_361 {strides = array<i32>} : memref<8x128xi32, #tpu.memory_space<vmem>>, vector<16xi32>,
      %dma_start3A_366 = arith.constant 0 : i32
      %dma_start3A_367 = arith.constant 0 : i32
      %dma_start3A_368 = arith.constant 0 : i32
      %dma_start3A_369 = tpu.memref_slice %arg13[%dma_start3A_367, %dma_start3A_368] : memref<1024x16xf32, #tpu.memory_space<vmem>> -> memref<128x16xf32, #tpu.memory_space<vmem>>
      %dma_start3A_370 = arith.constant 0 : i32
      %dma_start3A_371 = tpu.memref_slice %arg11[%dma_start3A_366, %dma_start3A_370] : memref<8x128xi32, #tpu.memory_space<vmem>> -> memref<1x128xi32, #tpu.memory_space<vmem>>
      %dma_start3A_372 = tpu.memref_squeeze %dma_start3A_371 : memref<1x128xi32, #tpu.memory_space<vmem>> -> memref<128xi32, #tpu.memory_space<vmem>>
      %dma_start3A_373 = arith.constant 0 : i32
      %dma_start3A_374 = arith.constant 0 : i32
      %dma_start3A_375 = tpu.memref_slice %arg15[%dma_start3A_373, %dma_start3A_374] : memref<2048x16xf32, #tpu.memory_space<vmem_shared>> -> memref<2048x16xf32, #tpu.memory_space<vmem_shared>>
      tpu.enqueue_indirect_dma source(%dma_start3A_375 : memref<2048x16xf32, #tpu.memory_space<vmem_shared>>) target(%dma_start3A_369 : memref<128x16xf32, #tpu.memory_space<vmem>>) offsets(%dma_start3A_372 : memref<128xi32, #tpu.memory_space<vmem>>) semaphore(%arg18 : memref<!tpu.dma_semaphore, #tpu.memory_space<semaphore_mem>>)
      %add3A_376 = arith.constant 16 : i32
      %add3A_377 = vector.broadcast %add3A_376 : i32 to vector<16xi32>
      %add3A_378 = arith.addi %select_n3A, %add3A_377 : vector<16xi32>
      %gather3A_379 = tpu.vector_load_idx %arg9[%select_n3A_80, %add3A_378] : memref<2x128xi32, #tpu.memory_space<vmem>>[vector<16xi32>, vector<16xi32>], vector<16xi32>,
      %shift_right_arithmetic3A_380 = arith.shrsi %gather3A_379, %mul3A_105 : vector<16xi32>
      %and3A_381 = arith.constant 255 : i32
      %and3A_382 = vector.broadcast %and3A_381 : i32 to vector<16xi32>
      %and3A_383 = arith.andi %shift_right_arithmetic3A_380, %and3A_382 : vector<16xi32>
      %add3A_384 = arith.addi %and3A_383, %mul3A_49 : vector<16xi32>
      %swap3A_385 = arith.constant 1 : i32
      %swap3A_386 = arith.index_cast %swap3A_385 : i32 to index
      %swap3A_387 = arith.constant 0 : index
      %swap3A_388 = tpu.vector_load %arg11[%swap3A_386, %swap3A_387] {strides = array<i32>} : memref<8x128xi32, #tpu.memory_space<vmem>>, vector<16xi32>,
      tpu.vector_store %arg11[%swap3A_386, %swap3A_387], %add3A_384 {strides = array<i32>} : memref<8x128xi32, #tpu.memory_space<vmem>>, vector<16xi32>,
      %add3A_389 = arith.constant 18 : i32
      %add3A_390 = vector.broadcast %add3A_389 : i32 to vector<16xi32>
      %add3A_391 = arith.addi %select_n3A, %add3A_390 : vector<16xi32>
      %gather3A_392 = tpu.vector_load_idx %arg9[%select_n3A_80, %add3A_391] : memref<2x128xi32, #tpu.memory_space<vmem>>[vector<16xi32>, vector<16xi32>], vector<16xi32>,
      %shift_right_arithmetic3A_393 = arith.shrsi %gather3A_392, %mul3A_105 : vector<16xi32>
      %and3A_394 = arith.constant 255 : i32
      %and3A_395 = vector.broadcast %and3A_394 : i32 to vector<16xi32>
      %and3A_396 = arith.andi %shift_right_arithmetic3A_393, %and3A_395 : vector<16xi32>
      %add3A_397 = arith.addi %and3A_396, %mul3A_49 : vector<16xi32>
      %swap3A_398 = arith.constant 1 : i32
      %swap3A_399 = arith.index_cast %swap3A_398 : i32 to index
      %swap3A_400 = arith.constant 16 : index
      %swap3A_401 = tpu.vector_load %arg11[%swap3A_399, %swap3A_400] {strides = array<i32>} : memref<8x128xi32, #tpu.memory_space<vmem>>, vector<16xi32>,
      tpu.vector_store %arg11[%swap3A_399, %swap3A_400], %add3A_397 {strides = array<i32>} : memref<8x128xi32, #tpu.memory_space<vmem>>, vector<16xi32>,
      %add3A_402 = arith.constant 20 : i32
      %add3A_403 = vector.broadcast %add3A_402 : i32 to vector<16xi32>
      %add3A_404 = arith.addi %select_n3A, %add3A_403 : vector<16xi32>
      %gather3A_405 = tpu.vector_load_idx %arg9[%select_n3A_80, %add3A_404] : memref<2x128xi32, #tpu.memory_space<vmem>>[vector<16xi32>, vector<16xi32>], vector<16xi32>,
      %shift_right_arithmetic3A_406 = arith.shrsi %gather3A_405, %mul3A_105 : vector<16xi32>
      %and3A_407 = arith.constant 255 : i32
      %and3A_408 = vector.broadcast %and3A_407 : i32 to vector<16xi32>
      %and3A_409 = arith.andi %shift_right_arithmetic3A_406, %and3A_408 : vector<16xi32>
      %add3A_410 = arith.addi %and3A_409, %mul3A_49 : vector<16xi32>
      %swap3A_411 = arith.constant 1 : i32
      %swap3A_412 = arith.index_cast %swap3A_411 : i32 to index
      %swap3A_413 = arith.constant 32 : index
      %swap3A_414 = tpu.vector_load %arg11[%swap3A_412, %swap3A_413] {strides = array<i32>} : memref<8x128xi32, #tpu.memory_space<vmem>>, vector<16xi32>,
      tpu.vector_store %arg11[%swap3A_412, %swap3A_413], %add3A_410 {strides = array<i32>} : memref<8x128xi32, #tpu.memory_space<vmem>>, vector<16xi32>,
      %add3A_415 = arith.constant 22 : i32
      %add3A_416 = vector.broadcast %add3A_415 : i32 to vector<16xi32>
      %add3A_417 = arith.addi %select_n3A, %add3A_416 : vector<16xi32>
      %gather3A_418 = tpu.vector_load_idx %arg9[%select_n3A_80, %add3A_417] : memref<2x128xi32, #tpu.memory_space<vmem>>[vector<16xi32>, vector<16xi32>], vector<16xi32>,
      %shift_right_arithmetic3A_419 = arith.shrsi %gather3A_418, %mul3A_105 : vector<16xi32>
      %and3A_420 = arith.constant 255 : i32
      %and3A_421 = vector.broadcast %and3A_420 : i32 to vector<16xi32>
      %and3A_422 = arith.andi %shift_right_arithmetic3A_419, %and3A_421 : vector<16xi32>
      %add3A_423 = arith.addi %and3A_422, %mul3A_49 : vector<16xi32>
      %swap3A_424 = arith.constant 1 : i32
      %swap3A_425 = arith.index_cast %swap3A_424 : i32 to index
      %swap3A_426 = arith.constant 48 : index
      %swap3A_427 = tpu.vector_load %arg11[%swap3A_425, %swap3A_426] {strides = array<i32>} : memref<8x128xi32, #tpu.memory_space<vmem>>, vector<16xi32>,
      tpu.vector_store %arg11[%swap3A_425, %swap3A_426], %add3A_423 {strides = array<i32>} : memref<8x128xi32, #tpu.memory_space<vmem>>, vector<16xi32>,
      %add3A_428 = arith.constant 24 : i32
      %add3A_429 = vector.broadcast %add3A_428 : i32 to vector<16xi32>
      %add3A_430 = arith.addi %select_n3A, %add3A_429 : vector<16xi32>
      %gather3A_431 = tpu.vector_load_idx %arg9[%select_n3A_80, %add3A_430] : memref<2x128xi32, #tpu.memory_space<vmem>>[vector<16xi32>, vector<16xi32>], vector<16xi32>,
      %shift_right_arithmetic3A_432 = arith.shrsi %gather3A_431, %mul3A_105 : vector<16xi32>
      %and3A_433 = arith.constant 255 : i32
      %and3A_434 = vector.broadcast %and3A_433 : i32 to vector<16xi32>
      %and3A_435 = arith.andi %shift_right_arithmetic3A_432, %and3A_434 : vector<16xi32>
      %add3A_436 = arith.addi %and3A_435, %mul3A_49 : vector<16xi32>
      %swap3A_437 = arith.constant 1 : i32
      %swap3A_438 = arith.index_cast %swap3A_437 : i32 to index
      %swap3A_439 = arith.constant 64 : index
      %swap3A_440 = tpu.vector_load %arg11[%swap3A_438, %swap3A_439] {strides = array<i32>} : memref<8x128xi32, #tpu.memory_space<vmem>>, vector<16xi32>,
      tpu.vector_store %arg11[%swap3A_438, %swap3A_439], %add3A_436 {strides = array<i32>} : memref<8x128xi32, #tpu.memory_space<vmem>>, vector<16xi32>,
      %add3A_441 = arith.constant 26 : i32
      %add3A_442 = vector.broadcast %add3A_441 : i32 to vector<16xi32>
      %add3A_443 = arith.addi %select_n3A, %add3A_442 : vector<16xi32>
      %gather3A_444 = tpu.vector_load_idx %arg9[%select_n3A_80, %add3A_443] : memref<2x128xi32, #tpu.memory_space<vmem>>[vector<16xi32>, vector<16xi32>], vector<16xi32>,
      %shift_right_arithmetic3A_445 = arith.shrsi %gather3A_444, %mul3A_105 : vector<16xi32>
      %and3A_446 = arith.constant 255 : i32
      %and3A_447 = vector.broadcast %and3A_446 : i32 to vector<16xi32>
      %and3A_448 = arith.andi %shift_right_arithmetic3A_445, %and3A_447 : vector<16xi32>
      %add3A_449 = arith.addi %and3A_448, %mul3A_49 : vector<16xi32>
      %swap3A_450 = arith.constant 1 : i32
      %swap3A_451 = arith.index_cast %swap3A_450 : i32 to index
      %swap3A_452 = arith.constant 80 : index
      %swap3A_453 = tpu.vector_load %arg11[%swap3A_451, %swap3A_452] {strides = array<i32>} : memref<8x128xi32, #tpu.memory_space<vmem>>, vector<16xi32>,
      tpu.vector_store %arg11[%swap3A_451, %swap3A_452], %add3A_449 {strides = array<i32>} : memref<8x128xi32, #tpu.memory_space<vmem>>, vector<16xi32>,
      %add3A_454 = arith.constant 28 : i32
      %add3A_455 = vector.broadcast %add3A_454 : i32 to vector<16xi32>
      %add3A_456 = arith.addi %select_n3A, %add3A_455 : vector<16xi32>
      %gather3A_457 = tpu.vector_load_idx %arg9[%select_n3A_80, %add3A_456] : memref<2x128xi32, #tpu.memory_space<vmem>>[vector<16xi32>, vector<16xi32>], vector<16xi32>,
      %shift_right_arithmetic3A_458 = arith.shrsi %gather3A_457, %mul3A_105 : vector<16xi32>
      %and3A_459 = arith.constant 255 : i32
      %and3A_460 = vector.broadcast %and3A_459 : i32 to vector<16xi32>
      %and3A_461 = arith.andi %shift_right_arithmetic3A_458, %and3A_460 : vector<16xi32>
      %add3A_462 = arith.addi %and3A_461, %mul3A_49 : vector<16xi32>
      %swap3A_463 = arith.constant 1 : i32
      %swap3A_464 = arith.index_cast %swap3A_463 : i32 to index
      %swap3A_465 = arith.constant 96 : index
      %swap3A_466 = tpu.vector_load %arg11[%swap3A_464, %swap3A_465] {strides = array<i32>} : memref<8x128xi32, #tpu.memory_space<vmem>>, vector<16xi32>,
      tpu.vector_store %arg11[%swap3A_464, %swap3A_465], %add3A_462 {strides = array<i32>} : memref<8x128xi32, #tpu.memory_space<vmem>>, vector<16xi32>,
      %add3A_467 = arith.constant 30 : i32
      %add3A_468 = vector.broadcast %add3A_467 : i32 to vector<16xi32>
      %add3A_469 = arith.addi %select_n3A, %add3A_468 : vector<16xi32>
      %gather3A_470 = tpu.vector_load_idx %arg9[%select_n3A_80, %add3A_469] : memref<2x128xi32, #tpu.memory_space<vmem>>[vector<16xi32>, vector<16xi32>], vector<16xi32>,
      %shift_right_arithmetic3A_471 = arith.shrsi %gather3A_470, %mul3A_105 : vector<16xi32>
      %and3A_472 = arith.constant 255 : i32
      %and3A_473 = vector.broadcast %and3A_472 : i32 to vector<16xi32>
      %and3A_474 = arith.andi %shift_right_arithmetic3A_471, %and3A_473 : vector<16xi32>
      %add3A_475 = arith.addi %and3A_474, %mul3A_49 : vector<16xi32>
      %swap3A_476 = arith.constant 1 : i32
      %swap3A_477 = arith.index_cast %swap3A_476 : i32 to index
      %swap3A_478 = arith.constant 112 : index
      %swap3A_479 = tpu.vector_load %arg11[%swap3A_477, %swap3A_478] {strides = array<i32>} : memref<8x128xi32, #tpu.memory_space<vmem>>, vector<16xi32>,
      tpu.vector_store %arg11[%swap3A_477, %swap3A_478], %add3A_475 {strides = array<i32>} : memref<8x128xi32, #tpu.memory_space<vmem>>, vector<16xi32>,
      %dma_start3A_480 = arith.constant 1 : i32
      %dma_start3A_481 = arith.constant 128 : i32
      %dma_start3A_482 = arith.constant 0 : i32
      %dma_start3A_483 = tpu.memref_slice %arg13[%dma_start3A_481, %dma_start3A_482] : memref<1024x16xf32, #tpu.memory_space<vmem>> -> memref<128x16xf32, #tpu.memory_space<vmem>>
      %dma_start3A_484 = arith.constant 0 : i32
      %dma_start3A_485 = tpu.memref_slice %arg11[%dma_start3A_480, %dma_start3A_484] : memref<8x128xi32, #tpu.memory_space<vmem>> -> memref<1x128xi32, #tpu.memory_space<vmem>>
      %dma_start3A_486 = tpu.memref_squeeze %dma_start3A_485 : memref<1x128xi32, #tpu.memory_space<vmem>> -> memref<128xi32, #tpu.memory_space<vmem>>
      %dma_start3A_487 = arith.constant 0 : i32
      %dma_start3A_488 = arith.constant 0 : i32
      %dma_start3A_489 = tpu.memref_slice %arg15[%dma_start3A_487, %dma_start3A_488] : memref<2048x16xf32, #tpu.memory_space<vmem_shared>> -> memref<2048x16xf32, #tpu.memory_space<vmem_shared>>
      tpu.enqueue_indirect_dma source(%dma_start3A_489 : memref<2048x16xf32, #tpu.memory_space<vmem_shared>>) target(%dma_start3A_483 : memref<128x16xf32, #tpu.memory_space<vmem>>) offsets(%dma_start3A_486 : memref<128xi32, #tpu.memory_space<vmem>>) semaphore(%arg18 : memref<!tpu.dma_semaphore, #tpu.memory_space<semaphore_mem>>)
      %add3A_490 = arith.constant 32 : i32
      %add3A_491 = vector.broadcast %add3A_490 : i32 to vector<16xi32>
      %add3A_492 = arith.addi %select_n3A, %add3A_491 : vector<16xi32>
      %gather3A_493 = tpu.vector_load_idx %arg9[%select_n3A_80, %add3A_492] : memref<2x128xi32, #tpu.memory_space<vmem>>[vector<16xi32>, vector<16xi32>], vector<16xi32>,
      %shift_right_arithmetic3A_494 = arith.shrsi %gather3A_493, %mul3A_105 : vector<16xi32>
      %and3A_495 = arith.constant 255 : i32
      %and3A_496 = vector.broadcast %and3A_495 : i32 to vector<16xi32>
      %and3A_497 = arith.andi %shift_right_arithmetic3A_494, %and3A_496 : vector<16xi32>
      %add3A_498 = arith.addi %and3A_497, %mul3A_49 : vector<16xi32>
      %swap3A_499 = arith.constant 2 : i32
      %swap3A_500 = arith.index_cast %swap3A_499 : i32 to index
      %swap3A_501 = arith.constant 0 : index
      %swap3A_502 = tpu.vector_load %arg11[%swap3A_500, %swap3A_501] {strides = array<i32>} : memref<8x128xi32, #tpu.memory_space<vmem>>, vector<16xi32>,
      tpu.vector_store %arg11[%swap3A_500, %swap3A_501], %add3A_498 {strides = array<i32>} : memref<8x128xi32, #tpu.memory_space<vmem>>, vector<16xi32>,
      %add3A_503 = arith.constant 34 : i32
      %add3A_504 = vector.broadcast %add3A_503 : i32 to vector<16xi32>
      %add3A_505 = arith.addi %select_n3A, %add3A_504 : vector<16xi32>
      %gather3A_506 = tpu.vector_load_idx %arg9[%select_n3A_80, %add3A_505] : memref<2x128xi32, #tpu.memory_space<vmem>>[vector<16xi32>, vector<16xi32>], vector<16xi32>,
      %shift_right_arithmetic3A_507 = arith.shrsi %gather3A_506, %mul3A_105 : vector<16xi32>
      %and3A_508 = arith.constant 255 : i32
      %and3A_509 = vector.broadcast %and3A_508 : i32 to vector<16xi32>
      %and3A_510 = arith.andi %shift_right_arithmetic3A_507, %and3A_509 : vector<16xi32>
      %add3A_511 = arith.addi %and3A_510, %mul3A_49 : vector<16xi32>
      %swap3A_512 = arith.constant 2 : i32
      %swap3A_513 = arith.index_cast %swap3A_512 : i32 to index
      %swap3A_514 = arith.constant 16 : index
      %swap3A_515 = tpu.vector_load %arg11[%swap3A_513, %swap3A_514] {strides = array<i32>} : memref<8x128xi32, #tpu.memory_space<vmem>>, vector<16xi32>,
      tpu.vector_store %arg11[%swap3A_513, %swap3A_514], %add3A_511 {strides = array<i32>} : memref<8x128xi32, #tpu.memory_space<vmem>>, vector<16xi32>,
      %add3A_516 = arith.constant 36 : i32
      %add3A_517 = vector.broadcast %add3A_516 : i32 to vector<16xi32>
      %add3A_518 = arith.addi %select_n3A, %add3A_517 : vector<16xi32>
      %gather3A_519 = tpu.vector_load_idx %arg9[%select_n3A_80, %add3A_518] : memref<2x128xi32, #tpu.memory_space<vmem>>[vector<16xi32>, vector<16xi32>], vector<16xi32>,
      %shift_right_arithmetic3A_520 = arith.shrsi %gather3A_519, %mul3A_105 : vector<16xi32>
      %and3A_521 = arith.constant 255 : i32
      %and3A_522 = vector.broadcast %and3A_521 : i32 to vector<16xi32>
      %and3A_523 = arith.andi %shift_right_arithmetic3A_520, %and3A_522 : vector<16xi32>
      %add3A_524 = arith.addi %and3A_523, %mul3A_49 : vector<16xi32>
      %swap3A_525 = arith.constant 2 : i32
      %swap3A_526 = arith.index_cast %swap3A_525 : i32 to index
      %swap3A_527 = arith.constant 32 : index
      %swap3A_528 = tpu.vector_load %arg11[%swap3A_526, %swap3A_527] {strides = array<i32>} : memref<8x128xi32, #tpu.memory_space<vmem>>, vector<16xi32>,
      tpu.vector_store %arg11[%swap3A_526, %swap3A_527], %add3A_524 {strides = array<i32>} : memref<8x128xi32, #tpu.memory_space<vmem>>, vector<16xi32>,
      %add3A_529 = arith.constant 38 : i32
      %add3A_530 = vector.broadcast %add3A_529 : i32 to vector<16xi32>
      %add3A_531 = arith.addi %select_n3A, %add3A_530 : vector<16xi32>
      %gather3A_532 = tpu.vector_load_idx %arg9[%select_n3A_80, %add3A_531] : memref<2x128xi32, #tpu.memory_space<vmem>>[vector<16xi32>, vector<16xi32>], vector<16xi32>,
      %shift_right_arithmetic3A_533 = arith.shrsi %gather3A_532, %mul3A_105 : vector<16xi32>
      %and3A_534 = arith.constant 255 : i32
      %and3A_535 = vector.broadcast %and3A_534 : i32 to vector<16xi32>
      %and3A_536 = arith.andi %shift_right_arithmetic3A_533, %and3A_535 : vector<16xi32>
      %add3A_537 = arith.addi %and3A_536, %mul3A_49 : vector<16xi32>
      %swap3A_538 = arith.constant 2 : i32
      %swap3A_539 = arith.index_cast %swap3A_538 : i32 to index
      %swap3A_540 = arith.constant 48 : index
      %swap3A_541 = tpu.vector_load %arg11[%swap3A_539, %swap3A_540] {strides = array<i32>} : memref<8x128xi32, #tpu.memory_space<vmem>>, vector<16xi32>,
      tpu.vector_store %arg11[%swap3A_539, %swap3A_540], %add3A_537 {strides = array<i32>} : memref<8x128xi32, #tpu.memory_space<vmem>>, vector<16xi32>,
      %add3A_542 = arith.constant 40 : i32
      %add3A_543 = vector.broadcast %add3A_542 : i32 to vector<16xi32>
      %add3A_544 = arith.addi %select_n3A, %add3A_543 : vector<16xi32>
      %gather3A_545 = tpu.vector_load_idx %arg9[%select_n3A_80, %add3A_544] : memref<2x128xi32, #tpu.memory_space<vmem>>[vector<16xi32>, vector<16xi32>], vector<16xi32>,
      %shift_right_arithmetic3A_546 = arith.shrsi %gather3A_545, %mul3A_105 : vector<16xi32>
      %and3A_547 = arith.constant 255 : i32
      %and3A_548 = vector.broadcast %and3A_547 : i32 to vector<16xi32>
      %and3A_549 = arith.andi %shift_right_arithmetic3A_546, %and3A_548 : vector<16xi32>
      %add3A_550 = arith.addi %and3A_549, %mul3A_49 : vector<16xi32>
      %swap3A_551 = arith.constant 2 : i32
      %swap3A_552 = arith.index_cast %swap3A_551 : i32 to index
      %swap3A_553 = arith.constant 64 : index
      %swap3A_554 = tpu.vector_load %arg11[%swap3A_552, %swap3A_553] {strides = array<i32>} : memref<8x128xi32, #tpu.memory_space<vmem>>, vector<16xi32>,
      tpu.vector_store %arg11[%swap3A_552, %swap3A_553], %add3A_550 {strides = array<i32>} : memref<8x128xi32, #tpu.memory_space<vmem>>, vector<16xi32>,
      %add3A_555 = arith.constant 42 : i32
      %add3A_556 = vector.broadcast %add3A_555 : i32 to vector<16xi32>
      %add3A_557 = arith.addi %select_n3A, %add3A_556 : vector<16xi32>
      %gather3A_558 = tpu.vector_load_idx %arg9[%select_n3A_80, %add3A_557] : memref<2x128xi32, #tpu.memory_space<vmem>>[vector<16xi32>, vector<16xi32>], vector<16xi32>,
      %shift_right_arithmetic3A_559 = arith.shrsi %gather3A_558, %mul3A_105 : vector<16xi32>
      %and3A_560 = arith.constant 255 : i32
      %and3A_561 = vector.broadcast %and3A_560 : i32 to vector<16xi32>
      %and3A_562 = arith.andi %shift_right_arithmetic3A_559, %and3A_561 : vector<16xi32>
      %add3A_563 = arith.addi %and3A_562, %mul3A_49 : vector<16xi32>
      %swap3A_564 = arith.constant 2 : i32
      %swap3A_565 = arith.index_cast %swap3A_564 : i32 to index
      %swap3A_566 = arith.constant 80 : index
      %swap3A_567 = tpu.vector_load %arg11[%swap3A_565, %swap3A_566] {strides = array<i32>} : memref<8x128xi32, #tpu.memory_space<vmem>>, vector<16xi32>,
      tpu.vector_store %arg11[%swap3A_565, %swap3A_566], %add3A_563 {strides = array<i32>} : memref<8x128xi32, #tpu.memory_space<vmem>>, vector<16xi32>,
      %add3A_568 = arith.constant 44 : i32
      %add3A_569 = vector.broadcast %add3A_568 : i32 to vector<16xi32>
      %add3A_570 = arith.addi %select_n3A, %add3A_569 : vector<16xi32>
      %gather3A_571 = tpu.vector_load_idx %arg9[%select_n3A_80, %add3A_570] : memref<2x128xi32, #tpu.memory_space<vmem>>[vector<16xi32>, vector<16xi32>], vector<16xi32>,
      %shift_right_arithmetic3A_572 = arith.shrsi %gather3A_571, %mul3A_105 : vector<16xi32>
      %and3A_573 = arith.constant 255 : i32
      %and3A_574 = vector.broadcast %and3A_573 : i32 to vector<16xi32>
      %and3A_575 = arith.andi %shift_right_arithmetic3A_572, %and3A_574 : vector<16xi32>
      %add3A_576 = arith.addi %and3A_575, %mul3A_49 : vector<16xi32>
      %swap3A_577 = arith.constant 2 : i32
      %swap3A_578 = arith.index_cast %swap3A_577 : i32 to index
      %swap3A_579 = arith.constant 96 : index
      %swap3A_580 = tpu.vector_load %arg11[%swap3A_578, %swap3A_579] {strides = array<i32>} : memref<8x128xi32, #tpu.memory_space<vmem>>, vector<16xi32>,
      tpu.vector_store %arg11[%swap3A_578, %swap3A_579], %add3A_576 {strides = array<i32>} : memref<8x128xi32, #tpu.memory_space<vmem>>, vector<16xi32>,
      %add3A_581 = arith.constant 46 : i32
      %add3A_582 = vector.broadcast %add3A_581 : i32 to vector<16xi32>
      %add3A_583 = arith.addi %select_n3A, %add3A_582 : vector<16xi32>
      %gather3A_584 = tpu.vector_load_idx %arg9[%select_n3A_80, %add3A_583] : memref<2x128xi32, #tpu.memory_space<vmem>>[vector<16xi32>, vector<16xi32>], vector<16xi32>,
      %shift_right_arithmetic3A_585 = arith.shrsi %gather3A_584, %mul3A_105 : vector<16xi32>
      %and3A_586 = arith.constant 255 : i32
      %and3A_587 = vector.broadcast %and3A_586 : i32 to vector<16xi32>
      %and3A_588 = arith.andi %shift_right_arithmetic3A_585, %and3A_587 : vector<16xi32>
      %add3A_589 = arith.addi %and3A_588, %mul3A_49 : vector<16xi32>
      %swap3A_590 = arith.constant 2 : i32
      %swap3A_591 = arith.index_cast %swap3A_590 : i32 to index
      %swap3A_592 = arith.constant 112 : index
      %swap3A_593 = tpu.vector_load %arg11[%swap3A_591, %swap3A_592] {strides = array<i32>} : memref<8x128xi32, #tpu.memory_space<vmem>>, vector<16xi32>,
      tpu.vector_store %arg11[%swap3A_591, %swap3A_592], %add3A_589 {strides = array<i32>} : memref<8x128xi32, #tpu.memory_space<vmem>>, vector<16xi32>,
      %dma_start3A_594 = arith.constant 2 : i32
      %dma_start3A_595 = arith.constant 256 : i32
      %dma_start3A_596 = arith.constant 0 : i32
      %dma_start3A_597 = tpu.memref_slice %arg13[%dma_start3A_595, %dma_start3A_596] : memref<1024x16xf32, #tpu.memory_space<vmem>> -> memref<128x16xf32, #tpu.memory_space<vmem>>
      %dma_start3A_598 = arith.constant 0 : i32
      %dma_start3A_599 = tpu.memref_slice %arg11[%dma_start3A_594, %dma_start3A_598] : memref<8x128xi32, #tpu.memory_space<vmem>> -> memref<1x128xi32, #tpu.memory_space<vmem>>
      %dma_start3A_600 = tpu.memref_squeeze %dma_start3A_599 : memref<1x128xi32, #tpu.memory_space<vmem>> -> memref<128xi32, #tpu.memory_space<vmem>>
      %dma_start3A_601 = arith.constant 0 : i32
      %dma_start3A_602 = arith.constant 0 : i32
      %dma_start3A_603 = tpu.memref_slice %arg15[%dma_start3A_601, %dma_start3A_602] : memref<2048x16xf32, #tpu.memory_space<vmem_shared>> -> memref<2048x16xf32, #tpu.memory_space<vmem_shared>>
      tpu.enqueue_indirect_dma source(%dma_start3A_603 : memref<2048x16xf32, #tpu.memory_space<vmem_shared>>) target(%dma_start3A_597 : memref<128x16xf32, #tpu.memory_space<vmem>>) offsets(%dma_start3A_600 : memref<128xi32, #tpu.memory_space<vmem>>) semaphore(%arg18 : memref<!tpu.dma_semaphore, #tpu.memory_space<semaphore_mem>>)
      %add3A_604 = arith.constant 48 : i32
      %add3A_605 = vector.broadcast %add3A_604 : i32 to vector<16xi32>
      %add3A_606 = arith.addi %select_n3A, %add3A_605 : vector<16xi32>
      %gather3A_607 = tpu.vector_load_idx %arg9[%select_n3A_80, %add3A_606] : memref<2x128xi32, #tpu.memory_space<vmem>>[vector<16xi32>, vector<16xi32>], vector<16xi32>,
      %shift_right_arithmetic3A_608 = arith.shrsi %gather3A_607, %mul3A_105 : vector<16xi32>
      %and3A_609 = arith.constant 255 : i32
      %and3A_610 = vector.broadcast %and3A_609 : i32 to vector<16xi32>
      %and3A_611 = arith.andi %shift_right_arithmetic3A_608, %and3A_610 : vector<16xi32>
      %add3A_612 = arith.addi %and3A_611, %mul3A_49 : vector<16xi32>
      %swap3A_613 = arith.constant 3 : i32
      %swap3A_614 = arith.index_cast %swap3A_613 : i32 to index
      %swap3A_615 = arith.constant 0 : index
      %swap3A_616 = tpu.vector_load %arg11[%swap3A_614, %swap3A_615] {strides = array<i32>} : memref<8x128xi32, #tpu.memory_space<vmem>>, vector<16xi32>,
      tpu.vector_store %arg11[%swap3A_614, %swap3A_615], %add3A_612 {strides = array<i32>} : memref<8x128xi32, #tpu.memory_space<vmem>>, vector<16xi32>,
      %add3A_617 = arith.constant 50 : i32
      %add3A_618 = vector.broadcast %add3A_617 : i32 to vector<16xi32>
      %add3A_619 = arith.addi %select_n3A, %add3A_618 : vector<16xi32>
      %gather3A_620 = tpu.vector_load_idx %arg9[%select_n3A_80, %add3A_619] : memref<2x128xi32, #tpu.memory_space<vmem>>[vector<16xi32>, vector<16xi32>], vector<16xi32>,
      %shift_right_arithmetic3A_621 = arith.shrsi %gather3A_620, %mul3A_105 : vector<16xi32>
      %and3A_622 = arith.constant 255 : i32
      %and3A_623 = vector.broadcast %and3A_622 : i32 to vector<16xi32>
      %and3A_624 = arith.andi %shift_right_arithmetic3A_621, %and3A_623 : vector<16xi32>
      %add3A_625 = arith.addi %and3A_624, %mul3A_49 : vector<16xi32>
      %swap3A_626 = arith.constant 3 : i32
      %swap3A_627 = arith.index_cast %swap3A_626 : i32 to index
      %swap3A_628 = arith.constant 16 : index
      %swap3A_629 = tpu.vector_load %arg11[%swap3A_627, %swap3A_628] {strides = array<i32>} : memref<8x128xi32, #tpu.memory_space<vmem>>, vector<16xi32>,
      tpu.vector_store %arg11[%swap3A_627, %swap3A_628], %add3A_625 {strides = array<i32>} : memref<8x128xi32, #tpu.memory_space<vmem>>, vector<16xi32>,
      %add3A_630 = arith.constant 52 : i32
      %add3A_631 = vector.broadcast %add3A_630 : i32 to vector<16xi32>
      %add3A_632 = arith.addi %select_n3A, %add3A_631 : vector<16xi32>
      %gather3A_633 = tpu.vector_load_idx %arg9[%select_n3A_80, %add3A_632] : memref<2x128xi32, #tpu.memory_space<vmem>>[vector<16xi32>, vector<16xi32>], vector<16xi32>,
      %shift_right_arithmetic3A_634 = arith.shrsi %gather3A_633, %mul3A_105 : vector<16xi32>
      %and3A_635 = arith.constant 255 : i32
      %and3A_636 = vector.broadcast %and3A_635 : i32 to vector<16xi32>
      %and3A_637 = arith.andi %shift_right_arithmetic3A_634, %and3A_636 : vector<16xi32>
      %add3A_638 = arith.addi %and3A_637, %mul3A_49 : vector<16xi32>
      %swap3A_639 = arith.constant 3 : i32
      %swap3A_640 = arith.index_cast %swap3A_639 : i32 to index
      %swap3A_641 = arith.constant 32 : index
      %swap3A_642 = tpu.vector_load %arg11[%swap3A_640, %swap3A_641] {strides = array<i32>} : memref<8x128xi32, #tpu.memory_space<vmem>>, vector<16xi32>,
      tpu.vector_store %arg11[%swap3A_640, %swap3A_641], %add3A_638 {strides = array<i32>} : memref<8x128xi32, #tpu.memory_space<vmem>>, vector<16xi32>,
      %add3A_643 = arith.constant 54 : i32
      %add3A_644 = vector.broadcast %add3A_643 : i32 to vector<16xi32>
      %add3A_645 = arith.addi %select_n3A, %add3A_644 : vector<16xi32>
      %gather3A_646 = tpu.vector_load_idx %arg9[%select_n3A_80, %add3A_645] : memref<2x128xi32, #tpu.memory_space<vmem>>[vector<16xi32>, vector<16xi32>], vector<16xi32>,
      %shift_right_arithmetic3A_647 = arith.shrsi %gather3A_646, %mul3A_105 : vector<16xi32>
      %and3A_648 = arith.constant 255 : i32
      %and3A_649 = vector.broadcast %and3A_648 : i32 to vector<16xi32>
      %and3A_650 = arith.andi %shift_right_arithmetic3A_647, %and3A_649 : vector<16xi32>
      %add3A_651 = arith.addi %and3A_650, %mul3A_49 : vector<16xi32>
      %swap3A_652 = arith.constant 3 : i32
      %swap3A_653 = arith.index_cast %swap3A_652 : i32 to index
      %swap3A_654 = arith.constant 48 : index
      %swap3A_655 = tpu.vector_load %arg11[%swap3A_653, %swap3A_654] {strides = array<i32>} : memref<8x128xi32, #tpu.memory_space<vmem>>, vector<16xi32>,
      tpu.vector_store %arg11[%swap3A_653, %swap3A_654], %add3A_651 {strides = array<i32>} : memref<8x128xi32, #tpu.memory_space<vmem>>, vector<16xi32>,
      %add3A_656 = arith.constant 56 : i32
      %add3A_657 = vector.broadcast %add3A_656 : i32 to vector<16xi32>
      %add3A_658 = arith.addi %select_n3A, %add3A_657 : vector<16xi32>
      %gather3A_659 = tpu.vector_load_idx %arg9[%select_n3A_80, %add3A_658] : memref<2x128xi32, #tpu.memory_space<vmem>>[vector<16xi32>, vector<16xi32>], vector<16xi32>,
      %shift_right_arithmetic3A_660 = arith.shrsi %gather3A_659, %mul3A_105 : vector<16xi32>
      %and3A_661 = arith.constant 255 : i32
      %and3A_662 = vector.broadcast %and3A_661 : i32 to vector<16xi32>
      %and3A_663 = arith.andi %shift_right_arithmetic3A_660, %and3A_662 : vector<16xi32>
      %add3A_664 = arith.addi %and3A_663, %mul3A_49 : vector<16xi32>
      %swap3A_665 = arith.constant 3 : i32
      %swap3A_666 = arith.index_cast %swap3A_665 : i32 to index
      %swap3A_667 = arith.constant 64 : index
      %swap3A_668 = tpu.vector_load %arg11[%swap3A_666, %swap3A_667] {strides = array<i32>} : memref<8x128xi32, #tpu.memory_space<vmem>>, vector<16xi32>,
      tpu.vector_store %arg11[%swap3A_666, %swap3A_667], %add3A_664 {strides = array<i32>} : memref<8x128xi32, #tpu.memory_space<vmem>>, vector<16xi32>,
      %add3A_669 = arith.constant 58 : i32
      %add3A_670 = vector.broadcast %add3A_669 : i32 to vector<16xi32>
      %add3A_671 = arith.addi %select_n3A, %add3A_670 : vector<16xi32>
      %gather3A_672 = tpu.vector_load_idx %arg9[%select_n3A_80, %add3A_671] : memref<2x128xi32, #tpu.memory_space<vmem>>[vector<16xi32>, vector<16xi32>], vector<16xi32>,
      %shift_right_arithmetic3A_673 = arith.shrsi %gather3A_672, %mul3A_105 : vector<16xi32>
      %and3A_674 = arith.constant 255 : i32
      %and3A_675 = vector.broadcast %and3A_674 : i32 to vector<16xi32>
      %and3A_676 = arith.andi %shift_right_arithmetic3A_673, %and3A_675 : vector<16xi32>
      %add3A_677 = arith.addi %and3A_676, %mul3A_49 : vector<16xi32>
      %swap3A_678 = arith.constant 3 : i32
      %swap3A_679 = arith.index_cast %swap3A_678 : i32 to index
      %swap3A_680 = arith.constant 80 : index
      %swap3A_681 = tpu.vector_load %arg11[%swap3A_679, %swap3A_680] {strides = array<i32>} : memref<8x128xi32, #tpu.memory_space<vmem>>, vector<16xi32>,
      tpu.vector_store %arg11[%swap3A_679, %swap3A_680], %add3A_677 {strides = array<i32>} : memref<8x128xi32, #tpu.memory_space<vmem>>, vector<16xi32>,
      %add3A_682 = arith.constant 60 : i32
      %add3A_683 = vector.broadcast %add3A_682 : i32 to vector<16xi32>
      %add3A_684 = arith.addi %select_n3A, %add3A_683 : vector<16xi32>
      %gather3A_685 = tpu.vector_load_idx %arg9[%select_n3A_80, %add3A_684] : memref<2x128xi32, #tpu.memory_space<vmem>>[vector<16xi32>, vector<16xi32>], vector<16xi32>,
      %shift_right_arithmetic3A_686 = arith.shrsi %gather3A_685, %mul3A_105 : vector<16xi32>
      %and3A_687 = arith.constant 255 : i32
      %and3A_688 = vector.broadcast %and3A_687 : i32 to vector<16xi32>
      %and3A_689 = arith.andi %shift_right_arithmetic3A_686, %and3A_688 : vector<16xi32>
      %add3A_690 = arith.addi %and3A_689, %mul3A_49 : vector<16xi32>
      %swap3A_691 = arith.constant 3 : i32
      %swap3A_692 = arith.index_cast %swap3A_691 : i32 to index
      %swap3A_693 = arith.constant 96 : index
      %swap3A_694 = tpu.vector_load %arg11[%swap3A_692, %swap3A_693] {strides = array<i32>} : memref<8x128xi32, #tpu.memory_space<vmem>>, vector<16xi32>,
      tpu.vector_store %arg11[%swap3A_692, %swap3A_693], %add3A_690 {strides = array<i32>} : memref<8x128xi32, #tpu.memory_space<vmem>>, vector<16xi32>,
      %add3A_695 = arith.constant 62 : i32
      %add3A_696 = vector.broadcast %add3A_695 : i32 to vector<16xi32>
      %add3A_697 = arith.addi %select_n3A, %add3A_696 : vector<16xi32>
      %gather3A_698 = tpu.vector_load_idx %arg9[%select_n3A_80, %add3A_697] : memref<2x128xi32, #tpu.memory_space<vmem>>[vector<16xi32>, vector<16xi32>], vector<16xi32>,
      %shift_right_arithmetic3A_699 = arith.shrsi %gather3A_698, %mul3A_105 : vector<16xi32>
      %and3A_700 = arith.constant 255 : i32
      %and3A_701 = vector.broadcast %and3A_700 : i32 to vector<16xi32>
      %and3A_702 = arith.andi %shift_right_arithmetic3A_699, %and3A_701 : vector<16xi32>
      %add3A_703 = arith.addi %and3A_702, %mul3A_49 : vector<16xi32>
      %swap3A_704 = arith.constant 3 : i32
      %swap3A_705 = arith.index_cast %swap3A_704 : i32 to index
      %swap3A_706 = arith.constant 112 : index
      %swap3A_707 = tpu.vector_load %arg11[%swap3A_705, %swap3A_706] {strides = array<i32>} : memref<8x128xi32, #tpu.memory_space<vmem>>, vector<16xi32>,
      tpu.vector_store %arg11[%swap3A_705, %swap3A_706], %add3A_703 {strides = array<i32>} : memref<8x128xi32, #tpu.memory_space<vmem>>, vector<16xi32>,
      %dma_start3A_708 = arith.constant 3 : i32
      %dma_start3A_709 = arith.constant 384 : i32
      %dma_start3A_710 = arith.constant 0 : i32
      %dma_start3A_711 = tpu.memref_slice %arg13[%dma_start3A_709, %dma_start3A_710] : memref<1024x16xf32, #tpu.memory_space<vmem>> -> memref<128x16xf32, #tpu.memory_space<vmem>>
      %dma_start3A_712 = arith.constant 0 : i32
      %dma_start3A_713 = tpu.memref_slice %arg11[%dma_start3A_708, %dma_start3A_712] : memref<8x128xi32, #tpu.memory_space<vmem>> -> memref<1x128xi32, #tpu.memory_space<vmem>>
      %dma_start3A_714 = tpu.memref_squeeze %dma_start3A_713 : memref<1x128xi32, #tpu.memory_space<vmem>> -> memref<128xi32, #tpu.memory_space<vmem>>
      %dma_start3A_715 = arith.constant 0 : i32
      %dma_start3A_716 = arith.constant 0 : i32
      %dma_start3A_717 = tpu.memref_slice %arg15[%dma_start3A_715, %dma_start3A_716] : memref<2048x16xf32, #tpu.memory_space<vmem_shared>> -> memref<2048x16xf32, #tpu.memory_space<vmem_shared>>
      tpu.enqueue_indirect_dma source(%dma_start3A_717 : memref<2048x16xf32, #tpu.memory_space<vmem_shared>>) target(%dma_start3A_711 : memref<128x16xf32, #tpu.memory_space<vmem>>) offsets(%dma_start3A_714 : memref<128xi32, #tpu.memory_space<vmem>>) semaphore(%arg18 : memref<!tpu.dma_semaphore, #tpu.memory_space<semaphore_mem>>)
      %add3A_718 = arith.constant 64 : i32
      %add3A_719 = vector.broadcast %add3A_718 : i32 to vector<16xi32>
      %add3A_720 = arith.addi %select_n3A, %add3A_719 : vector<16xi32>
      %gather3A_721 = tpu.vector_load_idx %arg9[%select_n3A_80, %add3A_720] : memref<2x128xi32, #tpu.memory_space<vmem>>[vector<16xi32>, vector<16xi32>], vector<16xi32>,
      %shift_right_arithmetic3A_722 = arith.shrsi %gather3A_721, %mul3A_105 : vector<16xi32>
      %and3A_723 = arith.constant 255 : i32
      %and3A_724 = vector.broadcast %and3A_723 : i32 to vector<16xi32>
      %and3A_725 = arith.andi %shift_right_arithmetic3A_722, %and3A_724 : vector<16xi32>
      %add3A_726 = arith.addi %and3A_725, %mul3A_49 : vector<16xi32>
      %swap3A_727 = arith.constant 4 : i32
      %swap3A_728 = arith.index_cast %swap3A_727 : i32 to index
      %swap3A_729 = arith.constant 0 : index
      %swap3A_730 = tpu.vector_load %arg11[%swap3A_728, %swap3A_729] {strides = array<i32>} : memref<8x128xi32, #tpu.memory_space<vmem>>, vector<16xi32>,
      tpu.vector_store %arg11[%swap3A_728, %swap3A_729], %add3A_726 {strides = array<i32>} : memref<8x128xi32, #tpu.memory_space<vmem>>, vector<16xi32>,
      %add3A_731 = arith.constant 66 : i32
      %add3A_732 = vector.broadcast %add3A_731 : i32 to vector<16xi32>
      %add3A_733 = arith.addi %select_n3A, %add3A_732 : vector<16xi32>
      %gather3A_734 = tpu.vector_load_idx %arg9[%select_n3A_80, %add3A_733] : memref<2x128xi32, #tpu.memory_space<vmem>>[vector<16xi32>, vector<16xi32>], vector<16xi32>,
      %shift_right_arithmetic3A_735 = arith.shrsi %gather3A_734, %mul3A_105 : vector<16xi32>
      %and3A_736 = arith.constant 255 : i32
      %and3A_737 = vector.broadcast %and3A_736 : i32 to vector<16xi32>
      %and3A_738 = arith.andi %shift_right_arithmetic3A_735, %and3A_737 : vector<16xi32>
      %add3A_739 = arith.addi %and3A_738, %mul3A_49 : vector<16xi32>
      %swap3A_740 = arith.constant 4 : i32
      %swap3A_741 = arith.index_cast %swap3A_740 : i32 to index
      %swap3A_742 = arith.constant 16 : index
      %swap3A_743 = tpu.vector_load %arg11[%swap3A_741, %swap3A_742] {strides = array<i32>} : memref<8x128xi32, #tpu.memory_space<vmem>>, vector<16xi32>,
      tpu.vector_store %arg11[%swap3A_741, %swap3A_742], %add3A_739 {strides = array<i32>} : memref<8x128xi32, #tpu.memory_space<vmem>>, vector<16xi32>,
      %add3A_744 = arith.constant 68 : i32
      %add3A_745 = vector.broadcast %add3A_744 : i32 to vector<16xi32>
      %add3A_746 = arith.addi %select_n3A, %add3A_745 : vector<16xi32>
      %gather3A_747 = tpu.vector_load_idx %arg9[%select_n3A_80, %add3A_746] : memref<2x128xi32, #tpu.memory_space<vmem>>[vector<16xi32>, vector<16xi32>], vector<16xi32>,
      %shift_right_arithmetic3A_748 = arith.shrsi %gather3A_747, %mul3A_105 : vector<16xi32>
      %and3A_749 = arith.constant 255 : i32
      %and3A_750 = vector.broadcast %and3A_749 : i32 to vector<16xi32>
      %and3A_751 = arith.andi %shift_right_arithmetic3A_748, %and3A_750 : vector<16xi32>
      %add3A_752 = arith.addi %and3A_751, %mul3A_49 : vector<16xi32>
      %swap3A_753 = arith.constant 4 : i32
      %swap3A_754 = arith.index_cast %swap3A_753 : i32 to index
      %swap3A_755 = arith.constant 32 : index
      %swap3A_756 = tpu.vector_load %arg11[%swap3A_754, %swap3A_755] {strides = array<i32>} : memref<8x128xi32, #tpu.memory_space<vmem>>, vector<16xi32>,
      tpu.vector_store %arg11[%swap3A_754, %swap3A_755], %add3A_752 {strides = array<i32>} : memref<8x128xi32, #tpu.memory_space<vmem>>, vector<16xi32>,
      %add3A_757 = arith.constant 70 : i32
      %add3A_758 = vector.broadcast %add3A_757 : i32 to vector<16xi32>
      %add3A_759 = arith.addi %select_n3A, %add3A_758 : vector<16xi32>
      %gather3A_760 = tpu.vector_load_idx %arg9[%select_n3A_80, %add3A_759] : memref<2x128xi32, #tpu.memory_space<vmem>>[vector<16xi32>, vector<16xi32>], vector<16xi32>,
      %shift_right_arithmetic3A_761 = arith.shrsi %gather3A_760, %mul3A_105 : vector<16xi32>
      %and3A_762 = arith.constant 255 : i32
      %and3A_763 = vector.broadcast %and3A_762 : i32 to vector<16xi32>
      %and3A_764 = arith.andi %shift_right_arithmetic3A_761, %and3A_763 : vector<16xi32>
      %add3A_765 = arith.addi %and3A_764, %mul3A_49 : vector<16xi32>
      %swap3A_766 = arith.constant 4 : i32
      %swap3A_767 = arith.index_cast %swap3A_766 : i32 to index
      %swap3A_768 = arith.constant 48 : index
      %swap3A_769 = tpu.vector_load %arg11[%swap3A_767, %swap3A_768] {strides = array<i32>} : memref<8x128xi32, #tpu.memory_space<vmem>>, vector<16xi32>,
      tpu.vector_store %arg11[%swap3A_767, %swap3A_768], %add3A_765 {strides = array<i32>} : memref<8x128xi32, #tpu.memory_space<vmem>>, vector<16xi32>,
      %add3A_770 = arith.constant 72 : i32
      %add3A_771 = vector.broadcast %add3A_770 : i32 to vector<16xi32>
      %add3A_772 = arith.addi %select_n3A, %add3A_771 : vector<16xi32>
      %gather3A_773 = tpu.vector_load_idx %arg9[%select_n3A_80, %add3A_772] : memref<2x128xi32, #tpu.memory_space<vmem>>[vector<16xi32>, vector<16xi32>], vector<16xi32>,
      %shift_right_arithmetic3A_774 = arith.shrsi %gather3A_773, %mul3A_105 : vector<16xi32>
      %and3A_775 = arith.constant 255 : i32
      %and3A_776 = vector.broadcast %and3A_775 : i32 to vector<16xi32>
      %and3A_777 = arith.andi %shift_right_arithmetic3A_774, %and3A_776 : vector<16xi32>
      %add3A_778 = arith.addi %and3A_777, %mul3A_49 : vector<16xi32>
      %swap3A_779 = arith.constant 4 : i32
      %swap3A_780 = arith.index_cast %swap3A_779 : i32 to index
      %swap3A_781 = arith.constant 64 : index
      %swap3A_782 = tpu.vector_load %arg11[%swap3A_780, %swap3A_781] {strides = array<i32>} : memref<8x128xi32, #tpu.memory_space<vmem>>, vector<16xi32>,
      tpu.vector_store %arg11[%swap3A_780, %swap3A_781], %add3A_778 {strides = array<i32>} : memref<8x128xi32, #tpu.memory_space<vmem>>, vector<16xi32>,
      %add3A_783 = arith.constant 74 : i32
      %add3A_784 = vector.broadcast %add3A_783 : i32 to vector<16xi32>
      %add3A_785 = arith.addi %select_n3A, %add3A_784 : vector<16xi32>
      %gather3A_786 = tpu.vector_load_idx %arg9[%select_n3A_80, %add3A_785] : memref<2x128xi32, #tpu.memory_space<vmem>>[vector<16xi32>, vector<16xi32>], vector<16xi32>,
      %shift_right_arithmetic3A_787 = arith.shrsi %gather3A_786, %mul3A_105 : vector<16xi32>
      %and3A_788 = arith.constant 255 : i32
      %and3A_789 = vector.broadcast %and3A_788 : i32 to vector<16xi32>
      %and3A_790 = arith.andi %shift_right_arithmetic3A_787, %and3A_789 : vector<16xi32>
      %add3A_791 = arith.addi %and3A_790, %mul3A_49 : vector<16xi32>
      %swap3A_792 = arith.constant 4 : i32
      %swap3A_793 = arith.index_cast %swap3A_792 : i32 to index
      %swap3A_794 = arith.constant 80 : index
      %swap3A_795 = tpu.vector_load %arg11[%swap3A_793, %swap3A_794] {strides = array<i32>} : memref<8x128xi32, #tpu.memory_space<vmem>>, vector<16xi32>,
      tpu.vector_store %arg11[%swap3A_793, %swap3A_794], %add3A_791 {strides = array<i32>} : memref<8x128xi32, #tpu.memory_space<vmem>>, vector<16xi32>,
      %add3A_796 = arith.constant 76 : i32
      %add3A_797 = vector.broadcast %add3A_796 : i32 to vector<16xi32>
      %add3A_798 = arith.addi %select_n3A, %add3A_797 : vector<16xi32>
      %gather3A_799 = tpu.vector_load_idx %arg9[%select_n3A_80, %add3A_798] : memref<2x128xi32, #tpu.memory_space<vmem>>[vector<16xi32>, vector<16xi32>], vector<16xi32>,
      %shift_right_arithmetic3A_800 = arith.shrsi %gather3A_799, %mul3A_105 : vector<16xi32>
      %and3A_801 = arith.constant 255 : i32
      %and3A_802 = vector.broadcast %and3A_801 : i32 to vector<16xi32>
      %and3A_803 = arith.andi %shift_right_arithmetic3A_800, %and3A_802 : vector<16xi32>
      %add3A_804 = arith.addi %and3A_803, %mul3A_49 : vector<16xi32>
      %swap3A_805 = arith.constant 4 : i32
      %swap3A_806 = arith.index_cast %swap3A_805 : i32 to index
      %swap3A_807 = arith.constant 96 : index
      %swap3A_808 = tpu.vector_load %arg11[%swap3A_806, %swap3A_807] {strides = array<i32>} : memref<8x128xi32, #tpu.memory_space<vmem>>, vector<16xi32>,
      tpu.vector_store %arg11[%swap3A_806, %swap3A_807], %add3A_804 {strides = array<i32>} : memref<8x128xi32, #tpu.memory_space<vmem>>, vector<16xi32>,
      %add3A_809 = arith.constant 78 : i32
      %add3A_810 = vector.broadcast %add3A_809 : i32 to vector<16xi32>
      %add3A_811 = arith.addi %select_n3A, %add3A_810 : vector<16xi32>
      %gather3A_812 = tpu.vector_load_idx %arg9[%select_n3A_80, %add3A_811] : memref<2x128xi32, #tpu.memory_space<vmem>>[vector<16xi32>, vector<16xi32>], vector<16xi32>,
      %shift_right_arithmetic3A_813 = arith.shrsi %gather3A_812, %mul3A_105 : vector<16xi32>
      %and3A_814 = arith.constant 255 : i32
      %and3A_815 = vector.broadcast %and3A_814 : i32 to vector<16xi32>
      %and3A_816 = arith.andi %shift_right_arithmetic3A_813, %and3A_815 : vector<16xi32>
      %add3A_817 = arith.addi %and3A_816, %mul3A_49 : vector<16xi32>
      %swap3A_818 = arith.constant 4 : i32
      %swap3A_819 = arith.index_cast %swap3A_818 : i32 to index
      %swap3A_820 = arith.constant 112 : index
      %swap3A_821 = tpu.vector_load %arg11[%swap3A_819, %swap3A_820] {strides = array<i32>} : memref<8x128xi32, #tpu.memory_space<vmem>>, vector<16xi32>,
      tpu.vector_store %arg11[%swap3A_819, %swap3A_820], %add3A_817 {strides = array<i32>} : memref<8x128xi32, #tpu.memory_space<vmem>>, vector<16xi32>,
      %dma_start3A_822 = arith.constant 4 : i32
      %dma_start3A_823 = arith.constant 512 : i32
      %dma_start3A_824 = arith.constant 0 : i32
      %dma_start3A_825 = tpu.memref_slice %arg13[%dma_start3A_823, %dma_start3A_824] : memref<1024x16xf32, #tpu.memory_space<vmem>> -> memref<128x16xf32, #tpu.memory_space<vmem>>
      %dma_start3A_826 = arith.constant 0 : i32
      %dma_start3A_827 = tpu.memref_slice %arg11[%dma_start3A_822, %dma_start3A_826] : memref<8x128xi32, #tpu.memory_space<vmem>> -> memref<1x128xi32, #tpu.memory_space<vmem>>
      %dma_start3A_828 = tpu.memref_squeeze %dma_start3A_827 : memref<1x128xi32, #tpu.memory_space<vmem>> -> memref<128xi32, #tpu.memory_space<vmem>>
      %dma_start3A_829 = arith.constant 0 : i32
      %dma_start3A_830 = arith.constant 0 : i32
      %dma_start3A_831 = tpu.memref_slice %arg15[%dma_start3A_829, %dma_start3A_830] : memref<2048x16xf32, #tpu.memory_space<vmem_shared>> -> memref<2048x16xf32, #tpu.memory_space<vmem_shared>>
      tpu.enqueue_indirect_dma source(%dma_start3A_831 : memref<2048x16xf32, #tpu.memory_space<vmem_shared>>) target(%dma_start3A_825 : memref<128x16xf32, #tpu.memory_space<vmem>>) offsets(%dma_start3A_828 : memref<128xi32, #tpu.memory_space<vmem>>) semaphore(%arg18 : memref<!tpu.dma_semaphore, #tpu.memory_space<semaphore_mem>>)
      %add3A_832 = arith.constant 80 : i32
      %add3A_833 = vector.broadcast %add3A_832 : i32 to vector<16xi32>
      %add3A_834 = arith.addi %select_n3A, %add3A_833 : vector<16xi32>
      %gather3A_835 = tpu.vector_load_idx %arg9[%select_n3A_80, %add3A_834] : memref<2x128xi32, #tpu.memory_space<vmem>>[vector<16xi32>, vector<16xi32>], vector<16xi32>,
      %shift_right_arithmetic3A_836 = arith.shrsi %gather3A_835, %mul3A_105 : vector<16xi32>
      %and3A_837 = arith.constant 255 : i32
      %and3A_838 = vector.broadcast %and3A_837 : i32 to vector<16xi32>
      %and3A_839 = arith.andi %shift_right_arithmetic3A_836, %and3A_838 : vector<16xi32>
      %add3A_840 = arith.addi %and3A_839, %mul3A_49 : vector<16xi32>
      %swap3A_841 = arith.constant 5 : i32
      %swap3A_842 = arith.index_cast %swap3A_841 : i32 to index
      %swap3A_843 = arith.constant 0 : index
      %swap3A_844 = tpu.vector_load %arg11[%swap3A_842, %swap3A_843] {strides = array<i32>} : memref<8x128xi32, #tpu.memory_space<vmem>>, vector<16xi32>,
      tpu.vector_store %arg11[%swap3A_842, %swap3A_843], %add3A_840 {strides = array<i32>} : memref<8x128xi32, #tpu.memory_space<vmem>>, vector<16xi32>,
      %add3A_845 = arith.constant 82 : i32
      %add3A_846 = vector.broadcast %add3A_845 : i32 to vector<16xi32>
      %add3A_847 = arith.addi %select_n3A, %add3A_846 : vector<16xi32>
      %gather3A_848 = tpu.vector_load_idx %arg9[%select_n3A_80, %add3A_847] : memref<2x128xi32, #tpu.memory_space<vmem>>[vector<16xi32>, vector<16xi32>], vector<16xi32>,
      %shift_right_arithmetic3A_849 = arith.shrsi %gather3A_848, %mul3A_105 : vector<16xi32>
      %and3A_850 = arith.constant 255 : i32
      %and3A_851 = vector.broadcast %and3A_850 : i32 to vector<16xi32>
      %and3A_852 = arith.andi %shift_right_arithmetic3A_849, %and3A_851 : vector<16xi32>
      %add3A_853 = arith.addi %and3A_852, %mul3A_49 : vector<16xi32>
      %swap3A_854 = arith.constant 5 : i32
      %swap3A_855 = arith.index_cast %swap3A_854 : i32 to index
      %swap3A_856 = arith.constant 16 : index
      %swap3A_857 = tpu.vector_load %arg11[%swap3A_855, %swap3A_856] {strides = array<i32>} : memref<8x128xi32, #tpu.memory_space<vmem>>, vector<16xi32>,
      tpu.vector_store %arg11[%swap3A_855, %swap3A_856], %add3A_853 {strides = array<i32>} : memref<8x128xi32, #tpu.memory_space<vmem>>, vector<16xi32>,
      %add3A_858 = arith.constant 84 : i32
      %add3A_859 = vector.broadcast %add3A_858 : i32 to vector<16xi32>
      %add3A_860 = arith.addi %select_n3A, %add3A_859 : vector<16xi32>
      %gather3A_861 = tpu.vector_load_idx %arg9[%select_n3A_80, %add3A_860] : memref<2x128xi32, #tpu.memory_space<vmem>>[vector<16xi32>, vector<16xi32>], vector<16xi32>,
      %shift_right_arithmetic3A_862 = arith.shrsi %gather3A_861, %mul3A_105 : vector<16xi32>
      %and3A_863 = arith.constant 255 : i32
      %and3A_864 = vector.broadcast %and3A_863 : i32 to vector<16xi32>
      %and3A_865 = arith.andi %shift_right_arithmetic3A_862, %and3A_864 : vector<16xi32>
      %add3A_866 = arith.addi %and3A_865, %mul3A_49 : vector<16xi32>
      %swap3A_867 = arith.constant 5 : i32
      %swap3A_868 = arith.index_cast %swap3A_867 : i32 to index
      %swap3A_869 = arith.constant 32 : index
      %swap3A_870 = tpu.vector_load %arg11[%swap3A_868, %swap3A_869] {strides = array<i32>} : memref<8x128xi32, #tpu.memory_space<vmem>>, vector<16xi32>,
      tpu.vector_store %arg11[%swap3A_868, %swap3A_869], %add3A_866 {strides = array<i32>} : memref<8x128xi32, #tpu.memory_space<vmem>>, vector<16xi32>,
      %add3A_871 = arith.constant 86 : i32
      %add3A_872 = vector.broadcast %add3A_871 : i32 to vector<16xi32>
      %add3A_873 = arith.addi %select_n3A, %add3A_872 : vector<16xi32>
      %gather3A_874 = tpu.vector_load_idx %arg9[%select_n3A_80, %add3A_873] : memref<2x128xi32, #tpu.memory_space<vmem>>[vector<16xi32>, vector<16xi32>], vector<16xi32>,
      %shift_right_arithmetic3A_875 = arith.shrsi %gather3A_874, %mul3A_105 : vector<16xi32>
      %and3A_876 = arith.constant 255 : i32
      %and3A_877 = vector.broadcast %and3A_876 : i32 to vector<16xi32>
      %and3A_878 = arith.andi %shift_right_arithmetic3A_875, %and3A_877 : vector<16xi32>
      %add3A_879 = arith.addi %and3A_878, %mul3A_49 : vector<16xi32>
      %swap3A_880 = arith.constant 5 : i32
      %swap3A_881 = arith.index_cast %swap3A_880 : i32 to index
      %swap3A_882 = arith.constant 48 : index
      %swap3A_883 = tpu.vector_load %arg11[%swap3A_881, %swap3A_882] {strides = array<i32>} : memref<8x128xi32, #tpu.memory_space<vmem>>, vector<16xi32>,
      tpu.vector_store %arg11[%swap3A_881, %swap3A_882], %add3A_879 {strides = array<i32>} : memref<8x128xi32, #tpu.memory_space<vmem>>, vector<16xi32>,
      %add3A_884 = arith.constant 88 : i32
      %add3A_885 = vector.broadcast %add3A_884 : i32 to vector<16xi32>
      %add3A_886 = arith.addi %select_n3A, %add3A_885 : vector<16xi32>
      %gather3A_887 = tpu.vector_load_idx %arg9[%select_n3A_80, %add3A_886] : memref<2x128xi32, #tpu.memory_space<vmem>>[vector<16xi32>, vector<16xi32>], vector<16xi32>,
      %shift_right_arithmetic3A_888 = arith.shrsi %gather3A_887, %mul3A_105 : vector<16xi32>
      %and3A_889 = arith.constant 255 : i32
      %and3A_890 = vector.broadcast %and3A_889 : i32 to vector<16xi32>
      %and3A_891 = arith.andi %shift_right_arithmetic3A_888, %and3A_890 : vector<16xi32>
      %add3A_892 = arith.addi %and3A_891, %mul3A_49 : vector<16xi32>
      %swap3A_893 = arith.constant 5 : i32
      %swap3A_894 = arith.index_cast %swap3A_893 : i32 to index
      %swap3A_895 = arith.constant 64 : index
      %swap3A_896 = tpu.vector_load %arg11[%swap3A_894, %swap3A_895] {strides = array<i32>} : memref<8x128xi32, #tpu.memory_space<vmem>>, vector<16xi32>,
      tpu.vector_store %arg11[%swap3A_894, %swap3A_895], %add3A_892 {strides = array<i32>} : memref<8x128xi32, #tpu.memory_space<vmem>>, vector<16xi32>,
      %add3A_897 = arith.constant 90 : i32
      %add3A_898 = vector.broadcast %add3A_897 : i32 to vector<16xi32>
      %add3A_899 = arith.addi %select_n3A, %add3A_898 : vector<16xi32>
      %gather3A_900 = tpu.vector_load_idx %arg9[%select_n3A_80, %add3A_899] : memref<2x128xi32, #tpu.memory_space<vmem>>[vector<16xi32>, vector<16xi32>], vector<16xi32>,
      %shift_right_arithmetic3A_901 = arith.shrsi %gather3A_900, %mul3A_105 : vector<16xi32>
      %and3A_902 = arith.constant 255 : i32
      %and3A_903 = vector.broadcast %and3A_902 : i32 to vector<16xi32>
      %and3A_904 = arith.andi %shift_right_arithmetic3A_901, %and3A_903 : vector<16xi32>
      %add3A_905 = arith.addi %and3A_904, %mul3A_49 : vector<16xi32>
      %swap3A_906 = arith.constant 5 : i32
      %swap3A_907 = arith.index_cast %swap3A_906 : i32 to index
      %swap3A_908 = arith.constant 80 : index
      %swap3A_909 = tpu.vector_load %arg11[%swap3A_907, %swap3A_908] {strides = array<i32>} : memref<8x128xi32, #tpu.memory_space<vmem>>, vector<16xi32>,
      tpu.vector_store %arg11[%swap3A_907, %swap3A_908], %add3A_905 {strides = array<i32>} : memref<8x128xi32, #tpu.memory_space<vmem>>, vector<16xi32>,
      %add3A_910 = arith.constant 92 : i32
      %add3A_911 = vector.broadcast %add3A_910 : i32 to vector<16xi32>
      %add3A_912 = arith.addi %select_n3A, %add3A_911 : vector<16xi32>
      %gather3A_913 = tpu.vector_load_idx %arg9[%select_n3A_80, %add3A_912] : memref<2x128xi32, #tpu.memory_space<vmem>>[vector<16xi32>, vector<16xi32>], vector<16xi32>,
      %shift_right_arithmetic3A_914 = arith.shrsi %gather3A_913, %mul3A_105 : vector<16xi32>
      %and3A_915 = arith.constant 255 : i32
      %and3A_916 = vector.broadcast %and3A_915 : i32 to vector<16xi32>
      %and3A_917 = arith.andi %shift_right_arithmetic3A_914, %and3A_916 : vector<16xi32>
      %add3A_918 = arith.addi %and3A_917, %mul3A_49 : vector<16xi32>
      %swap3A_919 = arith.constant 5 : i32
      %swap3A_920 = arith.index_cast %swap3A_919 : i32 to index
      %swap3A_921 = arith.constant 96 : index
      %swap3A_922 = tpu.vector_load %arg11[%swap3A_920, %swap3A_921] {strides = array<i32>} : memref<8x128xi32, #tpu.memory_space<vmem>>, vector<16xi32>,
      tpu.vector_store %arg11[%swap3A_920, %swap3A_921], %add3A_918 {strides = array<i32>} : memref<8x128xi32, #tpu.memory_space<vmem>>, vector<16xi32>,
      %add3A_923 = arith.constant 94 : i32
      %add3A_924 = vector.broadcast %add3A_923 : i32 to vector<16xi32>
      %add3A_925 = arith.addi %select_n3A, %add3A_924 : vector<16xi32>
      %gather3A_926 = tpu.vector_load_idx %arg9[%select_n3A_80, %add3A_925] : memref<2x128xi32, #tpu.memory_space<vmem>>[vector<16xi32>, vector<16xi32>], vector<16xi32>,
      %shift_right_arithmetic3A_927 = arith.shrsi %gather3A_926, %mul3A_105 : vector<16xi32>
      %and3A_928 = arith.constant 255 : i32
      %and3A_929 = vector.broadcast %and3A_928 : i32 to vector<16xi32>
      %and3A_930 = arith.andi %shift_right_arithmetic3A_927, %and3A_929 : vector<16xi32>
      %add3A_931 = arith.addi %and3A_930, %mul3A_49 : vector<16xi32>
      %swap3A_932 = arith.constant 5 : i32
      %swap3A_933 = arith.index_cast %swap3A_932 : i32 to index
      %swap3A_934 = arith.constant 112 : index
      %swap3A_935 = tpu.vector_load %arg11[%swap3A_933, %swap3A_934] {strides = array<i32>} : memref<8x128xi32, #tpu.memory_space<vmem>>, vector<16xi32>,
      tpu.vector_store %arg11[%swap3A_933, %swap3A_934], %add3A_931 {strides = array<i32>} : memref<8x128xi32, #tpu.memory_space<vmem>>, vector<16xi32>,
      %dma_start3A_936 = arith.constant 5 : i32
      %dma_start3A_937 = arith.constant 640 : i32
      %dma_start3A_938 = arith.constant 0 : i32
      %dma_start3A_939 = tpu.memref_slice %arg13[%dma_start3A_937, %dma_start3A_938] : memref<1024x16xf32, #tpu.memory_space<vmem>> -> memref<128x16xf32, #tpu.memory_space<vmem>>
      %dma_start3A_940 = arith.constant 0 : i32
      %dma_start3A_941 = tpu.memref_slice %arg11[%dma_start3A_936, %dma_start3A_940] : memref<8x128xi32, #tpu.memory_space<vmem>> -> memref<1x128xi32, #tpu.memory_space<vmem>>
      %dma_start3A_942 = tpu.memref_squeeze %dma_start3A_941 : memref<1x128xi32, #tpu.memory_space<vmem>> -> memref<128xi32, #tpu.memory_space<vmem>>
      %dma_start3A_943 = arith.constant 0 : i32
      %dma_start3A_944 = arith.constant 0 : i32
      %dma_start3A_945 = tpu.memref_slice %arg15[%dma_start3A_943, %dma_start3A_944] : memref<2048x16xf32, #tpu.memory_space<vmem_shared>> -> memref<2048x16xf32, #tpu.memory_space<vmem_shared>>
      tpu.enqueue_indirect_dma source(%dma_start3A_945 : memref<2048x16xf32, #tpu.memory_space<vmem_shared>>) target(%dma_start3A_939 : memref<128x16xf32, #tpu.memory_space<vmem>>) offsets(%dma_start3A_942 : memref<128xi32, #tpu.memory_space<vmem>>) semaphore(%arg18 : memref<!tpu.dma_semaphore, #tpu.memory_space<semaphore_mem>>)
      %add3A_946 = arith.constant 96 : i32
      %add3A_947 = vector.broadcast %add3A_946 : i32 to vector<16xi32>
      %add3A_948 = arith.addi %select_n3A, %add3A_947 : vector<16xi32>
      %gather3A_949 = tpu.vector_load_idx %arg9[%select_n3A_80, %add3A_948] : memref<2x128xi32, #tpu.memory_space<vmem>>[vector<16xi32>, vector<16xi32>], vector<16xi32>,
      %shift_right_arithmetic3A_950 = arith.shrsi %gather3A_949, %mul3A_105 : vector<16xi32>
      %and3A_951 = arith.constant 255 : i32
      %and3A_952 = vector.broadcast %and3A_951 : i32 to vector<16xi32>
      %and3A_953 = arith.andi %shift_right_arithmetic3A_950, %and3A_952 : vector<16xi32>
      %add3A_954 = arith.addi %and3A_953, %mul3A_49 : vector<16xi32>
      %swap3A_955 = arith.constant 6 : i32
      %swap3A_956 = arith.index_cast %swap3A_955 : i32 to index
      %swap3A_957 = arith.constant 0 : index
      %swap3A_958 = tpu.vector_load %arg11[%swap3A_956, %swap3A_957] {strides = array<i32>} : memref<8x128xi32, #tpu.memory_space<vmem>>, vector<16xi32>,
      tpu.vector_store %arg11[%swap3A_956, %swap3A_957], %add3A_954 {strides = array<i32>} : memref<8x128xi32, #tpu.memory_space<vmem>>, vector<16xi32>,
      %add3A_959 = arith.constant 98 : i32
      %add3A_960 = vector.broadcast %add3A_959 : i32 to vector<16xi32>
      %add3A_961 = arith.addi %select_n3A, %add3A_960 : vector<16xi32>
      %gather3A_962 = tpu.vector_load_idx %arg9[%select_n3A_80, %add3A_961] : memref<2x128xi32, #tpu.memory_space<vmem>>[vector<16xi32>, vector<16xi32>], vector<16xi32>,
      %shift_right_arithmetic3A_963 = arith.shrsi %gather3A_962, %mul3A_105 : vector<16xi32>
      %and3A_964 = arith.constant 255 : i32
      %and3A_965 = vector.broadcast %and3A_964 : i32 to vector<16xi32>
      %and3A_966 = arith.andi %shift_right_arithmetic3A_963, %and3A_965 : vector<16xi32>
      %add3A_967 = arith.addi %and3A_966, %mul3A_49 : vector<16xi32>
      %swap3A_968 = arith.constant 6 : i32
      %swap3A_969 = arith.index_cast %swap3A_968 : i32 to index
      %swap3A_970 = arith.constant 16 : index
      %swap3A_971 = tpu.vector_load %arg11[%swap3A_969, %swap3A_970] {strides = array<i32>} : memref<8x128xi32, #tpu.memory_space<vmem>>, vector<16xi32>,
      tpu.vector_store %arg11[%swap3A_969, %swap3A_970], %add3A_967 {strides = array<i32>} : memref<8x128xi32, #tpu.memory_space<vmem>>, vector<16xi32>,
      %add3A_972 = arith.constant 100 : i32
      %add3A_973 = vector.broadcast %add3A_972 : i32 to vector<16xi32>
      %add3A_974 = arith.addi %select_n3A, %add3A_973 : vector<16xi32>
      %gather3A_975 = tpu.vector_load_idx %arg9[%select_n3A_80, %add3A_974] : memref<2x128xi32, #tpu.memory_space<vmem>>[vector<16xi32>, vector<16xi32>], vector<16xi32>,
      %shift_right_arithmetic3A_976 = arith.shrsi %gather3A_975, %mul3A_105 : vector<16xi32>
      %and3A_977 = arith.constant 255 : i32
      %and3A_978 = vector.broadcast %and3A_977 : i32 to vector<16xi32>
      %and3A_979 = arith.andi %shift_right_arithmetic3A_976, %and3A_978 : vector<16xi32>
      %add3A_980 = arith.addi %and3A_979, %mul3A_49 : vector<16xi32>
      %swap3A_981 = arith.constant 6 : i32
      %swap3A_982 = arith.index_cast %swap3A_981 : i32 to index
      %swap3A_983 = arith.constant 32 : index
      %swap3A_984 = tpu.vector_load %arg11[%swap3A_982, %swap3A_983] {strides = array<i32>} : memref<8x128xi32, #tpu.memory_space<vmem>>, vector<16xi32>,
      tpu.vector_store %arg11[%swap3A_982, %swap3A_983], %add3A_980 {strides = array<i32>} : memref<8x128xi32, #tpu.memory_space<vmem>>, vector<16xi32>,
      %add3A_985 = arith.constant 102 : i32
      %add3A_986 = vector.broadcast %add3A_985 : i32 to vector<16xi32>
      %add3A_987 = arith.addi %select_n3A, %add3A_986 : vector<16xi32>
      %gather3A_988 = tpu.vector_load_idx %arg9[%select_n3A_80, %add3A_987] : memref<2x128xi32, #tpu.memory_space<vmem>>[vector<16xi32>, vector<16xi32>], vector<16xi32>,
      %shift_right_arithmetic3A_989 = arith.shrsi %gather3A_988, %mul3A_105 : vector<16xi32>
      %and3A_990 = arith.constant 255 : i32
      %and3A_991 = vector.broadcast %and3A_990 : i32 to vector<16xi32>
      %and3A_992 = arith.andi %shift_right_arithmetic3A_989, %and3A_991 : vector<16xi32>
      %add3A_993 = arith.addi %and3A_992, %mul3A_49 : vector<16xi32>
      %swap3A_994 = arith.constant 6 : i32
      %swap3A_995 = arith.index_cast %swap3A_994 : i32 to index
      %swap3A_996 = arith.constant 48 : index
      %swap3A_997 = tpu.vector_load %arg11[%swap3A_995, %swap3A_996] {strides = array<i32>} : memref<8x128xi32, #tpu.memory_space<vmem>>, vector<16xi32>,
      tpu.vector_store %arg11[%swap3A_995, %swap3A_996], %add3A_993 {strides = array<i32>} : memref<8x128xi32, #tpu.memory_space<vmem>>, vector<16xi32>,
      %add3A_998 = arith.constant 104 : i32
      %add3A_999 = vector.broadcast %add3A_998 : i32 to vector<16xi32>
      %add3A_1000 = arith.addi %select_n3A, %add3A_999 : vector<16xi32>
      %gather3A_1001 = tpu.vector_load_idx %arg9[%select_n3A_80, %add3A_1000] : memref<2x128xi32, #tpu.memory_space<vmem>>[vector<16xi32>, vector<16xi32>], vector<16xi32>,
      %shift_right_arithmetic3A_1002 = arith.shrsi %gather3A_1001, %mul3A_105 : vector<16xi32>
      %and3A_1003 = arith.constant 255 : i32
      %and3A_1004 = vector.broadcast %and3A_1003 : i32 to vector<16xi32>
      %and3A_1005 = arith.andi %shift_right_arithmetic3A_1002, %and3A_1004 : vector<16xi32>
      %add3A_1006 = arith.addi %and3A_1005, %mul3A_49 : vector<16xi32>
      %swap3A_1007 = arith.constant 6 : i32
      %swap3A_1008 = arith.index_cast %swap3A_1007 : i32 to index
      %swap3A_1009 = arith.constant 64 : index
      %swap3A_1010 = tpu.vector_load %arg11[%swap3A_1008, %swap3A_1009] {strides = array<i32>} : memref<8x128xi32, #tpu.memory_space<vmem>>, vector<16xi32>,
      tpu.vector_store %arg11[%swap3A_1008, %swap3A_1009], %add3A_1006 {strides = array<i32>} : memref<8x128xi32, #tpu.memory_space<vmem>>, vector<16xi32>,
      %add3A_1011 = arith.constant 106 : i32
      %add3A_1012 = vector.broadcast %add3A_1011 : i32 to vector<16xi32>
      %add3A_1013 = arith.addi %select_n3A, %add3A_1012 : vector<16xi32>
      %gather3A_1014 = tpu.vector_load_idx %arg9[%select_n3A_80, %add3A_1013] : memref<2x128xi32, #tpu.memory_space<vmem>>[vector<16xi32>, vector<16xi32>], vector<16xi32>,
      %shift_right_arithmetic3A_1015 = arith.shrsi %gather3A_1014, %mul3A_105 : vector<16xi32>
      %and3A_1016 = arith.constant 255 : i32
      %and3A_1017 = vector.broadcast %and3A_1016 : i32 to vector<16xi32>
      %and3A_1018 = arith.andi %shift_right_arithmetic3A_1015, %and3A_1017 : vector<16xi32>
      %add3A_1019 = arith.addi %and3A_1018, %mul3A_49 : vector<16xi32>
      %swap3A_1020 = arith.constant 6 : i32
      %swap3A_1021 = arith.index_cast %swap3A_1020 : i32 to index
      %swap3A_1022 = arith.constant 80 : index
      %swap3A_1023 = tpu.vector_load %arg11[%swap3A_1021, %swap3A_1022] {strides = array<i32>} : memref<8x128xi32, #tpu.memory_space<vmem>>, vector<16xi32>,
      tpu.vector_store %arg11[%swap3A_1021, %swap3A_1022], %add3A_1019 {strides = array<i32>} : memref<8x128xi32, #tpu.memory_space<vmem>>, vector<16xi32>,
      %add3A_1024 = arith.constant 108 : i32
      %add3A_1025 = vector.broadcast %add3A_1024 : i32 to vector<16xi32>
      %add3A_1026 = arith.addi %select_n3A, %add3A_1025 : vector<16xi32>
      %gather3A_1027 = tpu.vector_load_idx %arg9[%select_n3A_80, %add3A_1026] : memref<2x128xi32, #tpu.memory_space<vmem>>[vector<16xi32>, vector<16xi32>], vector<16xi32>,
      %shift_right_arithmetic3A_1028 = arith.shrsi %gather3A_1027, %mul3A_105 : vector<16xi32>
      %and3A_1029 = arith.constant 255 : i32
      %and3A_1030 = vector.broadcast %and3A_1029 : i32 to vector<16xi32>
      %and3A_1031 = arith.andi %shift_right_arithmetic3A_1028, %and3A_1030 : vector<16xi32>
      %add3A_1032 = arith.addi %and3A_1031, %mul3A_49 : vector<16xi32>
      %swap3A_1033 = arith.constant 6 : i32
      %swap3A_1034 = arith.index_cast %swap3A_1033 : i32 to index
      %swap3A_1035 = arith.constant 96 : index
      %swap3A_1036 = tpu.vector_load %arg11[%swap3A_1034, %swap3A_1035] {strides = array<i32>} : memref<8x128xi32, #tpu.memory_space<vmem>>, vector<16xi32>,
      tpu.vector_store %arg11[%swap3A_1034, %swap3A_1035], %add3A_1032 {strides = array<i32>} : memref<8x128xi32, #tpu.memory_space<vmem>>, vector<16xi32>,
      %add3A_1037 = arith.constant 110 : i32
      %add3A_1038 = vector.broadcast %add3A_1037 : i32 to vector<16xi32>
      %add3A_1039 = arith.addi %select_n3A, %add3A_1038 : vector<16xi32>
      %gather3A_1040 = tpu.vector_load_idx %arg9[%select_n3A_80, %add3A_1039] : memref<2x128xi32, #tpu.memory_space<vmem>>[vector<16xi32>, vector<16xi32>], vector<16xi32>,
      %shift_right_arithmetic3A_1041 = arith.shrsi %gather3A_1040, %mul3A_105 : vector<16xi32>
      %and3A_1042 = arith.constant 255 : i32
      %and3A_1043 = vector.broadcast %and3A_1042 : i32 to vector<16xi32>
      %and3A_1044 = arith.andi %shift_right_arithmetic3A_1041, %and3A_1043 : vector<16xi32>
      %add3A_1045 = arith.addi %and3A_1044, %mul3A_49 : vector<16xi32>
      %swap3A_1046 = arith.constant 6 : i32
      %swap3A_1047 = arith.index_cast %swap3A_1046 : i32 to index
      %swap3A_1048 = arith.constant 112 : index
      %swap3A_1049 = tpu.vector_load %arg11[%swap3A_1047, %swap3A_1048] {strides = array<i32>} : memref<8x128xi32, #tpu.memory_space<vmem>>, vector<16xi32>,
      tpu.vector_store %arg11[%swap3A_1047, %swap3A_1048], %add3A_1045 {strides = array<i32>} : memref<8x128xi32, #tpu.memory_space<vmem>>, vector<16xi32>,
      %dma_start3A_1050 = arith.constant 6 : i32
      %dma_start3A_1051 = arith.constant 768 : i32
      %dma_start3A_1052 = arith.constant 0 : i32
      %dma_start3A_1053 = tpu.memref_slice %arg13[%dma_start3A_1051, %dma_start3A_1052] : memref<1024x16xf32, #tpu.memory_space<vmem>> -> memref<128x16xf32, #tpu.memory_space<vmem>>
      %dma_start3A_1054 = arith.constant 0 : i32
      %dma_start3A_1055 = tpu.memref_slice %arg11[%dma_start3A_1050, %dma_start3A_1054] : memref<8x128xi32, #tpu.memory_space<vmem>> -> memref<1x128xi32, #tpu.memory_space<vmem>>
      %dma_start3A_1056 = tpu.memref_squeeze %dma_start3A_1055 : memref<1x128xi32, #tpu.memory_space<vmem>> -> memref<128xi32, #tpu.memory_space<vmem>>
      %dma_start3A_1057 = arith.constant 0 : i32
      %dma_start3A_1058 = arith.constant 0 : i32
      %dma_start3A_1059 = tpu.memref_slice %arg15[%dma_start3A_1057, %dma_start3A_1058] : memref<2048x16xf32, #tpu.memory_space<vmem_shared>> -> memref<2048x16xf32, #tpu.memory_space<vmem_shared>>
      tpu.enqueue_indirect_dma source(%dma_start3A_1059 : memref<2048x16xf32, #tpu.memory_space<vmem_shared>>) target(%dma_start3A_1053 : memref<128x16xf32, #tpu.memory_space<vmem>>) offsets(%dma_start3A_1056 : memref<128xi32, #tpu.memory_space<vmem>>) semaphore(%arg18 : memref<!tpu.dma_semaphore, #tpu.memory_space<semaphore_mem>>)
      %add3A_1060 = arith.constant 112 : i32
      %add3A_1061 = vector.broadcast %add3A_1060 : i32 to vector<16xi32>
      %add3A_1062 = arith.addi %select_n3A, %add3A_1061 : vector<16xi32>
      %gather3A_1063 = tpu.vector_load_idx %arg9[%select_n3A_80, %add3A_1062] : memref<2x128xi32, #tpu.memory_space<vmem>>[vector<16xi32>, vector<16xi32>], vector<16xi32>,
      %shift_right_arithmetic3A_1064 = arith.shrsi %gather3A_1063, %mul3A_105 : vector<16xi32>
      %and3A_1065 = arith.constant 255 : i32
      %and3A_1066 = vector.broadcast %and3A_1065 : i32 to vector<16xi32>
      %and3A_1067 = arith.andi %shift_right_arithmetic3A_1064, %and3A_1066 : vector<16xi32>
      %add3A_1068 = arith.addi %and3A_1067, %mul3A_49 : vector<16xi32>
      %swap3A_1069 = arith.constant 7 : i32
      %swap3A_1070 = arith.index_cast %swap3A_1069 : i32 to index
      %swap3A_1071 = arith.constant 0 : index
      %swap3A_1072 = tpu.vector_load %arg11[%swap3A_1070, %swap3A_1071] {strides = array<i32>} : memref<8x128xi32, #tpu.memory_space<vmem>>, vector<16xi32>,
      tpu.vector_store %arg11[%swap3A_1070, %swap3A_1071], %add3A_1068 {strides = array<i32>} : memref<8x128xi32, #tpu.memory_space<vmem>>, vector<16xi32>,
      %add3A_1073 = arith.constant 114 : i32
      %add3A_1074 = vector.broadcast %add3A_1073 : i32 to vector<16xi32>
      %add3A_1075 = arith.addi %select_n3A, %add3A_1074 : vector<16xi32>
      %gather3A_1076 = tpu.vector_load_idx %arg9[%select_n3A_80, %add3A_1075] : memref<2x128xi32, #tpu.memory_space<vmem>>[vector<16xi32>, vector<16xi32>], vector<16xi32>,
      %shift_right_arithmetic3A_1077 = arith.shrsi %gather3A_1076, %mul3A_105 : vector<16xi32>
      %and3A_1078 = arith.constant 255 : i32
      %and3A_1079 = vector.broadcast %and3A_1078 : i32 to vector<16xi32>
      %and3A_1080 = arith.andi %shift_right_arithmetic3A_1077, %and3A_1079 : vector<16xi32>
      %add3A_1081 = arith.addi %and3A_1080, %mul3A_49 : vector<16xi32>
      %swap3A_1082 = arith.constant 7 : i32
      %swap3A_1083 = arith.index_cast %swap3A_1082 : i32 to index
      %swap3A_1084 = arith.constant 16 : index
      %swap3A_1085 = tpu.vector_load %arg11[%swap3A_1083, %swap3A_1084] {strides = array<i32>} : memref<8x128xi32, #tpu.memory_space<vmem>>, vector<16xi32>,
      tpu.vector_store %arg11[%swap3A_1083, %swap3A_1084], %add3A_1081 {strides = array<i32>} : memref<8x128xi32, #tpu.memory_space<vmem>>, vector<16xi32>,
      %add3A_1086 = arith.constant 116 : i32
      %add3A_1087 = vector.broadcast %add3A_1086 : i32 to vector<16xi32>
      %add3A_1088 = arith.addi %select_n3A, %add3A_1087 : vector<16xi32>
      %gather3A_1089 = tpu.vector_load_idx %arg9[%select_n3A_80, %add3A_1088] : memref<2x128xi32, #tpu.memory_space<vmem>>[vector<16xi32>, vector<16xi32>], vector<16xi32>,
      %shift_right_arithmetic3A_1090 = arith.shrsi %gather3A_1089, %mul3A_105 : vector<16xi32>
      %and3A_1091 = arith.constant 255 : i32
      %and3A_1092 = vector.broadcast %and3A_1091 : i32 to vector<16xi32>
      %and3A_1093 = arith.andi %shift_right_arithmetic3A_1090, %and3A_1092 : vector<16xi32>
      %add3A_1094 = arith.addi %and3A_1093, %mul3A_49 : vector<16xi32>
      %swap3A_1095 = arith.constant 7 : i32
      %swap3A_1096 = arith.index_cast %swap3A_1095 : i32 to index
      %swap3A_1097 = arith.constant 32 : index
      %swap3A_1098 = tpu.vector_load %arg11[%swap3A_1096, %swap3A_1097] {strides = array<i32>} : memref<8x128xi32, #tpu.memory_space<vmem>>, vector<16xi32>,
      tpu.vector_store %arg11[%swap3A_1096, %swap3A_1097], %add3A_1094 {strides = array<i32>} : memref<8x128xi32, #tpu.memory_space<vmem>>, vector<16xi32>,
      %add3A_1099 = arith.constant 118 : i32
      %add3A_1100 = vector.broadcast %add3A_1099 : i32 to vector<16xi32>
      %add3A_1101 = arith.addi %select_n3A, %add3A_1100 : vector<16xi32>
      %gather3A_1102 = tpu.vector_load_idx %arg9[%select_n3A_80, %add3A_1101] : memref<2x128xi32, #tpu.memory_space<vmem>>[vector<16xi32>, vector<16xi32>], vector<16xi32>,
      %shift_right_arithmetic3A_1103 = arith.shrsi %gather3A_1102, %mul3A_105 : vector<16xi32>
      %and3A_1104 = arith.constant 255 : i32
      %and3A_1105 = vector.broadcast %and3A_1104 : i32 to vector<16xi32>
      %and3A_1106 = arith.andi %shift_right_arithmetic3A_1103, %and3A_1105 : vector<16xi32>
      %add3A_1107 = arith.addi %and3A_1106, %mul3A_49 : vector<16xi32>
      %swap3A_1108 = arith.constant 7 : i32
      %swap3A_1109 = arith.index_cast %swap3A_1108 : i32 to index
      %swap3A_1110 = arith.constant 48 : index
      %swap3A_1111 = tpu.vector_load %arg11[%swap3A_1109, %swap3A_1110] {strides = array<i32>} : memref<8x128xi32, #tpu.memory_space<vmem>>, vector<16xi32>,
      tpu.vector_store %arg11[%swap3A_1109, %swap3A_1110], %add3A_1107 {strides = array<i32>} : memref<8x128xi32, #tpu.memory_space<vmem>>, vector<16xi32>,
      %add3A_1112 = arith.constant 120 : i32
      %add3A_1113 = vector.broadcast %add3A_1112 : i32 to vector<16xi32>
      %add3A_1114 = arith.addi %select_n3A, %add3A_1113 : vector<16xi32>
      %gather3A_1115 = tpu.vector_load_idx %arg9[%select_n3A_80, %add3A_1114] : memref<2x128xi32, #tpu.memory_space<vmem>>[vector<16xi32>, vector<16xi32>], vector<16xi32>,
      %shift_right_arithmetic3A_1116 = arith.shrsi %gather3A_1115, %mul3A_105 : vector<16xi32>
      %and3A_1117 = arith.constant 255 : i32
      %and3A_1118 = vector.broadcast %and3A_1117 : i32 to vector<16xi32>
      %and3A_1119 = arith.andi %shift_right_arithmetic3A_1116, %and3A_1118 : vector<16xi32>
      %add3A_1120 = arith.addi %and3A_1119, %mul3A_49 : vector<16xi32>
      %swap3A_1121 = arith.constant 7 : i32
      %swap3A_1122 = arith.index_cast %swap3A_1121 : i32 to index
      %swap3A_1123 = arith.constant 64 : index
      %swap3A_1124 = tpu.vector_load %arg11[%swap3A_1122, %swap3A_1123] {strides = array<i32>} : memref<8x128xi32, #tpu.memory_space<vmem>>, vector<16xi32>,
      tpu.vector_store %arg11[%swap3A_1122, %swap3A_1123], %add3A_1120 {strides = array<i32>} : memref<8x128xi32, #tpu.memory_space<vmem>>, vector<16xi32>,
      %add3A_1125 = arith.constant 122 : i32
      %add3A_1126 = vector.broadcast %add3A_1125 : i32 to vector<16xi32>
      %add3A_1127 = arith.addi %select_n3A, %add3A_1126 : vector<16xi32>
      %gather3A_1128 = tpu.vector_load_idx %arg9[%select_n3A_80, %add3A_1127] : memref<2x128xi32, #tpu.memory_space<vmem>>[vector<16xi32>, vector<16xi32>], vector<16xi32>,
      %shift_right_arithmetic3A_1129 = arith.shrsi %gather3A_1128, %mul3A_105 : vector<16xi32>
      %and3A_1130 = arith.constant 255 : i32
      %and3A_1131 = vector.broadcast %and3A_1130 : i32 to vector<16xi32>
      %and3A_1132 = arith.andi %shift_right_arithmetic3A_1129, %and3A_1131 : vector<16xi32>
      %add3A_1133 = arith.addi %and3A_1132, %mul3A_49 : vector<16xi32>
      %swap3A_1134 = arith.constant 7 : i32
      %swap3A_1135 = arith.index_cast %swap3A_1134 : i32 to index
      %swap3A_1136 = arith.constant 80 : index
      %swap3A_1137 = tpu.vector_load %arg11[%swap3A_1135, %swap3A_1136] {strides = array<i32>} : memref<8x128xi32, #tpu.memory_space<vmem>>, vector<16xi32>,
      tpu.vector_store %arg11[%swap3A_1135, %swap3A_1136], %add3A_1133 {strides = array<i32>} : memref<8x128xi32, #tpu.memory_space<vmem>>, vector<16xi32>,
      %add3A_1138 = arith.constant 124 : i32
      %add3A_1139 = vector.broadcast %add3A_1138 : i32 to vector<16xi32>
      %add3A_1140 = arith.addi %select_n3A, %add3A_1139 : vector<16xi32>
      %gather3A_1141 = tpu.vector_load_idx %arg9[%select_n3A_80, %add3A_1140] : memref<2x128xi32, #tpu.memory_space<vmem>>[vector<16xi32>, vector<16xi32>], vector<16xi32>,
      %shift_right_arithmetic3A_1142 = arith.shrsi %gather3A_1141, %mul3A_105 : vector<16xi32>
      %and3A_1143 = arith.constant 255 : i32
      %and3A_1144 = vector.broadcast %and3A_1143 : i32 to vector<16xi32>
      %and3A_1145 = arith.andi %shift_right_arithmetic3A_1142, %and3A_1144 : vector<16xi32>
      %add3A_1146 = arith.addi %and3A_1145, %mul3A_49 : vector<16xi32>
      %swap3A_1147 = arith.constant 7 : i32
      %swap3A_1148 = arith.index_cast %swap3A_1147 : i32 to index
      %swap3A_1149 = arith.constant 96 : index
      %swap3A_1150 = tpu.vector_load %arg11[%swap3A_1148, %swap3A_1149] {strides = array<i32>} : memref<8x128xi32, #tpu.memory_space<vmem>>, vector<16xi32>,
      tpu.vector_store %arg11[%swap3A_1148, %swap3A_1149], %add3A_1146 {strides = array<i32>} : memref<8x128xi32, #tpu.memory_space<vmem>>, vector<16xi32>,
      %add3A_1151 = arith.constant 126 : i32
      %add3A_1152 = vector.broadcast %add3A_1151 : i32 to vector<16xi32>
      %add3A_1153 = arith.addi %select_n3A, %add3A_1152 : vector<16xi32>
      %gather3A_1154 = tpu.vector_load_idx %arg9[%select_n3A_80, %add3A_1153] : memref<2x128xi32, #tpu.memory_space<vmem>>[vector<16xi32>, vector<16xi32>], vector<16xi32>,
      %shift_right_arithmetic3A_1155 = arith.shrsi %gather3A_1154, %mul3A_105 : vector<16xi32>
      %and3A_1156 = arith.constant 255 : i32
      %and3A_1157 = vector.broadcast %and3A_1156 : i32 to vector<16xi32>
      %and3A_1158 = arith.andi %shift_right_arithmetic3A_1155, %and3A_1157 : vector<16xi32>
      %add3A_1159 = arith.addi %and3A_1158, %mul3A_49 : vector<16xi32>
      %swap3A_1160 = arith.constant 7 : i32
      %swap3A_1161 = arith.index_cast %swap3A_1160 : i32 to index
      %swap3A_1162 = arith.constant 112 : index
      %swap3A_1163 = tpu.vector_load %arg11[%swap3A_1161, %swap3A_1162] {strides = array<i32>} : memref<8x128xi32, #tpu.memory_space<vmem>>, vector<16xi32>,
      tpu.vector_store %arg11[%swap3A_1161, %swap3A_1162], %add3A_1159 {strides = array<i32>} : memref<8x128xi32, #tpu.memory_space<vmem>>, vector<16xi32>,
      %dma_start3A_1164 = arith.constant 7 : i32
      %dma_start3A_1165 = arith.constant 896 : i32
      %dma_start3A_1166 = arith.constant 0 : i32
      %dma_start3A_1167 = tpu.memref_slice %arg13[%dma_start3A_1165, %dma_start3A_1166] : memref<1024x16xf32, #tpu.memory_space<vmem>> -> memref<128x16xf32, #tpu.memory_space<vmem>>
      %dma_start3A_1168 = arith.constant 0 : i32
      %dma_start3A_1169 = tpu.memref_slice %arg11[%dma_start3A_1164, %dma_start3A_1168] : memref<8x128xi32, #tpu.memory_space<vmem>> -> memref<1x128xi32, #tpu.memory_space<vmem>>
      %dma_start3A_1170 = tpu.memref_squeeze %dma_start3A_1169 : memref<1x128xi32, #tpu.memory_space<vmem>> -> memref<128xi32, #tpu.memory_space<vmem>>
      %dma_start3A_1171 = arith.constant 0 : i32
      %dma_start3A_1172 = arith.constant 0 : i32
      %dma_start3A_1173 = tpu.memref_slice %arg15[%dma_start3A_1171, %dma_start3A_1172] : memref<2048x16xf32, #tpu.memory_space<vmem_shared>> -> memref<2048x16xf32, #tpu.memory_space<vmem_shared>>
      tpu.enqueue_indirect_dma source(%dma_start3A_1173 : memref<2048x16xf32, #tpu.memory_space<vmem_shared>>) target(%dma_start3A_1167 : memref<128x16xf32, #tpu.memory_space<vmem>>) offsets(%dma_start3A_1170 : memref<128xi32, #tpu.memory_space<vmem>>) semaphore(%arg18 : memref<!tpu.dma_semaphore, #tpu.memory_space<semaphore_mem>>)
      %dma_wait3A_1174 = arith.constant 0 : i32
      %dma_wait3A_1175 = arith.constant 0 : i32
      %dma_wait3A_1176 = arith.constant 0 : i32
      %dma_wait3A_1177 = tpu.memref_slice %arg13[%dma_wait3A_1175, %dma_wait3A_1176] : memref<1024x16xf32, #tpu.memory_space<vmem>> -> memref<128x16xf32, #tpu.memory_space<vmem>>
      %dma_wait3A_1178 = arith.constant 0 : i32
      %dma_wait3A_1179 = tpu.memref_slice %arg11[%dma_wait3A_1174, %dma_wait3A_1178] : memref<8x128xi32, #tpu.memory_space<vmem>> -> memref<1x128xi32, #tpu.memory_space<vmem>>
      %dma_wait3A_1180 = tpu.memref_squeeze %dma_wait3A_1179 : memref<1x128xi32, #tpu.memory_space<vmem>> -> memref<128xi32, #tpu.memory_space<vmem>>
      %dma_wait3A_1181 = arith.constant 0 : i32
      %dma_wait3A_1182 = arith.constant 0 : i32
      %dma_wait3A_1183 = tpu.memref_slice %arg15[%dma_wait3A_1181, %dma_wait3A_1182] : memref<2048x16xf32, #tpu.memory_space<vmem_shared>> -> memref<2048x16xf32, #tpu.memory_space<vmem_shared>>
      tpu.wait_indirect_dma semaphore(%arg18 : memref<!tpu.dma_semaphore, #tpu.memory_space<semaphore_mem>>) src(%dma_wait3A_1183 : memref<2048x16xf32, #tpu.memory_space<vmem_shared>>) dst(%dma_wait3A_1177 : memref<128x16xf32, #tpu.memory_space<vmem>>)
      %dma_wait3A_1184 = arith.constant 1 : i32
      %dma_wait3A_1185 = arith.constant 128 : i32
      %dma_wait3A_1186 = arith.constant 0 : i32
      %dma_wait3A_1187 = tpu.memref_slice %arg13[%dma_wait3A_1185, %dma_wait3A_1186] : memref<1024x16xf32, #tpu.memory_space<vmem>> -> memref<128x16xf32, #tpu.memory_space<vmem>>
      %dma_wait3A_1188 = arith.constant 0 : i32
      %dma_wait3A_1189 = tpu.memref_slice %arg11[%dma_wait3A_1184, %dma_wait3A_1188] : memref<8x128xi32, #tpu.memory_space<vmem>> -> memref<1x128xi32, #tpu.memory_space<vmem>>
      %dma_wait3A_1190 = tpu.memref_squeeze %dma_wait3A_1189 : memref<1x128xi32, #tpu.memory_space<vmem>> -> memref<128xi32, #tpu.memory_space<vmem>>
      %dma_wait3A_1191 = arith.constant 0 : i32
      %dma_wait3A_1192 = arith.constant 0 : i32
      %dma_wait3A_1193 = tpu.memref_slice %arg15[%dma_wait3A_1191, %dma_wait3A_1192] : memref<2048x16xf32, #tpu.memory_space<vmem_shared>> -> memref<2048x16xf32, #tpu.memory_space<vmem_shared>>
      tpu.wait_indirect_dma semaphore(%arg18 : memref<!tpu.dma_semaphore, #tpu.memory_space<semaphore_mem>>) src(%dma_wait3A_1193 : memref<2048x16xf32, #tpu.memory_space<vmem_shared>>) dst(%dma_wait3A_1187 : memref<128x16xf32, #tpu.memory_space<vmem>>)
      %dma_wait3A_1194 = arith.constant 2 : i32
      %dma_wait3A_1195 = arith.constant 256 : i32
      %dma_wait3A_1196 = arith.constant 0 : i32
      %dma_wait3A_1197 = tpu.memref_slice %arg13[%dma_wait3A_1195, %dma_wait3A_1196] : memref<1024x16xf32, #tpu.memory_space<vmem>> -> memref<128x16xf32, #tpu.memory_space<vmem>>
      %dma_wait3A_1198 = arith.constant 0 : i32
      %dma_wait3A_1199 = tpu.memref_slice %arg11[%dma_wait3A_1194, %dma_wait3A_1198] : memref<8x128xi32, #tpu.memory_space<vmem>> -> memref<1x128xi32, #tpu.memory_space<vmem>>
      %dma_wait3A_1200 = tpu.memref_squeeze %dma_wait3A_1199 : memref<1x128xi32, #tpu.memory_space<vmem>> -> memref<128xi32, #tpu.memory_space<vmem>>
      %dma_wait3A_1201 = arith.constant 0 : i32
      %dma_wait3A_1202 = arith.constant 0 : i32
      %dma_wait3A_1203 = tpu.memref_slice %arg15[%dma_wait3A_1201, %dma_wait3A_1202] : memref<2048x16xf32, #tpu.memory_space<vmem_shared>> -> memref<2048x16xf32, #tpu.memory_space<vmem_shared>>
      tpu.wait_indirect_dma semaphore(%arg18 : memref<!tpu.dma_semaphore, #tpu.memory_space<semaphore_mem>>) src(%dma_wait3A_1203 : memref<2048x16xf32, #tpu.memory_space<vmem_shared>>) dst(%dma_wait3A_1197 : memref<128x16xf32, #tpu.memory_space<vmem>>)
      %dma_wait3A_1204 = arith.constant 3 : i32
      %dma_wait3A_1205 = arith.constant 384 : i32
      %dma_wait3A_1206 = arith.constant 0 : i32
      %dma_wait3A_1207 = tpu.memref_slice %arg13[%dma_wait3A_1205, %dma_wait3A_1206] : memref<1024x16xf32, #tpu.memory_space<vmem>> -> memref<128x16xf32, #tpu.memory_space<vmem>>
      %dma_wait3A_1208 = arith.constant 0 : i32
      %dma_wait3A_1209 = tpu.memref_slice %arg11[%dma_wait3A_1204, %dma_wait3A_1208] : memref<8x128xi32, #tpu.memory_space<vmem>> -> memref<1x128xi32, #tpu.memory_space<vmem>>
      %dma_wait3A_1210 = tpu.memref_squeeze %dma_wait3A_1209 : memref<1x128xi32, #tpu.memory_space<vmem>> -> memref<128xi32, #tpu.memory_space<vmem>>
      %dma_wait3A_1211 = arith.constant 0 : i32
      %dma_wait3A_1212 = arith.constant 0 : i32
      %dma_wait3A_1213 = tpu.memref_slice %arg15[%dma_wait3A_1211, %dma_wait3A_1212] : memref<2048x16xf32, #tpu.memory_space<vmem_shared>> -> memref<2048x16xf32, #tpu.memory_space<vmem_shared>>
      tpu.wait_indirect_dma semaphore(%arg18 : memref<!tpu.dma_semaphore, #tpu.memory_space<semaphore_mem>>) src(%dma_wait3A_1213 : memref<2048x16xf32, #tpu.memory_space<vmem_shared>>) dst(%dma_wait3A_1207 : memref<128x16xf32, #tpu.memory_space<vmem>>)
      %dma_wait3A_1214 = arith.constant 4 : i32
      %dma_wait3A_1215 = arith.constant 512 : i32
      %dma_wait3A_1216 = arith.constant 0 : i32
      %dma_wait3A_1217 = tpu.memref_slice %arg13[%dma_wait3A_1215, %dma_wait3A_1216] : memref<1024x16xf32, #tpu.memory_space<vmem>> -> memref<128x16xf32, #tpu.memory_space<vmem>>
      %dma_wait3A_1218 = arith.constant 0 : i32
      %dma_wait3A_1219 = tpu.memref_slice %arg11[%dma_wait3A_1214, %dma_wait3A_1218] : memref<8x128xi32, #tpu.memory_space<vmem>> -> memref<1x128xi32, #tpu.memory_space<vmem>>
      %dma_wait3A_1220 = tpu.memref_squeeze %dma_wait3A_1219 : memref<1x128xi32, #tpu.memory_space<vmem>> -> memref<128xi32, #tpu.memory_space<vmem>>
      %dma_wait3A_1221 = arith.constant 0 : i32
      %dma_wait3A_1222 = arith.constant 0 : i32
      %dma_wait3A_1223 = tpu.memref_slice %arg15[%dma_wait3A_1221, %dma_wait3A_1222] : memref<2048x16xf32, #tpu.memory_space<vmem_shared>> -> memref<2048x16xf32, #tpu.memory_space<vmem_shared>>
      tpu.wait_indirect_dma semaphore(%arg18 : memref<!tpu.dma_semaphore, #tpu.memory_space<semaphore_mem>>) src(%dma_wait3A_1223 : memref<2048x16xf32, #tpu.memory_space<vmem_shared>>) dst(%dma_wait3A_1217 : memref<128x16xf32, #tpu.memory_space<vmem>>)
      %dma_wait3A_1224 = arith.constant 5 : i32
      %dma_wait3A_1225 = arith.constant 640 : i32
      %dma_wait3A_1226 = arith.constant 0 : i32
      %dma_wait3A_1227 = tpu.memref_slice %arg13[%dma_wait3A_1225, %dma_wait3A_1226] : memref<1024x16xf32, #tpu.memory_space<vmem>> -> memref<128x16xf32, #tpu.memory_space<vmem>>
      %dma_wait3A_1228 = arith.constant 0 : i32
      %dma_wait3A_1229 = tpu.memref_slice %arg11[%dma_wait3A_1224, %dma_wait3A_1228] : memref<8x128xi32, #tpu.memory_space<vmem>> -> memref<1x128xi32, #tpu.memory_space<vmem>>
      %dma_wait3A_1230 = tpu.memref_squeeze %dma_wait3A_1229 : memref<1x128xi32, #tpu.memory_space<vmem>> -> memref<128xi32, #tpu.memory_space<vmem>>
      %dma_wait3A_1231 = arith.constant 0 : i32
      %dma_wait3A_1232 = arith.constant 0 : i32
      %dma_wait3A_1233 = tpu.memref_slice %arg15[%dma_wait3A_1231, %dma_wait3A_1232] : memref<2048x16xf32, #tpu.memory_space<vmem_shared>> -> memref<2048x16xf32, #tpu.memory_space<vmem_shared>>
      tpu.wait_indirect_dma semaphore(%arg18 : memref<!tpu.dma_semaphore, #tpu.memory_space<semaphore_mem>>) src(%dma_wait3A_1233 : memref<2048x16xf32, #tpu.memory_space<vmem_shared>>) dst(%dma_wait3A_1227 : memref<128x16xf32, #tpu.memory_space<vmem>>)
      %dma_wait3A_1234 = arith.constant 6 : i32
      %dma_wait3A_1235 = arith.constant 768 : i32
      %dma_wait3A_1236 = arith.constant 0 : i32
      %dma_wait3A_1237 = tpu.memref_slice %arg13[%dma_wait3A_1235, %dma_wait3A_1236] : memref<1024x16xf32, #tpu.memory_space<vmem>> -> memref<128x16xf32, #tpu.memory_space<vmem>>
      %dma_wait3A_1238 = arith.constant 0 : i32
      %dma_wait3A_1239 = tpu.memref_slice %arg11[%dma_wait3A_1234, %dma_wait3A_1238] : memref<8x128xi32, #tpu.memory_space<vmem>> -> memref<1x128xi32, #tpu.memory_space<vmem>>
      %dma_wait3A_1240 = tpu.memref_squeeze %dma_wait3A_1239 : memref<1x128xi32, #tpu.memory_space<vmem>> -> memref<128xi32, #tpu.memory_space<vmem>>
      %dma_wait3A_1241 = arith.constant 0 : i32
      %dma_wait3A_1242 = arith.constant 0 : i32
      %dma_wait3A_1243 = tpu.memref_slice %arg15[%dma_wait3A_1241, %dma_wait3A_1242] : memref<2048x16xf32, #tpu.memory_space<vmem_shared>> -> memref<2048x16xf32, #tpu.memory_space<vmem_shared>>
      tpu.wait_indirect_dma semaphore(%arg18 : memref<!tpu.dma_semaphore, #tpu.memory_space<semaphore_mem>>) src(%dma_wait3A_1243 : memref<2048x16xf32, #tpu.memory_space<vmem_shared>>) dst(%dma_wait3A_1237 : memref<128x16xf32, #tpu.memory_space<vmem>>)
      %dma_wait3A_1244 = arith.constant 7 : i32
      %dma_wait3A_1245 = arith.constant 896 : i32
      %dma_wait3A_1246 = arith.constant 0 : i32
      %dma_wait3A_1247 = tpu.memref_slice %arg13[%dma_wait3A_1245, %dma_wait3A_1246] : memref<1024x16xf32, #tpu.memory_space<vmem>> -> memref<128x16xf32, #tpu.memory_space<vmem>>
      %dma_wait3A_1248 = arith.constant 0 : i32
      %dma_wait3A_1249 = tpu.memref_slice %arg11[%dma_wait3A_1244, %dma_wait3A_1248] : memref<8x128xi32, #tpu.memory_space<vmem>> -> memref<1x128xi32, #tpu.memory_space<vmem>>
      %dma_wait3A_1250 = tpu.memref_squeeze %dma_wait3A_1249 : memref<1x128xi32, #tpu.memory_space<vmem>> -> memref<128xi32, #tpu.memory_space<vmem>>
      %dma_wait3A_1251 = arith.constant 0 : i32
      %dma_wait3A_1252 = arith.constant 0 : i32
      %dma_wait3A_1253 = tpu.memref_slice %arg15[%dma_wait3A_1251, %dma_wait3A_1252] : memref<2048x16xf32, #tpu.memory_space<vmem_shared>> -> memref<2048x16xf32, #tpu.memory_space<vmem_shared>>
      tpu.wait_indirect_dma semaphore(%arg18 : memref<!tpu.dma_semaphore, #tpu.memory_space<semaphore_mem>>) src(%dma_wait3A_1253 : memref<2048x16xf32, #tpu.memory_space<vmem_shared>>) dst(%dma_wait3A_1247 : memref<128x16xf32, #tpu.memory_space<vmem>>)
      %mul3A_1254 = arith.constant 50 : i32
      %mul3A_1255 = arith.muli %add3A, %mul3A_1254 : i32
      %add3A_1256 = arith.addi %mul3A_1255, %mul3A_213 : i32
      %jit3A_1257 = arith.constant 1600 : i32
      %eq3A_1258 = arith.constant 0 : i32
      %eq3A_1259 = arith.cmpi eq, %jit3A_1257, %eq3A_1258 : i32
      %jit3A_1260 = arith.constant 1 : i32
      %select_n3A_1261 = arith.select %eq3A_1259, %jit3A_1260, %jit3A_1257 : i32
      %rem3A_1262 = arith.remsi %add3A_1256, %select_n3A_1261 : i32
      %ne3A_1263 = arith.constant 0 : i32
      %ne3A_1264 = arith.cmpi ne, %rem3A_1262, %ne3A_1263 : i32
      %lt3A_1265 = arith.constant 0 : i32
      %lt3A_1266 = arith.cmpi slt, %rem3A_1262, %lt3A_1265 : i32
      %lt3A_1267 = arith.constant 0 : i32
      %lt3A_1268 = arith.cmpi slt, %select_n3A_1261, %lt3A_1267 : i32
      %ne3A_1269 = arith.xori %lt3A_1266, %lt3A_1268 : i1
      %and3A_1270 = arith.andi %ne3A_1269, %ne3A_1264 : i1
      %add3A_1271 = arith.addi %rem3A_1262, %select_n3A_1261 : i32
      %select_n3A_1272 = arith.select %and3A_1270, %add3A_1271, %rem3A_1262 : i32
      %mul3A_1273 = arith.constant 128 : i32
      %mul3A_1274 = arith.muli %select_n3A_1272, %mul3A_1273 : i32
      %mul3A_1275 = arith.constant 8 : i32
      %mul3A_1276 = arith.muli %mul3A_1274, %mul3A_1275 : i32
      %dma_start3A_1277 = arith.constant 0 : i32
      %dma_start3A_1278 = tpu.memref_slice %arg6[%mul3A_1276, %dma_start3A_1277] : memref<1638400x16xf32, #tpu.memory_space<hbm>> -> memref<1024x16xf32, #tpu.memory_space<hbm>>
      %dma_start3A_1279 = arith.constant 0 : i32
      %dma_start3A_1280 = tpu.memref_slice %arg6[%mul3A_1276, %dma_start3A_1279] : memref<1638400x16xf32, #tpu.memory_space<hbm>> -> memref<1024x16xf32, #tpu.memory_space<hbm>>
      tpu.enqueue_dma source(%arg13 : memref<1024x16xf32, #tpu.memory_space<vmem>>) target(%dma_start3A_1280 : memref<1024x16xf32, #tpu.memory_space<hbm>>) target_semaphore(%arg20 : memref<!tpu.dma_semaphore, #tpu.memory_space<semaphore_mem>>)
      %mul3A_1281 = arith.constant 2 : i32
      %mul3A_1282 = arith.muli %mul3A_1281, %scan3A_211 : i32
      %add3A_1283 = arith.constant 1 : i32
      %add3A_1284 = arith.addi %mul3A_1282, %add3A_1283 : i32
      %dma_wait3A_1285 = arith.constant 0 : i32
      %dma_wait3A_1286 = arith.constant 0 : i32
      %dma_wait3A_1287 = tpu.memref_slice %arg10[%dma_wait3A_1285, %dma_wait3A_1286] : memref<2x128xi32, #tpu.memory_space<vmem>> -> memref<1x128xi32, #tpu.memory_space<vmem>>
      %dma_wait3A_1288 = tpu.memref_squeeze %dma_wait3A_1287 : memref<1x128xi32, #tpu.memory_space<vmem>> -> memref<128xi32, #tpu.memory_space<vmem>>
      %dma_wait3A_1289 = arith.constant 0 : i32
      %dma_wait3A_1290 = tpu.memref_slice %arg4[%dma_wait3A_1289] : memref<1000000xi32, #tpu.memory_space<hbm>> -> memref<1000000xi32, #tpu.memory_space<hbm>>
      tpu.wait_indirect_dma semaphore(%arg17 : memref<!tpu.dma_semaphore, #tpu.memory_space<semaphore_mem>>) src(%dma_wait3A_1290 : memref<1000000xi32, #tpu.memory_space<hbm>>) dst(%dma_wait3A_1288 : memref<128xi32, #tpu.memory_space<vmem>>)
      %dma_wait3A_1291 = arith.constant 1 : i32
      %dma_wait3A_1292 = arith.constant 0 : i32
      %dma_wait3A_1293 = tpu.memref_slice %arg10[%dma_wait3A_1291, %dma_wait3A_1292] : memref<2x128xi32, #tpu.memory_space<vmem>> -> memref<1x128xi32, #tpu.memory_space<vmem>>
      %dma_wait3A_1294 = tpu.memref_squeeze %dma_wait3A_1293 : memref<1x128xi32, #tpu.memory_space<vmem>> -> memref<128xi32, #tpu.memory_space<vmem>>
      %dma_wait3A_1295 = arith.constant 0 : i32
      %dma_wait3A_1296 = tpu.memref_slice %arg5[%dma_wait3A_1295] : memref<1000000xi32, #tpu.memory_space<hbm>> -> memref<1000000xi32, #tpu.memory_space<hbm>>
      tpu.wait_indirect_dma semaphore(%arg17 : memref<!tpu.dma_semaphore, #tpu.memory_space<semaphore_mem>>) src(%dma_wait3A_1296 : memref<1000000xi32, #tpu.memory_space<hbm>>) dst(%dma_wait3A_1294 : memref<128xi32, #tpu.memory_space<vmem>>)
      %add3A_1297 = arith.constant 1 : i32
      %add3A_1298 = arith.addi %add3A_1284, %add3A_1297 : i32
      %mul3A_1299 = arith.constant 50 : i32
      %mul3A_1300 = arith.muli %add3A, %mul3A_1299 : i32
      %add3A_1301 = arith.addi %mul3A_1300, %add3A_1298 : i32
      %jit3A_1302 = arith.constant 1600 : i32
      %eq3A_1303 = arith.constant 0 : i32
      %eq3A_1304 = arith.cmpi eq, %jit3A_1302, %eq3A_1303 : i32
      %jit3A_1305 = arith.constant 1 : i32
      %select_n3A_1306 = arith.select %eq3A_1304, %jit3A_1305, %jit3A_1302 : i32
      %rem3A_1307 = arith.remsi %add3A_1301, %select_n3A_1306 : i32
      %ne3A_1308 = arith.constant 0 : i32
      %ne3A_1309 = arith.cmpi ne, %rem3A_1307, %ne3A_1308 : i32
      %lt3A_1310 = arith.constant 0 : i32
      %lt3A_1311 = arith.cmpi slt, %rem3A_1307, %lt3A_1310 : i32
      %lt3A_1312 = arith.constant 0 : i32
      %lt3A_1313 = arith.cmpi slt, %select_n3A_1306, %lt3A_1312 : i32
      %ne3A_1314 = arith.xori %lt3A_1311, %lt3A_1313 : i1
      %and3A_1315 = arith.andi %ne3A_1314, %ne3A_1309 : i1
      %add3A_1316 = arith.addi %rem3A_1307, %select_n3A_1306 : i32
      %select_n3A_1317 = arith.select %and3A_1315, %add3A_1316, %rem3A_1307 : i32
      %mul3A_1318 = arith.constant 128 : i32
      %mul3A_1319 = arith.muli %select_n3A_1317, %mul3A_1318 : i32
      "tpu.region"() ({
        %run_scoped3A = tpu.sem_alloc : memref<!tpu.dma_semaphore, #tpu.memory_space<semaphore_mem>>
        %dma_start3A_2356 = tpu.memref_slice %arg2[%mul3A_1319] : memref<204800xi32, #tpu.memory_space<hbm>> -> memref<128xi32, #tpu.memory_space<hbm>>
        %dma_start3A_2357 = tpu.memref_slice %arg2[%mul3A_1319] : memref<204800xi32, #tpu.memory_space<hbm>> -> memref<128xi32, #tpu.memory_space<hbm>>
        tpu.enqueue_dma source(%dma_start3A_2357 : memref<128xi32, #tpu.memory_space<hbm>>) target(%arg7 : memref<128xi32, #tpu.memory_space<vmem>>) target_semaphore(%run_scoped3A : memref<!tpu.dma_semaphore, #tpu.memory_space<semaphore_mem>>)
        %dma_wait3A_2358 = tpu.memref_slice %arg2[%mul3A_1319] : memref<204800xi32, #tpu.memory_space<hbm>> -> memref<128xi32, #tpu.memory_space<hbm>>
        %dma_wait3A_2359 = tpu.memref_slice %arg2[%mul3A_1319] : memref<204800xi32, #tpu.memory_space<hbm>> -> memref<128xi32, #tpu.memory_space<hbm>>
        tpu.wait_dma2 semaphore(%run_scoped3A : memref<!tpu.dma_semaphore, #tpu.memory_space<semaphore_mem>>) src(%dma_wait3A_2359 : memref<128xi32, #tpu.memory_space<hbm>>) dst(%arg7 : memref<128xi32, #tpu.memory_space<vmem>>)
        tpu.yield
      }) : () -> ()
      %dma_start3A_1320 = arith.constant 0 : i32
      %dma_start3A_1321 = arith.constant 0 : i32
      %dma_start3A_1322 = tpu.memref_slice %arg9[%dma_start3A_1320, %dma_start3A_1321] : memref<2x128xi32, #tpu.memory_space<vmem>> -> memref<1x128xi32, #tpu.memory_space<vmem>>
      %dma_start3A_1323 = tpu.memref_squeeze %dma_start3A_1322 : memref<1x128xi32, #tpu.memory_space<vmem>> -> memref<128xi32, #tpu.memory_space<vmem>>
      %dma_start3A_1324 = arith.constant 0 : i32
      %dma_start3A_1325 = tpu.memref_slice %arg4[%dma_start3A_1324] : memref<1000000xi32, #tpu.memory_space<hbm>> -> memref<1000000xi32, #tpu.memory_space<hbm>>
      tpu.enqueue_indirect_dma source(%dma_start3A_1325 : memref<1000000xi32, #tpu.memory_space<hbm>>) target(%dma_start3A_1323 : memref<128xi32, #tpu.memory_space<vmem>>) offsets(%arg7 : memref<128xi32, #tpu.memory_space<vmem>>) semaphore(%arg16 : memref<!tpu.dma_semaphore, #tpu.memory_space<semaphore_mem>>)
      %dma_start3A_1326 = arith.constant 1 : i32
      %dma_start3A_1327 = arith.constant 0 : i32
      %dma_start3A_1328 = tpu.memref_slice %arg9[%dma_start3A_1326, %dma_start3A_1327] : memref<2x128xi32, #tpu.memory_space<vmem>> -> memref<1x128xi32, #tpu.memory_space<vmem>>
      %dma_start3A_1329 = tpu.memref_squeeze %dma_start3A_1328 : memref<1x128xi32, #tpu.memory_space<vmem>> -> memref<128xi32, #tpu.memory_space<vmem>>
      %dma_start3A_1330 = arith.constant 0 : i32
      %dma_start3A_1331 = tpu.memref_slice %arg5[%dma_start3A_1330] : memref<1000000xi32, #tpu.memory_space<hbm>> -> memref<1000000xi32, #tpu.memory_space<hbm>>
      tpu.enqueue_indirect_dma source(%dma_start3A_1331 : memref<1000000xi32, #tpu.memory_space<hbm>>) target(%dma_start3A_1329 : memref<128xi32, #tpu.memory_space<vmem>>) offsets(%arg7 : memref<128xi32, #tpu.memory_space<vmem>>) semaphore(%arg16 : memref<!tpu.dma_semaphore, #tpu.memory_space<semaphore_mem>>)
      %ge3A_1332 = arith.constant 2 : i32
      %ge3A_1333 = arith.cmpi sge, %add3A_1284, %ge3A_1332 : i32
      %convert_element_type3A_1334 = arith.extui %ge3A_1333 : i1 to i32
      %cond3A_1335 = arith.constant 0 : i32
      %cond3A_1336 = arith.cmpi ne, %convert_element_type3A_1334, %cond3A_1335 : i32
      scf.if %cond3A_1336 {
        %sub3A_2356 = arith.constant 2 : i32
        %sub3A_2357 = arith.subi %add3A_1284, %sub3A_2356 : i32
        %mul3A_2358 = arith.constant 50 : i32
        %mul3A_2359 = arith.muli %add3A, %mul3A_2358 : i32
        %add3A_2360 = arith.addi %mul3A_2359, %sub3A_2357 : i32
        %jit3A_2361 = arith.constant 1600 : i32
        %eq3A_2362 = arith.constant 0 : i32
        %eq3A_2363 = arith.cmpi eq, %jit3A_2361, %eq3A_2362 : i32
        %jit3A_2364 = arith.constant 1 : i32
        %select_n3A_2365 = arith.select %eq3A_2363, %jit3A_2364, %jit3A_2361 : i32
        %rem3A_2366 = arith.remsi %add3A_2360, %select_n3A_2365 : i32
        %ne3A_2367 = arith.constant 0 : i32
        %ne3A_2368 = arith.cmpi ne, %rem3A_2366, %ne3A_2367 : i32
        %lt3A_2369 = arith.constant 0 : i32
        %lt3A_2370 = arith.cmpi slt, %rem3A_2366, %lt3A_2369 : i32
        %lt3A_2371 = arith.constant 0 : i32
        %lt3A_2372 = arith.cmpi slt, %select_n3A_2365, %lt3A_2371 : i32
        %ne3A_2373 = arith.xori %lt3A_2370, %lt3A_2372 : i1
        %and3A_2374 = arith.andi %ne3A_2373, %ne3A_2368 : i1
        %add3A_2375 = arith.addi %rem3A_2366, %select_n3A_2365 : i32
        %select_n3A_2376 = arith.select %and3A_2374, %add3A_2375, %rem3A_2366 : i32
        %mul3A_2377 = arith.constant 128 : i32
        %mul3A_2378 = arith.muli %select_n3A_2376, %mul3A_2377 : i32
        %mul3A_2379 = arith.constant 8 : i32
        %mul3A_2380 = arith.muli %mul3A_2378, %mul3A_2379 : i32
        %dma_wait3A_2381 = arith.constant 0 : i32
        %dma_wait3A_2382 = tpu.memref_slice %arg6[%mul3A_2380, %dma_wait3A_2381] : memref<1638400x16xf32, #tpu.memory_space<hbm>> -> memref<1024x16xf32, #tpu.memory_space<hbm>>
        %dma_wait3A_2383 = arith.constant 0 : i32
        %dma_wait3A_2384 = tpu.memref_slice %arg6[%mul3A_2380, %dma_wait3A_2383] : memref<1638400x16xf32, #tpu.memory_space<hbm>> -> memref<1024x16xf32, #tpu.memory_space<hbm>>
        tpu.wait_dma2 semaphore(%arg21 : memref<!tpu.dma_semaphore, #tpu.memory_space<semaphore_mem>>) src(%arg14 : memref<1024x16xf32, #tpu.memory_space<vmem>>) dst(%dma_wait3A_2384 : memref<1024x16xf32, #tpu.memory_space<hbm>>)
      } else {
      }
      %add3A_1337 = arith.constant 0 : i32
      %add3A_1338 = vector.broadcast %add3A_1337 : i32 to vector<16xi32>
      %add3A_1339 = arith.addi %select_n3A, %add3A_1338 : vector<16xi32>
      %gather3A_1340 = tpu.vector_load_idx %arg10[%select_n3A_80, %add3A_1339] : memref<2x128xi32, #tpu.memory_space<vmem>>[vector<16xi32>, vector<16xi32>], vector<16xi32>,
      %shift_right_arithmetic3A_1341 = arith.shrsi %gather3A_1340, %mul3A_105 : vector<16xi32>
      %and3A_1342 = arith.constant 255 : i32
      %and3A_1343 = vector.broadcast %and3A_1342 : i32 to vector<16xi32>
      %and3A_1344 = arith.andi %shift_right_arithmetic3A_1341, %and3A_1343 : vector<16xi32>
      %add3A_1345 = arith.addi %and3A_1344, %mul3A_49 : vector<16xi32>
      %swap3A_1346 = arith.constant 0 : i32
      %swap3A_1347 = arith.index_cast %swap3A_1346 : i32 to index
      %swap3A_1348 = arith.constant 0 : index
      %swap3A_1349 = tpu.vector_load %arg12[%swap3A_1347, %swap3A_1348] {strides = array<i32>} : memref<8x128xi32, #tpu.memory_space<vmem>>, vector<16xi32>,
      tpu.vector_store %arg12[%swap3A_1347, %swap3A_1348], %add3A_1345 {strides = array<i32>} : memref<8x128xi32, #tpu.memory_space<vmem>>, vector<16xi32>,
      %add3A_1350 = arith.constant 2 : i32
      %add3A_1351 = vector.broadcast %add3A_1350 : i32 to vector<16xi32>
      %add3A_1352 = arith.addi %select_n3A, %add3A_1351 : vector<16xi32>
      %gather3A_1353 = tpu.vector_load_idx %arg10[%select_n3A_80, %add3A_1352] : memref<2x128xi32, #tpu.memory_space<vmem>>[vector<16xi32>, vector<16xi32>], vector<16xi32>,
      %shift_right_arithmetic3A_1354 = arith.shrsi %gather3A_1353, %mul3A_105 : vector<16xi32>
      %and3A_1355 = arith.constant 255 : i32
      %and3A_1356 = vector.broadcast %and3A_1355 : i32 to vector<16xi32>
      %and3A_1357 = arith.andi %shift_right_arithmetic3A_1354, %and3A_1356 : vector<16xi32>
      %add3A_1358 = arith.addi %and3A_1357, %mul3A_49 : vector<16xi32>
      %swap3A_1359 = arith.constant 0 : i32
      %swap3A_1360 = arith.index_cast %swap3A_1359 : i32 to index
      %swap3A_1361 = arith.constant 16 : index
      %swap3A_1362 = tpu.vector_load %arg12[%swap3A_1360, %swap3A_1361] {strides = array<i32>} : memref<8x128xi32, #tpu.memory_space<vmem>>, vector<16xi32>,
      tpu.vector_store %arg12[%swap3A_1360, %swap3A_1361], %add3A_1358 {strides = array<i32>} : memref<8x128xi32, #tpu.memory_space<vmem>>, vector<16xi32>,
      %add3A_1363 = arith.constant 4 : i32
      %add3A_1364 = vector.broadcast %add3A_1363 : i32 to vector<16xi32>
      %add3A_1365 = arith.addi %select_n3A, %add3A_1364 : vector<16xi32>
      %gather3A_1366 = tpu.vector_load_idx %arg10[%select_n3A_80, %add3A_1365] : memref<2x128xi32, #tpu.memory_space<vmem>>[vector<16xi32>, vector<16xi32>], vector<16xi32>,
      %shift_right_arithmetic3A_1367 = arith.shrsi %gather3A_1366, %mul3A_105 : vector<16xi32>
      %and3A_1368 = arith.constant 255 : i32
      %and3A_1369 = vector.broadcast %and3A_1368 : i32 to vector<16xi32>
      %and3A_1370 = arith.andi %shift_right_arithmetic3A_1367, %and3A_1369 : vector<16xi32>
      %add3A_1371 = arith.addi %and3A_1370, %mul3A_49 : vector<16xi32>
      %swap3A_1372 = arith.constant 0 : i32
      %swap3A_1373 = arith.index_cast %swap3A_1372 : i32 to index
      %swap3A_1374 = arith.constant 32 : index
      %swap3A_1375 = tpu.vector_load %arg12[%swap3A_1373, %swap3A_1374] {strides = array<i32>} : memref<8x128xi32, #tpu.memory_space<vmem>>, vector<16xi32>,
      tpu.vector_store %arg12[%swap3A_1373, %swap3A_1374], %add3A_1371 {strides = array<i32>} : memref<8x128xi32, #tpu.memory_space<vmem>>, vector<16xi32>,
      %add3A_1376 = arith.constant 6 : i32
      %add3A_1377 = vector.broadcast %add3A_1376 : i32 to vector<16xi32>
      %add3A_1378 = arith.addi %select_n3A, %add3A_1377 : vector<16xi32>
      %gather3A_1379 = tpu.vector_load_idx %arg10[%select_n3A_80, %add3A_1378] : memref<2x128xi32, #tpu.memory_space<vmem>>[vector<16xi32>, vector<16xi32>], vector<16xi32>,
      %shift_right_arithmetic3A_1380 = arith.shrsi %gather3A_1379, %mul3A_105 : vector<16xi32>
      %and3A_1381 = arith.constant 255 : i32
      %and3A_1382 = vector.broadcast %and3A_1381 : i32 to vector<16xi32>
      %and3A_1383 = arith.andi %shift_right_arithmetic3A_1380, %and3A_1382 : vector<16xi32>
      %add3A_1384 = arith.addi %and3A_1383, %mul3A_49 : vector<16xi32>
      %swap3A_1385 = arith.constant 0 : i32
      %swap3A_1386 = arith.index_cast %swap3A_1385 : i32 to index
      %swap3A_1387 = arith.constant 48 : index
      %swap3A_1388 = tpu.vector_load %arg12[%swap3A_1386, %swap3A_1387] {strides = array<i32>} : memref<8x128xi32, #tpu.memory_space<vmem>>, vector<16xi32>,
      tpu.vector_store %arg12[%swap3A_1386, %swap3A_1387], %add3A_1384 {strides = array<i32>} : memref<8x128xi32, #tpu.memory_space<vmem>>, vector<16xi32>,
      %add3A_1389 = arith.constant 8 : i32
      %add3A_1390 = vector.broadcast %add3A_1389 : i32 to vector<16xi32>
      %add3A_1391 = arith.addi %select_n3A, %add3A_1390 : vector<16xi32>
      %gather3A_1392 = tpu.vector_load_idx %arg10[%select_n3A_80, %add3A_1391] : memref<2x128xi32, #tpu.memory_space<vmem>>[vector<16xi32>, vector<16xi32>], vector<16xi32>,
      %shift_right_arithmetic3A_1393 = arith.shrsi %gather3A_1392, %mul3A_105 : vector<16xi32>
      %and3A_1394 = arith.constant 255 : i32
      %and3A_1395 = vector.broadcast %and3A_1394 : i32 to vector<16xi32>
      %and3A_1396 = arith.andi %shift_right_arithmetic3A_1393, %and3A_1395 : vector<16xi32>
      %add3A_1397 = arith.addi %and3A_1396, %mul3A_49 : vector<16xi32>
      %swap3A_1398 = arith.constant 0 : i32
      %swap3A_1399 = arith.index_cast %swap3A_1398 : i32 to index
      %swap3A_1400 = arith.constant 64 : index
      %swap3A_1401 = tpu.vector_load %arg12[%swap3A_1399, %swap3A_1400] {strides = array<i32>} : memref<8x128xi32, #tpu.memory_space<vmem>>, vector<16xi32>,
      tpu.vector_store %arg12[%swap3A_1399, %swap3A_1400], %add3A_1397 {strides = array<i32>} : memref<8x128xi32, #tpu.memory_space<vmem>>, vector<16xi32>,
      %add3A_1402 = arith.constant 10 : i32
      %add3A_1403 = vector.broadcast %add3A_1402 : i32 to vector<16xi32>
      %add3A_1404 = arith.addi %select_n3A, %add3A_1403 : vector<16xi32>
      %gather3A_1405 = tpu.vector_load_idx %arg10[%select_n3A_80, %add3A_1404] : memref<2x128xi32, #tpu.memory_space<vmem>>[vector<16xi32>, vector<16xi32>], vector<16xi32>,
      %shift_right_arithmetic3A_1406 = arith.shrsi %gather3A_1405, %mul3A_105 : vector<16xi32>
      %and3A_1407 = arith.constant 255 : i32
      %and3A_1408 = vector.broadcast %and3A_1407 : i32 to vector<16xi32>
      %and3A_1409 = arith.andi %shift_right_arithmetic3A_1406, %and3A_1408 : vector<16xi32>
      %add3A_1410 = arith.addi %and3A_1409, %mul3A_49 : vector<16xi32>
      %swap3A_1411 = arith.constant 0 : i32
      %swap3A_1412 = arith.index_cast %swap3A_1411 : i32 to index
      %swap3A_1413 = arith.constant 80 : index
      %swap3A_1414 = tpu.vector_load %arg12[%swap3A_1412, %swap3A_1413] {strides = array<i32>} : memref<8x128xi32, #tpu.memory_space<vmem>>, vector<16xi32>,
      tpu.vector_store %arg12[%swap3A_1412, %swap3A_1413], %add3A_1410 {strides = array<i32>} : memref<8x128xi32, #tpu.memory_space<vmem>>, vector<16xi32>,
      %add3A_1415 = arith.constant 12 : i32
      %add3A_1416 = vector.broadcast %add3A_1415 : i32 to vector<16xi32>
      %add3A_1417 = arith.addi %select_n3A, %add3A_1416 : vector<16xi32>
      %gather3A_1418 = tpu.vector_load_idx %arg10[%select_n3A_80, %add3A_1417] : memref<2x128xi32, #tpu.memory_space<vmem>>[vector<16xi32>, vector<16xi32>], vector<16xi32>,
      %shift_right_arithmetic3A_1419 = arith.shrsi %gather3A_1418, %mul3A_105 : vector<16xi32>
      %and3A_1420 = arith.constant 255 : i32
      %and3A_1421 = vector.broadcast %and3A_1420 : i32 to vector<16xi32>
      %and3A_1422 = arith.andi %shift_right_arithmetic3A_1419, %and3A_1421 : vector<16xi32>
      %add3A_1423 = arith.addi %and3A_1422, %mul3A_49 : vector<16xi32>
      %swap3A_1424 = arith.constant 0 : i32
      %swap3A_1425 = arith.index_cast %swap3A_1424 : i32 to index
      %swap3A_1426 = arith.constant 96 : index
      %swap3A_1427 = tpu.vector_load %arg12[%swap3A_1425, %swap3A_1426] {strides = array<i32>} : memref<8x128xi32, #tpu.memory_space<vmem>>, vector<16xi32>,
      tpu.vector_store %arg12[%swap3A_1425, %swap3A_1426], %add3A_1423 {strides = array<i32>} : memref<8x128xi32, #tpu.memory_space<vmem>>, vector<16xi32>,
      %add3A_1428 = arith.constant 14 : i32
      %add3A_1429 = vector.broadcast %add3A_1428 : i32 to vector<16xi32>
      %add3A_1430 = arith.addi %select_n3A, %add3A_1429 : vector<16xi32>
      %gather3A_1431 = tpu.vector_load_idx %arg10[%select_n3A_80, %add3A_1430] : memref<2x128xi32, #tpu.memory_space<vmem>>[vector<16xi32>, vector<16xi32>], vector<16xi32>,
      %shift_right_arithmetic3A_1432 = arith.shrsi %gather3A_1431, %mul3A_105 : vector<16xi32>
      %and3A_1433 = arith.constant 255 : i32
      %and3A_1434 = vector.broadcast %and3A_1433 : i32 to vector<16xi32>
      %and3A_1435 = arith.andi %shift_right_arithmetic3A_1432, %and3A_1434 : vector<16xi32>
      %add3A_1436 = arith.addi %and3A_1435, %mul3A_49 : vector<16xi32>
      %swap3A_1437 = arith.constant 0 : i32
      %swap3A_1438 = arith.index_cast %swap3A_1437 : i32 to index
      %swap3A_1439 = arith.constant 112 : index
      %swap3A_1440 = tpu.vector_load %arg12[%swap3A_1438, %swap3A_1439] {strides = array<i32>} : memref<8x128xi32, #tpu.memory_space<vmem>>, vector<16xi32>,
      tpu.vector_store %arg12[%swap3A_1438, %swap3A_1439], %add3A_1436 {strides = array<i32>} : memref<8x128xi32, #tpu.memory_space<vmem>>, vector<16xi32>,
      %dma_start3A_1441 = arith.constant 0 : i32
      %dma_start3A_1442 = arith.constant 0 : i32
      %dma_start3A_1443 = arith.constant 0 : i32
      %dma_start3A_1444 = tpu.memref_slice %arg14[%dma_start3A_1442, %dma_start3A_1443] : memref<1024x16xf32, #tpu.memory_space<vmem>> -> memref<128x16xf32, #tpu.memory_space<vmem>>
      %dma_start3A_1445 = arith.constant 0 : i32
      %dma_start3A_1446 = tpu.memref_slice %arg12[%dma_start3A_1441, %dma_start3A_1445] : memref<8x128xi32, #tpu.memory_space<vmem>> -> memref<1x128xi32, #tpu.memory_space<vmem>>
      %dma_start3A_1447 = tpu.memref_squeeze %dma_start3A_1446 : memref<1x128xi32, #tpu.memory_space<vmem>> -> memref<128xi32, #tpu.memory_space<vmem>>
      %dma_start3A_1448 = arith.constant 0 : i32
      %dma_start3A_1449 = arith.constant 0 : i32
      %dma_start3A_1450 = tpu.memref_slice %arg15[%dma_start3A_1448, %dma_start3A_1449] : memref<2048x16xf32, #tpu.memory_space<vmem_shared>> -> memref<2048x16xf32, #tpu.memory_space<vmem_shared>>
      tpu.enqueue_indirect_dma source(%dma_start3A_1450 : memref<2048x16xf32, #tpu.memory_space<vmem_shared>>) target(%dma_start3A_1444 : memref<128x16xf32, #tpu.memory_space<vmem>>) offsets(%dma_start3A_1447 : memref<128xi32, #tpu.memory_space<vmem>>) semaphore(%arg19 : memref<!tpu.dma_semaphore, #tpu.memory_space<semaphore_mem>>)
      %add3A_1451 = arith.constant 16 : i32
      %add3A_1452 = vector.broadcast %add3A_1451 : i32 to vector<16xi32>
      %add3A_1453 = arith.addi %select_n3A, %add3A_1452 : vector<16xi32>
      %gather3A_1454 = tpu.vector_load_idx %arg10[%select_n3A_80, %add3A_1453] : memref<2x128xi32, #tpu.memory_space<vmem>>[vector<16xi32>, vector<16xi32>], vector<16xi32>,
      %shift_right_arithmetic3A_1455 = arith.shrsi %gather3A_1454, %mul3A_105 : vector<16xi32>
      %and3A_1456 = arith.constant 255 : i32
      %and3A_1457 = vector.broadcast %and3A_1456 : i32 to vector<16xi32>
      %and3A_1458 = arith.andi %shift_right_arithmetic3A_1455, %and3A_1457 : vector<16xi32>
      %add3A_1459 = arith.addi %and3A_1458, %mul3A_49 : vector<16xi32>
      %swap3A_1460 = arith.constant 1 : i32
      %swap3A_1461 = arith.index_cast %swap3A_1460 : i32 to index
      %swap3A_1462 = arith.constant 0 : index
      %swap3A_1463 = tpu.vector_load %arg12[%swap3A_1461, %swap3A_1462] {strides = array<i32>} : memref<8x128xi32, #tpu.memory_space<vmem>>, vector<16xi32>,
      tpu.vector_store %arg12[%swap3A_1461, %swap3A_1462], %add3A_1459 {strides = array<i32>} : memref<8x128xi32, #tpu.memory_space<vmem>>, vector<16xi32>,
      %add3A_1464 = arith.constant 18 : i32
      %add3A_1465 = vector.broadcast %add3A_1464 : i32 to vector<16xi32>
      %add3A_1466 = arith.addi %select_n3A, %add3A_1465 : vector<16xi32>
      %gather3A_1467 = tpu.vector_load_idx %arg10[%select_n3A_80, %add3A_1466] : memref<2x128xi32, #tpu.memory_space<vmem>>[vector<16xi32>, vector<16xi32>], vector<16xi32>,
      %shift_right_arithmetic3A_1468 = arith.shrsi %gather3A_1467, %mul3A_105 : vector<16xi32>
      %and3A_1469 = arith.constant 255 : i32
      %and3A_1470 = vector.broadcast %and3A_1469 : i32 to vector<16xi32>
      %and3A_1471 = arith.andi %shift_right_arithmetic3A_1468, %and3A_1470 : vector<16xi32>
      %add3A_1472 = arith.addi %and3A_1471, %mul3A_49 : vector<16xi32>
      %swap3A_1473 = arith.constant 1 : i32
      %swap3A_1474 = arith.index_cast %swap3A_1473 : i32 to index
      %swap3A_1475 = arith.constant 16 : index
      %swap3A_1476 = tpu.vector_load %arg12[%swap3A_1474, %swap3A_1475] {strides = array<i32>} : memref<8x128xi32, #tpu.memory_space<vmem>>, vector<16xi32>,
      tpu.vector_store %arg12[%swap3A_1474, %swap3A_1475], %add3A_1472 {strides = array<i32>} : memref<8x128xi32, #tpu.memory_space<vmem>>, vector<16xi32>,
      %add3A_1477 = arith.constant 20 : i32
      %add3A_1478 = vector.broadcast %add3A_1477 : i32 to vector<16xi32>
      %add3A_1479 = arith.addi %select_n3A, %add3A_1478 : vector<16xi32>
      %gather3A_1480 = tpu.vector_load_idx %arg10[%select_n3A_80, %add3A_1479] : memref<2x128xi32, #tpu.memory_space<vmem>>[vector<16xi32>, vector<16xi32>], vector<16xi32>,
      %shift_right_arithmetic3A_1481 = arith.shrsi %gather3A_1480, %mul3A_105 : vector<16xi32>
      %and3A_1482 = arith.constant 255 : i32
      %and3A_1483 = vector.broadcast %and3A_1482 : i32 to vector<16xi32>
      %and3A_1484 = arith.andi %shift_right_arithmetic3A_1481, %and3A_1483 : vector<16xi32>
      %add3A_1485 = arith.addi %and3A_1484, %mul3A_49 : vector<16xi32>
      %swap3A_1486 = arith.constant 1 : i32
      %swap3A_1487 = arith.index_cast %swap3A_1486 : i32 to index
      %swap3A_1488 = arith.constant 32 : index
      %swap3A_1489 = tpu.vector_load %arg12[%swap3A_1487, %swap3A_1488] {strides = array<i32>} : memref<8x128xi32, #tpu.memory_space<vmem>>, vector<16xi32>,
      tpu.vector_store %arg12[%swap3A_1487, %swap3A_1488], %add3A_1485 {strides = array<i32>} : memref<8x128xi32, #tpu.memory_space<vmem>>, vector<16xi32>,
      %add3A_1490 = arith.constant 22 : i32
      %add3A_1491 = vector.broadcast %add3A_1490 : i32 to vector<16xi32>
      %add3A_1492 = arith.addi %select_n3A, %add3A_1491 : vector<16xi32>
      %gather3A_1493 = tpu.vector_load_idx %arg10[%select_n3A_80, %add3A_1492] : memref<2x128xi32, #tpu.memory_space<vmem>>[vector<16xi32>, vector<16xi32>], vector<16xi32>,
      %shift_right_arithmetic3A_1494 = arith.shrsi %gather3A_1493, %mul3A_105 : vector<16xi32>
      %and3A_1495 = arith.constant 255 : i32
      %and3A_1496 = vector.broadcast %and3A_1495 : i32 to vector<16xi32>
      %and3A_1497 = arith.andi %shift_right_arithmetic3A_1494, %and3A_1496 : vector<16xi32>
      %add3A_1498 = arith.addi %and3A_1497, %mul3A_49 : vector<16xi32>
      %swap3A_1499 = arith.constant 1 : i32
      %swap3A_1500 = arith.index_cast %swap3A_1499 : i32 to index
      %swap3A_1501 = arith.constant 48 : index
      %swap3A_1502 = tpu.vector_load %arg12[%swap3A_1500, %swap3A_1501] {strides = array<i32>} : memref<8x128xi32, #tpu.memory_space<vmem>>, vector<16xi32>,
      tpu.vector_store %arg12[%swap3A_1500, %swap3A_1501], %add3A_1498 {strides = array<i32>} : memref<8x128xi32, #tpu.memory_space<vmem>>, vector<16xi32>,
      %add3A_1503 = arith.constant 24 : i32
      %add3A_1504 = vector.broadcast %add3A_1503 : i32 to vector<16xi32>
      %add3A_1505 = arith.addi %select_n3A, %add3A_1504 : vector<16xi32>
      %gather3A_1506 = tpu.vector_load_idx %arg10[%select_n3A_80, %add3A_1505] : memref<2x128xi32, #tpu.memory_space<vmem>>[vector<16xi32>, vector<16xi32>], vector<16xi32>,
      %shift_right_arithmetic3A_1507 = arith.shrsi %gather3A_1506, %mul3A_105 : vector<16xi32>
      %and3A_1508 = arith.constant 255 : i32
      %and3A_1509 = vector.broadcast %and3A_1508 : i32 to vector<16xi32>
      %and3A_1510 = arith.andi %shift_right_arithmetic3A_1507, %and3A_1509 : vector<16xi32>
      %add3A_1511 = arith.addi %and3A_1510, %mul3A_49 : vector<16xi32>
      %swap3A_1512 = arith.constant 1 : i32
      %swap3A_1513 = arith.index_cast %swap3A_1512 : i32 to index
      %swap3A_1514 = arith.constant 64 : index
      %swap3A_1515 = tpu.vector_load %arg12[%swap3A_1513, %swap3A_1514] {strides = array<i32>} : memref<8x128xi32, #tpu.memory_space<vmem>>, vector<16xi32>,
      tpu.vector_store %arg12[%swap3A_1513, %swap3A_1514], %add3A_1511 {strides = array<i32>} : memref<8x128xi32, #tpu.memory_space<vmem>>, vector<16xi32>,
      %add3A_1516 = arith.constant 26 : i32
      %add3A_1517 = vector.broadcast %add3A_1516 : i32 to vector<16xi32>
      %add3A_1518 = arith.addi %select_n3A, %add3A_1517 : vector<16xi32>
      %gather3A_1519 = tpu.vector_load_idx %arg10[%select_n3A_80, %add3A_1518] : memref<2x128xi32, #tpu.memory_space<vmem>>[vector<16xi32>, vector<16xi32>], vector<16xi32>,
      %shift_right_arithmetic3A_1520 = arith.shrsi %gather3A_1519, %mul3A_105 : vector<16xi32>
      %and3A_1521 = arith.constant 255 : i32
      %and3A_1522 = vector.broadcast %and3A_1521 : i32 to vector<16xi32>
      %and3A_1523 = arith.andi %shift_right_arithmetic3A_1520, %and3A_1522 : vector<16xi32>
      %add3A_1524 = arith.addi %and3A_1523, %mul3A_49 : vector<16xi32>
      %swap3A_1525 = arith.constant 1 : i32
      %swap3A_1526 = arith.index_cast %swap3A_1525 : i32 to index
      %swap3A_1527 = arith.constant 80 : index
      %swap3A_1528 = tpu.vector_load %arg12[%swap3A_1526, %swap3A_1527] {strides = array<i32>} : memref<8x128xi32, #tpu.memory_space<vmem>>, vector<16xi32>,
      tpu.vector_store %arg12[%swap3A_1526, %swap3A_1527], %add3A_1524 {strides = array<i32>} : memref<8x128xi32, #tpu.memory_space<vmem>>, vector<16xi32>,
      %add3A_1529 = arith.constant 28 : i32
      %add3A_1530 = vector.broadcast %add3A_1529 : i32 to vector<16xi32>
      %add3A_1531 = arith.addi %select_n3A, %add3A_1530 : vector<16xi32>
      %gather3A_1532 = tpu.vector_load_idx %arg10[%select_n3A_80, %add3A_1531] : memref<2x128xi32, #tpu.memory_space<vmem>>[vector<16xi32>, vector<16xi32>], vector<16xi32>,
      %shift_right_arithmetic3A_1533 = arith.shrsi %gather3A_1532, %mul3A_105 : vector<16xi32>
      %and3A_1534 = arith.constant 255 : i32
      %and3A_1535 = vector.broadcast %and3A_1534 : i32 to vector<16xi32>
      %and3A_1536 = arith.andi %shift_right_arithmetic3A_1533, %and3A_1535 : vector<16xi32>
      %add3A_1537 = arith.addi %and3A_1536, %mul3A_49 : vector<16xi32>
      %swap3A_1538 = arith.constant 1 : i32
      %swap3A_1539 = arith.index_cast %swap3A_1538 : i32 to index
      %swap3A_1540 = arith.constant 96 : index
      %swap3A_1541 = tpu.vector_load %arg12[%swap3A_1539, %swap3A_1540] {strides = array<i32>} : memref<8x128xi32, #tpu.memory_space<vmem>>, vector<16xi32>,
      tpu.vector_store %arg12[%swap3A_1539, %swap3A_1540], %add3A_1537 {strides = array<i32>} : memref<8x128xi32, #tpu.memory_space<vmem>>, vector<16xi32>,
      %add3A_1542 = arith.constant 30 : i32
      %add3A_1543 = vector.broadcast %add3A_1542 : i32 to vector<16xi32>
      %add3A_1544 = arith.addi %select_n3A, %add3A_1543 : vector<16xi32>
      %gather3A_1545 = tpu.vector_load_idx %arg10[%select_n3A_80, %add3A_1544] : memref<2x128xi32, #tpu.memory_space<vmem>>[vector<16xi32>, vector<16xi32>], vector<16xi32>,
      %shift_right_arithmetic3A_1546 = arith.shrsi %gather3A_1545, %mul3A_105 : vector<16xi32>
      %and3A_1547 = arith.constant 255 : i32
      %and3A_1548 = vector.broadcast %and3A_1547 : i32 to vector<16xi32>
      %and3A_1549 = arith.andi %shift_right_arithmetic3A_1546, %and3A_1548 : vector<16xi32>
      %add3A_1550 = arith.addi %and3A_1549, %mul3A_49 : vector<16xi32>
      %swap3A_1551 = arith.constant 1 : i32
      %swap3A_1552 = arith.index_cast %swap3A_1551 : i32 to index
      %swap3A_1553 = arith.constant 112 : index
      %swap3A_1554 = tpu.vector_load %arg12[%swap3A_1552, %swap3A_1553] {strides = array<i32>} : memref<8x128xi32, #tpu.memory_space<vmem>>, vector<16xi32>,
      tpu.vector_store %arg12[%swap3A_1552, %swap3A_1553], %add3A_1550 {strides = array<i32>} : memref<8x128xi32, #tpu.memory_space<vmem>>, vector<16xi32>,
      %dma_start3A_1555 = arith.constant 1 : i32
      %dma_start3A_1556 = arith.constant 128 : i32
      %dma_start3A_1557 = arith.constant 0 : i32
      %dma_start3A_1558 = tpu.memref_slice %arg14[%dma_start3A_1556, %dma_start3A_1557] : memref<1024x16xf32, #tpu.memory_space<vmem>> -> memref<128x16xf32, #tpu.memory_space<vmem>>
      %dma_start3A_1559 = arith.constant 0 : i32
      %dma_start3A_1560 = tpu.memref_slice %arg12[%dma_start3A_1555, %dma_start3A_1559] : memref<8x128xi32, #tpu.memory_space<vmem>> -> memref<1x128xi32, #tpu.memory_space<vmem>>
      %dma_start3A_1561 = tpu.memref_squeeze %dma_start3A_1560 : memref<1x128xi32, #tpu.memory_space<vmem>> -> memref<128xi32, #tpu.memory_space<vmem>>
      %dma_start3A_1562 = arith.constant 0 : i32
      %dma_start3A_1563 = arith.constant 0 : i32
      %dma_start3A_1564 = tpu.memref_slice %arg15[%dma_start3A_1562, %dma_start3A_1563] : memref<2048x16xf32, #tpu.memory_space<vmem_shared>> -> memref<2048x16xf32, #tpu.memory_space<vmem_shared>>
      tpu.enqueue_indirect_dma source(%dma_start3A_1564 : memref<2048x16xf32, #tpu.memory_space<vmem_shared>>) target(%dma_start3A_1558 : memref<128x16xf32, #tpu.memory_space<vmem>>) offsets(%dma_start3A_1561 : memref<128xi32, #tpu.memory_space<vmem>>) semaphore(%arg19 : memref<!tpu.dma_semaphore, #tpu.memory_space<semaphore_mem>>)
      %add3A_1565 = arith.constant 32 : i32
      %add3A_1566 = vector.broadcast %add3A_1565 : i32 to vector<16xi32>
      %add3A_1567 = arith.addi %select_n3A, %add3A_1566 : vector<16xi32>
      %gather3A_1568 = tpu.vector_load_idx %arg10[%select_n3A_80, %add3A_1567] : memref<2x128xi32, #tpu.memory_space<vmem>>[vector<16xi32>, vector<16xi32>], vector<16xi32>,
      %shift_right_arithmetic3A_1569 = arith.shrsi %gather3A_1568, %mul3A_105 : vector<16xi32>
      %and3A_1570 = arith.constant 255 : i32
      %and3A_1571 = vector.broadcast %and3A_1570 : i32 to vector<16xi32>
      %and3A_1572 = arith.andi %shift_right_arithmetic3A_1569, %and3A_1571 : vector<16xi32>
      %add3A_1573 = arith.addi %and3A_1572, %mul3A_49 : vector<16xi32>
      %swap3A_1574 = arith.constant 2 : i32
      %swap3A_1575 = arith.index_cast %swap3A_1574 : i32 to index
      %swap3A_1576 = arith.constant 0 : index
      %swap3A_1577 = tpu.vector_load %arg12[%swap3A_1575, %swap3A_1576] {strides = array<i32>} : memref<8x128xi32, #tpu.memory_space<vmem>>, vector<16xi32>,
      tpu.vector_store %arg12[%swap3A_1575, %swap3A_1576], %add3A_1573 {strides = array<i32>} : memref<8x128xi32, #tpu.memory_space<vmem>>, vector<16xi32>,
      %add3A_1578 = arith.constant 34 : i32
      %add3A_1579 = vector.broadcast %add3A_1578 : i32 to vector<16xi32>
      %add3A_1580 = arith.addi %select_n3A, %add3A_1579 : vector<16xi32>
      %gather3A_1581 = tpu.vector_load_idx %arg10[%select_n3A_80, %add3A_1580] : memref<2x128xi32, #tpu.memory_space<vmem>>[vector<16xi32>, vector<16xi32>], vector<16xi32>,
      %shift_right_arithmetic3A_1582 = arith.shrsi %gather3A_1581, %mul3A_105 : vector<16xi32>
      %and3A_1583 = arith.constant 255 : i32
      %and3A_1584 = vector.broadcast %and3A_1583 : i32 to vector<16xi32>
      %and3A_1585 = arith.andi %shift_right_arithmetic3A_1582, %and3A_1584 : vector<16xi32>
      %add3A_1586 = arith.addi %and3A_1585, %mul3A_49 : vector<16xi32>
      %swap3A_1587 = arith.constant 2 : i32
      %swap3A_1588 = arith.index_cast %swap3A_1587 : i32 to index
      %swap3A_1589 = arith.constant 16 : index
      %swap3A_1590 = tpu.vector_load %arg12[%swap3A_1588, %swap3A_1589] {strides = array<i32>} : memref<8x128xi32, #tpu.memory_space<vmem>>, vector<16xi32>,
      tpu.vector_store %arg12[%swap3A_1588, %swap3A_1589], %add3A_1586 {strides = array<i32>} : memref<8x128xi32, #tpu.memory_space<vmem>>, vector<16xi32>,
      %add3A_1591 = arith.constant 36 : i32
      %add3A_1592 = vector.broadcast %add3A_1591 : i32 to vector<16xi32>
      %add3A_1593 = arith.addi %select_n3A, %add3A_1592 : vector<16xi32>
      %gather3A_1594 = tpu.vector_load_idx %arg10[%select_n3A_80, %add3A_1593] : memref<2x128xi32, #tpu.memory_space<vmem>>[vector<16xi32>, vector<16xi32>], vector<16xi32>,
      %shift_right_arithmetic3A_1595 = arith.shrsi %gather3A_1594, %mul3A_105 : vector<16xi32>
      %and3A_1596 = arith.constant 255 : i32
      %and3A_1597 = vector.broadcast %and3A_1596 : i32 to vector<16xi32>
      %and3A_1598 = arith.andi %shift_right_arithmetic3A_1595, %and3A_1597 : vector<16xi32>
      %add3A_1599 = arith.addi %and3A_1598, %mul3A_49 : vector<16xi32>
      %swap3A_1600 = arith.constant 2 : i32
      %swap3A_1601 = arith.index_cast %swap3A_1600 : i32 to index
      %swap3A_1602 = arith.constant 32 : index
      %swap3A_1603 = tpu.vector_load %arg12[%swap3A_1601, %swap3A_1602] {strides = array<i32>} : memref<8x128xi32, #tpu.memory_space<vmem>>, vector<16xi32>,
      tpu.vector_store %arg12[%swap3A_1601, %swap3A_1602], %add3A_1599 {strides = array<i32>} : memref<8x128xi32, #tpu.memory_space<vmem>>, vector<16xi32>,
      %add3A_1604 = arith.constant 38 : i32
      %add3A_1605 = vector.broadcast %add3A_1604 : i32 to vector<16xi32>
      %add3A_1606 = arith.addi %select_n3A, %add3A_1605 : vector<16xi32>
      %gather3A_1607 = tpu.vector_load_idx %arg10[%select_n3A_80, %add3A_1606] : memref<2x128xi32, #tpu.memory_space<vmem>>[vector<16xi32>, vector<16xi32>], vector<16xi32>,
      %shift_right_arithmetic3A_1608 = arith.shrsi %gather3A_1607, %mul3A_105 : vector<16xi32>
      %and3A_1609 = arith.constant 255 : i32
      %and3A_1610 = vector.broadcast %and3A_1609 : i32 to vector<16xi32>
      %and3A_1611 = arith.andi %shift_right_arithmetic3A_1608, %and3A_1610 : vector<16xi32>
      %add3A_1612 = arith.addi %and3A_1611, %mul3A_49 : vector<16xi32>
      %swap3A_1613 = arith.constant 2 : i32
      %swap3A_1614 = arith.index_cast %swap3A_1613 : i32 to index
      %swap3A_1615 = arith.constant 48 : index
      %swap3A_1616 = tpu.vector_load %arg12[%swap3A_1614, %swap3A_1615] {strides = array<i32>} : memref<8x128xi32, #tpu.memory_space<vmem>>, vector<16xi32>,
      tpu.vector_store %arg12[%swap3A_1614, %swap3A_1615], %add3A_1612 {strides = array<i32>} : memref<8x128xi32, #tpu.memory_space<vmem>>, vector<16xi32>,
      %add3A_1617 = arith.constant 40 : i32
      %add3A_1618 = vector.broadcast %add3A_1617 : i32 to vector<16xi32>
      %add3A_1619 = arith.addi %select_n3A, %add3A_1618 : vector<16xi32>
      %gather3A_1620 = tpu.vector_load_idx %arg10[%select_n3A_80, %add3A_1619] : memref<2x128xi32, #tpu.memory_space<vmem>>[vector<16xi32>, vector<16xi32>], vector<16xi32>,
      %shift_right_arithmetic3A_1621 = arith.shrsi %gather3A_1620, %mul3A_105 : vector<16xi32>
      %and3A_1622 = arith.constant 255 : i32
      %and3A_1623 = vector.broadcast %and3A_1622 : i32 to vector<16xi32>
      %and3A_1624 = arith.andi %shift_right_arithmetic3A_1621, %and3A_1623 : vector<16xi32>
      %add3A_1625 = arith.addi %and3A_1624, %mul3A_49 : vector<16xi32>
      %swap3A_1626 = arith.constant 2 : i32
      %swap3A_1627 = arith.index_cast %swap3A_1626 : i32 to index
      %swap3A_1628 = arith.constant 64 : index
      %swap3A_1629 = tpu.vector_load %arg12[%swap3A_1627, %swap3A_1628] {strides = array<i32>} : memref<8x128xi32, #tpu.memory_space<vmem>>, vector<16xi32>,
      tpu.vector_store %arg12[%swap3A_1627, %swap3A_1628], %add3A_1625 {strides = array<i32>} : memref<8x128xi32, #tpu.memory_space<vmem>>, vector<16xi32>,
      %add3A_1630 = arith.constant 42 : i32
      %add3A_1631 = vector.broadcast %add3A_1630 : i32 to vector<16xi32>
      %add3A_1632 = arith.addi %select_n3A, %add3A_1631 : vector<16xi32>
      %gather3A_1633 = tpu.vector_load_idx %arg10[%select_n3A_80, %add3A_1632] : memref<2x128xi32, #tpu.memory_space<vmem>>[vector<16xi32>, vector<16xi32>], vector<16xi32>,
      %shift_right_arithmetic3A_1634 = arith.shrsi %gather3A_1633, %mul3A_105 : vector<16xi32>
      %and3A_1635 = arith.constant 255 : i32
      %and3A_1636 = vector.broadcast %and3A_1635 : i32 to vector<16xi32>
      %and3A_1637 = arith.andi %shift_right_arithmetic3A_1634, %and3A_1636 : vector<16xi32>
      %add3A_1638 = arith.addi %and3A_1637, %mul3A_49 : vector<16xi32>
      %swap3A_1639 = arith.constant 2 : i32
      %swap3A_1640 = arith.index_cast %swap3A_1639 : i32 to index
      %swap3A_1641 = arith.constant 80 : index
      %swap3A_1642 = tpu.vector_load %arg12[%swap3A_1640, %swap3A_1641] {strides = array<i32>} : memref<8x128xi32, #tpu.memory_space<vmem>>, vector<16xi32>,
      tpu.vector_store %arg12[%swap3A_1640, %swap3A_1641], %add3A_1638 {strides = array<i32>} : memref<8x128xi32, #tpu.memory_space<vmem>>, vector<16xi32>,
      %add3A_1643 = arith.constant 44 : i32
      %add3A_1644 = vector.broadcast %add3A_1643 : i32 to vector<16xi32>
      %add3A_1645 = arith.addi %select_n3A, %add3A_1644 : vector<16xi32>
      %gather3A_1646 = tpu.vector_load_idx %arg10[%select_n3A_80, %add3A_1645] : memref<2x128xi32, #tpu.memory_space<vmem>>[vector<16xi32>, vector<16xi32>], vector<16xi32>,
      %shift_right_arithmetic3A_1647 = arith.shrsi %gather3A_1646, %mul3A_105 : vector<16xi32>
      %and3A_1648 = arith.constant 255 : i32
      %and3A_1649 = vector.broadcast %and3A_1648 : i32 to vector<16xi32>
      %and3A_1650 = arith.andi %shift_right_arithmetic3A_1647, %and3A_1649 : vector<16xi32>
      %add3A_1651 = arith.addi %and3A_1650, %mul3A_49 : vector<16xi32>
      %swap3A_1652 = arith.constant 2 : i32
      %swap3A_1653 = arith.index_cast %swap3A_1652 : i32 to index
      %swap3A_1654 = arith.constant 96 : index
      %swap3A_1655 = tpu.vector_load %arg12[%swap3A_1653, %swap3A_1654] {strides = array<i32>} : memref<8x128xi32, #tpu.memory_space<vmem>>, vector<16xi32>,
      tpu.vector_store %arg12[%swap3A_1653, %swap3A_1654], %add3A_1651 {strides = array<i32>} : memref<8x128xi32, #tpu.memory_space<vmem>>, vector<16xi32>,
      %add3A_1656 = arith.constant 46 : i32
      %add3A_1657 = vector.broadcast %add3A_1656 : i32 to vector<16xi32>
      %add3A_1658 = arith.addi %select_n3A, %add3A_1657 : vector<16xi32>
      %gather3A_1659 = tpu.vector_load_idx %arg10[%select_n3A_80, %add3A_1658] : memref<2x128xi32, #tpu.memory_space<vmem>>[vector<16xi32>, vector<16xi32>], vector<16xi32>,
      %shift_right_arithmetic3A_1660 = arith.shrsi %gather3A_1659, %mul3A_105 : vector<16xi32>
      %and3A_1661 = arith.constant 255 : i32
      %and3A_1662 = vector.broadcast %and3A_1661 : i32 to vector<16xi32>
      %and3A_1663 = arith.andi %shift_right_arithmetic3A_1660, %and3A_1662 : vector<16xi32>
      %add3A_1664 = arith.addi %and3A_1663, %mul3A_49 : vector<16xi32>
      %swap3A_1665 = arith.constant 2 : i32
      %swap3A_1666 = arith.index_cast %swap3A_1665 : i32 to index
      %swap3A_1667 = arith.constant 112 : index
      %swap3A_1668 = tpu.vector_load %arg12[%swap3A_1666, %swap3A_1667] {strides = array<i32>} : memref<8x128xi32, #tpu.memory_space<vmem>>, vector<16xi32>,
      tpu.vector_store %arg12[%swap3A_1666, %swap3A_1667], %add3A_1664 {strides = array<i32>} : memref<8x128xi32, #tpu.memory_space<vmem>>, vector<16xi32>,
      %dma_start3A_1669 = arith.constant 2 : i32
      %dma_start3A_1670 = arith.constant 256 : i32
      %dma_start3A_1671 = arith.constant 0 : i32
      %dma_start3A_1672 = tpu.memref_slice %arg14[%dma_start3A_1670, %dma_start3A_1671] : memref<1024x16xf32, #tpu.memory_space<vmem>> -> memref<128x16xf32, #tpu.memory_space<vmem>>
      %dma_start3A_1673 = arith.constant 0 : i32
      %dma_start3A_1674 = tpu.memref_slice %arg12[%dma_start3A_1669, %dma_start3A_1673] : memref<8x128xi32, #tpu.memory_space<vmem>> -> memref<1x128xi32, #tpu.memory_space<vmem>>
      %dma_start3A_1675 = tpu.memref_squeeze %dma_start3A_1674 : memref<1x128xi32, #tpu.memory_space<vmem>> -> memref<128xi32, #tpu.memory_space<vmem>>
      %dma_start3A_1676 = arith.constant 0 : i32
      %dma_start3A_1677 = arith.constant 0 : i32
      %dma_start3A_1678 = tpu.memref_slice %arg15[%dma_start3A_1676, %dma_start3A_1677] : memref<2048x16xf32, #tpu.memory_space<vmem_shared>> -> memref<2048x16xf32, #tpu.memory_space<vmem_shared>>
      tpu.enqueue_indirect_dma source(%dma_start3A_1678 : memref<2048x16xf32, #tpu.memory_space<vmem_shared>>) target(%dma_start3A_1672 : memref<128x16xf32, #tpu.memory_space<vmem>>) offsets(%dma_start3A_1675 : memref<128xi32, #tpu.memory_space<vmem>>) semaphore(%arg19 : memref<!tpu.dma_semaphore, #tpu.memory_space<semaphore_mem>>)
      %add3A_1679 = arith.constant 48 : i32
      %add3A_1680 = vector.broadcast %add3A_1679 : i32 to vector<16xi32>
      %add3A_1681 = arith.addi %select_n3A, %add3A_1680 : vector<16xi32>
      %gather3A_1682 = tpu.vector_load_idx %arg10[%select_n3A_80, %add3A_1681] : memref<2x128xi32, #tpu.memory_space<vmem>>[vector<16xi32>, vector<16xi32>], vector<16xi32>,
      %shift_right_arithmetic3A_1683 = arith.shrsi %gather3A_1682, %mul3A_105 : vector<16xi32>
      %and3A_1684 = arith.constant 255 : i32
      %and3A_1685 = vector.broadcast %and3A_1684 : i32 to vector<16xi32>
      %and3A_1686 = arith.andi %shift_right_arithmetic3A_1683, %and3A_1685 : vector<16xi32>
      %add3A_1687 = arith.addi %and3A_1686, %mul3A_49 : vector<16xi32>
      %swap3A_1688 = arith.constant 3 : i32
      %swap3A_1689 = arith.index_cast %swap3A_1688 : i32 to index
      %swap3A_1690 = arith.constant 0 : index
      %swap3A_1691 = tpu.vector_load %arg12[%swap3A_1689, %swap3A_1690] {strides = array<i32>} : memref<8x128xi32, #tpu.memory_space<vmem>>, vector<16xi32>,
      tpu.vector_store %arg12[%swap3A_1689, %swap3A_1690], %add3A_1687 {strides = array<i32>} : memref<8x128xi32, #tpu.memory_space<vmem>>, vector<16xi32>,
      %add3A_1692 = arith.constant 50 : i32
      %add3A_1693 = vector.broadcast %add3A_1692 : i32 to vector<16xi32>
      %add3A_1694 = arith.addi %select_n3A, %add3A_1693 : vector<16xi32>
      %gather3A_1695 = tpu.vector_load_idx %arg10[%select_n3A_80, %add3A_1694] : memref<2x128xi32, #tpu.memory_space<vmem>>[vector<16xi32>, vector<16xi32>], vector<16xi32>,
      %shift_right_arithmetic3A_1696 = arith.shrsi %gather3A_1695, %mul3A_105 : vector<16xi32>
      %and3A_1697 = arith.constant 255 : i32
      %and3A_1698 = vector.broadcast %and3A_1697 : i32 to vector<16xi32>
      %and3A_1699 = arith.andi %shift_right_arithmetic3A_1696, %and3A_1698 : vector<16xi32>
      %add3A_1700 = arith.addi %and3A_1699, %mul3A_49 : vector<16xi32>
      %swap3A_1701 = arith.constant 3 : i32
      %swap3A_1702 = arith.index_cast %swap3A_1701 : i32 to index
      %swap3A_1703 = arith.constant 16 : index
      %swap3A_1704 = tpu.vector_load %arg12[%swap3A_1702, %swap3A_1703] {strides = array<i32>} : memref<8x128xi32, #tpu.memory_space<vmem>>, vector<16xi32>,
      tpu.vector_store %arg12[%swap3A_1702, %swap3A_1703], %add3A_1700 {strides = array<i32>} : memref<8x128xi32, #tpu.memory_space<vmem>>, vector<16xi32>,
      %add3A_1705 = arith.constant 52 : i32
      %add3A_1706 = vector.broadcast %add3A_1705 : i32 to vector<16xi32>
      %add3A_1707 = arith.addi %select_n3A, %add3A_1706 : vector<16xi32>
      %gather3A_1708 = tpu.vector_load_idx %arg10[%select_n3A_80, %add3A_1707] : memref<2x128xi32, #tpu.memory_space<vmem>>[vector<16xi32>, vector<16xi32>], vector<16xi32>,
      %shift_right_arithmetic3A_1709 = arith.shrsi %gather3A_1708, %mul3A_105 : vector<16xi32>
      %and3A_1710 = arith.constant 255 : i32
      %and3A_1711 = vector.broadcast %and3A_1710 : i32 to vector<16xi32>
      %and3A_1712 = arith.andi %shift_right_arithmetic3A_1709, %and3A_1711 : vector<16xi32>
      %add3A_1713 = arith.addi %and3A_1712, %mul3A_49 : vector<16xi32>
      %swap3A_1714 = arith.constant 3 : i32
      %swap3A_1715 = arith.index_cast %swap3A_1714 : i32 to index
      %swap3A_1716 = arith.constant 32 : index
      %swap3A_1717 = tpu.vector_load %arg12[%swap3A_1715, %swap3A_1716] {strides = array<i32>} : memref<8x128xi32, #tpu.memory_space<vmem>>, vector<16xi32>,
      tpu.vector_store %arg12[%swap3A_1715, %swap3A_1716], %add3A_1713 {strides = array<i32>} : memref<8x128xi32, #tpu.memory_space<vmem>>, vector<16xi32>,
      %add3A_1718 = arith.constant 54 : i32
      %add3A_1719 = vector.broadcast %add3A_1718 : i32 to vector<16xi32>
      %add3A_1720 = arith.addi %select_n3A, %add3A_1719 : vector<16xi32>
      %gather3A_1721 = tpu.vector_load_idx %arg10[%select_n3A_80, %add3A_1720] : memref<2x128xi32, #tpu.memory_space<vmem>>[vector<16xi32>, vector<16xi32>], vector<16xi32>,
      %shift_right_arithmetic3A_1722 = arith.shrsi %gather3A_1721, %mul3A_105 : vector<16xi32>
      %and3A_1723 = arith.constant 255 : i32
      %and3A_1724 = vector.broadcast %and3A_1723 : i32 to vector<16xi32>
      %and3A_1725 = arith.andi %shift_right_arithmetic3A_1722, %and3A_1724 : vector<16xi32>
      %add3A_1726 = arith.addi %and3A_1725, %mul3A_49 : vector<16xi32>
      %swap3A_1727 = arith.constant 3 : i32
      %swap3A_1728 = arith.index_cast %swap3A_1727 : i32 to index
      %swap3A_1729 = arith.constant 48 : index
      %swap3A_1730 = tpu.vector_load %arg12[%swap3A_1728, %swap3A_1729] {strides = array<i32>} : memref<8x128xi32, #tpu.memory_space<vmem>>, vector<16xi32>,
      tpu.vector_store %arg12[%swap3A_1728, %swap3A_1729], %add3A_1726 {strides = array<i32>} : memref<8x128xi32, #tpu.memory_space<vmem>>, vector<16xi32>,
      %add3A_1731 = arith.constant 56 : i32
      %add3A_1732 = vector.broadcast %add3A_1731 : i32 to vector<16xi32>
      %add3A_1733 = arith.addi %select_n3A, %add3A_1732 : vector<16xi32>
      %gather3A_1734 = tpu.vector_load_idx %arg10[%select_n3A_80, %add3A_1733] : memref<2x128xi32, #tpu.memory_space<vmem>>[vector<16xi32>, vector<16xi32>], vector<16xi32>,
      %shift_right_arithmetic3A_1735 = arith.shrsi %gather3A_1734, %mul3A_105 : vector<16xi32>
      %and3A_1736 = arith.constant 255 : i32
      %and3A_1737 = vector.broadcast %and3A_1736 : i32 to vector<16xi32>
      %and3A_1738 = arith.andi %shift_right_arithmetic3A_1735, %and3A_1737 : vector<16xi32>
      %add3A_1739 = arith.addi %and3A_1738, %mul3A_49 : vector<16xi32>
      %swap3A_1740 = arith.constant 3 : i32
      %swap3A_1741 = arith.index_cast %swap3A_1740 : i32 to index
      %swap3A_1742 = arith.constant 64 : index
      %swap3A_1743 = tpu.vector_load %arg12[%swap3A_1741, %swap3A_1742] {strides = array<i32>} : memref<8x128xi32, #tpu.memory_space<vmem>>, vector<16xi32>,
      tpu.vector_store %arg12[%swap3A_1741, %swap3A_1742], %add3A_1739 {strides = array<i32>} : memref<8x128xi32, #tpu.memory_space<vmem>>, vector<16xi32>,
      %add3A_1744 = arith.constant 58 : i32
      %add3A_1745 = vector.broadcast %add3A_1744 : i32 to vector<16xi32>
      %add3A_1746 = arith.addi %select_n3A, %add3A_1745 : vector<16xi32>
      %gather3A_1747 = tpu.vector_load_idx %arg10[%select_n3A_80, %add3A_1746] : memref<2x128xi32, #tpu.memory_space<vmem>>[vector<16xi32>, vector<16xi32>], vector<16xi32>,
      %shift_right_arithmetic3A_1748 = arith.shrsi %gather3A_1747, %mul3A_105 : vector<16xi32>
      %and3A_1749 = arith.constant 255 : i32
      %and3A_1750 = vector.broadcast %and3A_1749 : i32 to vector<16xi32>
      %and3A_1751 = arith.andi %shift_right_arithmetic3A_1748, %and3A_1750 : vector<16xi32>
      %add3A_1752 = arith.addi %and3A_1751, %mul3A_49 : vector<16xi32>
      %swap3A_1753 = arith.constant 3 : i32
      %swap3A_1754 = arith.index_cast %swap3A_1753 : i32 to index
      %swap3A_1755 = arith.constant 80 : index
      %swap3A_1756 = tpu.vector_load %arg12[%swap3A_1754, %swap3A_1755] {strides = array<i32>} : memref<8x128xi32, #tpu.memory_space<vmem>>, vector<16xi32>,
      tpu.vector_store %arg12[%swap3A_1754, %swap3A_1755], %add3A_1752 {strides = array<i32>} : memref<8x128xi32, #tpu.memory_space<vmem>>, vector<16xi32>,
      %add3A_1757 = arith.constant 60 : i32
      %add3A_1758 = vector.broadcast %add3A_1757 : i32 to vector<16xi32>
      %add3A_1759 = arith.addi %select_n3A, %add3A_1758 : vector<16xi32>
      %gather3A_1760 = tpu.vector_load_idx %arg10[%select_n3A_80, %add3A_1759] : memref<2x128xi32, #tpu.memory_space<vmem>>[vector<16xi32>, vector<16xi32>], vector<16xi32>,
      %shift_right_arithmetic3A_1761 = arith.shrsi %gather3A_1760, %mul3A_105 : vector<16xi32>
      %and3A_1762 = arith.constant 255 : i32
      %and3A_1763 = vector.broadcast %and3A_1762 : i32 to vector<16xi32>
      %and3A_1764 = arith.andi %shift_right_arithmetic3A_1761, %and3A_1763 : vector<16xi32>
      %add3A_1765 = arith.addi %and3A_1764, %mul3A_49 : vector<16xi32>
      %swap3A_1766 = arith.constant 3 : i32
      %swap3A_1767 = arith.index_cast %swap3A_1766 : i32 to index
      %swap3A_1768 = arith.constant 96 : index
      %swap3A_1769 = tpu.vector_load %arg12[%swap3A_1767, %swap3A_1768] {strides = array<i32>} : memref<8x128xi32, #tpu.memory_space<vmem>>, vector<16xi32>,
      tpu.vector_store %arg12[%swap3A_1767, %swap3A_1768], %add3A_1765 {strides = array<i32>} : memref<8x128xi32, #tpu.memory_space<vmem>>, vector<16xi32>,
      %add3A_1770 = arith.constant 62 : i32
      %add3A_1771 = vector.broadcast %add3A_1770 : i32 to vector<16xi32>
      %add3A_1772 = arith.addi %select_n3A, %add3A_1771 : vector<16xi32>
      %gather3A_1773 = tpu.vector_load_idx %arg10[%select_n3A_80, %add3A_1772] : memref<2x128xi32, #tpu.memory_space<vmem>>[vector<16xi32>, vector<16xi32>], vector<16xi32>,
      %shift_right_arithmetic3A_1774 = arith.shrsi %gather3A_1773, %mul3A_105 : vector<16xi32>
      %and3A_1775 = arith.constant 255 : i32
      %and3A_1776 = vector.broadcast %and3A_1775 : i32 to vector<16xi32>
      %and3A_1777 = arith.andi %shift_right_arithmetic3A_1774, %and3A_1776 : vector<16xi32>
      %add3A_1778 = arith.addi %and3A_1777, %mul3A_49 : vector<16xi32>
      %swap3A_1779 = arith.constant 3 : i32
      %swap3A_1780 = arith.index_cast %swap3A_1779 : i32 to index
      %swap3A_1781 = arith.constant 112 : index
      %swap3A_1782 = tpu.vector_load %arg12[%swap3A_1780, %swap3A_1781] {strides = array<i32>} : memref<8x128xi32, #tpu.memory_space<vmem>>, vector<16xi32>,
      tpu.vector_store %arg12[%swap3A_1780, %swap3A_1781], %add3A_1778 {strides = array<i32>} : memref<8x128xi32, #tpu.memory_space<vmem>>, vector<16xi32>,
      %dma_start3A_1783 = arith.constant 3 : i32
      %dma_start3A_1784 = arith.constant 384 : i32
      %dma_start3A_1785 = arith.constant 0 : i32
      %dma_start3A_1786 = tpu.memref_slice %arg14[%dma_start3A_1784, %dma_start3A_1785] : memref<1024x16xf32, #tpu.memory_space<vmem>> -> memref<128x16xf32, #tpu.memory_space<vmem>>
      %dma_start3A_1787 = arith.constant 0 : i32
      %dma_start3A_1788 = tpu.memref_slice %arg12[%dma_start3A_1783, %dma_start3A_1787] : memref<8x128xi32, #tpu.memory_space<vmem>> -> memref<1x128xi32, #tpu.memory_space<vmem>>
      %dma_start3A_1789 = tpu.memref_squeeze %dma_start3A_1788 : memref<1x128xi32, #tpu.memory_space<vmem>> -> memref<128xi32, #tpu.memory_space<vmem>>
      %dma_start3A_1790 = arith.constant 0 : i32
      %dma_start3A_1791 = arith.constant 0 : i32
      %dma_start3A_1792 = tpu.memref_slice %arg15[%dma_start3A_1790, %dma_start3A_1791] : memref<2048x16xf32, #tpu.memory_space<vmem_shared>> -> memref<2048x16xf32, #tpu.memory_space<vmem_shared>>
      tpu.enqueue_indirect_dma source(%dma_start3A_1792 : memref<2048x16xf32, #tpu.memory_space<vmem_shared>>) target(%dma_start3A_1786 : memref<128x16xf32, #tpu.memory_space<vmem>>) offsets(%dma_start3A_1789 : memref<128xi32, #tpu.memory_space<vmem>>) semaphore(%arg19 : memref<!tpu.dma_semaphore, #tpu.memory_space<semaphore_mem>>)
      %add3A_1793 = arith.constant 64 : i32
      %add3A_1794 = vector.broadcast %add3A_1793 : i32 to vector<16xi32>
      %add3A_1795 = arith.addi %select_n3A, %add3A_1794 : vector<16xi32>
      %gather3A_1796 = tpu.vector_load_idx %arg10[%select_n3A_80, %add3A_1795] : memref<2x128xi32, #tpu.memory_space<vmem>>[vector<16xi32>, vector<16xi32>], vector<16xi32>,
      %shift_right_arithmetic3A_1797 = arith.shrsi %gather3A_1796, %mul3A_105 : vector<16xi32>
      %and3A_1798 = arith.constant 255 : i32
      %and3A_1799 = vector.broadcast %and3A_1798 : i32 to vector<16xi32>
      %and3A_1800 = arith.andi %shift_right_arithmetic3A_1797, %and3A_1799 : vector<16xi32>
      %add3A_1801 = arith.addi %and3A_1800, %mul3A_49 : vector<16xi32>
      %swap3A_1802 = arith.constant 4 : i32
      %swap3A_1803 = arith.index_cast %swap3A_1802 : i32 to index
      %swap3A_1804 = arith.constant 0 : index
      %swap3A_1805 = tpu.vector_load %arg12[%swap3A_1803, %swap3A_1804] {strides = array<i32>} : memref<8x128xi32, #tpu.memory_space<vmem>>, vector<16xi32>,
      tpu.vector_store %arg12[%swap3A_1803, %swap3A_1804], %add3A_1801 {strides = array<i32>} : memref<8x128xi32, #tpu.memory_space<vmem>>, vector<16xi32>,
      %add3A_1806 = arith.constant 66 : i32
      %add3A_1807 = vector.broadcast %add3A_1806 : i32 to vector<16xi32>
      %add3A_1808 = arith.addi %select_n3A, %add3A_1807 : vector<16xi32>
      %gather3A_1809 = tpu.vector_load_idx %arg10[%select_n3A_80, %add3A_1808] : memref<2x128xi32, #tpu.memory_space<vmem>>[vector<16xi32>, vector<16xi32>], vector<16xi32>,
      %shift_right_arithmetic3A_1810 = arith.shrsi %gather3A_1809, %mul3A_105 : vector<16xi32>
      %and3A_1811 = arith.constant 255 : i32
      %and3A_1812 = vector.broadcast %and3A_1811 : i32 to vector<16xi32>
      %and3A_1813 = arith.andi %shift_right_arithmetic3A_1810, %and3A_1812 : vector<16xi32>
      %add3A_1814 = arith.addi %and3A_1813, %mul3A_49 : vector<16xi32>
      %swap3A_1815 = arith.constant 4 : i32
      %swap3A_1816 = arith.index_cast %swap3A_1815 : i32 to index
      %swap3A_1817 = arith.constant 16 : index
      %swap3A_1818 = tpu.vector_load %arg12[%swap3A_1816, %swap3A_1817] {strides = array<i32>} : memref<8x128xi32, #tpu.memory_space<vmem>>, vector<16xi32>,
      tpu.vector_store %arg12[%swap3A_1816, %swap3A_1817], %add3A_1814 {strides = array<i32>} : memref<8x128xi32, #tpu.memory_space<vmem>>, vector<16xi32>,
      %add3A_1819 = arith.constant 68 : i32
      %add3A_1820 = vector.broadcast %add3A_1819 : i32 to vector<16xi32>
      %add3A_1821 = arith.addi %select_n3A, %add3A_1820 : vector<16xi32>
      %gather3A_1822 = tpu.vector_load_idx %arg10[%select_n3A_80, %add3A_1821] : memref<2x128xi32, #tpu.memory_space<vmem>>[vector<16xi32>, vector<16xi32>], vector<16xi32>,
      %shift_right_arithmetic3A_1823 = arith.shrsi %gather3A_1822, %mul3A_105 : vector<16xi32>
      %and3A_1824 = arith.constant 255 : i32
      %and3A_1825 = vector.broadcast %and3A_1824 : i32 to vector<16xi32>
      %and3A_1826 = arith.andi %shift_right_arithmetic3A_1823, %and3A_1825 : vector<16xi32>
      %add3A_1827 = arith.addi %and3A_1826, %mul3A_49 : vector<16xi32>
      %swap3A_1828 = arith.constant 4 : i32
      %swap3A_1829 = arith.index_cast %swap3A_1828 : i32 to index
      %swap3A_1830 = arith.constant 32 : index
      %swap3A_1831 = tpu.vector_load %arg12[%swap3A_1829, %swap3A_1830] {strides = array<i32>} : memref<8x128xi32, #tpu.memory_space<vmem>>, vector<16xi32>,
      tpu.vector_store %arg12[%swap3A_1829, %swap3A_1830], %add3A_1827 {strides = array<i32>} : memref<8x128xi32, #tpu.memory_space<vmem>>, vector<16xi32>,
      %add3A_1832 = arith.constant 70 : i32
      %add3A_1833 = vector.broadcast %add3A_1832 : i32 to vector<16xi32>
      %add3A_1834 = arith.addi %select_n3A, %add3A_1833 : vector<16xi32>
      %gather3A_1835 = tpu.vector_load_idx %arg10[%select_n3A_80, %add3A_1834] : memref<2x128xi32, #tpu.memory_space<vmem>>[vector<16xi32>, vector<16xi32>], vector<16xi32>,
      %shift_right_arithmetic3A_1836 = arith.shrsi %gather3A_1835, %mul3A_105 : vector<16xi32>
      %and3A_1837 = arith.constant 255 : i32
      %and3A_1838 = vector.broadcast %and3A_1837 : i32 to vector<16xi32>
      %and3A_1839 = arith.andi %shift_right_arithmetic3A_1836, %and3A_1838 : vector<16xi32>
      %add3A_1840 = arith.addi %and3A_1839, %mul3A_49 : vector<16xi32>
      %swap3A_1841 = arith.constant 4 : i32
      %swap3A_1842 = arith.index_cast %swap3A_1841 : i32 to index
      %swap3A_1843 = arith.constant 48 : index
      %swap3A_1844 = tpu.vector_load %arg12[%swap3A_1842, %swap3A_1843] {strides = array<i32>} : memref<8x128xi32, #tpu.memory_space<vmem>>, vector<16xi32>,
      tpu.vector_store %arg12[%swap3A_1842, %swap3A_1843], %add3A_1840 {strides = array<i32>} : memref<8x128xi32, #tpu.memory_space<vmem>>, vector<16xi32>,
      %add3A_1845 = arith.constant 72 : i32
      %add3A_1846 = vector.broadcast %add3A_1845 : i32 to vector<16xi32>
      %add3A_1847 = arith.addi %select_n3A, %add3A_1846 : vector<16xi32>
      %gather3A_1848 = tpu.vector_load_idx %arg10[%select_n3A_80, %add3A_1847] : memref<2x128xi32, #tpu.memory_space<vmem>>[vector<16xi32>, vector<16xi32>], vector<16xi32>,
      %shift_right_arithmetic3A_1849 = arith.shrsi %gather3A_1848, %mul3A_105 : vector<16xi32>
      %and3A_1850 = arith.constant 255 : i32
      %and3A_1851 = vector.broadcast %and3A_1850 : i32 to vector<16xi32>
      %and3A_1852 = arith.andi %shift_right_arithmetic3A_1849, %and3A_1851 : vector<16xi32>
      %add3A_1853 = arith.addi %and3A_1852, %mul3A_49 : vector<16xi32>
      %swap3A_1854 = arith.constant 4 : i32
      %swap3A_1855 = arith.index_cast %swap3A_1854 : i32 to index
      %swap3A_1856 = arith.constant 64 : index
      %swap3A_1857 = tpu.vector_load %arg12[%swap3A_1855, %swap3A_1856] {strides = array<i32>} : memref<8x128xi32, #tpu.memory_space<vmem>>, vector<16xi32>,
      tpu.vector_store %arg12[%swap3A_1855, %swap3A_1856], %add3A_1853 {strides = array<i32>} : memref<8x128xi32, #tpu.memory_space<vmem>>, vector<16xi32>,
      %add3A_1858 = arith.constant 74 : i32
      %add3A_1859 = vector.broadcast %add3A_1858 : i32 to vector<16xi32>
      %add3A_1860 = arith.addi %select_n3A, %add3A_1859 : vector<16xi32>
      %gather3A_1861 = tpu.vector_load_idx %arg10[%select_n3A_80, %add3A_1860] : memref<2x128xi32, #tpu.memory_space<vmem>>[vector<16xi32>, vector<16xi32>], vector<16xi32>,
      %shift_right_arithmetic3A_1862 = arith.shrsi %gather3A_1861, %mul3A_105 : vector<16xi32>
      %and3A_1863 = arith.constant 255 : i32
      %and3A_1864 = vector.broadcast %and3A_1863 : i32 to vector<16xi32>
      %and3A_1865 = arith.andi %shift_right_arithmetic3A_1862, %and3A_1864 : vector<16xi32>
      %add3A_1866 = arith.addi %and3A_1865, %mul3A_49 : vector<16xi32>
      %swap3A_1867 = arith.constant 4 : i32
      %swap3A_1868 = arith.index_cast %swap3A_1867 : i32 to index
      %swap3A_1869 = arith.constant 80 : index
      %swap3A_1870 = tpu.vector_load %arg12[%swap3A_1868, %swap3A_1869] {strides = array<i32>} : memref<8x128xi32, #tpu.memory_space<vmem>>, vector<16xi32>,
      tpu.vector_store %arg12[%swap3A_1868, %swap3A_1869], %add3A_1866 {strides = array<i32>} : memref<8x128xi32, #tpu.memory_space<vmem>>, vector<16xi32>,
      %add3A_1871 = arith.constant 76 : i32
      %add3A_1872 = vector.broadcast %add3A_1871 : i32 to vector<16xi32>
      %add3A_1873 = arith.addi %select_n3A, %add3A_1872 : vector<16xi32>
      %gather3A_1874 = tpu.vector_load_idx %arg10[%select_n3A_80, %add3A_1873] : memref<2x128xi32, #tpu.memory_space<vmem>>[vector<16xi32>, vector<16xi32>], vector<16xi32>,
      %shift_right_arithmetic3A_1875 = arith.shrsi %gather3A_1874, %mul3A_105 : vector<16xi32>
      %and3A_1876 = arith.constant 255 : i32
      %and3A_1877 = vector.broadcast %and3A_1876 : i32 to vector<16xi32>
      %and3A_1878 = arith.andi %shift_right_arithmetic3A_1875, %and3A_1877 : vector<16xi32>
      %add3A_1879 = arith.addi %and3A_1878, %mul3A_49 : vector<16xi32>
      %swap3A_1880 = arith.constant 4 : i32
      %swap3A_1881 = arith.index_cast %swap3A_1880 : i32 to index
      %swap3A_1882 = arith.constant 96 : index
      %swap3A_1883 = tpu.vector_load %arg12[%swap3A_1881, %swap3A_1882] {strides = array<i32>} : memref<8x128xi32, #tpu.memory_space<vmem>>, vector<16xi32>,
      tpu.vector_store %arg12[%swap3A_1881, %swap3A_1882], %add3A_1879 {strides = array<i32>} : memref<8x128xi32, #tpu.memory_space<vmem>>, vector<16xi32>,
      %add3A_1884 = arith.constant 78 : i32
      %add3A_1885 = vector.broadcast %add3A_1884 : i32 to vector<16xi32>
      %add3A_1886 = arith.addi %select_n3A, %add3A_1885 : vector<16xi32>
      %gather3A_1887 = tpu.vector_load_idx %arg10[%select_n3A_80, %add3A_1886] : memref<2x128xi32, #tpu.memory_space<vmem>>[vector<16xi32>, vector<16xi32>], vector<16xi32>,
      %shift_right_arithmetic3A_1888 = arith.shrsi %gather3A_1887, %mul3A_105 : vector<16xi32>
      %and3A_1889 = arith.constant 255 : i32
      %and3A_1890 = vector.broadcast %and3A_1889 : i32 to vector<16xi32>
      %and3A_1891 = arith.andi %shift_right_arithmetic3A_1888, %and3A_1890 : vector<16xi32>
      %add3A_1892 = arith.addi %and3A_1891, %mul3A_49 : vector<16xi32>
      %swap3A_1893 = arith.constant 4 : i32
      %swap3A_1894 = arith.index_cast %swap3A_1893 : i32 to index
      %swap3A_1895 = arith.constant 112 : index
      %swap3A_1896 = tpu.vector_load %arg12[%swap3A_1894, %swap3A_1895] {strides = array<i32>} : memref<8x128xi32, #tpu.memory_space<vmem>>, vector<16xi32>,
      tpu.vector_store %arg12[%swap3A_1894, %swap3A_1895], %add3A_1892 {strides = array<i32>} : memref<8x128xi32, #tpu.memory_space<vmem>>, vector<16xi32>,
      %dma_start3A_1897 = arith.constant 4 : i32
      %dma_start3A_1898 = arith.constant 512 : i32
      %dma_start3A_1899 = arith.constant 0 : i32
      %dma_start3A_1900 = tpu.memref_slice %arg14[%dma_start3A_1898, %dma_start3A_1899] : memref<1024x16xf32, #tpu.memory_space<vmem>> -> memref<128x16xf32, #tpu.memory_space<vmem>>
      %dma_start3A_1901 = arith.constant 0 : i32
      %dma_start3A_1902 = tpu.memref_slice %arg12[%dma_start3A_1897, %dma_start3A_1901] : memref<8x128xi32, #tpu.memory_space<vmem>> -> memref<1x128xi32, #tpu.memory_space<vmem>>
      %dma_start3A_1903 = tpu.memref_squeeze %dma_start3A_1902 : memref<1x128xi32, #tpu.memory_space<vmem>> -> memref<128xi32, #tpu.memory_space<vmem>>
      %dma_start3A_1904 = arith.constant 0 : i32
      %dma_start3A_1905 = arith.constant 0 : i32
      %dma_start3A_1906 = tpu.memref_slice %arg15[%dma_start3A_1904, %dma_start3A_1905] : memref<2048x16xf32, #tpu.memory_space<vmem_shared>> -> memref<2048x16xf32, #tpu.memory_space<vmem_shared>>
      tpu.enqueue_indirect_dma source(%dma_start3A_1906 : memref<2048x16xf32, #tpu.memory_space<vmem_shared>>) target(%dma_start3A_1900 : memref<128x16xf32, #tpu.memory_space<vmem>>) offsets(%dma_start3A_1903 : memref<128xi32, #tpu.memory_space<vmem>>) semaphore(%arg19 : memref<!tpu.dma_semaphore, #tpu.memory_space<semaphore_mem>>)
      %add3A_1907 = arith.constant 80 : i32
      %add3A_1908 = vector.broadcast %add3A_1907 : i32 to vector<16xi32>
      %add3A_1909 = arith.addi %select_n3A, %add3A_1908 : vector<16xi32>
      %gather3A_1910 = tpu.vector_load_idx %arg10[%select_n3A_80, %add3A_1909] : memref<2x128xi32, #tpu.memory_space<vmem>>[vector<16xi32>, vector<16xi32>], vector<16xi32>,
      %shift_right_arithmetic3A_1911 = arith.shrsi %gather3A_1910, %mul3A_105 : vector<16xi32>
      %and3A_1912 = arith.constant 255 : i32
      %and3A_1913 = vector.broadcast %and3A_1912 : i32 to vector<16xi32>
      %and3A_1914 = arith.andi %shift_right_arithmetic3A_1911, %and3A_1913 : vector<16xi32>
      %add3A_1915 = arith.addi %and3A_1914, %mul3A_49 : vector<16xi32>
      %swap3A_1916 = arith.constant 5 : i32
      %swap3A_1917 = arith.index_cast %swap3A_1916 : i32 to index
      %swap3A_1918 = arith.constant 0 : index
      %swap3A_1919 = tpu.vector_load %arg12[%swap3A_1917, %swap3A_1918] {strides = array<i32>} : memref<8x128xi32, #tpu.memory_space<vmem>>, vector<16xi32>,
      tpu.vector_store %arg12[%swap3A_1917, %swap3A_1918], %add3A_1915 {strides = array<i32>} : memref<8x128xi32, #tpu.memory_space<vmem>>, vector<16xi32>,
      %add3A_1920 = arith.constant 82 : i32
      %add3A_1921 = vector.broadcast %add3A_1920 : i32 to vector<16xi32>
      %add3A_1922 = arith.addi %select_n3A, %add3A_1921 : vector<16xi32>
      %gather3A_1923 = tpu.vector_load_idx %arg10[%select_n3A_80, %add3A_1922] : memref<2x128xi32, #tpu.memory_space<vmem>>[vector<16xi32>, vector<16xi32>], vector<16xi32>,
      %shift_right_arithmetic3A_1924 = arith.shrsi %gather3A_1923, %mul3A_105 : vector<16xi32>
      %and3A_1925 = arith.constant 255 : i32
      %and3A_1926 = vector.broadcast %and3A_1925 : i32 to vector<16xi32>
      %and3A_1927 = arith.andi %shift_right_arithmetic3A_1924, %and3A_1926 : vector<16xi32>
      %add3A_1928 = arith.addi %and3A_1927, %mul3A_49 : vector<16xi32>
      %swap3A_1929 = arith.constant 5 : i32
      %swap3A_1930 = arith.index_cast %swap3A_1929 : i32 to index
      %swap3A_1931 = arith.constant 16 : index
      %swap3A_1932 = tpu.vector_load %arg12[%swap3A_1930, %swap3A_1931] {strides = array<i32>} : memref<8x128xi32, #tpu.memory_space<vmem>>, vector<16xi32>,
      tpu.vector_store %arg12[%swap3A_1930, %swap3A_1931], %add3A_1928 {strides = array<i32>} : memref<8x128xi32, #tpu.memory_space<vmem>>, vector<16xi32>,
      %add3A_1933 = arith.constant 84 : i32
      %add3A_1934 = vector.broadcast %add3A_1933 : i32 to vector<16xi32>
      %add3A_1935 = arith.addi %select_n3A, %add3A_1934 : vector<16xi32>
      %gather3A_1936 = tpu.vector_load_idx %arg10[%select_n3A_80, %add3A_1935] : memref<2x128xi32, #tpu.memory_space<vmem>>[vector<16xi32>, vector<16xi32>], vector<16xi32>,
      %shift_right_arithmetic3A_1937 = arith.shrsi %gather3A_1936, %mul3A_105 : vector<16xi32>
      %and3A_1938 = arith.constant 255 : i32
      %and3A_1939 = vector.broadcast %and3A_1938 : i32 to vector<16xi32>
      %and3A_1940 = arith.andi %shift_right_arithmetic3A_1937, %and3A_1939 : vector<16xi32>
      %add3A_1941 = arith.addi %and3A_1940, %mul3A_49 : vector<16xi32>
      %swap3A_1942 = arith.constant 5 : i32
      %swap3A_1943 = arith.index_cast %swap3A_1942 : i32 to index
      %swap3A_1944 = arith.constant 32 : index
      %swap3A_1945 = tpu.vector_load %arg12[%swap3A_1943, %swap3A_1944] {strides = array<i32>} : memref<8x128xi32, #tpu.memory_space<vmem>>, vector<16xi32>,
      tpu.vector_store %arg12[%swap3A_1943, %swap3A_1944], %add3A_1941 {strides = array<i32>} : memref<8x128xi32, #tpu.memory_space<vmem>>, vector<16xi32>,
      %add3A_1946 = arith.constant 86 : i32
      %add3A_1947 = vector.broadcast %add3A_1946 : i32 to vector<16xi32>
      %add3A_1948 = arith.addi %select_n3A, %add3A_1947 : vector<16xi32>
      %gather3A_1949 = tpu.vector_load_idx %arg10[%select_n3A_80, %add3A_1948] : memref<2x128xi32, #tpu.memory_space<vmem>>[vector<16xi32>, vector<16xi32>], vector<16xi32>,
      %shift_right_arithmetic3A_1950 = arith.shrsi %gather3A_1949, %mul3A_105 : vector<16xi32>
      %and3A_1951 = arith.constant 255 : i32
      %and3A_1952 = vector.broadcast %and3A_1951 : i32 to vector<16xi32>
      %and3A_1953 = arith.andi %shift_right_arithmetic3A_1950, %and3A_1952 : vector<16xi32>
      %add3A_1954 = arith.addi %and3A_1953, %mul3A_49 : vector<16xi32>
      %swap3A_1955 = arith.constant 5 : i32
      %swap3A_1956 = arith.index_cast %swap3A_1955 : i32 to index
      %swap3A_1957 = arith.constant 48 : index
      %swap3A_1958 = tpu.vector_load %arg12[%swap3A_1956, %swap3A_1957] {strides = array<i32>} : memref<8x128xi32, #tpu.memory_space<vmem>>, vector<16xi32>,
      tpu.vector_store %arg12[%swap3A_1956, %swap3A_1957], %add3A_1954 {strides = array<i32>} : memref<8x128xi32, #tpu.memory_space<vmem>>, vector<16xi32>,
      %add3A_1959 = arith.constant 88 : i32
      %add3A_1960 = vector.broadcast %add3A_1959 : i32 to vector<16xi32>
      %add3A_1961 = arith.addi %select_n3A, %add3A_1960 : vector<16xi32>
      %gather3A_1962 = tpu.vector_load_idx %arg10[%select_n3A_80, %add3A_1961] : memref<2x128xi32, #tpu.memory_space<vmem>>[vector<16xi32>, vector<16xi32>], vector<16xi32>,
      %shift_right_arithmetic3A_1963 = arith.shrsi %gather3A_1962, %mul3A_105 : vector<16xi32>
      %and3A_1964 = arith.constant 255 : i32
      %and3A_1965 = vector.broadcast %and3A_1964 : i32 to vector<16xi32>
      %and3A_1966 = arith.andi %shift_right_arithmetic3A_1963, %and3A_1965 : vector<16xi32>
      %add3A_1967 = arith.addi %and3A_1966, %mul3A_49 : vector<16xi32>
      %swap3A_1968 = arith.constant 5 : i32
      %swap3A_1969 = arith.index_cast %swap3A_1968 : i32 to index
      %swap3A_1970 = arith.constant 64 : index
      %swap3A_1971 = tpu.vector_load %arg12[%swap3A_1969, %swap3A_1970] {strides = array<i32>} : memref<8x128xi32, #tpu.memory_space<vmem>>, vector<16xi32>,
      tpu.vector_store %arg12[%swap3A_1969, %swap3A_1970], %add3A_1967 {strides = array<i32>} : memref<8x128xi32, #tpu.memory_space<vmem>>, vector<16xi32>,
      %add3A_1972 = arith.constant 90 : i32
      %add3A_1973 = vector.broadcast %add3A_1972 : i32 to vector<16xi32>
      %add3A_1974 = arith.addi %select_n3A, %add3A_1973 : vector<16xi32>
      %gather3A_1975 = tpu.vector_load_idx %arg10[%select_n3A_80, %add3A_1974] : memref<2x128xi32, #tpu.memory_space<vmem>>[vector<16xi32>, vector<16xi32>], vector<16xi32>,
      %shift_right_arithmetic3A_1976 = arith.shrsi %gather3A_1975, %mul3A_105 : vector<16xi32>
      %and3A_1977 = arith.constant 255 : i32
      %and3A_1978 = vector.broadcast %and3A_1977 : i32 to vector<16xi32>
      %and3A_1979 = arith.andi %shift_right_arithmetic3A_1976, %and3A_1978 : vector<16xi32>
      %add3A_1980 = arith.addi %and3A_1979, %mul3A_49 : vector<16xi32>
      %swap3A_1981 = arith.constant 5 : i32
      %swap3A_1982 = arith.index_cast %swap3A_1981 : i32 to index
      %swap3A_1983 = arith.constant 80 : index
      %swap3A_1984 = tpu.vector_load %arg12[%swap3A_1982, %swap3A_1983] {strides = array<i32>} : memref<8x128xi32, #tpu.memory_space<vmem>>, vector<16xi32>,
      tpu.vector_store %arg12[%swap3A_1982, %swap3A_1983], %add3A_1980 {strides = array<i32>} : memref<8x128xi32, #tpu.memory_space<vmem>>, vector<16xi32>,
      %add3A_1985 = arith.constant 92 : i32
      %add3A_1986 = vector.broadcast %add3A_1985 : i32 to vector<16xi32>
      %add3A_1987 = arith.addi %select_n3A, %add3A_1986 : vector<16xi32>
      %gather3A_1988 = tpu.vector_load_idx %arg10[%select_n3A_80, %add3A_1987] : memref<2x128xi32, #tpu.memory_space<vmem>>[vector<16xi32>, vector<16xi32>], vector<16xi32>,
      %shift_right_arithmetic3A_1989 = arith.shrsi %gather3A_1988, %mul3A_105 : vector<16xi32>
      %and3A_1990 = arith.constant 255 : i32
      %and3A_1991 = vector.broadcast %and3A_1990 : i32 to vector<16xi32>
      %and3A_1992 = arith.andi %shift_right_arithmetic3A_1989, %and3A_1991 : vector<16xi32>
      %add3A_1993 = arith.addi %and3A_1992, %mul3A_49 : vector<16xi32>
      %swap3A_1994 = arith.constant 5 : i32
      %swap3A_1995 = arith.index_cast %swap3A_1994 : i32 to index
      %swap3A_1996 = arith.constant 96 : index
      %swap3A_1997 = tpu.vector_load %arg12[%swap3A_1995, %swap3A_1996] {strides = array<i32>} : memref<8x128xi32, #tpu.memory_space<vmem>>, vector<16xi32>,
      tpu.vector_store %arg12[%swap3A_1995, %swap3A_1996], %add3A_1993 {strides = array<i32>} : memref<8x128xi32, #tpu.memory_space<vmem>>, vector<16xi32>,
      %add3A_1998 = arith.constant 94 : i32
      %add3A_1999 = vector.broadcast %add3A_1998 : i32 to vector<16xi32>
      %add3A_2000 = arith.addi %select_n3A, %add3A_1999 : vector<16xi32>
      %gather3A_2001 = tpu.vector_load_idx %arg10[%select_n3A_80, %add3A_2000] : memref<2x128xi32, #tpu.memory_space<vmem>>[vector<16xi32>, vector<16xi32>], vector<16xi32>,
      %shift_right_arithmetic3A_2002 = arith.shrsi %gather3A_2001, %mul3A_105 : vector<16xi32>
      %and3A_2003 = arith.constant 255 : i32
      %and3A_2004 = vector.broadcast %and3A_2003 : i32 to vector<16xi32>
      %and3A_2005 = arith.andi %shift_right_arithmetic3A_2002, %and3A_2004 : vector<16xi32>
      %add3A_2006 = arith.addi %and3A_2005, %mul3A_49 : vector<16xi32>
      %swap3A_2007 = arith.constant 5 : i32
      %swap3A_2008 = arith.index_cast %swap3A_2007 : i32 to index
      %swap3A_2009 = arith.constant 112 : index
      %swap3A_2010 = tpu.vector_load %arg12[%swap3A_2008, %swap3A_2009] {strides = array<i32>} : memref<8x128xi32, #tpu.memory_space<vmem>>, vector<16xi32>,
      tpu.vector_store %arg12[%swap3A_2008, %swap3A_2009], %add3A_2006 {strides = array<i32>} : memref<8x128xi32, #tpu.memory_space<vmem>>, vector<16xi32>,
      %dma_start3A_2011 = arith.constant 5 : i32
      %dma_start3A_2012 = arith.constant 640 : i32
      %dma_start3A_2013 = arith.constant 0 : i32
      %dma_start3A_2014 = tpu.memref_slice %arg14[%dma_start3A_2012, %dma_start3A_2013] : memref<1024x16xf32, #tpu.memory_space<vmem>> -> memref<128x16xf32, #tpu.memory_space<vmem>>
      %dma_start3A_2015 = arith.constant 0 : i32
      %dma_start3A_2016 = tpu.memref_slice %arg12[%dma_start3A_2011, %dma_start3A_2015] : memref<8x128xi32, #tpu.memory_space<vmem>> -> memref<1x128xi32, #tpu.memory_space<vmem>>
      %dma_start3A_2017 = tpu.memref_squeeze %dma_start3A_2016 : memref<1x128xi32, #tpu.memory_space<vmem>> -> memref<128xi32, #tpu.memory_space<vmem>>
      %dma_start3A_2018 = arith.constant 0 : i32
      %dma_start3A_2019 = arith.constant 0 : i32
      %dma_start3A_2020 = tpu.memref_slice %arg15[%dma_start3A_2018, %dma_start3A_2019] : memref<2048x16xf32, #tpu.memory_space<vmem_shared>> -> memref<2048x16xf32, #tpu.memory_space<vmem_shared>>
      tpu.enqueue_indirect_dma source(%dma_start3A_2020 : memref<2048x16xf32, #tpu.memory_space<vmem_shared>>) target(%dma_start3A_2014 : memref<128x16xf32, #tpu.memory_space<vmem>>) offsets(%dma_start3A_2017 : memref<128xi32, #tpu.memory_space<vmem>>) semaphore(%arg19 : memref<!tpu.dma_semaphore, #tpu.memory_space<semaphore_mem>>)
      %add3A_2021 = arith.constant 96 : i32
      %add3A_2022 = vector.broadcast %add3A_2021 : i32 to vector<16xi32>
      %add3A_2023 = arith.addi %select_n3A, %add3A_2022 : vector<16xi32>
      %gather3A_2024 = tpu.vector_load_idx %arg10[%select_n3A_80, %add3A_2023] : memref<2x128xi32, #tpu.memory_space<vmem>>[vector<16xi32>, vector<16xi32>], vector<16xi32>,
      %shift_right_arithmetic3A_2025 = arith.shrsi %gather3A_2024, %mul3A_105 : vector<16xi32>
      %and3A_2026 = arith.constant 255 : i32
      %and3A_2027 = vector.broadcast %and3A_2026 : i32 to vector<16xi32>
      %and3A_2028 = arith.andi %shift_right_arithmetic3A_2025, %and3A_2027 : vector<16xi32>
      %add3A_2029 = arith.addi %and3A_2028, %mul3A_49 : vector<16xi32>
      %swap3A_2030 = arith.constant 6 : i32
      %swap3A_2031 = arith.index_cast %swap3A_2030 : i32 to index
      %swap3A_2032 = arith.constant 0 : index
      %swap3A_2033 = tpu.vector_load %arg12[%swap3A_2031, %swap3A_2032] {strides = array<i32>} : memref<8x128xi32, #tpu.memory_space<vmem>>, vector<16xi32>,
      tpu.vector_store %arg12[%swap3A_2031, %swap3A_2032], %add3A_2029 {strides = array<i32>} : memref<8x128xi32, #tpu.memory_space<vmem>>, vector<16xi32>,
      %add3A_2034 = arith.constant 98 : i32
      %add3A_2035 = vector.broadcast %add3A_2034 : i32 to vector<16xi32>
      %add3A_2036 = arith.addi %select_n3A, %add3A_2035 : vector<16xi32>
      %gather3A_2037 = tpu.vector_load_idx %arg10[%select_n3A_80, %add3A_2036] : memref<2x128xi32, #tpu.memory_space<vmem>>[vector<16xi32>, vector<16xi32>], vector<16xi32>,
      %shift_right_arithmetic3A_2038 = arith.shrsi %gather3A_2037, %mul3A_105 : vector<16xi32>
      %and3A_2039 = arith.constant 255 : i32
      %and3A_2040 = vector.broadcast %and3A_2039 : i32 to vector<16xi32>
      %and3A_2041 = arith.andi %shift_right_arithmetic3A_2038, %and3A_2040 : vector<16xi32>
      %add3A_2042 = arith.addi %and3A_2041, %mul3A_49 : vector<16xi32>
      %swap3A_2043 = arith.constant 6 : i32
      %swap3A_2044 = arith.index_cast %swap3A_2043 : i32 to index
      %swap3A_2045 = arith.constant 16 : index
      %swap3A_2046 = tpu.vector_load %arg12[%swap3A_2044, %swap3A_2045] {strides = array<i32>} : memref<8x128xi32, #tpu.memory_space<vmem>>, vector<16xi32>,
      tpu.vector_store %arg12[%swap3A_2044, %swap3A_2045], %add3A_2042 {strides = array<i32>} : memref<8x128xi32, #tpu.memory_space<vmem>>, vector<16xi32>,
      %add3A_2047 = arith.constant 100 : i32
      %add3A_2048 = vector.broadcast %add3A_2047 : i32 to vector<16xi32>
      %add3A_2049 = arith.addi %select_n3A, %add3A_2048 : vector<16xi32>
      %gather3A_2050 = tpu.vector_load_idx %arg10[%select_n3A_80, %add3A_2049] : memref<2x128xi32, #tpu.memory_space<vmem>>[vector<16xi32>, vector<16xi32>], vector<16xi32>,
      %shift_right_arithmetic3A_2051 = arith.shrsi %gather3A_2050, %mul3A_105 : vector<16xi32>
      %and3A_2052 = arith.constant 255 : i32
      %and3A_2053 = vector.broadcast %and3A_2052 : i32 to vector<16xi32>
      %and3A_2054 = arith.andi %shift_right_arithmetic3A_2051, %and3A_2053 : vector<16xi32>
      %add3A_2055 = arith.addi %and3A_2054, %mul3A_49 : vector<16xi32>
      %swap3A_2056 = arith.constant 6 : i32
      %swap3A_2057 = arith.index_cast %swap3A_2056 : i32 to index
      %swap3A_2058 = arith.constant 32 : index
      %swap3A_2059 = tpu.vector_load %arg12[%swap3A_2057, %swap3A_2058] {strides = array<i32>} : memref<8x128xi32, #tpu.memory_space<vmem>>, vector<16xi32>,
      tpu.vector_store %arg12[%swap3A_2057, %swap3A_2058], %add3A_2055 {strides = array<i32>} : memref<8x128xi32, #tpu.memory_space<vmem>>, vector<16xi32>,
      %add3A_2060 = arith.constant 102 : i32
      %add3A_2061 = vector.broadcast %add3A_2060 : i32 to vector<16xi32>
      %add3A_2062 = arith.addi %select_n3A, %add3A_2061 : vector<16xi32>
      %gather3A_2063 = tpu.vector_load_idx %arg10[%select_n3A_80, %add3A_2062] : memref<2x128xi32, #tpu.memory_space<vmem>>[vector<16xi32>, vector<16xi32>], vector<16xi32>,
      %shift_right_arithmetic3A_2064 = arith.shrsi %gather3A_2063, %mul3A_105 : vector<16xi32>
      %and3A_2065 = arith.constant 255 : i32
      %and3A_2066 = vector.broadcast %and3A_2065 : i32 to vector<16xi32>
      %and3A_2067 = arith.andi %shift_right_arithmetic3A_2064, %and3A_2066 : vector<16xi32>
      %add3A_2068 = arith.addi %and3A_2067, %mul3A_49 : vector<16xi32>
      %swap3A_2069 = arith.constant 6 : i32
      %swap3A_2070 = arith.index_cast %swap3A_2069 : i32 to index
      %swap3A_2071 = arith.constant 48 : index
      %swap3A_2072 = tpu.vector_load %arg12[%swap3A_2070, %swap3A_2071] {strides = array<i32>} : memref<8x128xi32, #tpu.memory_space<vmem>>, vector<16xi32>,
      tpu.vector_store %arg12[%swap3A_2070, %swap3A_2071], %add3A_2068 {strides = array<i32>} : memref<8x128xi32, #tpu.memory_space<vmem>>, vector<16xi32>,
      %add3A_2073 = arith.constant 104 : i32
      %add3A_2074 = vector.broadcast %add3A_2073 : i32 to vector<16xi32>
      %add3A_2075 = arith.addi %select_n3A, %add3A_2074 : vector<16xi32>
      %gather3A_2076 = tpu.vector_load_idx %arg10[%select_n3A_80, %add3A_2075] : memref<2x128xi32, #tpu.memory_space<vmem>>[vector<16xi32>, vector<16xi32>], vector<16xi32>,
      %shift_right_arithmetic3A_2077 = arith.shrsi %gather3A_2076, %mul3A_105 : vector<16xi32>
      %and3A_2078 = arith.constant 255 : i32
      %and3A_2079 = vector.broadcast %and3A_2078 : i32 to vector<16xi32>
      %and3A_2080 = arith.andi %shift_right_arithmetic3A_2077, %and3A_2079 : vector<16xi32>
      %add3A_2081 = arith.addi %and3A_2080, %mul3A_49 : vector<16xi32>
      %swap3A_2082 = arith.constant 6 : i32
      %swap3A_2083 = arith.index_cast %swap3A_2082 : i32 to index
      %swap3A_2084 = arith.constant 64 : index
      %swap3A_2085 = tpu.vector_load %arg12[%swap3A_2083, %swap3A_2084] {strides = array<i32>} : memref<8x128xi32, #tpu.memory_space<vmem>>, vector<16xi32>,
      tpu.vector_store %arg12[%swap3A_2083, %swap3A_2084], %add3A_2081 {strides = array<i32>} : memref<8x128xi32, #tpu.memory_space<vmem>>, vector<16xi32>,
      %add3A_2086 = arith.constant 106 : i32
      %add3A_2087 = vector.broadcast %add3A_2086 : i32 to vector<16xi32>
      %add3A_2088 = arith.addi %select_n3A, %add3A_2087 : vector<16xi32>
      %gather3A_2089 = tpu.vector_load_idx %arg10[%select_n3A_80, %add3A_2088] : memref<2x128xi32, #tpu.memory_space<vmem>>[vector<16xi32>, vector<16xi32>], vector<16xi32>,
      %shift_right_arithmetic3A_2090 = arith.shrsi %gather3A_2089, %mul3A_105 : vector<16xi32>
      %and3A_2091 = arith.constant 255 : i32
      %and3A_2092 = vector.broadcast %and3A_2091 : i32 to vector<16xi32>
      %and3A_2093 = arith.andi %shift_right_arithmetic3A_2090, %and3A_2092 : vector<16xi32>
      %add3A_2094 = arith.addi %and3A_2093, %mul3A_49 : vector<16xi32>
      %swap3A_2095 = arith.constant 6 : i32
      %swap3A_2096 = arith.index_cast %swap3A_2095 : i32 to index
      %swap3A_2097 = arith.constant 80 : index
      %swap3A_2098 = tpu.vector_load %arg12[%swap3A_2096, %swap3A_2097] {strides = array<i32>} : memref<8x128xi32, #tpu.memory_space<vmem>>, vector<16xi32>,
      tpu.vector_store %arg12[%swap3A_2096, %swap3A_2097], %add3A_2094 {strides = array<i32>} : memref<8x128xi32, #tpu.memory_space<vmem>>, vector<16xi32>,
      %add3A_2099 = arith.constant 108 : i32
      %add3A_2100 = vector.broadcast %add3A_2099 : i32 to vector<16xi32>
      %add3A_2101 = arith.addi %select_n3A, %add3A_2100 : vector<16xi32>
      %gather3A_2102 = tpu.vector_load_idx %arg10[%select_n3A_80, %add3A_2101] : memref<2x128xi32, #tpu.memory_space<vmem>>[vector<16xi32>, vector<16xi32>], vector<16xi32>,
      %shift_right_arithmetic3A_2103 = arith.shrsi %gather3A_2102, %mul3A_105 : vector<16xi32>
      %and3A_2104 = arith.constant 255 : i32
      %and3A_2105 = vector.broadcast %and3A_2104 : i32 to vector<16xi32>
      %and3A_2106 = arith.andi %shift_right_arithmetic3A_2103, %and3A_2105 : vector<16xi32>
      %add3A_2107 = arith.addi %and3A_2106, %mul3A_49 : vector<16xi32>
      %swap3A_2108 = arith.constant 6 : i32
      %swap3A_2109 = arith.index_cast %swap3A_2108 : i32 to index
      %swap3A_2110 = arith.constant 96 : index
      %swap3A_2111 = tpu.vector_load %arg12[%swap3A_2109, %swap3A_2110] {strides = array<i32>} : memref<8x128xi32, #tpu.memory_space<vmem>>, vector<16xi32>,
      tpu.vector_store %arg12[%swap3A_2109, %swap3A_2110], %add3A_2107 {strides = array<i32>} : memref<8x128xi32, #tpu.memory_space<vmem>>, vector<16xi32>,
      %add3A_2112 = arith.constant 110 : i32
      %add3A_2113 = vector.broadcast %add3A_2112 : i32 to vector<16xi32>
      %add3A_2114 = arith.addi %select_n3A, %add3A_2113 : vector<16xi32>
      %gather3A_2115 = tpu.vector_load_idx %arg10[%select_n3A_80, %add3A_2114] : memref<2x128xi32, #tpu.memory_space<vmem>>[vector<16xi32>, vector<16xi32>], vector<16xi32>,
      %shift_right_arithmetic3A_2116 = arith.shrsi %gather3A_2115, %mul3A_105 : vector<16xi32>
      %and3A_2117 = arith.constant 255 : i32
      %and3A_2118 = vector.broadcast %and3A_2117 : i32 to vector<16xi32>
      %and3A_2119 = arith.andi %shift_right_arithmetic3A_2116, %and3A_2118 : vector<16xi32>
      %add3A_2120 = arith.addi %and3A_2119, %mul3A_49 : vector<16xi32>
      %swap3A_2121 = arith.constant 6 : i32
      %swap3A_2122 = arith.index_cast %swap3A_2121 : i32 to index
      %swap3A_2123 = arith.constant 112 : index
      %swap3A_2124 = tpu.vector_load %arg12[%swap3A_2122, %swap3A_2123] {strides = array<i32>} : memref<8x128xi32, #tpu.memory_space<vmem>>, vector<16xi32>,
      tpu.vector_store %arg12[%swap3A_2122, %swap3A_2123], %add3A_2120 {strides = array<i32>} : memref<8x128xi32, #tpu.memory_space<vmem>>, vector<16xi32>,
      %dma_start3A_2125 = arith.constant 6 : i32
      %dma_start3A_2126 = arith.constant 768 : i32
      %dma_start3A_2127 = arith.constant 0 : i32
      %dma_start3A_2128 = tpu.memref_slice %arg14[%dma_start3A_2126, %dma_start3A_2127] : memref<1024x16xf32, #tpu.memory_space<vmem>> -> memref<128x16xf32, #tpu.memory_space<vmem>>
      %dma_start3A_2129 = arith.constant 0 : i32
      %dma_start3A_2130 = tpu.memref_slice %arg12[%dma_start3A_2125, %dma_start3A_2129] : memref<8x128xi32, #tpu.memory_space<vmem>> -> memref<1x128xi32, #tpu.memory_space<vmem>>
      %dma_start3A_2131 = tpu.memref_squeeze %dma_start3A_2130 : memref<1x128xi32, #tpu.memory_space<vmem>> -> memref<128xi32, #tpu.memory_space<vmem>>
      %dma_start3A_2132 = arith.constant 0 : i32
      %dma_start3A_2133 = arith.constant 0 : i32
      %dma_start3A_2134 = tpu.memref_slice %arg15[%dma_start3A_2132, %dma_start3A_2133] : memref<2048x16xf32, #tpu.memory_space<vmem_shared>> -> memref<2048x16xf32, #tpu.memory_space<vmem_shared>>
      tpu.enqueue_indirect_dma source(%dma_start3A_2134 : memref<2048x16xf32, #tpu.memory_space<vmem_shared>>) target(%dma_start3A_2128 : memref<128x16xf32, #tpu.memory_space<vmem>>) offsets(%dma_start3A_2131 : memref<128xi32, #tpu.memory_space<vmem>>) semaphore(%arg19 : memref<!tpu.dma_semaphore, #tpu.memory_space<semaphore_mem>>)
      %add3A_2135 = arith.constant 112 : i32
      %add3A_2136 = vector.broadcast %add3A_2135 : i32 to vector<16xi32>
      %add3A_2137 = arith.addi %select_n3A, %add3A_2136 : vector<16xi32>
      %gather3A_2138 = tpu.vector_load_idx %arg10[%select_n3A_80, %add3A_2137] : memref<2x128xi32, #tpu.memory_space<vmem>>[vector<16xi32>, vector<16xi32>], vector<16xi32>,
      %shift_right_arithmetic3A_2139 = arith.shrsi %gather3A_2138, %mul3A_105 : vector<16xi32>
      %and3A_2140 = arith.constant 255 : i32
      %and3A_2141 = vector.broadcast %and3A_2140 : i32 to vector<16xi32>
      %and3A_2142 = arith.andi %shift_right_arithmetic3A_2139, %and3A_2141 : vector<16xi32>
      %add3A_2143 = arith.addi %and3A_2142, %mul3A_49 : vector<16xi32>
      %swap3A_2144 = arith.constant 7 : i32
      %swap3A_2145 = arith.index_cast %swap3A_2144 : i32 to index
      %swap3A_2146 = arith.constant 0 : index
      %swap3A_2147 = tpu.vector_load %arg12[%swap3A_2145, %swap3A_2146] {strides = array<i32>} : memref<8x128xi32, #tpu.memory_space<vmem>>, vector<16xi32>,
      tpu.vector_store %arg12[%swap3A_2145, %swap3A_2146], %add3A_2143 {strides = array<i32>} : memref<8x128xi32, #tpu.memory_space<vmem>>, vector<16xi32>,
      %add3A_2148 = arith.constant 114 : i32
      %add3A_2149 = vector.broadcast %add3A_2148 : i32 to vector<16xi32>
      %add3A_2150 = arith.addi %select_n3A, %add3A_2149 : vector<16xi32>
      %gather3A_2151 = tpu.vector_load_idx %arg10[%select_n3A_80, %add3A_2150] : memref<2x128xi32, #tpu.memory_space<vmem>>[vector<16xi32>, vector<16xi32>], vector<16xi32>,
      %shift_right_arithmetic3A_2152 = arith.shrsi %gather3A_2151, %mul3A_105 : vector<16xi32>
      %and3A_2153 = arith.constant 255 : i32
      %and3A_2154 = vector.broadcast %and3A_2153 : i32 to vector<16xi32>
      %and3A_2155 = arith.andi %shift_right_arithmetic3A_2152, %and3A_2154 : vector<16xi32>
      %add3A_2156 = arith.addi %and3A_2155, %mul3A_49 : vector<16xi32>
      %swap3A_2157 = arith.constant 7 : i32
      %swap3A_2158 = arith.index_cast %swap3A_2157 : i32 to index
      %swap3A_2159 = arith.constant 16 : index
      %swap3A_2160 = tpu.vector_load %arg12[%swap3A_2158, %swap3A_2159] {strides = array<i32>} : memref<8x128xi32, #tpu.memory_space<vmem>>, vector<16xi32>,
      tpu.vector_store %arg12[%swap3A_2158, %swap3A_2159], %add3A_2156 {strides = array<i32>} : memref<8x128xi32, #tpu.memory_space<vmem>>, vector<16xi32>,
      %add3A_2161 = arith.constant 116 : i32
      %add3A_2162 = vector.broadcast %add3A_2161 : i32 to vector<16xi32>
      %add3A_2163 = arith.addi %select_n3A, %add3A_2162 : vector<16xi32>
      %gather3A_2164 = tpu.vector_load_idx %arg10[%select_n3A_80, %add3A_2163] : memref<2x128xi32, #tpu.memory_space<vmem>>[vector<16xi32>, vector<16xi32>], vector<16xi32>,
      %shift_right_arithmetic3A_2165 = arith.shrsi %gather3A_2164, %mul3A_105 : vector<16xi32>
      %and3A_2166 = arith.constant 255 : i32
      %and3A_2167 = vector.broadcast %and3A_2166 : i32 to vector<16xi32>
      %and3A_2168 = arith.andi %shift_right_arithmetic3A_2165, %and3A_2167 : vector<16xi32>
      %add3A_2169 = arith.addi %and3A_2168, %mul3A_49 : vector<16xi32>
      %swap3A_2170 = arith.constant 7 : i32
      %swap3A_2171 = arith.index_cast %swap3A_2170 : i32 to index
      %swap3A_2172 = arith.constant 32 : index
      %swap3A_2173 = tpu.vector_load %arg12[%swap3A_2171, %swap3A_2172] {strides = array<i32>} : memref<8x128xi32, #tpu.memory_space<vmem>>, vector<16xi32>,
      tpu.vector_store %arg12[%swap3A_2171, %swap3A_2172], %add3A_2169 {strides = array<i32>} : memref<8x128xi32, #tpu.memory_space<vmem>>, vector<16xi32>,
      %add3A_2174 = arith.constant 118 : i32
      %add3A_2175 = vector.broadcast %add3A_2174 : i32 to vector<16xi32>
      %add3A_2176 = arith.addi %select_n3A, %add3A_2175 : vector<16xi32>
      %gather3A_2177 = tpu.vector_load_idx %arg10[%select_n3A_80, %add3A_2176] : memref<2x128xi32, #tpu.memory_space<vmem>>[vector<16xi32>, vector<16xi32>], vector<16xi32>,
      %shift_right_arithmetic3A_2178 = arith.shrsi %gather3A_2177, %mul3A_105 : vector<16xi32>
      %and3A_2179 = arith.constant 255 : i32
      %and3A_2180 = vector.broadcast %and3A_2179 : i32 to vector<16xi32>
      %and3A_2181 = arith.andi %shift_right_arithmetic3A_2178, %and3A_2180 : vector<16xi32>
      %add3A_2182 = arith.addi %and3A_2181, %mul3A_49 : vector<16xi32>
      %swap3A_2183 = arith.constant 7 : i32
      %swap3A_2184 = arith.index_cast %swap3A_2183 : i32 to index
      %swap3A_2185 = arith.constant 48 : index
      %swap3A_2186 = tpu.vector_load %arg12[%swap3A_2184, %swap3A_2185] {strides = array<i32>} : memref<8x128xi32, #tpu.memory_space<vmem>>, vector<16xi32>,
      tpu.vector_store %arg12[%swap3A_2184, %swap3A_2185], %add3A_2182 {strides = array<i32>} : memref<8x128xi32, #tpu.memory_space<vmem>>, vector<16xi32>,
      %add3A_2187 = arith.constant 120 : i32
      %add3A_2188 = vector.broadcast %add3A_2187 : i32 to vector<16xi32>
      %add3A_2189 = arith.addi %select_n3A, %add3A_2188 : vector<16xi32>
      %gather3A_2190 = tpu.vector_load_idx %arg10[%select_n3A_80, %add3A_2189] : memref<2x128xi32, #tpu.memory_space<vmem>>[vector<16xi32>, vector<16xi32>], vector<16xi32>,
      %shift_right_arithmetic3A_2191 = arith.shrsi %gather3A_2190, %mul3A_105 : vector<16xi32>
      %and3A_2192 = arith.constant 255 : i32
      %and3A_2193 = vector.broadcast %and3A_2192 : i32 to vector<16xi32>
      %and3A_2194 = arith.andi %shift_right_arithmetic3A_2191, %and3A_2193 : vector<16xi32>
      %add3A_2195 = arith.addi %and3A_2194, %mul3A_49 : vector<16xi32>
      %swap3A_2196 = arith.constant 7 : i32
      %swap3A_2197 = arith.index_cast %swap3A_2196 : i32 to index
      %swap3A_2198 = arith.constant 64 : index
      %swap3A_2199 = tpu.vector_load %arg12[%swap3A_2197, %swap3A_2198] {strides = array<i32>} : memref<8x128xi32, #tpu.memory_space<vmem>>, vector<16xi32>,
      tpu.vector_store %arg12[%swap3A_2197, %swap3A_2198], %add3A_2195 {strides = array<i32>} : memref<8x128xi32, #tpu.memory_space<vmem>>, vector<16xi32>,
      %add3A_2200 = arith.constant 122 : i32
      %add3A_2201 = vector.broadcast %add3A_2200 : i32 to vector<16xi32>
      %add3A_2202 = arith.addi %select_n3A, %add3A_2201 : vector<16xi32>
      %gather3A_2203 = tpu.vector_load_idx %arg10[%select_n3A_80, %add3A_2202] : memref<2x128xi32, #tpu.memory_space<vmem>>[vector<16xi32>, vector<16xi32>], vector<16xi32>,
      %shift_right_arithmetic3A_2204 = arith.shrsi %gather3A_2203, %mul3A_105 : vector<16xi32>
      %and3A_2205 = arith.constant 255 : i32
      %and3A_2206 = vector.broadcast %and3A_2205 : i32 to vector<16xi32>
      %and3A_2207 = arith.andi %shift_right_arithmetic3A_2204, %and3A_2206 : vector<16xi32>
      %add3A_2208 = arith.addi %and3A_2207, %mul3A_49 : vector<16xi32>
      %swap3A_2209 = arith.constant 7 : i32
      %swap3A_2210 = arith.index_cast %swap3A_2209 : i32 to index
      %swap3A_2211 = arith.constant 80 : index
      %swap3A_2212 = tpu.vector_load %arg12[%swap3A_2210, %swap3A_2211] {strides = array<i32>} : memref<8x128xi32, #tpu.memory_space<vmem>>, vector<16xi32>,
      tpu.vector_store %arg12[%swap3A_2210, %swap3A_2211], %add3A_2208 {strides = array<i32>} : memref<8x128xi32, #tpu.memory_space<vmem>>, vector<16xi32>,
      %add3A_2213 = arith.constant 124 : i32
      %add3A_2214 = vector.broadcast %add3A_2213 : i32 to vector<16xi32>
      %add3A_2215 = arith.addi %select_n3A, %add3A_2214 : vector<16xi32>
      %gather3A_2216 = tpu.vector_load_idx %arg10[%select_n3A_80, %add3A_2215] : memref<2x128xi32, #tpu.memory_space<vmem>>[vector<16xi32>, vector<16xi32>], vector<16xi32>,
      %shift_right_arithmetic3A_2217 = arith.shrsi %gather3A_2216, %mul3A_105 : vector<16xi32>
      %and3A_2218 = arith.constant 255 : i32
      %and3A_2219 = vector.broadcast %and3A_2218 : i32 to vector<16xi32>
      %and3A_2220 = arith.andi %shift_right_arithmetic3A_2217, %and3A_2219 : vector<16xi32>
      %add3A_2221 = arith.addi %and3A_2220, %mul3A_49 : vector<16xi32>
      %swap3A_2222 = arith.constant 7 : i32
      %swap3A_2223 = arith.index_cast %swap3A_2222 : i32 to index
      %swap3A_2224 = arith.constant 96 : index
      %swap3A_2225 = tpu.vector_load %arg12[%swap3A_2223, %swap3A_2224] {strides = array<i32>} : memref<8x128xi32, #tpu.memory_space<vmem>>, vector<16xi32>,
      tpu.vector_store %arg12[%swap3A_2223, %swap3A_2224], %add3A_2221 {strides = array<i32>} : memref<8x128xi32, #tpu.memory_space<vmem>>, vector<16xi32>,
      %add3A_2226 = arith.constant 126 : i32
      %add3A_2227 = vector.broadcast %add3A_2226 : i32 to vector<16xi32>
      %add3A_2228 = arith.addi %select_n3A, %add3A_2227 : vector<16xi32>
      %gather3A_2229 = tpu.vector_load_idx %arg10[%select_n3A_80, %add3A_2228] : memref<2x128xi32, #tpu.memory_space<vmem>>[vector<16xi32>, vector<16xi32>], vector<16xi32>,
      %shift_right_arithmetic3A_2230 = arith.shrsi %gather3A_2229, %mul3A_105 : vector<16xi32>
      %and3A_2231 = arith.constant 255 : i32
      %and3A_2232 = vector.broadcast %and3A_2231 : i32 to vector<16xi32>
      %and3A_2233 = arith.andi %shift_right_arithmetic3A_2230, %and3A_2232 : vector<16xi32>
      %add3A_2234 = arith.addi %and3A_2233, %mul3A_49 : vector<16xi32>
      %swap3A_2235 = arith.constant 7 : i32
      %swap3A_2236 = arith.index_cast %swap3A_2235 : i32 to index
      %swap3A_2237 = arith.constant 112 : index
      %swap3A_2238 = tpu.vector_load %arg12[%swap3A_2236, %swap3A_2237] {strides = array<i32>} : memref<8x128xi32, #tpu.memory_space<vmem>>, vector<16xi32>,
      tpu.vector_store %arg12[%swap3A_2236, %swap3A_2237], %add3A_2234 {strides = array<i32>} : memref<8x128xi32, #tpu.memory_space<vmem>>, vector<16xi32>,
      %dma_start3A_2239 = arith.constant 7 : i32
      %dma_start3A_2240 = arith.constant 896 : i32
      %dma_start3A_2241 = arith.constant 0 : i32
      %dma_start3A_2242 = tpu.memref_slice %arg14[%dma_start3A_2240, %dma_start3A_2241] : memref<1024x16xf32, #tpu.memory_space<vmem>> -> memref<128x16xf32, #tpu.memory_space<vmem>>
      %dma_start3A_2243 = arith.constant 0 : i32
      %dma_start3A_2244 = tpu.memref_slice %arg12[%dma_start3A_2239, %dma_start3A_2243] : memref<8x128xi32, #tpu.memory_space<vmem>> -> memref<1x128xi32, #tpu.memory_space<vmem>>
      %dma_start3A_2245 = tpu.memref_squeeze %dma_start3A_2244 : memref<1x128xi32, #tpu.memory_space<vmem>> -> memref<128xi32, #tpu.memory_space<vmem>>
      %dma_start3A_2246 = arith.constant 0 : i32
      %dma_start3A_2247 = arith.constant 0 : i32
      %dma_start3A_2248 = tpu.memref_slice %arg15[%dma_start3A_2246, %dma_start3A_2247] : memref<2048x16xf32, #tpu.memory_space<vmem_shared>> -> memref<2048x16xf32, #tpu.memory_space<vmem_shared>>
      tpu.enqueue_indirect_dma source(%dma_start3A_2248 : memref<2048x16xf32, #tpu.memory_space<vmem_shared>>) target(%dma_start3A_2242 : memref<128x16xf32, #tpu.memory_space<vmem>>) offsets(%dma_start3A_2245 : memref<128xi32, #tpu.memory_space<vmem>>) semaphore(%arg19 : memref<!tpu.dma_semaphore, #tpu.memory_space<semaphore_mem>>)
      %dma_wait3A_2249 = arith.constant 0 : i32
      %dma_wait3A_2250 = arith.constant 0 : i32
      %dma_wait3A_2251 = arith.constant 0 : i32
      %dma_wait3A_2252 = tpu.memref_slice %arg14[%dma_wait3A_2250, %dma_wait3A_2251] : memref<1024x16xf32, #tpu.memory_space<vmem>> -> memref<128x16xf32, #tpu.memory_space<vmem>>
      %dma_wait3A_2253 = arith.constant 0 : i32
      %dma_wait3A_2254 = tpu.memref_slice %arg12[%dma_wait3A_2249, %dma_wait3A_2253] : memref<8x128xi32, #tpu.memory_space<vmem>> -> memref<1x128xi32, #tpu.memory_space<vmem>>
      %dma_wait3A_2255 = tpu.memref_squeeze %dma_wait3A_2254 : memref<1x128xi32, #tpu.memory_space<vmem>> -> memref<128xi32, #tpu.memory_space<vmem>>
      %dma_wait3A_2256 = arith.constant 0 : i32
      %dma_wait3A_2257 = arith.constant 0 : i32
      %dma_wait3A_2258 = tpu.memref_slice %arg15[%dma_wait3A_2256, %dma_wait3A_2257] : memref<2048x16xf32, #tpu.memory_space<vmem_shared>> -> memref<2048x16xf32, #tpu.memory_space<vmem_shared>>
      tpu.wait_indirect_dma semaphore(%arg19 : memref<!tpu.dma_semaphore, #tpu.memory_space<semaphore_mem>>) src(%dma_wait3A_2258 : memref<2048x16xf32, #tpu.memory_space<vmem_shared>>) dst(%dma_wait3A_2252 : memref<128x16xf32, #tpu.memory_space<vmem>>)
      %dma_wait3A_2259 = arith.constant 1 : i32
      %dma_wait3A_2260 = arith.constant 128 : i32
      %dma_wait3A_2261 = arith.constant 0 : i32
      %dma_wait3A_2262 = tpu.memref_slice %arg14[%dma_wait3A_2260, %dma_wait3A_2261] : memref<1024x16xf32, #tpu.memory_space<vmem>> -> memref<128x16xf32, #tpu.memory_space<vmem>>
      %dma_wait3A_2263 = arith.constant 0 : i32
      %dma_wait3A_2264 = tpu.memref_slice %arg12[%dma_wait3A_2259, %dma_wait3A_2263] : memref<8x128xi32, #tpu.memory_space<vmem>> -> memref<1x128xi32, #tpu.memory_space<vmem>>
      %dma_wait3A_2265 = tpu.memref_squeeze %dma_wait3A_2264 : memref<1x128xi32, #tpu.memory_space<vmem>> -> memref<128xi32, #tpu.memory_space<vmem>>
      %dma_wait3A_2266 = arith.constant 0 : i32
      %dma_wait3A_2267 = arith.constant 0 : i32
      %dma_wait3A_2268 = tpu.memref_slice %arg15[%dma_wait3A_2266, %dma_wait3A_2267] : memref<2048x16xf32, #tpu.memory_space<vmem_shared>> -> memref<2048x16xf32, #tpu.memory_space<vmem_shared>>
      tpu.wait_indirect_dma semaphore(%arg19 : memref<!tpu.dma_semaphore, #tpu.memory_space<semaphore_mem>>) src(%dma_wait3A_2268 : memref<2048x16xf32, #tpu.memory_space<vmem_shared>>) dst(%dma_wait3A_2262 : memref<128x16xf32, #tpu.memory_space<vmem>>)
      %dma_wait3A_2269 = arith.constant 2 : i32
      %dma_wait3A_2270 = arith.constant 256 : i32
      %dma_wait3A_2271 = arith.constant 0 : i32
      %dma_wait3A_2272 = tpu.memref_slice %arg14[%dma_wait3A_2270, %dma_wait3A_2271] : memref<1024x16xf32, #tpu.memory_space<vmem>> -> memref<128x16xf32, #tpu.memory_space<vmem>>
      %dma_wait3A_2273 = arith.constant 0 : i32
      %dma_wait3A_2274 = tpu.memref_slice %arg12[%dma_wait3A_2269, %dma_wait3A_2273] : memref<8x128xi32, #tpu.memory_space<vmem>> -> memref<1x128xi32, #tpu.memory_space<vmem>>
      %dma_wait3A_2275 = tpu.memref_squeeze %dma_wait3A_2274 : memref<1x128xi32, #tpu.memory_space<vmem>> -> memref<128xi32, #tpu.memory_space<vmem>>
      %dma_wait3A_2276 = arith.constant 0 : i32
      %dma_wait3A_2277 = arith.constant 0 : i32
      %dma_wait3A_2278 = tpu.memref_slice %arg15[%dma_wait3A_2276, %dma_wait3A_2277] : memref<2048x16xf32, #tpu.memory_space<vmem_shared>> -> memref<2048x16xf32, #tpu.memory_space<vmem_shared>>
      tpu.wait_indirect_dma semaphore(%arg19 : memref<!tpu.dma_semaphore, #tpu.memory_space<semaphore_mem>>) src(%dma_wait3A_2278 : memref<2048x16xf32, #tpu.memory_space<vmem_shared>>) dst(%dma_wait3A_2272 : memref<128x16xf32, #tpu.memory_space<vmem>>)
      %dma_wait3A_2279 = arith.constant 3 : i32
      %dma_wait3A_2280 = arith.constant 384 : i32
      %dma_wait3A_2281 = arith.constant 0 : i32
      %dma_wait3A_2282 = tpu.memref_slice %arg14[%dma_wait3A_2280, %dma_wait3A_2281] : memref<1024x16xf32, #tpu.memory_space<vmem>> -> memref<128x16xf32, #tpu.memory_space<vmem>>
      %dma_wait3A_2283 = arith.constant 0 : i32
      %dma_wait3A_2284 = tpu.memref_slice %arg12[%dma_wait3A_2279, %dma_wait3A_2283] : memref<8x128xi32, #tpu.memory_space<vmem>> -> memref<1x128xi32, #tpu.memory_space<vmem>>
      %dma_wait3A_2285 = tpu.memref_squeeze %dma_wait3A_2284 : memref<1x128xi32, #tpu.memory_space<vmem>> -> memref<128xi32, #tpu.memory_space<vmem>>
      %dma_wait3A_2286 = arith.constant 0 : i32
      %dma_wait3A_2287 = arith.constant 0 : i32
      %dma_wait3A_2288 = tpu.memref_slice %arg15[%dma_wait3A_2286, %dma_wait3A_2287] : memref<2048x16xf32, #tpu.memory_space<vmem_shared>> -> memref<2048x16xf32, #tpu.memory_space<vmem_shared>>
      tpu.wait_indirect_dma semaphore(%arg19 : memref<!tpu.dma_semaphore, #tpu.memory_space<semaphore_mem>>) src(%dma_wait3A_2288 : memref<2048x16xf32, #tpu.memory_space<vmem_shared>>) dst(%dma_wait3A_2282 : memref<128x16xf32, #tpu.memory_space<vmem>>)
      %dma_wait3A_2289 = arith.constant 4 : i32
      %dma_wait3A_2290 = arith.constant 512 : i32
      %dma_wait3A_2291 = arith.constant 0 : i32
      %dma_wait3A_2292 = tpu.memref_slice %arg14[%dma_wait3A_2290, %dma_wait3A_2291] : memref<1024x16xf32, #tpu.memory_space<vmem>> -> memref<128x16xf32, #tpu.memory_space<vmem>>
      %dma_wait3A_2293 = arith.constant 0 : i32
      %dma_wait3A_2294 = tpu.memref_slice %arg12[%dma_wait3A_2289, %dma_wait3A_2293] : memref<8x128xi32, #tpu.memory_space<vmem>> -> memref<1x128xi32, #tpu.memory_space<vmem>>
      %dma_wait3A_2295 = tpu.memref_squeeze %dma_wait3A_2294 : memref<1x128xi32, #tpu.memory_space<vmem>> -> memref<128xi32, #tpu.memory_space<vmem>>
      %dma_wait3A_2296 = arith.constant 0 : i32
      %dma_wait3A_2297 = arith.constant 0 : i32
      %dma_wait3A_2298 = tpu.memref_slice %arg15[%dma_wait3A_2296, %dma_wait3A_2297] : memref<2048x16xf32, #tpu.memory_space<vmem_shared>> -> memref<2048x16xf32, #tpu.memory_space<vmem_shared>>
      tpu.wait_indirect_dma semaphore(%arg19 : memref<!tpu.dma_semaphore, #tpu.memory_space<semaphore_mem>>) src(%dma_wait3A_2298 : memref<2048x16xf32, #tpu.memory_space<vmem_shared>>) dst(%dma_wait3A_2292 : memref<128x16xf32, #tpu.memory_space<vmem>>)
      %dma_wait3A_2299 = arith.constant 5 : i32
      %dma_wait3A_2300 = arith.constant 640 : i32
      %dma_wait3A_2301 = arith.constant 0 : i32
      %dma_wait3A_2302 = tpu.memref_slice %arg14[%dma_wait3A_2300, %dma_wait3A_2301] : memref<1024x16xf32, #tpu.memory_space<vmem>> -> memref<128x16xf32, #tpu.memory_space<vmem>>
      %dma_wait3A_2303 = arith.constant 0 : i32
      %dma_wait3A_2304 = tpu.memref_slice %arg12[%dma_wait3A_2299, %dma_wait3A_2303] : memref<8x128xi32, #tpu.memory_space<vmem>> -> memref<1x128xi32, #tpu.memory_space<vmem>>
      %dma_wait3A_2305 = tpu.memref_squeeze %dma_wait3A_2304 : memref<1x128xi32, #tpu.memory_space<vmem>> -> memref<128xi32, #tpu.memory_space<vmem>>
      %dma_wait3A_2306 = arith.constant 0 : i32
      %dma_wait3A_2307 = arith.constant 0 : i32
      %dma_wait3A_2308 = tpu.memref_slice %arg15[%dma_wait3A_2306, %dma_wait3A_2307] : memref<2048x16xf32, #tpu.memory_space<vmem_shared>> -> memref<2048x16xf32, #tpu.memory_space<vmem_shared>>
      tpu.wait_indirect_dma semaphore(%arg19 : memref<!tpu.dma_semaphore, #tpu.memory_space<semaphore_mem>>) src(%dma_wait3A_2308 : memref<2048x16xf32, #tpu.memory_space<vmem_shared>>) dst(%dma_wait3A_2302 : memref<128x16xf32, #tpu.memory_space<vmem>>)
      %dma_wait3A_2309 = arith.constant 6 : i32
      %dma_wait3A_2310 = arith.constant 768 : i32
      %dma_wait3A_2311 = arith.constant 0 : i32
      %dma_wait3A_2312 = tpu.memref_slice %arg14[%dma_wait3A_2310, %dma_wait3A_2311] : memref<1024x16xf32, #tpu.memory_space<vmem>> -> memref<128x16xf32, #tpu.memory_space<vmem>>
      %dma_wait3A_2313 = arith.constant 0 : i32
      %dma_wait3A_2314 = tpu.memref_slice %arg12[%dma_wait3A_2309, %dma_wait3A_2313] : memref<8x128xi32, #tpu.memory_space<vmem>> -> memref<1x128xi32, #tpu.memory_space<vmem>>
      %dma_wait3A_2315 = tpu.memref_squeeze %dma_wait3A_2314 : memref<1x128xi32, #tpu.memory_space<vmem>> -> memref<128xi32, #tpu.memory_space<vmem>>
      %dma_wait3A_2316 = arith.constant 0 : i32
      %dma_wait3A_2317 = arith.constant 0 : i32
      %dma_wait3A_2318 = tpu.memref_slice %arg15[%dma_wait3A_2316, %dma_wait3A_2317] : memref<2048x16xf32, #tpu.memory_space<vmem_shared>> -> memref<2048x16xf32, #tpu.memory_space<vmem_shared>>
      tpu.wait_indirect_dma semaphore(%arg19 : memref<!tpu.dma_semaphore, #tpu.memory_space<semaphore_mem>>) src(%dma_wait3A_2318 : memref<2048x16xf32, #tpu.memory_space<vmem_shared>>) dst(%dma_wait3A_2312 : memref<128x16xf32, #tpu.memory_space<vmem>>)
      %dma_wait3A_2319 = arith.constant 7 : i32
      %dma_wait3A_2320 = arith.constant 896 : i32
      %dma_wait3A_2321 = arith.constant 0 : i32
      %dma_wait3A_2322 = tpu.memref_slice %arg14[%dma_wait3A_2320, %dma_wait3A_2321] : memref<1024x16xf32, #tpu.memory_space<vmem>> -> memref<128x16xf32, #tpu.memory_space<vmem>>
      %dma_wait3A_2323 = arith.constant 0 : i32
      %dma_wait3A_2324 = tpu.memref_slice %arg12[%dma_wait3A_2319, %dma_wait3A_2323] : memref<8x128xi32, #tpu.memory_space<vmem>> -> memref<1x128xi32, #tpu.memory_space<vmem>>
      %dma_wait3A_2325 = tpu.memref_squeeze %dma_wait3A_2324 : memref<1x128xi32, #tpu.memory_space<vmem>> -> memref<128xi32, #tpu.memory_space<vmem>>
      %dma_wait3A_2326 = arith.constant 0 : i32
      %dma_wait3A_2327 = arith.constant 0 : i32
      %dma_wait3A_2328 = tpu.memref_slice %arg15[%dma_wait3A_2326, %dma_wait3A_2327] : memref<2048x16xf32, #tpu.memory_space<vmem_shared>> -> memref<2048x16xf32, #tpu.memory_space<vmem_shared>>
      tpu.wait_indirect_dma semaphore(%arg19 : memref<!tpu.dma_semaphore, #tpu.memory_space<semaphore_mem>>) src(%dma_wait3A_2328 : memref<2048x16xf32, #tpu.memory_space<vmem_shared>>) dst(%dma_wait3A_2322 : memref<128x16xf32, #tpu.memory_space<vmem>>)
      %mul3A_2329 = arith.constant 50 : i32
      %mul3A_2330 = arith.muli %add3A, %mul3A_2329 : i32
      %add3A_2331 = arith.addi %mul3A_2330, %add3A_1284 : i32
      %jit3A_2332 = arith.constant 1600 : i32
      %eq3A_2333 = arith.constant 0 : i32
      %eq3A_2334 = arith.cmpi eq, %jit3A_2332, %eq3A_2333 : i32
      %jit3A_2335 = arith.constant 1 : i32
      %select_n3A_2336 = arith.select %eq3A_2334, %jit3A_2335, %jit3A_2332 : i32
      %rem3A_2337 = arith.remsi %add3A_2331, %select_n3A_2336 : i32
      %ne3A_2338 = arith.constant 0 : i32
      %ne3A_2339 = arith.cmpi ne, %rem3A_2337, %ne3A_2338 : i32
      %lt3A_2340 = arith.constant 0 : i32
      %lt3A_2341 = arith.cmpi slt, %rem3A_2337, %lt3A_2340 : i32
      %lt3A_2342 = arith.constant 0 : i32
      %lt3A_2343 = arith.cmpi slt, %select_n3A_2336, %lt3A_2342 : i32
      %ne3A_2344 = arith.xori %lt3A_2341, %lt3A_2343 : i1
      %and3A_2345 = arith.andi %ne3A_2344, %ne3A_2339 : i1
      %add3A_2346 = arith.addi %rem3A_2337, %select_n3A_2336 : i32
      %select_n3A_2347 = arith.select %and3A_2345, %add3A_2346, %rem3A_2337 : i32
      %mul3A_2348 = arith.constant 128 : i32
      %mul3A_2349 = arith.muli %select_n3A_2347, %mul3A_2348 : i32
      %mul3A_2350 = arith.constant 8 : i32
      %mul3A_2351 = arith.muli %mul3A_2349, %mul3A_2350 : i32
      %dma_start3A_2352 = arith.constant 0 : i32
      %dma_start3A_2353 = tpu.memref_slice %arg6[%mul3A_2351, %dma_start3A_2352] : memref<1638400x16xf32, #tpu.memory_space<hbm>> -> memref<1024x16xf32, #tpu.memory_space<hbm>>
      %dma_start3A_2354 = arith.constant 0 : i32
      %dma_start3A_2355 = tpu.memref_slice %arg6[%mul3A_2351, %dma_start3A_2354] : memref<1638400x16xf32, #tpu.memory_space<hbm>> -> memref<1024x16xf32, #tpu.memory_space<hbm>>
      tpu.enqueue_dma source(%arg14 : memref<1024x16xf32, #tpu.memory_space<vmem>>) target(%dma_start3A_2355 : memref<1024x16xf32, #tpu.memory_space<hbm>>) target_semaphore(%arg21 : memref<!tpu.dma_semaphore, #tpu.memory_space<semaphore_mem>>)
    }
    %scan3A_143 = arith.constant 25 : i32
    %mul3A_144 = arith.constant 50 : i32
    %mul3A_145 = arith.muli %add3A, %mul3A_144 : i32
    %add3A_146 = arith.constant 48 : i32
    %add3A_147 = arith.addi %mul3A_145, %add3A_146 : i32
    %jit3A_148 = arith.constant 1600 : i32
    %eq3A_149 = arith.constant 0 : i32
    %eq3A_150 = arith.cmpi eq, %jit3A_148, %eq3A_149 : i32
    %jit3A_151 = arith.constant 1 : i32
    %select_n3A_152 = arith.select %eq3A_150, %jit3A_151, %jit3A_148 : i32
    %rem3A_153 = arith.remsi %add3A_147, %select_n3A_152 : i32
    %ne3A_154 = arith.constant 0 : i32
    %ne3A_155 = arith.cmpi ne, %rem3A_153, %ne3A_154 : i32
    %lt3A_156 = arith.constant 0 : i32
    %lt3A_157 = arith.cmpi slt, %rem3A_153, %lt3A_156 : i32
    %lt3A_158 = arith.constant 0 : i32
    %lt3A_159 = arith.cmpi slt, %select_n3A_152, %lt3A_158 : i32
    %ne3A_160 = arith.xori %lt3A_157, %lt3A_159 : i1
    %and3A_161 = arith.andi %ne3A_160, %ne3A_155 : i1
    %add3A_162 = arith.addi %rem3A_153, %select_n3A_152 : i32
    %select_n3A_163 = arith.select %and3A_161, %add3A_162, %rem3A_153 : i32
    %mul3A_164 = arith.constant 128 : i32
    %mul3A_165 = arith.muli %select_n3A_163, %mul3A_164 : i32
    %mul3A_166 = arith.constant 8 : i32
    %mul3A_167 = arith.muli %mul3A_165, %mul3A_166 : i32
    %dma_wait3A = arith.constant 0 : i32
    %dma_wait3A_168 = tpu.memref_slice %arg6[%mul3A_167, %dma_wait3A] : memref<1638400x16xf32, #tpu.memory_space<hbm>> -> memref<1024x16xf32, #tpu.memory_space<hbm>>
    %dma_wait3A_169 = arith.constant 0 : i32
    %dma_wait3A_170 = tpu.memref_slice %arg6[%mul3A_167, %dma_wait3A_169] : memref<1638400x16xf32, #tpu.memory_space<hbm>> -> memref<1024x16xf32, #tpu.memory_space<hbm>>
    tpu.wait_dma2 semaphore(%arg20 : memref<!tpu.dma_semaphore, #tpu.memory_space<semaphore_mem>>) src(%arg13 : memref<1024x16xf32, #tpu.memory_space<vmem>>) dst(%dma_wait3A_170 : memref<1024x16xf32, #tpu.memory_space<hbm>>)
    %mul3A_171 = arith.constant 50 : i32
    %mul3A_172 = arith.muli %add3A, %mul3A_171 : i32
    %add3A_173 = arith.constant 49 : i32
    %add3A_174 = arith.addi %mul3A_172, %add3A_173 : i32
    %jit3A_175 = arith.constant 1600 : i32
    %eq3A_176 = arith.constant 0 : i32
    %eq3A_177 = arith.cmpi eq, %jit3A_175, %eq3A_176 : i32
    %jit3A_178 = arith.constant 1 : i32
    %select_n3A_179 = arith.select %eq3A_177, %jit3A_178, %jit3A_175 : i32
    %rem3A_180 = arith.remsi %add3A_174, %select_n3A_179 : i32
    %ne3A_181 = arith.constant 0 : i32
    %ne3A_182 = arith.cmpi ne, %rem3A_180, %ne3A_181 : i32
    %lt3A_183 = arith.constant 0 : i32
    %lt3A_184 = arith.cmpi slt, %rem3A_180, %lt3A_183 : i32
    %lt3A_185 = arith.constant 0 : i32
    %lt3A_186 = arith.cmpi slt, %select_n3A_179, %lt3A_185 : i32
    %ne3A_187 = arith.xori %lt3A_184, %lt3A_186 : i1
    %and3A_188 = arith.andi %ne3A_187, %ne3A_182 : i1
    %add3A_189 = arith.addi %rem3A_180, %select_n3A_179 : i32
    %select_n3A_190 = arith.select %and3A_188, %add3A_189, %rem3A_180 : i32
    %mul3A_191 = arith.constant 128 : i32
    %mul3A_192 = arith.muli %select_n3A_190, %mul3A_191 : i32
    %mul3A_193 = arith.constant 8 : i32
    %mul3A_194 = arith.muli %mul3A_192, %mul3A_193 : i32
    %dma_wait3A_195 = arith.constant 0 : i32
    %dma_wait3A_196 = tpu.memref_slice %arg6[%mul3A_194, %dma_wait3A_195] : memref<1638400x16xf32, #tpu.memory_space<hbm>> -> memref<1024x16xf32, #tpu.memory_space<hbm>>
    %dma_wait3A_197 = arith.constant 0 : i32
    %dma_wait3A_198 = tpu.memref_slice %arg6[%mul3A_194, %dma_wait3A_197] : memref<1638400x16xf32, #tpu.memory_space<hbm>> -> memref<1024x16xf32, #tpu.memory_space<hbm>>
    tpu.wait_dma2 semaphore(%arg21 : memref<!tpu.dma_semaphore, #tpu.memory_space<semaphore_mem>>) src(%arg14 : memref<1024x16xf32, #tpu.memory_space<vmem>>) dst(%dma_wait3A_198 : memref<1024x16xf32, #tpu.memory_space<hbm>>)
    %dma_wait3A_199 = arith.constant 0 : i32
    %dma_wait3A_200 = arith.constant 0 : i32
    %dma_wait3A_201 = tpu.memref_slice %arg9[%dma_wait3A_199, %dma_wait3A_200] : memref<2x128xi32, #tpu.memory_space<vmem>> -> memref<1x128xi32, #tpu.memory_space<vmem>>
    %dma_wait3A_202 = tpu.memref_squeeze %dma_wait3A_201 : memref<1x128xi32, #tpu.memory_space<vmem>> -> memref<128xi32, #tpu.memory_space<vmem>>
    %dma_wait3A_203 = arith.constant 0 : i32
    %dma_wait3A_204 = tpu.memref_slice %arg4[%dma_wait3A_203] : memref<1000000xi32, #tpu.memory_space<hbm>> -> memref<1000000xi32, #tpu.memory_space<hbm>>
    tpu.wait_indirect_dma semaphore(%arg16 : memref<!tpu.dma_semaphore, #tpu.memory_space<semaphore_mem>>) src(%dma_wait3A_204 : memref<1000000xi32, #tpu.memory_space<hbm>>) dst(%dma_wait3A_202 : memref<128xi32, #tpu.memory_space<vmem>>)
    %dma_wait3A_205 = arith.constant 1 : i32
    %dma_wait3A_206 = arith.constant 0 : i32
    %dma_wait3A_207 = tpu.memref_slice %arg9[%dma_wait3A_205, %dma_wait3A_206] : memref<2x128xi32, #tpu.memory_space<vmem>> -> memref<1x128xi32, #tpu.memory_space<vmem>>
    %dma_wait3A_208 = tpu.memref_squeeze %dma_wait3A_207 : memref<1x128xi32, #tpu.memory_space<vmem>> -> memref<128xi32, #tpu.memory_space<vmem>>
    %dma_wait3A_209 = arith.constant 0 : i32
    %dma_wait3A_210 = tpu.memref_slice %arg5[%dma_wait3A_209] : memref<1000000xi32, #tpu.memory_space<hbm>> -> memref<1000000xi32, #tpu.memory_space<hbm>>
    tpu.wait_indirect_dma semaphore(%arg16 : memref<!tpu.dma_semaphore, #tpu.memory_space<semaphore_mem>>) src(%dma_wait3A_210 : memref<1000000xi32, #tpu.memory_space<hbm>>) dst(%dma_wait3A_208 : memref<128xi32, #tpu.memory_space<vmem>>)
    return
  }
}

</mosaic_0001>

<sc_bundles>
// kernel: _pq_lookup.3.cloned.1.call-start
scs
__scs_entry_jumppad:
0x0: {  	(pc) =	sbr.rel $0x88, $3  }
0x1: {  	(tag) =	ssettag $0x0;
	lr =	simm.s32 $0x1  }
0x2: {  	[smem:$0x3F9D] =	sst lr;
	_ =	strace $0xD0000000  }
0x3: {  	_ = 	snop  }
0x4: {  	_ = 	snop  }
0x5: {  	_ = 	snop  }
0x6: {  	_ = 	snop  }
0x7: {  	_ = 	snop  }
__scs_overlays_trampoline_lowered:
0x8: {  	[smem:$0x3FAC] =	sst s0  }
0x9: {  	[smem:$0x3FAD] =	sst s1  }
0xa: {  	[smem:$0x3FAE] =	sst s2  }
0xb: {  	[smem:$0x3FAF] =	sst s3  }
0xc: {  	[smem:$0x3FB0] =	sst s4  }
0xd: {  	[smem:$0x3FB1] =	sst s5  }
0xe: {  	[smem:$0x3FB2] =	sst s6  }
0xf: {  	[smem:$0x3FB3] =	sst s7  }
0x10: {  	[smem:$0x3FB4] =	sst s8  }
0x11: {  	[smem:$0x3FB5] =	sst s9;
	s0 =	simm.s32 @!p0 $0x0  }
0x12: {  	s1 =	sld [smem:$0x3F9B];
	s0 =	simm.s32 @p0 $0x1  }
0x13: {  	[smem:$0x3FB6] =	sst s0;
	s0 =	simm.s32 @!p1 $0x0  }
0x14: {  	s2 =	sld [smem:$0x3F9A];
	s0 =	simm.s32 @p1 $0x1  }
0x15: {  	[smem:$0x3FB7] =	sst s0;
	s0 =	simm.s32 @!p2 $0x0  }
0x16: {  	s3 =	sld [smem:$0x3FDB];
	s0 =	simm.s32 @p2 $0x1  }
0x17: {  	s4 =	simm.s32 $0x1BF5;
	[smem:$0x3FB9] =	sst s0  }
0x18: {  	s0 =	sld [smem:$0x3F9C];
	_ =	swait.ge [sflag:s4], $0x0  }
0x19: {  	s7 =	sld [smem:$0x3F9D]  }
0x1a: {  	s8 =	sadd.s32 $0xFFFFE003, lr  }
0x1b: {  	s9 =	sadd.s32 $0xFFFFFEF7, lr;
	s5 =	simm.s32 $0xFFFFFFFF;
	p2 =	slt.u32 s8, $0xFFFFF086  }
0x1c: {  	p1 =	slt.u32 s9, $0xF7A;
	s5 =	simm.s32 @!p2 $0x0  }
0x1d: {  	s5 =	simm.s32 @p1 $0x1;
	p0 =	seq.s32 s7, s2  }
0x1e: {  	s7 =	smul.u32 @!p0 $0xF7A, s2;
	p2 =	seq.s32 @!p0 s5, $0x0  }
0x1f: {  	s9 =	smul.u32 $0xF7A, s1;
	s8 =	simm.s32 @!p0 $0x1BF5;
	p2 =	por !p2, p0  }
0x20: {  	[sflag:s8] =	ssyncset.s32 @!p0 $0xFFFFF086;
	s6 =	sadd.s32 @!p0 s3, s7;
	s7 =	simm.s32 @!p0 $0x108  }
0x21: {  	s3 =	sadd.s32 s3, s9;
	s6 =	sadd.s32 @!p0 $0x88, s6;
	s7 =	simm.s32 @p2 $0x1082  }
0x22: {  	[simem:s7], [sflag:s8] =	dma.local @!p0 [hbm:s6], $0xF7A  }
0x23: {  	s9 =	sor.u32 $0xD0000000, s2;
	s6 =	simm.s32 $0x108;
	_ =	swait.ge @!p0 [sflag:s8], $0x0  }
0x24: {  	s3 =	sadd.s32 $0x88, s3;
	s6 =	simm.s32 @!p1 $0x1082;
	[sflag:s4] =	ssyncset.s32 $0xFFFFF086  }
0x25: {  	[simem:s6], [sflag:s4] =	dma.local [hbm:s3], $0xF7A  }
0x26: {  	[smem:$0x3F9D] =	sst s1;
	(tag) =	ssettag s2;
	_ =	strace s9  }
0x27: {  	s1 =	sld [smem:$0x3FAD]  }
0x28: {  	s2 =	sld [smem:$0x3FAE]  }
0x29: {  	s4 =	sld [smem:$0x3FB0]  }
0x2a: {  	p0 =	seq.s32 s5, $0x0;
	s5 =	sld [smem:$0x3FB1]  }
0x2b: {  	s6 =	sld [smem:$0x3FB2]  }
0x2c: {  	s7 =	sld [smem:$0x3FB3]  }
0x2d: {  	s3 =	simm.s32 $0x108;
	s8 =	sld [smem:$0x3FB4]  }
0x2e: {  	s3 =	simm.s32 @!p0 $0x1082;
	s9 =	sld [smem:$0x3FB5]  }
0x2f: {  	lr =	sadd.s32 s0, s3;
	s0 =	sld [smem:$0x3FAC]  }
0x30: {  	s3 =	sld [smem:$0x3FAF]  }
0x31: {  	[smem:$0x3FB8] =	sst s10  }
0x32: {  	s10 =	sld [smem:$0x3FB6];
	_ =	sdelay $0x3  }
0x33: {  	p0 =	seq.s32 s10, $0x1;
	s10 =	sld [smem:$0x3FB8];
	_ =	sdelay $0x3  }
0x34: {  	[smem:$0x3FB8] =	sst s10  }
0x35: {  	s10 =	sld [smem:$0x3FB7];
	_ =	sdelay $0x3  }
0x36: {  	p1 =	seq.s32 s10, $0x1;
	s10 =	sld [smem:$0x3FB8];
	_ =	sdelay $0x3  }
0x37: {  	[smem:$0x3FB8] =	sst s10  }
0x38: {  	s10 =	sld [smem:$0x3FB9]  }
0x39: {  	_ = 	snop;
	(pc) =	sbr.ind lr, $3  }
0x3a: {  	_ = 	snop  }
0x3b: {  	_ = 	snop  }
0x3c: {  	p2 =	seq.s32 s10, $0x1;
	s10 =	sld [smem:$0x3FB8]  }
0x3d: {  	_ =	shalt  }
0x3e: {  	_ =	shalt  }
0x3f: {  	_ =	shalt  }
0x40: {  	_ =	shalt  }
0x41: {  	_ =	shalt  }
0x42: {  	_ =	shalt  }
0x43: {  	_ =	shalt  }
0x44: {  	_ =	shalt  }
0x45: {  	_ =	shalt  }
0x46: {  	_ =	shalt  }
0x47: {  	_ =	shalt  }
0x48: {  	_ =	shalt  }
0x49: {  	_ =	shalt  }
0x4a: {  	_ =	shalt  }
0x4b: {  	_ =	shalt  }
0x4c: {  	_ =	shalt  }
0x4d: {  	_ =	shalt  }
0x4e: {  	_ =	shalt  }
0x4f: {  	_ =	shalt  }
0x50: {  	_ =	shalt  }
0x51: {  	_ =	shalt  }
0x52: {  	_ =	shalt  }
0x53: {  	_ =	shalt  }
0x54: {  	_ =	shalt  }
0x55: {  	_ =	shalt  }
0x56: {  	_ =	shalt  }
0x57: {  	_ =	shalt  }
0x58: {  	_ =	shalt  }
0x59: {  	_ =	shalt  }
0x5a: {  	_ =	shalt  }
0x5b: {  	_ =	shalt  }
0x5c: {  	_ =	shalt  }
0x5d: {  	_ =	shalt  }
0x5e: {  	_ =	shalt  }
0x5f: {  	_ =	shalt  }
0x60: {  	_ =	shalt  }
0x61: {  	_ =	shalt  }
0x62: {  	_ =	shalt  }
0x63: {  	_ =	shalt  }
0x64: {  	_ =	shalt  }
0x65: {  	_ =	shalt  }
0x66: {  	_ =	shalt  }
0x67: {  	_ =	shalt  }
0x68: {  	_ =	shalt  }
0x69: {  	_ =	shalt  }
0x6a: {  	_ =	shalt  }
0x6b: {  	_ =	shalt  }
0x6c: {  	_ =	shalt  }
0x6d: {  	_ =	shalt  }
0x6e: {  	_ =	shalt  }
0x6f: {  	_ =	shalt  }
0x70: {  	_ =	shalt  }
0x71: {  	_ =	shalt  }
0x72: {  	_ =	shalt  }
0x73: {  	_ =	shalt  }
0x74: {  	_ =	shalt  }
0x75: {  	_ =	shalt  }
0x76: {  	_ =	shalt  }
0x77: {  	_ =	shalt  }
0x78: {  	_ =	shalt  }
0x79: {  	_ =	shalt  }
0x7a: {  	_ =	shalt  }
0x7b: {  	_ =	shalt  }
0x7c: {  	_ =	shalt  }
0x7d: {  	_ =	shalt  }
0x7e: {  	_ =	shalt  }
0x7f: {  	_ =	shalt  }
0x80: {  	_ =	shalt  }
0x81: {  	_ =	shalt  }
0x82: {  	_ =	shalt  }
0x83: {  	_ =	shalt  }
0x84: {  	_ =	shalt  }
0x85: {  	_ =	shalt  }
0x86: {  	_ =	shalt  }
0x87: {  	_ =	shalt  }
.Lfunc_end0:
.L_simem_size_0:
called_computation.1_lowered:
.L_overlay_start_0:
0x88: {  	s2 =	sld [smem:$0x3FD9]  }
0x89: {  	s3 =	sld [smem:$0x3FFE];
	_ =	sdelay $0x1  }
0x8a: {  	s1 =	srdreg.scid  }
0x8b: {  	s0 =	sand.u32 $0x1, s1  }
0x8c: {  	s17 =	sshll.u32 s0, $0xA;
	s2 =	sadd.s32 s3, s2  }
0x8d: {  	s2 =	sadd.s32 s2, s17  }
0x8e: {  	[smem:$0x3FC4] =	sst s2  }
0x8f: {  	_ = 	snop  }
0x90: {  	s2 =	sld [smem:$0x3FC9]  }
0x91: {  	s18 =	sld [smem:$0x3FC7]  }
0x92: {  	s4 =	sld [smem:$0x3FC6]  }
0x93: {  	s5 =	sld [smem:$0x3FD0];
	(tm) =	ssettm $0x1  }
0x94: {  	s6 =	sld [smem:$0x3FFB];
	_ =	sdelay $0x3  }
0x95: {  	_ =	strace s6  }
0x96: {  	s6 =	sld [smem:$0x3FFC];
	_ =	sdelay $0x3  }
0x97: {  	_ =	strace s6  }
0x98: {  	s6 =	sld [smem:$0x3FFD];
	_ =	sdelay $0x3  }
0x99: {  	_ =	strace s6  }
0x9a: {  	_ =	strace $0x8FFFFFFF  }
0x9b: {  	s19 =	sld [smem:$0x3FDB];
	_ =	sdelay $0x1  }
0x9c: {  	s7 =	simm.s32 $_scs_section_size  }
0x9d: {  	s8 =	simm.s32 $_size__tile_overlayer_lowered;
	s9 =	simm.s32 $_tile_overlayer_lowered  }
0x9e: {  	s22 =	simm.s32 $0x1BFF;
	s21 =	sshll.u32 s9, $0x1;
	s6 =	sadd.s32 s7, s19  }
0x9f: {  	s10 =	simm.s32 $0x0;
	s20 =	sshll.u32 s8, $0x1;
	s8 =	sadd.s32 s21, s6  }
0xa0: {  	[timem:s10], [sflag:s22] =	dma.local [hbm:s8], s20  }
0xa1: {  	_ =	swait.ge [sflag:s22], s20  }
0xa2: {  	s7 =	ssub.s32 $0x0, s20;
	[sflag:s22] =	ssyncset.done $0x0  }
0xa3: {  	[sflag:s22] =	ssyncadd.s32 s7;
	_ =	sdelay $0x1  }
0xa4: {  	s23 =	simm.s32 $0x1B8B  }
0xa5: {  	_ =	swait.ge [sflag:s23], $0x1  }
0xa6: {  	[sflag:s23] =	ssyncset.done $0x0  }
0xa7: {  	s25 =	simm.s32 $0x1B8E;
	s24 =	sld [smem:$0x3FFE];
	[sflag:s23] =	ssyncadd.s32 $0xFFFFFFFF  }
0xa8: {  	s26 =	simm.s32 $execute0_lowered;
	[smem:$0x3FD2] =	sst s25  }
0xa9: {  	s8 =	sshll.u32 s26, $0x1;
	_ =	strace $0x80000046;
	[dreg:$0x1] =	wrdreg $0xFFFFFFFF  }
0xaa: {  	s28 =	simm.s32 $_size_execute0_lowered;
	s6 =	sadd.s32 s6, s8;
	[dreg:$0x0] =	wrdreg $0x0  }
0xab: {  	s8 =	sshll.u32 s28, $0x1;
	[dreg:$0x2] =	wrdreg s6  }
0xac: {  	[dreg:$0x3] =	wrdreg s8  }
0xad: {  	[dreg:$0x4] =	wrdreg $0xC0  }
0xae: {  	_ =	task [dreg:s10], $0x5FFFF  }
0xaf: {  	[dreg:$0x1] =	wrdreg $0xFFFFFFFF  }
0xb0: {  	[dreg:$0x0] =	wrdreg $0x60  }
0xb1: {  	[dreg:$0x2] =	wrdreg s2  }
0xb2: {  	[dreg:$0x3] =	wrdreg s24  }
0xb3: {  	[dreg:$0x4] =	wrdreg s18  }
0xb4: {  	[dreg:$0x5] =	wrdreg s4  }
0xb5: {  	[dreg:$0x6] =	wrdreg s5  }
0xb6: {  	[dreg:$0x7] =	wrdreg $0x8B000  }
0xb7: {  	[dreg:$0x8] =	wrdreg $0x9  }
0xb8: {  	_ =	task.clear_ibuf [dreg:s10], $0x9FFFF;
	_ =	strace $0x90000046  }
0xb9: {  	s29 =	simm.s32 $0x9;
	_ =	strace $0x80000048  }
0xba: {  	_ =	swait.ge [sflag:s29], $0x1  }
0xbb: {  	[sflag:s29] =	ssyncadd.s32 $0xFFFFFFFF  }
0xbc: {  	_ =	strace $0x90000048  }
0xbd: {  	_ =	sfence  }
0xbe: {  	s30 =	sld [smem:$0x0];
	_ =	sdelay $0x2  }
0xbf: {  	s31 =	sshll.u32 s1, $0xD;
	s1 =	sshrl.u32 s1, $0x2  }
0xc0: {  	s3 =	sand.u32 $0x4000, s31;
	s1 =	sadd.s32 s1, s30  }
0xc1: {  	s0 =	sor.u32 s3, s0;
	s1 =	sshll.u32 s1, $0x11  }
0xc2: {  	s0 =	sor.u32 s1, s0  }
0xc3: {  	s0 =	sadd.s32 $0x8F2B, s0  }
0xc4: {  	[sflag:s0] =	ssyncadd.remote.s32 $0x1  }
0xc5: {  	_ =	sfence.sel $0xFFFF  }
0xc6: {  	[dreg:$0x0] =	wrdreg $0xFFFFFFFF;
	(pc) =	sbr.abs _section_cstart, $3  }
0xc7: {  	[dreg:$0x1] =	wrdreg $0xFFFFFFFF  }
0xc8: {  	_ =	task.clear_ibuf [dreg:s10], $0x2FFFF;
	_ =	strace $0x9FFFFFFF  }
0xc9: {  	(tm) =	ssettm $0x7FFFFFFF  }
tec
execute0_lowered:
.L_overlay_start_1:
0x0: {  	(tag) =	ssettag $0x1  }
0x1: {  	v0 =	vimm.s32 $0x81;
	vm2 =	vcmask $0xF00  }
0x2: {  	vm1 =	vcmask $0x1F10;
	v0 =	vsel vm2, $0x0, v0  }
0x3: {  	v1 =	vlaneseq.u32;
	vm0 =	vcmask $0x2F20;
	v0 =	vsel vm1, $0x80, v0  }
0x4: {  	v2 =	vand.u32 $0x3, v1;
	v0 =	vsel vm0, $0x1, v0  }
0x5: {  	v3 =	vand.u32 $0x7, v1;
	v1 =	vmul.u32 $0x8, v2;
	[tilespmem:$0x1FC00] =	vst v0;
	v0 =	vimm.s32 $0x83  }
0x6: {  	v2 =	vmul.u32 $0x100, v3;
	v3 =	vimm.s32 $0x85;
	v0 =	vsel vm2, $0x2, v0  }
0x7: {  	v4 =	vimm.s32 $0x87;
	v3 =	vsel vm2, $0x4, v3;
	v0 =	vsel vm1, $0x82, v0  }
0x8: {  	v4 =	vsel vm2, $0x6, v4;
	v3 =	vsel vm1, $0x84, v3;
	v0 =	vsel vm0, $0x3, v0  }
0x9: {  	v5 =	vsel vm1, $0x86, v4;
	[tilespmem:$0x1FC10] =	vst v0;
	v0 =	vsel vm0, $0x5, v3  }
0xa: {  	[tilespmem:$0x1FC20] =	vst v0;
	v0 =	vsel vm0, $0x7, v5  }
0xb: {  	[tilespmem:$0x1FC30] =	vst v0;
	v0 =	vimm.s32 $0x89  }
0xc: {  	v3 =	vimm.s32 $0x8B;
	v0 =	vsel vm2, $0x8, v0  }
0xd: {  	v6 =	vimm.s32 $0x8D;
	v3 =	vsel vm2, $0xA, v3;
	v0 =	vsel vm1, $0x88, v0  }
0xe: {  	v6 =	vsel vm2, $0xC, v6;
	v3 =	vsel vm1, $0x8A, v3;
	v0 =	vsel vm0, $0x9, v0  }
0xf: {  	v8 =	vsel vm1, $0x8C, v6;
	[tilespmem:$0x1FC40] =	vst v0;
	v0 =	vsel vm0, $0xB, v3  }
0x10: {  	[tilespmem:$0x1FC50] =	vst v0;
	v0 =	vsel vm0, $0xD, v8  }
0x11: {  	[tilespmem:$0x1FC60] =	vst v0;
	v0 =	vimm.s32 $0x8F  }
0x12: {  	v3 =	vimm.s32 $0x91;
	v0 =	vsel vm2, $0xE, v0  }
0x13: {  	v9 =	vimm.s32 $0x93;
	v3 =	vsel vm2, $0x10, v3;
	v0 =	vsel vm1, $0x8E, v0  }
0x14: {  	v9 =	vsel vm2, $0x12, v9;
	v3 =	vsel vm1, $0x90, v3;
	v0 =	vsel vm0, $0xF, v0  }
0x15: {  	v11 =	vsel vm1, $0x92, v9;
	[tilespmem:$0x1FC70] =	vst v0;
	v0 =	vsel vm0, $0x11, v3  }
0x16: {  	[tilespmem:$0x1FC80] =	vst v0;
	v0 =	vsel vm0, $0x13, v11  }
0x17: {  	[tilespmem:$0x1FC90] =	vst v0;
	v0 =	vimm.s32 $0x95  }
0x18: {  	v3 =	vimm.s32 $0x97;
	v0 =	vsel vm2, $0x14, v0  }
0x19: {  	v12 =	vimm.s32 $0x99;
	v3 =	vsel vm2, $0x16, v3;
	v0 =	vsel vm1, $0x94, v0  }
0x1a: {  	v12 =	vsel vm2, $0x18, v12;
	v3 =	vsel vm1, $0x96, v3;
	v0 =	vsel vm0, $0x15, v0  }
0x1b: {  	v14 =	vsel vm1, $0x98, v12;
	[tilespmem:$0x1FCA0] =	vst v0;
	v0 =	vsel vm0, $0x17, v3  }
0x1c: {  	[tilespmem:$0x1FCB0] =	vst v0;
	v0 =	vsel vm0, $0x19, v14  }
0x1d: {  	[tilespmem:$0x1FCC0] =	vst v0;
	v0 =	vimm.s32 $0x9B  }
0x1e: {  	v3 =	vimm.s32 $0x9D;
	v0 =	vsel vm2, $0x1A, v0  }
0x1f: {  	v15 =	vimm.s32 $0x9F;
	v3 =	vsel vm2, $0x1C, v3;
	v0 =	vsel vm1, $0x9A, v0  }
0x20: {  	v15 =	vsel vm2, $0x1E, v15;
	v3 =	vsel vm1, $0x9C, v3;
	v0 =	vsel vm0, $0x1B, v0  }
0x21: {  	v17 =	vsel vm1, $0x9E, v15;
	[tilespmem:$0x1FCD0] =	vst v0;
	v0 =	vsel vm0, $0x1D, v3  }
0x22: {  	[tilespmem:$0x1FCE0] =	vst v0;
	v0 =	vsel vm0, $0x1F, v17  }
0x23: {  	[tilespmem:$0x1FCF0] =	vst v0;
	v0 =	vimm.s32 $0xA1  }
0x24: {  	v3 =	vimm.s32 $0xA3;
	v0 =	vsel vm2, $0x20, v0  }
0x25: {  	v18 =	vimm.s32 $0xA5;
	v3 =	vsel vm2, $0x22, v3;
	v0 =	vsel vm1, $0xA0, v0  }
0x26: {  	v18 =	vsel vm2, $0x24, v18;
	v3 =	vsel vm1, $0xA2, v3;
	v0 =	vsel vm0, $0x21, v0  }
0x27: {  	v20 =	vsel vm1, $0xA4, v18;
	[tilespmem:$0x1FD00] =	vst v0;
	v0 =	vsel vm0, $0x23, v3  }
0x28: {  	[tilespmem:$0x1FD10] =	vst v0;
	v0 =	vsel vm0, $0x25, v20  }
0x29: {  	[tilespmem:$0x1FD20] =	vst v0;
	v0 =	vimm.s32 $0xA7  }
0x2a: {  	v3 =	vimm.s32 $0xA9;
	v0 =	vsel vm2, $0x26, v0  }
0x2b: {  	v21 =	vimm.s32 $0xAB;
	v3 =	vsel vm2, $0x28, v3;
	v0 =	vsel vm1, $0xA6, v0  }
0x2c: {  	v21 =	vsel vm2, $0x2A, v21;
	v3 =	vsel vm1, $0xA8, v3;
	v0 =	vsel vm0, $0x27, v0  }
0x2d: {  	v23 =	vsel vm1, $0xAA, v21;
	[tilespmem:$0x1FD30] =	vst v0;
	v0 =	vsel vm0, $0x29, v3  }
0x2e: {  	[tilespmem:$0x1FD40] =	vst v0;
	v0 =	vsel vm0, $0x2B, v23  }
0x2f: {  	[tilespmem:$0x1FD50] =	vst v0;
	v0 =	vimm.s32 $0xAD  }
0x30: {  	v3 =	vimm.s32 $0xAF;
	v0 =	vsel vm2, $0x2C, v0  }
0x31: {  	v24 =	vimm.s32 $0xB1;
	v3 =	vsel vm2, $0x2E, v3;
	v0 =	vsel vm1, $0xAC, v0  }
0x32: {  	v24 =	vsel vm2, $0x30, v24;
	v3 =	vsel vm1, $0xAE, v3;
	v0 =	vsel vm0, $0x2D, v0  }
0x33: {  	v26 =	vsel vm1, $0xB0, v24;
	[tilespmem:$0x1FD60] =	vst v0;
	v0 =	vsel vm0, $0x2F, v3  }
0x34: {  	[tilespmem:$0x1FD70] =	vst v0;
	v0 =	vsel vm0, $0x31, v26  }
0x35: {  	[tilespmem:$0x1FD80] =	vst v0;
	v0 =	vimm.s32 $0xB3  }
0x36: {  	v3 =	vimm.s32 $0xB5;
	v0 =	vsel vm2, $0x32, v0  }
0x37: {  	v27 =	vimm.s32 $0xB7;
	v3 =	vsel vm2, $0x34, v3;
	v0 =	vsel vm1, $0xB2, v0  }
0x38: {  	v27 =	vsel vm2, $0x36, v27;
	v3 =	vsel vm1, $0xB4, v3;
	v0 =	vsel vm0, $0x33, v0  }
0x39: {  	v29 =	vsel vm1, $0xB6, v27;
	[tilespmem:$0x1FD90] =	vst v0;
	v0 =	vsel vm0, $0x35, v3  }
0x3a: {  	[tilespmem:$0x1FDA0] =	vst v0;
	v0 =	vsel vm0, $0x37, v29  }
0x3b: {  	[tilespmem:$0x1FDB0] =	vst v0;
	v0 =	vimm.s32 $0xB9  }
0x3c: {  	v3 =	vimm.s32 $0xBB;
	v0 =	vsel vm2, $0x38, v0  }
0x3d: {  	v30 =	vimm.s32 $0xBD;
	v3 =	vsel vm2, $0x3A, v3;
	v0 =	vsel vm1, $0xB8, v0  }
0x3e: {  	v30 =	vsel vm2, $0x3C, v30;
	v3 =	vsel vm1, $0xBA, v3;
	v0 =	vsel vm0, $0x39, v0  }
0x3f: {  	v32 =	vsel vm1, $0xBC, v30;
	[tilespmem:$0x1FDC0] =	vst v0;
	v0 =	vsel vm0, $0x3B, v3  }
0x40: {  	[tilespmem:$0x1FDD0] =	vst v0;
	v0 =	vsel vm0, $0x3D, v32  }
0x41: {  	[tilespmem:$0x1FDE0] =	vst v0;
	v0 =	vimm.s32 $0xBF  }
0x42: {  	v3 =	vimm.s32 $0xC1;
	v0 =	vsel vm2, $0x3E, v0  }
0x43: {  	v33 =	vimm.s32 $0xC3;
	v3 =	vsel vm2, $0x40, v3;
	v0 =	vsel vm1, $0xBE, v0  }
0x44: {  	v33 =	vsel vm2, $0x42, v33;
	v3 =	vsel vm1, $0xC0, v3;
	v0 =	vsel vm0, $0x3F, v0  }
0x45: {  	v35 =	vsel vm1, $0xC2, v33;
	[tilespmem:$0x1FDF0] =	vst v0;
	v0 =	vsel vm0, $0x41, v3  }
0x46: {  	[tilespmem:$0x1FE00] =	vst v0;
	v0 =	vsel vm0, $0x43, v35  }
0x47: {  	[tilespmem:$0x1FE10] =	vst v0;
	v0 =	vimm.s32 $0xC5  }
0x48: {  	v3 =	vimm.s32 $0xC7;
	v0 =	vsel vm2, $0x44, v0  }
0x49: {  	v36 =	vimm.s32 $0xC9;
	v3 =	vsel vm2, $0x46, v3;
	v0 =	vsel vm1, $0xC4, v0  }
0x4a: {  	v36 =	vsel vm2, $0x48, v36;
	v3 =	vsel vm1, $0xC6, v3;
	v0 =	vsel vm0, $0x45, v0  }
0x4b: {  	v38 =	vsel vm1, $0xC8, v36;
	[tilespmem:$0x1FE20] =	vst v0;
	v0 =	vsel vm0, $0x47, v3  }
0x4c: {  	[tilespmem:$0x1FE30] =	vst v0;
	v0 =	vsel vm0, $0x49, v38  }
0x4d: {  	[tilespmem:$0x1FE40] =	vst v0;
	v0 =	vimm.s32 $0xCB  }
0x4e: {  	v3 =	vimm.s32 $0xCD;
	v0 =	vsel vm2, $0x4A, v0  }
0x4f: {  	v39 =	vimm.s32 $0xCF;
	v3 =	vsel vm2, $0x4C, v3;
	v0 =	vsel vm1, $0xCA, v0  }
0x50: {  	v39 =	vsel vm2, $0x4E, v39;
	v3 =	vsel vm1, $0xCC, v3;
	v0 =	vsel vm0, $0x4B, v0  }
0x51: {  	s0 =	rddreg [dreg:$0x0];
	v41 =	vsel vm1, $0xCE, v39;
	[tilespmem:$0x1FE50] =	vst v0;
	v0 =	vsel vm0, $0x4D, v3  }
0x52: {  	s7 =	rddreg [dreg:$0x1];
	[tilespmem:$0x1FE60] =	vst v0;
	v0 =	vsel vm0, $0x4F, v41  }
0x53: {  	s1 =	rddreg [dreg:$0x2];
	[tilespmem:$0x1FE70] =	vst v0;
	v0 =	vimm.s32 $0xD1  }
0x54: {  	s2 =	rddreg [dreg:$0x3];
	v3 =	vimm.s32 $0xD3;
	v0 =	vsel vm2, $0x50, v0  }
0x55: {  	s10 =	rddreg [dreg:$0x4];
	s5 =	simm.s32 $0x0;
	v42 =	vimm.s32 $0xD5;
	v3 =	vsel vm2, $0x52, v3;
	v0 =	vsel vm1, $0xD0, v0  }
0x56: {  	[smem:$0x7FF] =	sst s5;
	v42 =	vsel vm2, $0x54, v42;
	v3 =	vsel vm1, $0xD2, v3;
	v0 =	vsel vm0, $0x51, v0  }
0x57: {  	s4 =	rddreg [dreg:$0x5];
	v44 =	vsel vm1, $0xD4, v42;
	_ =	strace $0x80000047;
	[tilespmem:$0x1FE80] =	vst v0;
	v0 =	vsel vm0, $0x53, v3  }
0x58: {  	[tilespmem:$0x1FE90] =	vst v0;
	v0 =	vsel vm0, $0x55, v44  }
0x59: {  	[tilespmem:$0x1FEA0] =	vst v0;
	v0 =	vimm.s32 $0xD7  }
0x5a: {  	v3 =	vimm.s32 $0xD9;
	v0 =	vsel vm2, $0x56, v0  }
0x5b: {  	v45 =	vimm.s32 $0xDB;
	v3 =	vsel vm2, $0x58, v3;
	v0 =	vsel vm1, $0xD6, v0  }
0x5c: {  	v45 =	vsel vm2, $0x5A, v45;
	v3 =	vsel vm1, $0xD8, v3;
	v0 =	vsel vm0, $0x57, v0  }
0x5d: {  	v47 =	vsel vm1, $0xDA, v45;
	[tilespmem:$0x1FEB0] =	vst v0;
	v0 =	vsel vm0, $0x59, v3  }
0x5e: {  	s3 =	srdreg.scid;
	s11 =	stileid.u32;
	[tilespmem:$0x1FEC0] =	vst v0;
	v0 =	vsel vm0, $0x5B, v47  }
0x5f: {  	s12 =	sand.u32 $0x1, s3;
	s6 =	smul.u32 $0x640, s11;
	[tilespmem:$0x1FED0] =	vst v0;
	v0 =	vimm.s32 $0xDD  }
0x60: {  	s8 =	smul.u32 $0x320, s12;
	v3 =	vimm.s32 $0xDF;
	v0 =	vsel vm2, $0x5C, v0  }
0x61: {  	v48 =	vimm.s32 $0xE1;
	v3 =	vsel vm2, $0x5E, v3;
	v0 =	vsel vm1, $0xDC, v0  }
0x62: {  	v48 =	vsel vm2, $0x60, v48;
	s6 =	sadd.s32 s8, s6;
	v3 =	vsel vm1, $0xDE, v3;
	v0 =	vsel vm0, $0x5D, v0  }
0x63: {  	v50 =	vsel vm1, $0xE0, v48;
	s8 =	sadd.s32 s0, s6;
	[tilespmem:$0x1FEE0] =	vst v0;
	v0 =	vsel vm0, $0x5F, v3  }
0x64: {  	s8 =	sadd.s32 $0x10, s8;
	[tilespmem:$0x1FEF0] =	vst v0;
	v0 =	vsel vm0, $0x61, v50  }
0x65: {  	s23 =	simm.s32 $0x280;
	[dreg:$0x7] =	wrdreg s8;
	[tilespmem:$0x1FF00] =	vst v0;
	v0 =	vimm.s32 $0xE3  }
0x66: {  	s24 =	simm.s32 $0x300;
	[dreg:$0x8] =	wrdreg s23;
	v3 =	vimm.s32 $0xE5;
	v0 =	vsel vm2, $0x62, v0  }
0x67: {  	s25 =	simm.s32 $0x380;
	v51 =	vimm.s32 $0xE7;
	s26 =	sadd.s32 $0x800, s7;
	[dreg:$0x9] =	wrdreg s24;
	v3 =	vsel vm2, $0x64, v3;
	v0 =	vsel vm1, $0xE2, v0  }
0x68: {  	s30 =	simm.s32 $0x1300;
	s31 =	simm.s32 $0x400;
	v51 =	vsel vm2, $0x66, v51;
	[smem:$0x7F9] =	sst s26;
	v3 =	vsel vm1, $0xE4, v3;
	v0 =	vsel vm0, $0x63, v0  }
0x69: {  	s15 =	simm.s32 $0x2300;
	s16 =	simm.s32 $0x500;
	v53 =	vsel vm1, $0xE6, v51;
	[dreg:$0xa] =	wrdreg s25;
	[tilespmem:$0x1FF10] =	vst v0;
	v0 =	vsel vm0, $0x65, v3  }
0x6a: {  	s17 =	simm.s32 $0x2B00;
	s18 =	simm.s32 $0x580;
	[dreg:$0xb] =	wrdreg s30;
	[tilespmem:$0x1FF20] =	vst v0;
	v0 =	vsel vm0, $0x67, v53  }
0x6b: {  	s19 =	simm.s32 $0x3300;
	s3 =	simm.s32 $0x1B00;
	[dreg:$0xc] =	wrdreg s31;
	[tilespmem:$0x1FF30] =	vst v0;
	v0 =	vimm.s32 $0xE9  }
0x6c: {  	s21 =	simm.s32 $0x600;
	s7 =	simm.s32 $0x480;
	[dreg:$0xd] =	wrdreg s3;
	v3 =	vimm.s32 $0xEB;
	v0 =	vsel vm2, $0x68, v0  }
0x6d: {  	s22 =	simm.s32 $0x3B00;
	v54 =	vimm.s32 $0xED;
	s28 =	simm.s32 $0x6;
	[dreg:$0xe] =	wrdreg s7;
	v3 =	vsel vm2, $0x6A, v3;
	v0 =	vsel vm1, $0xE8, v0  }
0x6e: {  	s29 =	simm.s32 $0x0;
	s14 =	sshll.u32 s11, $0x1;
	v54 =	vsel vm2, $0x6C, v54;
	[dreg:$0xf] =	wrdreg s15;
	v3 =	vsel vm1, $0xEA, v3;
	v0 =	vsel vm0, $0x69, v0  }
0x6f: {  	s20 =	smul.u32 $0x32000, s11;
	p0 =	sne.s32 s11, $0x0;
	v56 =	vsel vm1, $0xEC, v54;
	[dreg:$0x10] =	wrdreg s16;
	[tilespmem:$0x1FF40] =	vst v0;
	v0 =	vsel vm0, $0x6B, v3  }
0x70: {  	s9 =	ssub.s32 $0x2, s12;
	s14 =	sor.u32 s12, s14;
	[dreg:$0x11] =	wrdreg s17;
	[tilespmem:$0x1FF50] =	vst v0;
	v0 =	vsel vm0, $0x6D, v56  }
0x71: {  	s12 =	smul.u32 $0x19000, s12;
	s11 =	sshrl.u32 @!p0 s4, $0x3;
	[dreg:$0x12] =	wrdreg s18;
	[tilespmem:$0x1FF60] =	vst v0;
	v0 =	vimm.s32 $0xEF  }
0x72: {  	s13 =	sshrl.u32 s9, $0x1;
	s14 =	smul.u32 $0x320, s14;
	[dreg:$0x13] =	wrdreg s19;
	v3 =	vimm.s32 $0xF1;
	v0 =	vsel vm2, $0x6E, v0  }
0x73: {  	v57 =	vimm.s32 $0xF3;
	s10 =	sadd.s32 s20, s10;
	s20 =	simm.s32 $0x980;
	[dreg:$0x14] =	wrdreg s21;
	v3 =	vsel vm2, $0x70, v3;
	v0 =	vsel vm1, $0xEE, v0  }
0x74: {  	v57 =	vsel vm2, $0x72, v57;
	s9 =	ssub.s32 s9, s13;
	s10 =	sadd.s32 s12, s10;
	[dreg:$0x15] =	wrdreg s22;
	v3 =	vsel vm1, $0xF0, v3;
	v0 =	vsel vm0, $0x6F, v0  }
0x75: {  	v59 =	vsel vm1, $0xF2, v57;
	s12 =	simm.s32 $0x7;
	s23 =	simm.s32 $0x680;
	[smem:$0x7FB] =	sst s20;
	[tilespmem:$0x1FF70] =	vst v0;
	v0 =	vsel vm0, $0x71, v3  }
0x76: {  	s13 =	simm.s32 $0x80;
	s24 =	simm.s32 $0x4300;
	[dreg:$0x16] =	wrdreg s23;
	[tilespmem:$0x1FF80] =	vst v0;
	v0 =	vsel vm0, $0x73, v59  }
0x77: {  	s9 =	smax.u32 s9, $0x1;
	s25 =	simm.s32 $0x700;
	[dreg:$0x17] =	wrdreg s24;
	[tilespmem:$0x1FF90] =	vst v0;
	v0 =	vimm.s32 $0xF5  }
0x78: {  	s10 =	sadd.s32 $0x800, s10;
	s26 =	simm.s32 $0x780;
	[dreg:$0x18] =	wrdreg s25;
	v3 =	vimm.s32 $0xF7;
	v0 =	vsel vm2, $0x74, v0  }
0x79: {  	v60 =	vimm.s32 $0xF9;
	s8 =	sadd.s32 s0, s14;
	s30 =	simm.s32 $0x5300;
	[dreg:$0x19] =	wrdreg s26;
	v3 =	vsel vm2, $0x76, v3;
	v0 =	vsel vm1, $0xF4, v0  }
0x7a: {  	v60 =	vsel vm2, $0x78, v60;
	s31 =	simm.s32 $0x800;
	s15 =	simm.s32 $0x5B00;
	[dreg:$0x1a] =	wrdreg s30;
	v3 =	vsel vm1, $0xF6, v3;
	v0 =	vsel vm0, $0x75, v0  }
0x7b: {  	v62 =	vsel vm1, $0xF8, v60;
	s14 =	simm.s32 $0x100;
	s16 =	simm.s32 $0x880;
	[dreg:$0x1b] =	wrdreg s31;
	[tilespmem:$0x1FFA0] =	vst v0;
	v0 =	vsel vm0, $0x77, v3  }
0x7c: {  	s17 =	simm.s32 $0x6300;
	s18 =	simm.s32 $0x900;
	[dreg:$0x1c] =	wrdreg s15;
	[tilespmem:$0x1FFB0] =	vst v0;
	v0 =	vsel vm0, $0x79, v62  }
0x7d: {  	s19 =	simm.s32 $0x6B00;
	s21 =	simm.s32 $0x7300;
	[dreg:$0x1d] =	wrdreg s16;
	[tilespmem:$0x1FFC0] =	vst v0;
	v0 =	vimm.s32 $0xFB  }
0x7e: {  	s20 =	simm.s32 $0x2;
	s22 =	simm.s32 $0xA00;
	[dreg:$0x1e] =	wrdreg s17;
	v3 =	vimm.s32 $0xFD;
	v0 =	vsel vm2, $0x7A, v0  }
0x7f: {  	v63 =	vimm.s32 $0xFF;
	s15 =	simm.s32 $0x180;
	s16 =	simm.s32 $0x1;
	[dreg:$0x1f] =	wrdreg s18;
	v3 =	vsel vm2, $0x7C, v3;
	v0 =	vsel vm1, $0xFA, v0  }
0x80: {  	v63 =	vsel vm2, $0x7E, v63;
	s17 =	simm.s32 $0x200;
	s18 =	simm.s32 $0xB00;
	[smem:$0x7FA] =	sst s19;
	v3 =	vsel vm1, $0xFC, v3;
	v0 =	vsel vm0, $0x7B, v0  }
0x81: {  	v63 =	vsel vm1, $0xFE, v63;
	s19 =	simm.s32 $0x3;
	[smem:$0x7FC] =	sst s21;
	s21 =	simm.s32 $0x4B00;
	[tilespmem:$0x1FFD0] =	vst v0;
	v0 =	vsel vm0, $0x7D, v3  }
0x82: {  	[smem:$0x7FD] =	sst s22;
	s22 =	simm.s32 $0x7B00;
	s23 =	simm.s32 $0xA80;
	[tilespmem:$0x1FFE0] =	vst v0;
	v0 =	vsel vm0, $0x7F, v63  }
0x83: {  	s24 =	simm.s32 $0x8300;
	s25 =	simm.s32 $0x4;
	s26 =	simm.s32 $0x5;
	[tilespmem:$0x1FFF0] =	vst v0  }
.LBB2_1:
0x84: {  	s3 =	sld [smem:$0x7F9];
	_ =	sdelay $0x1  }
0x85: {  	s30 =	simm.s32 @!p0 $0x1C07  }
0x86: {  	[spmem:s11], [sflag:s30] =	dma.local @!p0 [hbm:s3], $0x1000  }
0x87: {  	s30 =	simm.s32 @!p0 $0x7  }
0x88: {  	_ =	swait.ge @!p0 [sflag:s30], $0x1000  }
0x89: {  	[sflag:s30] =	ssyncset.done @!p0 $0x0  }
0x8a: {  	[sflag:s30] =	ssyncadd.s32 @!p0 $0xFFFFF000  }
0x8b: {  	[bflag:$0x0] =	sbarrier.arrive $0xFFFF  }
0x8c: {  	[tilespmem:s5], [sflag:$0x7] =	stream.linear.gather [hbm4b:s8+s5], $0x80, $0x38;
	[tilespmem:$0x9300] =	vst v63  }
0x8d: {  	_ =	swait.ge [sflag:s12], $0x80  }
0x8e: {  	[sflag:s12] =	ssyncset.done $0x0  }
0x8f: {  	[sflag:s12] =	ssyncadd.s32 $0xFFFFFF80  }
0x90: {  	[tilespmem:s14], [sflag:$0x1] =	stream.indirect.gather [hbm4b:s1+s13], $0x1, s5, s13, $0xb8;
	[tilespmem:$0x9300] =	vst v63  }
0x91: {  	s31 =	simm.s32 $0x0;
	s30 =	smov.u32 s10  }
0x92: {  	[tilespmem:s15], [sflag:$0x1] =	stream.indirect.gather [hbm4b:s2+s13], $0x1, s5, s13, $0xb8;
	[tilespmem:$0x9300] =	vst v63  }
.LBB2_2:
0x93: {  	_ =	swait.ge [sflag:s16], $0x80  }
0x94: {  	[sflag:s16] =	ssyncset.done $0x0  }
0x95: {  	[sflag:s16] =	ssyncadd.s32 $0xFFFFFF80  }
0x96: {  	_ =	swait.ge [sflag:s16], $0x80  }
0x97: {  	s3 =	rddreg [dreg:$0x7];
	[sflag:s16] =	ssyncset.done $0x0  }
0x98: {  	[sflag:s16] =	ssyncadd.s32 $0xFFFFFF80;
	s3 =	sadd.s32 s31, s3  }
0x99: {  	[tilespmem:s13], [sflag:$0x7] =	stream.linear.gather [hbm4b:s3+s5], $0x80, $0x38;
	[tilespmem:$0x9300] =	vst v63  }
0x9a: {  	_ =	swait.ge [sflag:s12], $0x80  }
0x9b: {  	[sflag:s12] =	ssyncset.done $0x0  }
0x9c: {  	p1 =	seq.s32 s31, $0x0;
	[sflag:s12] =	ssyncadd.s32 $0xFFFFFF80  }
0x9d: {  	[tilespmem:s17], [sflag:$0x2] =	stream.indirect.gather [hbm4b:s1+s13], $0x1, s13, s13, $0xb8;
	[tilespmem:$0x9300] =	vst v63  }
0x9e: {  	s3 =	simm.s32 @!p1 $0x5;
	s7 =	rddreg [dreg:$0x8]  }
0x9f: {  	[tilespmem:s7], [sflag:$0x2] =	stream.indirect.gather [hbm4b:s2+s13], $0x1, s13, s13, $0xb8;
	[tilespmem:$0x9300] =	vst v63  }
0xa0: {  	_ =	swait.ge @!p1 [sflag:s3], $0x4000  }
0xa1: {  	v8 =	vld [tilespmem:$0x1FC00];
	_ =	sdelay $0x5  }
0xa2: {  	[sflag:s3] =	ssyncset.done @!p1 $0x0  }
0xa3: {  	[sflag:s3] =	ssyncadd.s32 @!p1 $0xFFFFC000  }
0xa4: {  	v4 =	vld.idx.msk [tilespmem:v8+s14+$0x0], $0xffff  }
0xa5: {  	v9 =	vld [tilespmem:$0x1FC10];
	_ =	sdelay $0x3  }
0xa6: {  	v4 =	vshra.s32 v4, v1  }
0xa7: {  	v4 =	vand.u32 $0xFF, v4  }
0xa8: {  	v4 =	vor.u32 v2, v4  }
0xa9: {  	[tilespmem:$0x300] =	vst v4  }
0xaa: {  	v4 =	vld.idx.msk [tilespmem:v9+s14+$0x0], $0xffff  }
0xab: {  	v10 =	vld [tilespmem:$0x1FC20];
	_ =	sdelay $0x3  }
0xac: {  	v4 =	vshra.s32 v4, v1  }
0xad: {  	v4 =	vand.u32 $0xFF, v4  }
0xae: {  	v4 =	vor.u32 v2, v4  }
0xaf: {  	[tilespmem:$0x310] =	vst v4  }
0xb0: {  	v4 =	vld.idx.msk [tilespmem:v10+s14+$0x0], $0xffff  }
0xb1: {  	v11 =	vld [tilespmem:$0x1FC30];
	_ =	sdelay $0x3  }
0xb2: {  	v4 =	vshra.s32 v4, v1  }
0xb3: {  	v4 =	vand.u32 $0xFF, v4  }
0xb4: {  	v4 =	vor.u32 v2, v4  }
0xb5: {  	[tilespmem:$0x320] =	vst v4  }
0xb6: {  	v4 =	vld.idx.msk [tilespmem:v11+s14+$0x0], $0xffff  }
0xb7: {  	v12 =	vld [tilespmem:$0x1FC40];
	_ =	sdelay $0x3  }
0xb8: {  	v4 =	vshra.s32 v4, v1  }
0xb9: {  	v4 =	vand.u32 $0xFF, v4  }
0xba: {  	v4 =	vor.u32 v2, v4  }
0xbb: {  	[tilespmem:$0x330] =	vst v4  }
0xbc: {  	v4 =	vld.idx.msk [tilespmem:v12+s14+$0x0], $0xffff  }
0xbd: {  	v13 =	vld [tilespmem:$0x1FC50];
	_ =	sdelay $0x3  }
0xbe: {  	v4 =	vshra.s32 v4, v1  }
0xbf: {  	v4 =	vand.u32 $0xFF, v4  }
0xc0: {  	v4 =	vor.u32 v2, v4  }
0xc1: {  	[tilespmem:$0x340] =	vst v4  }
0xc2: {  	v4 =	vld.idx.msk [tilespmem:v13+s14+$0x0], $0xffff  }
0xc3: {  	v14 =	vld [tilespmem:$0x1FC60];
	_ =	sdelay $0x3  }
0xc4: {  	v4 =	vshra.s32 v4, v1  }
0xc5: {  	v4 =	vand.u32 $0xFF, v4  }
0xc6: {  	v4 =	vor.u32 v2, v4  }
0xc7: {  	[tilespmem:$0x350] =	vst v4  }
0xc8: {  	v4 =	vld.idx.msk [tilespmem:v14+s14+$0x0], $0xffff  }
0xc9: {  	v15 =	vld [tilespmem:$0x1FC70];
	_ =	sdelay $0x3  }
0xca: {  	v4 =	vshra.s32 v4, v1  }
0xcb: {  	v4 =	vand.u32 $0xFF, v4  }
0xcc: {  	v4 =	vor.u32 v2, v4  }
0xcd: {  	[tilespmem:$0x360] =	vst v4  }
0xce: {  	v4 =	vld.idx.msk [tilespmem:v15+s14+$0x0], $0xffff;
	_ =	sdelay $0x1  }
0xcf: {  	v16 =	vld [tilespmem:$0x1FC80];
	_ =	sdelay $0x2  }
0xd0: {  	v4 =	vshra.s32 v4, v1  }
0xd1: {  	v4 =	vand.u32 $0xFF, v4  }
0xd2: {  	v4 =	vor.u32 v2, v4  }
0xd3: {  	s7 =	rddreg [dreg:$0x9];
	[tilespmem:$0x370] =	vst v4  }
0xd4: {  	[tilespmem:s18], [sflag:$0x3] =	stream.indirect.gather [spmem:s4], $0x10, s7, s13, $0xb8;
	[tilespmem:$0x9300] =	vst v63  }
0xd5: {  	v4 =	vld.idx.msk [tilespmem:v16+s14+$0x0], $0xffff  }
0xd6: {  	v0 =	vld [tilespmem:$0x1FC90];
	_ =	sdelay $0x3  }
0xd7: {  	v4 =	vshra.s32 v4, v1  }
0xd8: {  	v4 =	vand.u32 $0xFF, v4  }
0xd9: {  	v4 =	vor.u32 v2, v4  }
0xda: {  	[tilespmem:$0x380] =	vst v4  }
0xdb: {  	v4 =	vld.idx.msk [tilespmem:v0+s14+$0x0], $0xffff  }
0xdc: {  	v0 =	vld [tilespmem:$0x1FCA0];
	_ =	sdelay $0x3  }
0xdd: {  	v4 =	vshra.s32 v4, v1  }
0xde: {  	v4 =	vand.u32 $0xFF, v4  }
0xdf: {  	v4 =	vor.u32 v2, v4  }
0xe0: {  	[tilespmem:$0x390] =	vst v4  }
0xe1: {  	v4 =	vld.idx.msk [tilespmem:v0+s14+$0x0], $0xffff  }
0xe2: {  	v0 =	vld [tilespmem:$0x1FCB0];
	_ =	sdelay $0x3  }
0xe3: {  	v4 =	vshra.s32 v4, v1  }
0xe4: {  	v4 =	vand.u32 $0xFF, v4  }
0xe5: {  	v4 =	vor.u32 v2, v4  }
0xe6: {  	[tilespmem:$0x3A0] =	vst v4  }
0xe7: {  	v4 =	vld.idx.msk [tilespmem:v0+s14+$0x0], $0xffff  }
0xe8: {  	v20 =	vld [tilespmem:$0x1FCC0];
	_ =	sdelay $0x3  }
0xe9: {  	v4 =	vshra.s32 v4, v1  }
0xea: {  	v4 =	vand.u32 $0xFF, v4  }
0xeb: {  	v4 =	vor.u32 v2, v4  }
0xec: {  	[tilespmem:$0x3B0] =	vst v4  }
0xed: {  	v4 =	vld.idx.msk [tilespmem:v20+s14+$0x0], $0xffff  }
0xee: {  	v21 =	vld [tilespmem:$0x1FCD0];
	_ =	sdelay $0x3  }
0xef: {  	v4 =	vshra.s32 v4, v1  }
0xf0: {  	v4 =	vand.u32 $0xFF, v4  }
0xf1: {  	v4 =	vor.u32 v2, v4  }
0xf2: {  	[tilespmem:$0x3C0] =	vst v4  }
0xf3: {  	v4 =	vld.idx.msk [tilespmem:v21+s14+$0x0], $0xffff  }
0xf4: {  	v22 =	vld [tilespmem:$0x1FCE0];
	_ =	sdelay $0x3  }
0xf5: {  	v4 =	vshra.s32 v4, v1  }
0xf6: {  	v4 =	vand.u32 $0xFF, v4  }
0xf7: {  	v4 =	vor.u32 v2, v4  }
0xf8: {  	[tilespmem:$0x3D0] =	vst v4  }
0xf9: {  	v4 =	vld.idx.msk [tilespmem:v22+s14+$0x0], $0xffff  }
0xfa: {  	v23 =	vld [tilespmem:$0x1FCF0];
	_ =	sdelay $0x3  }
0xfb: {  	v4 =	vshra.s32 v4, v1  }
0xfc: {  	v4 =	vand.u32 $0xFF, v4  }
0xfd: {  	v4 =	vor.u32 v2, v4  }
0xfe: {  	[tilespmem:$0x3E0] =	vst v4  }
0xff: {  	v4 =	vld.idx.msk [tilespmem:v23+s14+$0x0], $0xffff;
	_ =	sdelay $0x1  }
0x100: {  	v24 =	vld [tilespmem:$0x1FD00];
	_ =	sdelay $0x2  }
0x101: {  	v4 =	vshra.s32 v4, v1  }
0x102: {  	v4 =	vand.u32 $0xFF, v4  }
0x103: {  	s3 =	rddreg [dreg:$0xa];
	v4 =	vor.u32 v2, v4  }
0x104: {  	s7 =	rddreg [dreg:$0xb];
	[tilespmem:$0x3F0] =	vst v4  }
0x105: {  	[tilespmem:s7], [sflag:$0x3] =	stream.indirect.gather [spmem:s4], $0x10, s3, s13, $0xb8;
	[tilespmem:$0x9300] =	vst v63  }
0x106: {  	v4 =	vld.idx.msk [tilespmem:v24+s14+$0x0], $0xffff  }
0x107: {  	v25 =	vld [tilespmem:$0x1FD10];
	_ =	sdelay $0x3  }
0x108: {  	v4 =	vshra.s32 v4, v1  }
0x109: {  	v4 =	vand.u32 $0xFF, v4  }
0x10a: {  	v4 =	vor.u32 v2, v4  }
0x10b: {  	[tilespmem:$0x400] =	vst v4  }
0x10c: {  	v4 =	vld.idx.msk [tilespmem:v25+s14+$0x0], $0xffff  }
0x10d: {  	v26 =	vld [tilespmem:$0x1FD20];
	_ =	sdelay $0x3  }
0x10e: {  	v4 =	vshra.s32 v4, v1  }
0x10f: {  	v4 =	vand.u32 $0xFF, v4  }
0x110: {  	v4 =	vor.u32 v2, v4  }
0x111: {  	[tilespmem:$0x410] =	vst v4  }
0x112: {  	v4 =	vld.idx.msk [tilespmem:v26+s14+$0x0], $0xffff  }
0x113: {  	v27 =	vld [tilespmem:$0x1FD30];
	_ =	sdelay $0x3  }
0x114: {  	v4 =	vshra.s32 v4, v1  }
0x115: {  	v4 =	vand.u32 $0xFF, v4  }
0x116: {  	v4 =	vor.u32 v2, v4  }
0x117: {  	[tilespmem:$0x420] =	vst v4  }
0x118: {  	v4 =	vld.idx.msk [tilespmem:v27+s14+$0x0], $0xffff  }
0x119: {  	v28 =	vld [tilespmem:$0x1FD40];
	_ =	sdelay $0x3  }
0x11a: {  	v4 =	vshra.s32 v4, v1  }
0x11b: {  	v4 =	vand.u32 $0xFF, v4  }
0x11c: {  	v4 =	vor.u32 v2, v4  }
0x11d: {  	[tilespmem:$0x430] =	vst v4  }
0x11e: {  	v4 =	vld.idx.msk [tilespmem:v28+s14+$0x0], $0xffff  }
0x11f: {  	v29 =	vld [tilespmem:$0x1FD50];
	_ =	sdelay $0x3  }
0x120: {  	v4 =	vshra.s32 v4, v1  }
0x121: {  	v4 =	vand.u32 $0xFF, v4  }
0x122: {  	v4 =	vor.u32 v2, v4  }
0x123: {  	[tilespmem:$0x440] =	vst v4  }
0x124: {  	v4 =	vld.idx.msk [tilespmem:v29+s14+$0x0], $0xffff  }
0x125: {  	v30 =	vld [tilespmem:$0x1FD60];
	_ =	sdelay $0x3  }
0x126: {  	v4 =	vshra.s32 v4, v1  }
0x127: {  	v4 =	vand.u32 $0xFF, v4  }
0x128: {  	v4 =	vor.u32 v2, v4  }
0x129: {  	[tilespmem:$0x450] =	vst v4  }
0x12a: {  	v4 =	vld.idx.msk [tilespmem:v30+s14+$0x0], $0xffff  }
0x12b: {  	v31 =	vld [tilespmem:$0x1FD70];
	_ =	sdelay $0x3  }
0x12c: {  	v4 =	vshra.s32 v4, v1  }
0x12d: {  	v4 =	vand.u32 $0xFF, v4  }
0x12e: {  	v4 =	vor.u32 v2, v4  }
0x12f: {  	[tilespmem:$0x460] =	vst v4  }
0x130: {  	v4 =	vld.idx.msk [tilespmem:v31+s14+$0x0], $0xffff;
	_ =	sdelay $0x1  }
0x131: {  	v32 =	vld [tilespmem:$0x1FD80];
	_ =	sdelay $0x2  }
0x132: {  	v4 =	vshra.s32 v4, v1  }
0x133: {  	v4 =	vand.u32 $0xFF, v4  }
0x134: {  	s3 =	rddreg [dreg:$0xc];
	v4 =	vor.u32 v2, v4  }
0x135: {  	s7 =	rddreg [dreg:$0xd];
	[tilespmem:$0x470] =	vst v4  }
0x136: {  	[tilespmem:s7], [sflag:$0x3] =	stream.indirect.gather [spmem:s4], $0x10, s3, s13, $0xb8;
	[tilespmem:$0x9300] =	vst v63  }
0x137: {  	v4 =	vld.idx.msk [tilespmem:v32+s14+$0x0], $0xffff  }
0x138: {  	v33 =	vld [tilespmem:$0x1FD90];
	_ =	sdelay $0x3  }
0x139: {  	v4 =	vshra.s32 v4, v1  }
0x13a: {  	v4 =	vand.u32 $0xFF, v4  }
0x13b: {  	v4 =	vor.u32 v2, v4  }
0x13c: {  	[tilespmem:$0x480] =	vst v4  }
0x13d: {  	v4 =	vld.idx.msk [tilespmem:v33+s14+$0x0], $0xffff  }
0x13e: {  	v34 =	vld [tilespmem:$0x1FDA0];
	_ =	sdelay $0x3  }
0x13f: {  	v4 =	vshra.s32 v4, v1  }
0x140: {  	v4 =	vand.u32 $0xFF, v4  }
0x141: {  	v4 =	vor.u32 v2, v4  }
0x142: {  	[tilespmem:$0x490] =	vst v4  }
0x143: {  	v4 =	vld.idx.msk [tilespmem:v34+s14+$0x0], $0xffff  }
0x144: {  	v35 =	vld [tilespmem:$0x1FDB0];
	_ =	sdelay $0x3  }
0x145: {  	v4 =	vshra.s32 v4, v1  }
0x146: {  	v4 =	vand.u32 $0xFF, v4  }
0x147: {  	v4 =	vor.u32 v2, v4  }
0x148: {  	[tilespmem:$0x4A0] =	vst v4  }
0x149: {  	v4 =	vld.idx.msk [tilespmem:v35+s14+$0x0], $0xffff  }
0x14a: {  	v36 =	vld [tilespmem:$0x1FDC0];
	_ =	sdelay $0x3  }
0x14b: {  	v4 =	vshra.s32 v4, v1  }
0x14c: {  	v4 =	vand.u32 $0xFF, v4  }
0x14d: {  	v4 =	vor.u32 v2, v4  }
0x14e: {  	[tilespmem:$0x4B0] =	vst v4  }
0x14f: {  	v4 =	vld.idx.msk [tilespmem:v36+s14+$0x0], $0xffff  }
0x150: {  	v37 =	vld [tilespmem:$0x1FDD0];
	_ =	sdelay $0x3  }
0x151: {  	v4 =	vshra.s32 v4, v1  }
0x152: {  	v4 =	vand.u32 $0xFF, v4  }
0x153: {  	v4 =	vor.u32 v2, v4  }
0x154: {  	[tilespmem:$0x4C0] =	vst v4  }
0x155: {  	v4 =	vld.idx.msk [tilespmem:v37+s14+$0x0], $0xffff  }
0x156: {  	v38 =	vld [tilespmem:$0x1FDE0];
	_ =	sdelay $0x3  }
0x157: {  	v4 =	vshra.s32 v4, v1  }
0x158: {  	v4 =	vand.u32 $0xFF, v4  }
0x159: {  	v4 =	vor.u32 v2, v4  }
0x15a: {  	[tilespmem:$0x4D0] =	vst v4  }
0x15b: {  	v4 =	vld.idx.msk [tilespmem:v38+s14+$0x0], $0xffff  }
0x15c: {  	v39 =	vld [tilespmem:$0x1FDF0];
	_ =	sdelay $0x3  }
0x15d: {  	v4 =	vshra.s32 v4, v1  }
0x15e: {  	v4 =	vand.u32 $0xFF, v4  }
0x15f: {  	v4 =	vor.u32 v2, v4  }
0x160: {  	[tilespmem:$0x4E0] =	vst v4  }
0x161: {  	v4 =	vld.idx.msk [tilespmem:v39+s14+$0x0], $0xffff;
	_ =	sdelay $0x1  }
0x162: {  	v40 =	vld [tilespmem:$0x1FE00];
	_ =	sdelay $0x2  }
0x163: {  	v4 =	vshra.s32 v4, v1  }
0x164: {  	v4 =	vand.u32 $0xFF, v4  }
0x165: {  	s3 =	rddreg [dreg:$0xe];
	v4 =	vor.u32 v2, v4  }
0x166: {  	s7 =	rddreg [dreg:$0xf];
	[tilespmem:$0x4F0] =	vst v4  }
0x167: {  	[tilespmem:s7], [sflag:$0x3] =	stream.indirect.gather [spmem:s4], $0x10, s3, s13, $0xb8;
	[tilespmem:$0x9300] =	vst v63  }
0x168: {  	v4 =	vld.idx.msk [tilespmem:v40+s14+$0x0], $0xffff  }
0x169: {  	v41 =	vld [tilespmem:$0x1FE10];
	_ =	sdelay $0x3  }
0x16a: {  	v4 =	vshra.s32 v4, v1  }
0x16b: {  	v4 =	vand.u32 $0xFF, v4  }
0x16c: {  	v4 =	vor.u32 v2, v4  }
0x16d: {  	[tilespmem:$0x500] =	vst v4  }
0x16e: {  	v4 =	vld.idx.msk [tilespmem:v41+s14+$0x0], $0xffff  }
0x16f: {  	v42 =	vld [tilespmem:$0x1FE20];
	_ =	sdelay $0x3  }
0x170: {  	v4 =	vshra.s32 v4, v1  }
0x171: {  	v4 =	vand.u32 $0xFF, v4  }
0x172: {  	v4 =	vor.u32 v2, v4  }
0x173: {  	[tilespmem:$0x510] =	vst v4  }
0x174: {  	v4 =	vld.idx.msk [tilespmem:v42+s14+$0x0], $0xffff  }
0x175: {  	v43 =	vld [tilespmem:$0x1FE30];
	_ =	sdelay $0x3  }
0x176: {  	v4 =	vshra.s32 v4, v1  }
0x177: {  	v4 =	vand.u32 $0xFF, v4  }
0x178: {  	v4 =	vor.u32 v2, v4  }
0x179: {  	[tilespmem:$0x520] =	vst v4  }
0x17a: {  	v4 =	vld.idx.msk [tilespmem:v43+s14+$0x0], $0xffff  }
0x17b: {  	v44 =	vld [tilespmem:$0x1FE40];
	_ =	sdelay $0x3  }
0x17c: {  	v4 =	vshra.s32 v4, v1  }
0x17d: {  	v4 =	vand.u32 $0xFF, v4  }
0x17e: {  	v4 =	vor.u32 v2, v4  }
0x17f: {  	[tilespmem:$0x530] =	vst v4  }
0x180: {  	v4 =	vld.idx.msk [tilespmem:v44+s14+$0x0], $0xffff  }
0x181: {  	v45 =	vld [tilespmem:$0x1FE50];
	_ =	sdelay $0x3  }
0x182: {  	v4 =	vshra.s32 v4, v1  }
0x183: {  	v4 =	vand.u32 $0xFF, v4  }
0x184: {  	v4 =	vor.u32 v2, v4  }
0x185: {  	[tilespmem:$0x540] =	vst v4  }
0x186: {  	v4 =	vld.idx.msk [tilespmem:v45+s14+$0x0], $0xffff  }
0x187: {  	v46 =	vld [tilespmem:$0x1FE60];
	_ =	sdelay $0x3  }
0x188: {  	v4 =	vshra.s32 v4, v1  }
0x189: {  	v4 =	vand.u32 $0xFF, v4  }
0x18a: {  	v4 =	vor.u32 v2, v4  }
0x18b: {  	[tilespmem:$0x550] =	vst v4  }
0x18c: {  	v4 =	vld.idx.msk [tilespmem:v46+s14+$0x0], $0xffff  }
0x18d: {  	v47 =	vld [tilespmem:$0x1FE70];
	_ =	sdelay $0x3  }
0x18e: {  	v4 =	vshra.s32 v4, v1  }
0x18f: {  	v4 =	vand.u32 $0xFF, v4  }
0x190: {  	v4 =	vor.u32 v2, v4  }
0x191: {  	[tilespmem:$0x560] =	vst v4  }
0x192: {  	v4 =	vld.idx.msk [tilespmem:v47+s14+$0x0], $0xffff;
	_ =	sdelay $0x1  }
0x193: {  	v48 =	vld [tilespmem:$0x1FE80];
	_ =	sdelay $0x2  }
0x194: {  	v4 =	vshra.s32 v4, v1  }
0x195: {  	v4 =	vand.u32 $0xFF, v4  }
0x196: {  	s3 =	rddreg [dreg:$0x10];
	v4 =	vor.u32 v2, v4  }
0x197: {  	s7 =	rddreg [dreg:$0x11];
	[tilespmem:$0x570] =	vst v4  }
0x198: {  	[tilespmem:s7], [sflag:$0x3] =	stream.indirect.gather [spmem:s4], $0x10, s3, s13, $0xb8;
	[tilespmem:$0x9300] =	vst v63  }
0x199: {  	v4 =	vld.idx.msk [tilespmem:v48+s14+$0x0], $0xffff  }
0x19a: {  	v49 =	vld [tilespmem:$0x1FE90];
	_ =	sdelay $0x3  }
0x19b: {  	v4 =	vshra.s32 v4, v1  }
0x19c: {  	v4 =	vand.u32 $0xFF, v4  }
0x19d: {  	v4 =	vor.u32 v2, v4  }
0x19e: {  	[tilespmem:$0x580] =	vst v4  }
0x19f: {  	v4 =	vld.idx.msk [tilespmem:v49+s14+$0x0], $0xffff  }
0x1a0: {  	v50 =	vld [tilespmem:$0x1FEA0];
	_ =	sdelay $0x3  }
0x1a1: {  	v4 =	vshra.s32 v4, v1  }
0x1a2: {  	v4 =	vand.u32 $0xFF, v4  }
0x1a3: {  	v4 =	vor.u32 v2, v4  }
0x1a4: {  	[tilespmem:$0x590] =	vst v4  }
0x1a5: {  	v4 =	vld.idx.msk [tilespmem:v50+s14+$0x0], $0xffff  }
0x1a6: {  	v51 =	vld [tilespmem:$0x1FEB0];
	_ =	sdelay $0x3  }
0x1a7: {  	v4 =	vshra.s32 v4, v1  }
0x1a8: {  	v4 =	vand.u32 $0xFF, v4  }
0x1a9: {  	v4 =	vor.u32 v2, v4  }
0x1aa: {  	[tilespmem:$0x5A0] =	vst v4  }
0x1ab: {  	v4 =	vld.idx.msk [tilespmem:v51+s14+$0x0], $0xffff  }
0x1ac: {  	v52 =	vld [tilespmem:$0x1FEC0];
	_ =	sdelay $0x3  }
0x1ad: {  	v4 =	vshra.s32 v4, v1  }
0x1ae: {  	v4 =	vand.u32 $0xFF, v4  }
0x1af: {  	v4 =	vor.u32 v2, v4  }
0x1b0: {  	[tilespmem:$0x5B0] =	vst v4  }
0x1b1: {  	v4 =	vld.idx.msk [tilespmem:v52+s14+$0x0], $0xffff  }
0x1b2: {  	v53 =	vld [tilespmem:$0x1FED0];
	_ =	sdelay $0x3  }
0x1b3: {  	v4 =	vshra.s32 v4, v1  }
0x1b4: {  	v4 =	vand.u32 $0xFF, v4  }
0x1b5: {  	v4 =	vor.u32 v2, v4  }
0x1b6: {  	[tilespmem:$0x5C0] =	vst v4  }
0x1b7: {  	v4 =	vld.idx.msk [tilespmem:v53+s14+$0x0], $0xffff  }
0x1b8: {  	v54 =	vld [tilespmem:$0x1FEE0];
	_ =	sdelay $0x3  }
0x1b9: {  	v4 =	vshra.s32 v4, v1  }
0x1ba: {  	v4 =	vand.u32 $0xFF, v4  }
0x1bb: {  	v4 =	vor.u32 v2, v4  }
0x1bc: {  	[tilespmem:$0x5D0] =	vst v4  }
0x1bd: {  	v4 =	vld.idx.msk [tilespmem:v54+s14+$0x0], $0xffff  }
0x1be: {  	v55 =	vld [tilespmem:$0x1FEF0];
	_ =	sdelay $0x3  }
0x1bf: {  	v4 =	vshra.s32 v4, v1  }
0x1c0: {  	v4 =	vand.u32 $0xFF, v4  }
0x1c1: {  	v4 =	vor.u32 v2, v4  }
0x1c2: {  	[tilespmem:$0x5E0] =	vst v4  }
0x1c3: {  	v4 =	vld.idx.msk [tilespmem:v55+s14+$0x0], $0xffff;
	_ =	sdelay $0x1  }
0x1c4: {  	v56 =	vld [tilespmem:$0x1FF00];
	_ =	sdelay $0x2  }
0x1c5: {  	v4 =	vshra.s32 v4, v1  }
0x1c6: {  	v4 =	vand.u32 $0xFF, v4  }
0x1c7: {  	s3 =	rddreg [dreg:$0x12];
	v4 =	vor.u32 v2, v4  }
0x1c8: {  	s7 =	rddreg [dreg:$0x13];
	[tilespmem:$0x5F0] =	vst v4  }
0x1c9: {  	[tilespmem:s7], [sflag:$0x3] =	stream.indirect.gather [spmem:s4], $0x10, s3, s13, $0xb8;
	[tilespmem:$0x9300] =	vst v63  }
0x1ca: {  	v4 =	vld.idx.msk [tilespmem:v56+s14+$0x0], $0xffff  }
0x1cb: {  	v57 =	vld [tilespmem:$0x1FF10];
	_ =	sdelay $0x3  }
0x1cc: {  	v4 =	vshra.s32 v4, v1  }
0x1cd: {  	v4 =	vand.u32 $0xFF, v4  }
0x1ce: {  	v4 =	vor.u32 v2, v4  }
0x1cf: {  	[tilespmem:$0x600] =	vst v4  }
0x1d0: {  	v4 =	vld.idx.msk [tilespmem:v57+s14+$0x0], $0xffff  }
0x1d1: {  	v58 =	vld [tilespmem:$0x1FF20];
	_ =	sdelay $0x3  }
0x1d2: {  	v4 =	vshra.s32 v4, v1  }
0x1d3: {  	v4 =	vand.u32 $0xFF, v4  }
0x1d4: {  	v4 =	vor.u32 v2, v4  }
0x1d5: {  	[tilespmem:$0x610] =	vst v4  }
0x1d6: {  	v4 =	vld.idx.msk [tilespmem:v58+s14+$0x0], $0xffff  }
0x1d7: {  	v59 =	vld [tilespmem:$0x1FF30];
	_ =	sdelay $0x3  }
0x1d8: {  	v4 =	vshra.s32 v4, v1  }
0x1d9: {  	v4 =	vand.u32 $0xFF, v4  }
0x1da: {  	v4 =	vor.u32 v2, v4  }
0x1db: {  	[tilespmem:$0x620] =	vst v4  }
0x1dc: {  	v4 =	vld.idx.msk [tilespmem:v59+s14+$0x0], $0xffff  }
0x1dd: {  	v60 =	vld [tilespmem:$0x1FF40];
	_ =	sdelay $0x3  }
0x1de: {  	v4 =	vshra.s32 v4, v1  }
0x1df: {  	v4 =	vand.u32 $0xFF, v4  }
0x1e0: {  	v4 =	vor.u32 v2, v4  }
0x1e1: {  	[tilespmem:$0x630] =	vst v4  }
0x1e2: {  	v4 =	vld.idx.msk [tilespmem:v60+s14+$0x0], $0xffff  }
0x1e3: {  	v61 =	vld [tilespmem:$0x1FF50];
	_ =	sdelay $0x3  }
0x1e4: {  	v4 =	vshra.s32 v4, v1  }
0x1e5: {  	v4 =	vand.u32 $0xFF, v4  }
0x1e6: {  	v4 =	vor.u32 v2, v4  }
0x1e7: {  	[tilespmem:$0x640] =	vst v4  }
0x1e8: {  	v4 =	vld.idx.msk [tilespmem:v61+s14+$0x0], $0xffff  }
0x1e9: {  	v62 =	vld [tilespmem:$0x1FF60];
	_ =	sdelay $0x3  }
0x1ea: {  	v4 =	vshra.s32 v4, v1  }
0x1eb: {  	v4 =	vand.u32 $0xFF, v4  }
0x1ec: {  	v4 =	vor.u32 v2, v4  }
0x1ed: {  	[tilespmem:$0x650] =	vst v4  }
0x1ee: {  	v4 =	vld.idx.msk [tilespmem:v62+s14+$0x0], $0xffff  }
0x1ef: {  	v63 =	vld [tilespmem:$0x1FF70];
	_ =	sdelay $0x3  }
0x1f0: {  	v4 =	vshra.s32 v4, v1  }
0x1f1: {  	v4 =	vand.u32 $0xFF, v4  }
0x1f2: {  	v4 =	vor.u32 v2, v4  }
0x1f3: {  	[tilespmem:$0x660] =	vst v4  }
0x1f4: {  	v4 =	vld.idx.msk [tilespmem:v63+s14+$0x0], $0xffff;
	_ =	sdelay $0x1  }
0x1f5: {  	v0 =	vld [tilespmem:$0x1FF80];
	_ =	sdelay $0x2  }
0x1f6: {  	v4 =	vshra.s32 v4, v1  }
0x1f7: {  	v4 =	vand.u32 $0xFF, v4  }
0x1f8: {  	s3 =	rddreg [dreg:$0x14];
	v4 =	vor.u32 v2, v4  }
0x1f9: {  	s7 =	rddreg [dreg:$0x15];
	[tilespmem:$0x670] =	vst v4  }
0x1fa: {  	[tilespmem:s7], [sflag:$0x3] =	stream.indirect.gather [spmem:s4], $0x10, s3, s13, $0xb8;
	[tilespmem:$0x9300] =	vst v63  }
0x1fb: {  	v4 =	vld.idx.msk [tilespmem:v0+s14+$0x0], $0xffff  }
0x1fc: {  	v3 =	vld [tilespmem:$0x1FF90];
	_ =	sdelay $0x3  }
0x1fd: {  	v4 =	vshra.s32 v4, v1  }
0x1fe: {  	v4 =	vand.u32 $0xFF, v4  }
0x1ff: {  	v4 =	vor.u32 v2, v4  }
0x200: {  	[tilespmem:$0x680] =	vst v4  }
0x201: {  	v4 =	vld.idx.msk [tilespmem:v3+s14+$0x0], $0xffff  }
0x202: {  	v5 =	vld [tilespmem:$0x1FFA0];
	_ =	sdelay $0x3  }
0x203: {  	v4 =	vshra.s32 v4, v1  }
0x204: {  	v4 =	vand.u32 $0xFF, v4  }
0x205: {  	v4 =	vor.u32 v2, v4  }
0x206: {  	[tilespmem:$0x690] =	vst v4  }
0x207: {  	v4 =	vld.idx.msk [tilespmem:v5+s14+$0x0], $0xffff  }
0x208: {  	v6 =	vld [tilespmem:$0x1FFB0];
	_ =	sdelay $0x3  }
0x209: {  	v4 =	vshra.s32 v4, v1  }
0x20a: {  	v4 =	vand.u32 $0xFF, v4  }
0x20b: {  	v4 =	vor.u32 v2, v4  }
0x20c: {  	[tilespmem:$0x6A0] =	vst v4  }
0x20d: {  	v4 =	vld.idx.msk [tilespmem:v6+s14+$0x0], $0xffff  }
0x20e: {  	v7 =	vld [tilespmem:$0x1FFC0];
	_ =	sdelay $0x3  }
0x20f: {  	v4 =	vshra.s32 v4, v1  }
0x210: {  	v4 =	vand.u32 $0xFF, v4  }
0x211: {  	v4 =	vor.u32 v2, v4  }
0x212: {  	[tilespmem:$0x6B0] =	vst v4  }
0x213: {  	v4 =	vld.idx.msk [tilespmem:v7+s14+$0x0], $0xffff  }
0x214: {  	v17 =	vld [tilespmem:$0x1FFD0];
	_ =	sdelay $0x3  }
0x215: {  	v4 =	vshra.s32 v4, v1  }
0x216: {  	v4 =	vand.u32 $0xFF, v4  }
0x217: {  	v4 =	vor.u32 v2, v4  }
0x218: {  	[tilespmem:$0x6C0] =	vst v4  }
0x219: {  	v4 =	vld.idx.msk [tilespmem:v17+s14+$0x0], $0xffff  }
0x21a: {  	v18 =	vld [tilespmem:$0x1FFE0];
	_ =	sdelay $0x3  }
0x21b: {  	v4 =	vshra.s32 v4, v1  }
0x21c: {  	v4 =	vand.u32 $0xFF, v4  }
0x21d: {  	v4 =	vor.u32 v2, v4  }
0x21e: {  	[tilespmem:$0x6D0] =	vst v4  }
0x21f: {  	v4 =	vld.idx.msk [tilespmem:v18+s14+$0x0], $0xffff  }
0x220: {  	v19 =	vld [tilespmem:$0x1FFF0];
	_ =	sdelay $0x3  }
0x221: {  	v4 =	vshra.s32 v4, v1  }
0x222: {  	v4 =	vand.u32 $0xFF, v4  }
0x223: {  	v4 =	vor.u32 v2, v4  }
0x224: {  	[tilespmem:$0x6E0] =	vst v4  }
0x225: {  	v4 =	vld.idx.msk [tilespmem:v19+s14+$0x0], $0xffff;
	_ =	sdelay $0x4  }
0x226: {  	v4 =	vshra.s32 v4, v1  }
0x227: {  	v4 =	vand.u32 $0xFF, v4  }
0x228: {  	s3 =	rddreg [dreg:$0x16];
	v4 =	vor.u32 v2, v4  }
0x229: {  	s7 =	rddreg [dreg:$0x17];
	[tilespmem:$0x6F0] =	vst v4  }
0x22a: {  	[tilespmem:s7], [sflag:$0x3] =	stream.indirect.gather [spmem:s4], $0x10, s3, s13, $0xb8;
	[tilespmem:$0x9300] =	vst v63  }
0x22b: {  	_ =	swait.ge [sflag:s19], $0x800  }
0x22c: {  	[sflag:s19] =	ssyncset.done $0x0  }
0x22d: {  	[sflag:s19] =	ssyncadd.s32 $0xFFFFF800  }
0x22e: {  	_ =	swait.ge [sflag:s19], $0x800  }
0x22f: {  	[sflag:s19] =	ssyncset.done $0x0  }
0x230: {  	[sflag:s19] =	ssyncadd.s32 $0xFFFFF800  }
0x231: {  	_ =	swait.ge [sflag:s19], $0x800  }
0x232: {  	[sflag:s19] =	ssyncset.done $0x0  }
0x233: {  	[sflag:s19] =	ssyncadd.s32 $0xFFFFF800  }
0x234: {  	_ =	swait.ge [sflag:s19], $0x800  }
0x235: {  	[sflag:s19] =	ssyncset.done $0x0  }
0x236: {  	[sflag:s19] =	ssyncadd.s32 $0xFFFFF800  }
0x237: {  	_ =	swait.ge [sflag:s19], $0x800  }
0x238: {  	[sflag:s19] =	ssyncset.done $0x0  }
0x239: {  	[sflag:s19] =	ssyncadd.s32 $0xFFFFF800  }
0x23a: {  	_ =	swait.ge [sflag:s19], $0x800  }
0x23b: {  	[sflag:s19] =	ssyncset.done $0x0  }
0x23c: {  	[sflag:s19] =	ssyncadd.s32 $0xFFFFF800  }
0x23d: {  	_ =	swait.ge [sflag:s19], $0x800  }
0x23e: {  	[sflag:s19] =	ssyncset.done $0x0  }
0x23f: {  	[sflag:s19] =	ssyncadd.s32 $0xFFFFF800  }
0x240: {  	_ =	swait.ge [sflag:s19], $0x800  }
0x241: {  	[sflag:s19] =	ssyncset.done $0x0  }
0x242: {  	s7 =	sadd.s32 $0xFFFFF800, s30;
	[sflag:s19] =	ssyncadd.s32 $0xFFFFF800  }
0x243: {  	[hbm4b:s7+s5] =	stream.linear.scatter [tilespmem:s18], [sflag:$0x5], $0x4000, $0x38;
	[tilespmem:$0x9300] =	vst v63  }
0x244: {  	_ =	swait.ge [sflag:s20], $0x80  }
0x245: {  	[sflag:s20] =	ssyncset.done $0x0  }
0x246: {  	s7 =	sadd.s32 s31, s6;
	[sflag:s20] =	ssyncadd.s32 $0xFFFFFF80  }
0x247: {  	p2 =	seq.s32 s7, $0x63E0;
	s3 =	sadd.s32 $0x20, s7;
	_ =	swait.ge [sflag:s20], $0x80  }
0x248: {  	s3 =	simm.s32 @p2 $0x0;
	[sflag:s20] =	ssyncset.done $0x0  }
0x249: {  	s3 =	sadd.s32 s0, s3;
	[sflag:s20] =	ssyncadd.s32 $0xFFFFFF80  }
0x24a: {  	[tilespmem:s5], [sflag:$0x7] =	stream.linear.gather [hbm4b:s3+s5], $0x80, $0x38;
	[tilespmem:$0x9300] =	vst v63  }
0x24b: {  	_ =	swait.ge [sflag:s12], $0x80  }
0x24c: {  	[sflag:s12] =	ssyncset.done $0x0  }
0x24d: {  	[sflag:s12] =	ssyncadd.s32 $0xFFFFFF80  }
0x24e: {  	[tilespmem:s14], [sflag:$0x1] =	stream.indirect.gather [hbm4b:s1+s13], $0x1, s5, s13, $0xb8;
	[tilespmem:$0x9300] =	vst v63  }
0x24f: {  	s3 =	simm.s32 @!p1 $0x6  }
0x250: {  	[tilespmem:s15], [sflag:$0x1] =	stream.indirect.gather [hbm4b:s2+s13], $0x1, s5, s13, $0xb8;
	[tilespmem:$0x9300] =	vst v63  }
0x251: {  	_ =	swait.ge @!p1 [sflag:s3], $0x4000  }
0x252: {  	[sflag:s3] =	ssyncset.done @!p1 $0x0  }
0x253: {  	[sflag:s3] =	ssyncadd.s32 @!p1 $0xFFFFC000  }
0x254: {  	v8 =	vld.idx.msk [tilespmem:v8+s17+$0x0], $0xffff;
	_ =	sdelay $0x4  }
0x255: {  	v4 =	vshra.s32 v8, v1  }
0x256: {  	v4 =	vand.u32 $0xFF, v4  }
0x257: {  	v4 =	vor.u32 v2, v4  }
0x258: {  	[tilespmem:$0x700] =	vst v4  }
0x259: {  	v4 =	vld.idx.msk [tilespmem:v9+s17+$0x0], $0xffff;
	_ =	sdelay $0x4  }
0x25a: {  	v4 =	vshra.s32 v4, v1  }
0x25b: {  	v4 =	vand.u32 $0xFF, v4  }
0x25c: {  	v4 =	vor.u32 v2, v4  }
0x25d: {  	[tilespmem:$0x710] =	vst v4  }
0x25e: {  	v4 =	vld.idx.msk [tilespmem:v10+s17+$0x0], $0xffff;
	_ =	sdelay $0x4  }
0x25f: {  	v4 =	vshra.s32 v4, v1  }
0x260: {  	v4 =	vand.u32 $0xFF, v4  }
0x261: {  	v4 =	vor.u32 v2, v4  }
0x262: {  	[tilespmem:$0x720] =	vst v4  }
0x263: {  	v4 =	vld.idx.msk [tilespmem:v11+s17+$0x0], $0xffff;
	_ =	sdelay $0x4  }
0x264: {  	v4 =	vshra.s32 v4, v1  }
0x265: {  	v4 =	vand.u32 $0xFF, v4  }
0x266: {  	v4 =	vor.u32 v2, v4  }
0x267: {  	[tilespmem:$0x730] =	vst v4  }
0x268: {  	v4 =	vld.idx.msk [tilespmem:v12+s17+$0x0], $0xffff;
	_ =	sdelay $0x4  }
0x269: {  	v4 =	vshra.s32 v4, v1  }
0x26a: {  	v4 =	vand.u32 $0xFF, v4  }
0x26b: {  	v4 =	vor.u32 v2, v4  }
0x26c: {  	[tilespmem:$0x740] =	vst v4  }
0x26d: {  	v4 =	vld.idx.msk [tilespmem:v13+s17+$0x0], $0xffff;
	_ =	sdelay $0x4  }
0x26e: {  	v4 =	vshra.s32 v4, v1  }
0x26f: {  	v4 =	vand.u32 $0xFF, v4  }
0x270: {  	v4 =	vor.u32 v2, v4  }
0x271: {  	[tilespmem:$0x750] =	vst v4  }
0x272: {  	v4 =	vld.idx.msk [tilespmem:v14+s17+$0x0], $0xffff;
	_ =	sdelay $0x4  }
0x273: {  	v4 =	vshra.s32 v4, v1  }
0x274: {  	v4 =	vand.u32 $0xFF, v4  }
0x275: {  	v4 =	vor.u32 v2, v4  }
0x276: {  	[tilespmem:$0x760] =	vst v4  }
0x277: {  	v4 =	vld.idx.msk [tilespmem:v15+s17+$0x0], $0xffff;
	_ =	sdelay $0x4  }
0x278: {  	v4 =	vshra.s32 v4, v1  }
0x279: {  	v4 =	vand.u32 $0xFF, v4  }
0x27a: {  	v4 =	vor.u32 v2, v4  }
0x27b: {  	s7 =	rddreg [dreg:$0x18];
	[tilespmem:$0x770] =	vst v4  }
0x27c: {  	[tilespmem:s21], [sflag:$0x4] =	stream.indirect.gather [spmem:s4], $0x10, s7, s13, $0xb8;
	[tilespmem:$0x9300] =	vst v63  }
0x27d: {  	v4 =	vld.idx.msk [tilespmem:v16+s17+$0x0], $0xffff  }
0x27e: {  	v14 =	vld [tilespmem:$0x1FC90];
	_ =	sdelay $0x3  }
0x27f: {  	v4 =	vshra.s32 v4, v1  }
0x280: {  	v4 =	vand.u32 $0xFF, v4  }
0x281: {  	v4 =	vor.u32 v2, v4  }
0x282: {  	[tilespmem:$0x780] =	vst v4  }
0x283: {  	v4 =	vld.idx.msk [tilespmem:v14+s17+$0x0], $0xffff  }
0x284: {  	v15 =	vld [tilespmem:$0x1FCA0];
	_ =	sdelay $0x3  }
0x285: {  	v4 =	vshra.s32 v4, v1  }
0x286: {  	v4 =	vand.u32 $0xFF, v4  }
0x287: {  	v4 =	vor.u32 v2, v4  }
0x288: {  	[tilespmem:$0x790] =	vst v4  }
0x289: {  	v4 =	vld.idx.msk [tilespmem:v15+s17+$0x0], $0xffff  }
0x28a: {  	v16 =	vld [tilespmem:$0x1FCB0];
	_ =	sdelay $0x3  }
0x28b: {  	v4 =	vshra.s32 v4, v1  }
0x28c: {  	v4 =	vand.u32 $0xFF, v4  }
0x28d: {  	v4 =	vor.u32 v2, v4  }
0x28e: {  	[tilespmem:$0x7A0] =	vst v4  }
0x28f: {  	v4 =	vld.idx.msk [tilespmem:v16+s17+$0x0], $0xffff;
	_ =	sdelay $0x4  }
0x290: {  	v4 =	vshra.s32 v4, v1  }
0x291: {  	v4 =	vand.u32 $0xFF, v4  }
0x292: {  	v4 =	vor.u32 v2, v4  }
0x293: {  	[tilespmem:$0x7B0] =	vst v4  }
0x294: {  	v4 =	vld.idx.msk [tilespmem:v20+s17+$0x0], $0xffff;
	_ =	sdelay $0x4  }
0x295: {  	v4 =	vshra.s32 v4, v1  }
0x296: {  	v4 =	vand.u32 $0xFF, v4  }
0x297: {  	v4 =	vor.u32 v2, v4  }
0x298: {  	[tilespmem:$0x7C0] =	vst v4  }
0x299: {  	v4 =	vld.idx.msk [tilespmem:v21+s17+$0x0], $0xffff;
	_ =	sdelay $0x4  }
0x29a: {  	v4 =	vshra.s32 v4, v1  }
0x29b: {  	v4 =	vand.u32 $0xFF, v4  }
0x29c: {  	v4 =	vor.u32 v2, v4  }
0x29d: {  	[tilespmem:$0x7D0] =	vst v4  }
0x29e: {  	v4 =	vld.idx.msk [tilespmem:v22+s17+$0x0], $0xffff;
	_ =	sdelay $0x4  }
0x29f: {  	v4 =	vshra.s32 v4, v1  }
0x2a0: {  	v4 =	vand.u32 $0xFF, v4  }
0x2a1: {  	v4 =	vor.u32 v2, v4  }
0x2a2: {  	[tilespmem:$0x7E0] =	vst v4  }
0x2a3: {  	v4 =	vld.idx.msk [tilespmem:v23+s17+$0x0], $0xffff;
	_ =	sdelay $0x4  }
0x2a4: {  	v4 =	vshra.s32 v4, v1  }
0x2a5: {  	v4 =	vand.u32 $0xFF, v4  }
0x2a6: {  	s3 =	rddreg [dreg:$0x19];
	v4 =	vor.u32 v2, v4  }
0x2a7: {  	s7 =	rddreg [dreg:$0x1a];
	[tilespmem:$0x7F0] =	vst v4  }
0x2a8: {  	[tilespmem:s7], [sflag:$0x4] =	stream.indirect.gather [spmem:s4], $0x10, s3, s13, $0xb8;
	[tilespmem:$0x9300] =	vst v63  }
0x2a9: {  	v4 =	vld.idx.msk [tilespmem:v24+s17+$0x0], $0xffff;
	_ =	sdelay $0x4  }
0x2aa: {  	v4 =	vshra.s32 v4, v1  }
0x2ab: {  	v4 =	vand.u32 $0xFF, v4  }
0x2ac: {  	v4 =	vor.u32 v2, v4  }
0x2ad: {  	[tilespmem:$0x800] =	vst v4  }
0x2ae: {  	v4 =	vld.idx.msk [tilespmem:v25+s17+$0x0], $0xffff;
	_ =	sdelay $0x4  }
0x2af: {  	v4 =	vshra.s32 v4, v1  }
0x2b0: {  	v4 =	vand.u32 $0xFF, v4  }
0x2b1: {  	v4 =	vor.u32 v2, v4  }
0x2b2: {  	[tilespmem:$0x810] =	vst v4  }
0x2b3: {  	v4 =	vld.idx.msk [tilespmem:v26+s17+$0x0], $0xffff;
	_ =	sdelay $0x4  }
0x2b4: {  	v4 =	vshra.s32 v4, v1  }
0x2b5: {  	v4 =	vand.u32 $0xFF, v4  }
0x2b6: {  	v4 =	vor.u32 v2, v4  }
0x2b7: {  	[tilespmem:$0x820] =	vst v4  }
0x2b8: {  	v4 =	vld.idx.msk [tilespmem:v27+s17+$0x0], $0xffff;
	_ =	sdelay $0x4  }
0x2b9: {  	v4 =	vshra.s32 v4, v1  }
0x2ba: {  	v4 =	vand.u32 $0xFF, v4  }
0x2bb: {  	v4 =	vor.u32 v2, v4  }
0x2bc: {  	[tilespmem:$0x830] =	vst v4  }
0x2bd: {  	v4 =	vld.idx.msk [tilespmem:v28+s17+$0x0], $0xffff;
	_ =	sdelay $0x4  }
0x2be: {  	v4 =	vshra.s32 v4, v1  }
0x2bf: {  	v4 =	vand.u32 $0xFF, v4  }
0x2c0: {  	v4 =	vor.u32 v2, v4  }
0x2c1: {  	[tilespmem:$0x840] =	vst v4  }
0x2c2: {  	v4 =	vld.idx.msk [tilespmem:v29+s17+$0x0], $0xffff;
	_ =	sdelay $0x4  }
0x2c3: {  	v4 =	vshra.s32 v4, v1  }
0x2c4: {  	v4 =	vand.u32 $0xFF, v4  }
0x2c5: {  	v4 =	vor.u32 v2, v4  }
0x2c6: {  	[tilespmem:$0x850] =	vst v4  }
0x2c7: {  	v4 =	vld.idx.msk [tilespmem:v30+s17+$0x0], $0xffff;
	_ =	sdelay $0x4  }
0x2c8: {  	v4 =	vshra.s32 v4, v1  }
0x2c9: {  	v4 =	vand.u32 $0xFF, v4  }
0x2ca: {  	v4 =	vor.u32 v2, v4  }
0x2cb: {  	[tilespmem:$0x860] =	vst v4  }
0x2cc: {  	v4 =	vld.idx.msk [tilespmem:v31+s17+$0x0], $0xffff;
	_ =	sdelay $0x4  }
0x2cd: {  	v4 =	vshra.s32 v4, v1  }
0x2ce: {  	v4 =	vand.u32 $0xFF, v4  }
0x2cf: {  	s3 =	rddreg [dreg:$0x1b];
	v4 =	vor.u32 v2, v4  }
0x2d0: {  	s7 =	rddreg [dreg:$0x1c];
	[tilespmem:$0x870] =	vst v4  }
0x2d1: {  	[tilespmem:s7], [sflag:$0x4] =	stream.indirect.gather [spmem:s4], $0x10, s3, s13, $0xb8;
	[tilespmem:$0x9300] =	vst v63  }
0x2d2: {  	v4 =	vld.idx.msk [tilespmem:v32+s17+$0x0], $0xffff;
	_ =	sdelay $0x4  }
0x2d3: {  	v4 =	vshra.s32 v4, v1  }
0x2d4: {  	v4 =	vand.u32 $0xFF, v4  }
0x2d5: {  	v4 =	vor.u32 v2, v4  }
0x2d6: {  	[tilespmem:$0x880] =	vst v4  }
0x2d7: {  	v4 =	vld.idx.msk [tilespmem:v33+s17+$0x0], $0xffff;
	_ =	sdelay $0x4  }
0x2d8: {  	v4 =	vshra.s32 v4, v1  }
0x2d9: {  	v4 =	vand.u32 $0xFF, v4  }
0x2da: {  	v4 =	vor.u32 v2, v4  }
0x2db: {  	[tilespmem:$0x890] =	vst v4  }
0x2dc: {  	v4 =	vld.idx.msk [tilespmem:v34+s17+$0x0], $0xffff;
	_ =	sdelay $0x4  }
0x2dd: {  	v4 =	vshra.s32 v4, v1  }
0x2de: {  	v4 =	vand.u32 $0xFF, v4  }
0x2df: {  	v4 =	vor.u32 v2, v4  }
0x2e0: {  	[tilespmem:$0x8A0] =	vst v4  }
0x2e1: {  	v4 =	vld.idx.msk [tilespmem:v35+s17+$0x0], $0xffff;
	_ =	sdelay $0x4  }
0x2e2: {  	v4 =	vshra.s32 v4, v1  }
0x2e3: {  	v4 =	vand.u32 $0xFF, v4  }
0x2e4: {  	v4 =	vor.u32 v2, v4  }
0x2e5: {  	[tilespmem:$0x8B0] =	vst v4  }
0x2e6: {  	v4 =	vld.idx.msk [tilespmem:v36+s17+$0x0], $0xffff;
	_ =	sdelay $0x4  }
0x2e7: {  	v4 =	vshra.s32 v4, v1  }
0x2e8: {  	v4 =	vand.u32 $0xFF, v4  }
0x2e9: {  	v4 =	vor.u32 v2, v4  }
0x2ea: {  	[tilespmem:$0x8C0] =	vst v4  }
0x2eb: {  	v4 =	vld.idx.msk [tilespmem:v37+s17+$0x0], $0xffff;
	_ =	sdelay $0x4  }
0x2ec: {  	v4 =	vshra.s32 v4, v1  }
0x2ed: {  	v4 =	vand.u32 $0xFF, v4  }
0x2ee: {  	v4 =	vor.u32 v2, v4  }
0x2ef: {  	[tilespmem:$0x8D0] =	vst v4  }
0x2f0: {  	v4 =	vld.idx.msk [tilespmem:v38+s17+$0x0], $0xffff;
	_ =	sdelay $0x4  }
0x2f1: {  	v4 =	vshra.s32 v4, v1  }
0x2f2: {  	v4 =	vand.u32 $0xFF, v4  }
0x2f3: {  	v4 =	vor.u32 v2, v4  }
0x2f4: {  	[tilespmem:$0x8E0] =	vst v4  }
0x2f5: {  	v4 =	vld.idx.msk [tilespmem:v39+s17+$0x0], $0xffff;
	_ =	sdelay $0x4  }
0x2f6: {  	v4 =	vshra.s32 v4, v1  }
0x2f7: {  	v4 =	vand.u32 $0xFF, v4  }
0x2f8: {  	s3 =	rddreg [dreg:$0x1d];
	v4 =	vor.u32 v2, v4  }
0x2f9: {  	s7 =	rddreg [dreg:$0x1e];
	[tilespmem:$0x8F0] =	vst v4  }
0x2fa: {  	[tilespmem:s7], [sflag:$0x4] =	stream.indirect.gather [spmem:s4], $0x10, s3, s13, $0xb8;
	[tilespmem:$0x9300] =	vst v63  }
0x2fb: {  	v4 =	vld.idx.msk [tilespmem:v40+s17+$0x0], $0xffff;
	_ =	sdelay $0x4  }
0x2fc: {  	v4 =	vshra.s32 v4, v1  }
0x2fd: {  	v4 =	vand.u32 $0xFF, v4  }
0x2fe: {  	v4 =	vor.u32 v2, v4  }
0x2ff: {  	[tilespmem:$0x900] =	vst v4  }
0x300: {  	v4 =	vld.idx.msk [tilespmem:v41+s17+$0x0], $0xffff;
	_ =	sdelay $0x4  }
0x301: {  	v4 =	vshra.s32 v4, v1  }
0x302: {  	v4 =	vand.u32 $0xFF, v4  }
0x303: {  	v4 =	vor.u32 v2, v4  }
0x304: {  	[tilespmem:$0x910] =	vst v4  }
0x305: {  	v4 =	vld.idx.msk [tilespmem:v42+s17+$0x0], $0xffff;
	_ =	sdelay $0x4  }
0x306: {  	v4 =	vshra.s32 v4, v1  }
0x307: {  	v4 =	vand.u32 $0xFF, v4  }
0x308: {  	v4 =	vor.u32 v2, v4  }
0x309: {  	[tilespmem:$0x920] =	vst v4  }
0x30a: {  	v4 =	vld.idx.msk [tilespmem:v43+s17+$0x0], $0xffff;
	_ =	sdelay $0x4  }
0x30b: {  	v4 =	vshra.s32 v4, v1  }
0x30c: {  	v4 =	vand.u32 $0xFF, v4  }
0x30d: {  	v4 =	vor.u32 v2, v4  }
0x30e: {  	[tilespmem:$0x930] =	vst v4  }
0x30f: {  	v4 =	vld.idx.msk [tilespmem:v44+s17+$0x0], $0xffff;
	_ =	sdelay $0x4  }
0x310: {  	v4 =	vshra.s32 v4, v1  }
0x311: {  	v4 =	vand.u32 $0xFF, v4  }
0x312: {  	v4 =	vor.u32 v2, v4  }
0x313: {  	[tilespmem:$0x940] =	vst v4  }
0x314: {  	v4 =	vld.idx.msk [tilespmem:v45+s17+$0x0], $0xffff;
	_ =	sdelay $0x4  }
0x315: {  	v4 =	vshra.s32 v4, v1  }
0x316: {  	v4 =	vand.u32 $0xFF, v4  }
0x317: {  	v4 =	vor.u32 v2, v4  }
0x318: {  	[tilespmem:$0x950] =	vst v4  }
0x319: {  	v4 =	vld.idx.msk [tilespmem:v46+s17+$0x0], $0xffff;
	_ =	sdelay $0x4  }
0x31a: {  	v4 =	vshra.s32 v4, v1  }
0x31b: {  	v4 =	vand.u32 $0xFF, v4  }
0x31c: {  	v4 =	vor.u32 v2, v4  }
0x31d: {  	[tilespmem:$0x960] =	vst v4  }
0x31e: {  	v4 =	vld.idx.msk [tilespmem:v47+s17+$0x0], $0xffff;
	_ =	sdelay $0x4  }
0x31f: {  	v4 =	vshra.s32 v4, v1  }
0x320: {  	s7 =	sld [smem:$0x7FA];
	v4 =	vand.u32 $0xFF, v4  }
0x321: {  	v4 =	vor.u32 v2, v4  }
0x322: {  	s3 =	rddreg [dreg:$0x1f];
	[tilespmem:$0x970] =	vst v4  }
0x323: {  	[tilespmem:s7], [sflag:$0x4] =	stream.indirect.gather [spmem:s4], $0x10, s3, s13, $0xb8;
	[tilespmem:$0x9300] =	vst v63  }
0x324: {  	v4 =	vld.idx.msk [tilespmem:v48+s17+$0x0], $0xffff;
	_ =	sdelay $0x4  }
0x325: {  	v4 =	vshra.s32 v4, v1  }
0x326: {  	v4 =	vand.u32 $0xFF, v4  }
0x327: {  	v4 =	vor.u32 v2, v4  }
0x328: {  	[tilespmem:$0x980] =	vst v4  }
0x329: {  	v4 =	vld.idx.msk [tilespmem:v49+s17+$0x0], $0xffff;
	_ =	sdelay $0x4  }
0x32a: {  	v4 =	vshra.s32 v4, v1  }
0x32b: {  	v4 =	vand.u32 $0xFF, v4  }
0x32c: {  	v4 =	vor.u32 v2, v4  }
0x32d: {  	[tilespmem:$0x990] =	vst v4  }
0x32e: {  	v4 =	vld.idx.msk [tilespmem:v50+s17+$0x0], $0xffff;
	_ =	sdelay $0x4  }
0x32f: {  	v4 =	vshra.s32 v4, v1  }
0x330: {  	v4 =	vand.u32 $0xFF, v4  }
0x331: {  	v4 =	vor.u32 v2, v4  }
0x332: {  	[tilespmem:$0x9A0] =	vst v4  }
0x333: {  	v4 =	vld.idx.msk [tilespmem:v51+s17+$0x0], $0xffff;
	_ =	sdelay $0x4  }
0x334: {  	v4 =	vshra.s32 v4, v1  }
0x335: {  	v4 =	vand.u32 $0xFF, v4  }
0x336: {  	v4 =	vor.u32 v2, v4  }
0x337: {  	[tilespmem:$0x9B0] =	vst v4  }
0x338: {  	v4 =	vld.idx.msk [tilespmem:v52+s17+$0x0], $0xffff;
	_ =	sdelay $0x4  }
0x339: {  	v4 =	vshra.s32 v4, v1  }
0x33a: {  	v4 =	vand.u32 $0xFF, v4  }
0x33b: {  	v4 =	vor.u32 v2, v4  }
0x33c: {  	[tilespmem:$0x9C0] =	vst v4  }
0x33d: {  	v4 =	vld.idx.msk [tilespmem:v53+s17+$0x0], $0xffff;
	_ =	sdelay $0x4  }
0x33e: {  	v4 =	vshra.s32 v4, v1  }
0x33f: {  	v4 =	vand.u32 $0xFF, v4  }
0x340: {  	v4 =	vor.u32 v2, v4  }
0x341: {  	[tilespmem:$0x9D0] =	vst v4  }
0x342: {  	v4 =	vld.idx.msk [tilespmem:v54+s17+$0x0], $0xffff;
	_ =	sdelay $0x4  }
0x343: {  	v4 =	vshra.s32 v4, v1  }
0x344: {  	v4 =	vand.u32 $0xFF, v4  }
0x345: {  	v4 =	vor.u32 v2, v4  }
0x346: {  	[tilespmem:$0x9E0] =	vst v4  }
0x347: {  	v4 =	vld.idx.msk [tilespmem:v55+s17+$0x0], $0xffff;
	_ =	sdelay $0x4  }
0x348: {  	s3 =	sld [smem:$0x7FB];
	v4 =	vshra.s32 v4, v1  }
0x349: {  	s7 =	sld [smem:$0x7FC];
	v4 =	vand.u32 $0xFF, v4  }
0x34a: {  	v4 =	vor.u32 v2, v4  }
0x34b: {  	[tilespmem:$0x9F0] =	vst v4  }
0x34c: {  	[tilespmem:s7], [sflag:$0x4] =	stream.indirect.gather [spmem:s4], $0x10, s3, s13, $0xb8;
	[tilespmem:$0x9300] =	vst v63  }
0x34d: {  	v4 =	vld.idx.msk [tilespmem:v56+s17+$0x0], $0xffff;
	_ =	sdelay $0x4  }
0x34e: {  	v4 =	vshra.s32 v4, v1  }
0x34f: {  	v4 =	vand.u32 $0xFF, v4  }
0x350: {  	v4 =	vor.u32 v2, v4  }
0x351: {  	[tilespmem:$0xA00] =	vst v4  }
0x352: {  	v4 =	vld.idx.msk [tilespmem:v57+s17+$0x0], $0xffff;
	_ =	sdelay $0x4  }
0x353: {  	v4 =	vshra.s32 v4, v1  }
0x354: {  	v4 =	vand.u32 $0xFF, v4  }
0x355: {  	v4 =	vor.u32 v2, v4  }
0x356: {  	[tilespmem:$0xA10] =	vst v4  }
0x357: {  	v4 =	vld.idx.msk [tilespmem:v58+s17+$0x0], $0xffff;
	_ =	sdelay $0x4  }
0x358: {  	v4 =	vshra.s32 v4, v1  }
0x359: {  	v4 =	vand.u32 $0xFF, v4  }
0x35a: {  	v4 =	vor.u32 v2, v4  }
0x35b: {  	[tilespmem:$0xA20] =	vst v4  }
0x35c: {  	v4 =	vld.idx.msk [tilespmem:v59+s17+$0x0], $0xffff;
	_ =	sdelay $0x4  }
0x35d: {  	v4 =	vshra.s32 v4, v1  }
0x35e: {  	v4 =	vand.u32 $0xFF, v4  }
0x35f: {  	v4 =	vor.u32 v2, v4  }
0x360: {  	[tilespmem:$0xA30] =	vst v4  }
0x361: {  	v4 =	vld.idx.msk [tilespmem:v60+s17+$0x0], $0xffff;
	_ =	sdelay $0x4  }
0x362: {  	v4 =	vshra.s32 v4, v1  }
0x363: {  	v4 =	vand.u32 $0xFF, v4  }
0x364: {  	v4 =	vor.u32 v2, v4  }
0x365: {  	[tilespmem:$0xA40] =	vst v4  }
0x366: {  	v4 =	vld.idx.msk [tilespmem:v61+s17+$0x0], $0xffff;
	_ =	sdelay $0x4  }
0x367: {  	v4 =	vshra.s32 v4, v1  }
0x368: {  	v4 =	vand.u32 $0xFF, v4  }
0x369: {  	v4 =	vor.u32 v2, v4  }
0x36a: {  	[tilespmem:$0xA50] =	vst v4  }
0x36b: {  	v4 =	vld.idx.msk [tilespmem:v62+s17+$0x0], $0xffff;
	_ =	sdelay $0x4  }
0x36c: {  	v4 =	vshra.s32 v4, v1  }
0x36d: {  	v4 =	vand.u32 $0xFF, v4  }
0x36e: {  	v4 =	vor.u32 v2, v4  }
0x36f: {  	[tilespmem:$0xA60] =	vst v4  }
0x370: {  	v4 =	vld.idx.msk [tilespmem:v63+s17+$0x0], $0xffff;
	_ =	sdelay $0x4  }
0x371: {  	v4 =	vshra.s32 v4, v1  }
0x372: {  	s7 =	sld [smem:$0x7FD];
	v4 =	vand.u32 $0xFF, v4  }
0x373: {  	v4 =	vor.u32 v2, v4  }
0x374: {  	[tilespmem:$0xA70] =	vst v4  }
0x375: {  	[tilespmem:s22], [sflag:$0x4] =	stream.indirect.gather [spmem:s4], $0x10, s7, s13, $0xb8;
	[tilespmem:$0x9300] =	vst v63  }
0x376: {  	v4 =	vld.idx.msk [tilespmem:v0+s17+$0x0], $0xffff;
	_ =	sdelay $0x4  }
0x377: {  	v4 =	vshra.s32 v4, v1  }
0x378: {  	v4 =	vand.u32 $0xFF, v4  }
0x379: {  	v4 =	vor.u32 v2, v4  }
0x37a: {  	[tilespmem:$0xA80] =	vst v4  }
0x37b: {  	v4 =	vld.idx.msk [tilespmem:v3+s17+$0x0], $0xffff;
	_ =	sdelay $0x4  }
0x37c: {  	v4 =	vshra.s32 v4, v1  }
0x37d: {  	v4 =	vand.u32 $0xFF, v4  }
0x37e: {  	v4 =	vor.u32 v2, v4  }
0x37f: {  	[tilespmem:$0xA90] =	vst v4  }
0x380: {  	v4 =	vld.idx.msk [tilespmem:v5+s17+$0x0], $0xffff;
	_ =	sdelay $0x4  }
0x381: {  	v4 =	vshra.s32 v4, v1  }
0x382: {  	v4 =	vand.u32 $0xFF, v4  }
0x383: {  	v4 =	vor.u32 v2, v4  }
0x384: {  	[tilespmem:$0xAA0] =	vst v4  }
0x385: {  	v4 =	vld.idx.msk [tilespmem:v6+s17+$0x0], $0xffff;
	_ =	sdelay $0x4  }
0x386: {  	v4 =	vshra.s32 v4, v1  }
0x387: {  	v4 =	vand.u32 $0xFF, v4  }
0x388: {  	v4 =	vor.u32 v2, v4  }
0x389: {  	[tilespmem:$0xAB0] =	vst v4  }
0x38a: {  	v4 =	vld.idx.msk [tilespmem:v7+s17+$0x0], $0xffff;
	_ =	sdelay $0x4  }
0x38b: {  	v4 =	vshra.s32 v4, v1  }
0x38c: {  	v4 =	vand.u32 $0xFF, v4  }
0x38d: {  	v4 =	vor.u32 v2, v4  }
0x38e: {  	[tilespmem:$0xAC0] =	vst v4  }
0x38f: {  	v4 =	vld.idx.msk [tilespmem:v17+s17+$0x0], $0xffff;
	_ =	sdelay $0x4  }
0x390: {  	v4 =	vshra.s32 v4, v1  }
0x391: {  	v4 =	vand.u32 $0xFF, v4  }
0x392: {  	v4 =	vor.u32 v2, v4  }
0x393: {  	[tilespmem:$0xAD0] =	vst v4  }
0x394: {  	v4 =	vld.idx.msk [tilespmem:v18+s17+$0x0], $0xffff;
	_ =	sdelay $0x4  }
0x395: {  	v4 =	vshra.s32 v4, v1  }
0x396: {  	v4 =	vand.u32 $0xFF, v4  }
0x397: {  	v4 =	vor.u32 v2, v4  }
0x398: {  	[tilespmem:$0xAE0] =	vst v4  }
0x399: {  	v4 =	vld.idx.msk [tilespmem:v19+s17+$0x0], $0xffff;
	_ =	sdelay $0x4  }
0x39a: {  	v4 =	vshra.s32 v4, v1  }
0x39b: {  	v4 =	vand.u32 $0xFF, v4  }
0x39c: {  	v4 =	vor.u32 v2, v4  }
0x39d: {  	[tilespmem:$0xAF0] =	vst v4  }
0x39e: {  	[tilespmem:s24], [sflag:$0x4] =	stream.indirect.gather [spmem:s4], $0x10, s23, s13, $0xb8;
	[tilespmem:$0x9300] =	vst v63  }
0x39f: {  	_ =	swait.ge [sflag:s25], $0x800  }
0x3a0: {  	[sflag:s25] =	ssyncset.done $0x0  }
0x3a1: {  	[sflag:s25] =	ssyncadd.s32 $0xFFFFF800  }
0x3a2: {  	_ =	swait.ge [sflag:s25], $0x800  }
0x3a3: {  	[sflag:s25] =	ssyncset.done $0x0  }
0x3a4: {  	[sflag:s25] =	ssyncadd.s32 $0xFFFFF800  }
0x3a5: {  	_ =	swait.ge [sflag:s25], $0x800  }
0x3a6: {  	[sflag:s25] =	ssyncset.done $0x0  }
0x3a7: {  	[sflag:s25] =	ssyncadd.s32 $0xFFFFF800  }
0x3a8: {  	_ =	swait.ge [sflag:s25], $0x800  }
0x3a9: {  	[sflag:s25] =	ssyncset.done $0x0  }
0x3aa: {  	[sflag:s25] =	ssyncadd.s32 $0xFFFFF800  }
0x3ab: {  	_ =	swait.ge [sflag:s25], $0x800  }
0x3ac: {  	[sflag:s25] =	ssyncset.done $0x0  }
0x3ad: {  	[sflag:s25] =	ssyncadd.s32 $0xFFFFF800  }
0x3ae: {  	_ =	swait.ge [sflag:s25], $0x800  }
0x3af: {  	[sflag:s25] =	ssyncset.done $0x0  }
0x3b0: {  	[sflag:s25] =	ssyncadd.s32 $0xFFFFF800  }
0x3b1: {  	_ =	swait.ge [sflag:s25], $0x800  }
0x3b2: {  	s31 =	sadd.s32 $0x20, s31;
	[sflag:s25] =	ssyncset.done $0x0  }
0x3b3: {  	p1 =	sne.s32 s31, $0x320;
	[sflag:s25] =	ssyncadd.s32 $0xFFFFF800  }
.Ltmp0:
0x3b4: {  	_ =	swait.ge [sflag:s25], $0x800;
	(pc) =	sbr.rel @p1 .LBB2_2-.Ltmp0, $4  }
0x3b5: {  	[sflag:s25] =	ssyncset.done $0x0  }
0x3b6: {  	[sflag:s25] =	ssyncadd.s32 $0xFFFFF800  }
0x3b7: {  	[hbm4b:s30+s5] =	stream.linear.scatter [tilespmem:s21], [sflag:$0x6], $0x4000, $0x38;
	[tilespmem:$0x9300] =	vst v63  }
0x3b8: {  	s30 =	sadd.s32 $0x1000, s30  }
0x3b9: {  	_ =	swait.ge [sflag:s26], $0x4000  }
0x3ba: {  	[sflag:s26] =	ssyncset.done $0x0  }
0x3bb: {  	[sflag:s26] =	ssyncadd.s32 $0xFFFFC000  }
0x3bc: {  	_ =	swait.ge [sflag:s28], $0x4000  }
0x3bd: {  	[sflag:s28] =	ssyncset.done $0x0  }
0x3be: {  	s29 =	sadd.s32 $0x1, s29;
	[sflag:s28] =	ssyncadd.s32 $0xFFFFC000  }
0x3bf: {  	p1 =	sne.s32 s29, s9;
	_ =	swait.ge [sflag:s16], $0x80  }
.Ltmp1:
0x3c0: {  	[sflag:s16] =	ssyncset.done $0x0;
	(pc) =	sbr.rel @p1 .LBB2_1-.Ltmp1, $4  }
0x3c1: {  	[sflag:s16] =	ssyncadd.s32 $0xFFFFFF80  }
0x3c2: {  	_ =	swait.ge [sflag:s16], $0x80  }
0x3c3: {  	[sflag:s16] =	ssyncset.done $0x0  }
0x3c4: {  	[sflag:s16] =	ssyncadd.s32 $0xFFFFFF80  }
0x3c5: {  	_ =	sfence.sel $0x180000  }
0x3c6: {  	[bflag:$0x0] =	sbarrier.arrive $0xFFFF  }
0x3c7: {  	_ =	strace $0x90000047  }
0x3c8: {  	[bflag:$0x2] =	sbarrier.arrive $0xFFFF  }
0x3c9: {  	s0 =	rddreg [dreg:$0x6]  }
0x3ca: {  	s0 =	sadd.s32 @!p0 $0x100000, s0  }
0x3cb: {  	[sflag:s0] =	ssyncadd.tile.s32 @!p0 $0x1;
	_ =	shalt  }
.Lfunc_end2:
_tile_overlayer_lowered:
.L_overlay_start_2:
0x3cc: {  	(tag) =	ssettag $0x2  }
0x3cd: {  	s0 =	rddreg [dreg:$0x0];
	s2 =	stileid.u32  }
0x3ce: {  	s1 =	rddreg [dreg:$0x1];
	p0 =	sne.s32 s2, $0x0  }
0x3cf: {  	s3 =	rddreg [dreg:$0x2];
	[bflag:$0x3] =	sbarrier.arrive $0xFFFF;
	s2 =	simm.s32 @!p0 $0x1C07  }
0x3d0: {  	[timem:s3], [sflag:s2] =	dma.local @!p0 [hbm:s0], s1  }
0x3d1: {  	s0 =	simm.s32 @!p0 $0x7  }
0x3d2: {  	_ =	swait.ge @!p0 [sflag:s0], s1  }
0x3d3: {  	s1 =	ssub.s32 @!p0 $0x0, s1;
	[sflag:s0] =	ssyncset.done @!p0 $0x0  }
0x3d4: {  	[sflag:s0] =	ssyncadd.s32 @!p0 s1  }
0x3d5: {  	[bflag:$0x3] =	sbarrier.arrive $0xFFFF  }
0x3d6: {  	_ =	shalt  }

// kernel: sparse-core-data-format-call.cloned.1.call-start
scs
called_computation_lowered:
.L_overlay_start_0:
0x0: {  	s2 =	sld [smem:$0x3FD9]  }
0x1: {  	s3 =	sld [smem:$0x3FFE];
	_ =	sdelay $0x1  }
0x2: {  	s1 =	srdreg.scid  }
0x3: {  	s0 =	sand.u32 $0x1, s1  }
0x4: {  	s18 =	sshll.u32 s0, $0xA;
	s2 =	sadd.s32 s3, s2  }
0x5: {  	s2 =	sadd.s32 s2, s18  }
0x6: {  	[smem:$0x3FC4] =	sst s2  }
0x7: {  	_ = 	snop  }
0x8: {  	s2 =	sld [smem:$0x3FD0];
	(tm) =	ssettm $0x1  }
0x9: {  	s19 =	sld [smem:$0x3FFB];
	_ =	sdelay $0x3  }
0xa: {  	_ =	strace s19  }
0xb: {  	s3 =	sld [smem:$0x3FFC];
	_ =	sdelay $0x3  }
0xc: {  	_ =	strace s3  }
0xd: {  	s3 =	sld [smem:$0x3FFD];
	_ =	sdelay $0x3  }
0xe: {  	_ =	strace s3  }
0xf: {  	_ =	strace $0x8FFFFFFF  }
0x10: {  	s20 =	sld [smem:$0x3FDB];
	_ =	sdelay $0x1  }
0x11: {  	s4 =	simm.s32 $_scs_section_size  }
0x12: {  	s5 =	simm.s32 $_size__tile_overlayer_lowered;
	s6 =	simm.s32 $_tile_overlayer_lowered  }
0x13: {  	s23 =	simm.s32 $0x1BFF;
	s22 =	sshll.u32 s6, $0x1;
	s3 =	sadd.s32 s4, s20  }
0x14: {  	s7 =	simm.s32 $0x0;
	s21 =	sshll.u32 s5, $0x1;
	s5 =	sadd.s32 s22, s3  }
0x15: {  	[timem:s7], [sflag:s23] =	dma.local [hbm:s5], s21  }
0x16: {  	_ =	swait.ge [sflag:s23], s21  }
0x17: {  	s4 =	ssub.s32 $0x0, s21;
	[sflag:s23] =	ssyncset.done $0x0  }
0x18: {  	[sflag:s23] =	ssyncadd.s32 s4;
	_ =	sdelay $0x1  }
0x19: {  	s24 =	simm.s32 $0x1B8B  }
0x1a: {  	_ =	swait.ge [sflag:s24], $0x1  }
0x1b: {  	[sflag:s24] =	ssyncset.done $0x0  }
0x1c: {  	s26 =	simm.s32 $0x1B8E;
	s25 =	sld [smem:$0x3FFE];
	[sflag:s24] =	ssyncadd.s32 $0xFFFFFFFF  }
0x1d: {  	s27 =	simm.s32 $execute0_lowered;
	[smem:$0x3FD2] =	sst s26  }
0x1e: {  	s5 =	sshll.u32 s27, $0x1;
	_ =	strace $0x80000049;
	[dreg:$0x1] =	wrdreg $0xFFFFFFFF  }
0x1f: {  	s28 =	simm.s32 $_size_execute0_lowered;
	s3 =	sadd.s32 s3, s5;
	[dreg:$0x0] =	wrdreg $0x0  }
0x20: {  	s5 =	sshll.u32 s28, $0x1;
	[dreg:$0x2] =	wrdreg s3  }
0x21: {  	[dreg:$0x3] =	wrdreg s5  }
0x22: {  	[dreg:$0x4] =	wrdreg $0xC0  }
0x23: {  	_ =	task [dreg:s7], $0x5FFFF  }
0x24: {  	[dreg:$0x1] =	wrdreg $0xFFFFFFFF  }
0x25: {  	[dreg:$0x0] =	wrdreg $0x60  }
0x26: {  	[dreg:$0x2] =	wrdreg s25  }
0x27: {  	[dreg:$0x3] =	wrdreg s2  }
0x28: {  	[dreg:$0x4] =	wrdreg $0x9  }
0x29: {  	_ =	task.clear_ibuf [dreg:s7], $0x5FFFF;
	_ =	strace $0x90000049  }
0x2a: {  	s29 =	simm.s32 $0x9;
	_ =	strace $0x8000004B  }
0x2b: {  	_ =	swait.ge [sflag:s29], $0x1  }
0x2c: {  	[sflag:s29] =	ssyncadd.s32 $0xFFFFFFFF  }
0x2d: {  	_ =	strace $0x9000004B  }
0x2e: {  	_ =	sfence  }
0x2f: {  	s30 =	sld [smem:$0x0];
	_ =	sdelay $0x2  }
0x30: {  	s31 =	sshll.u32 s1, $0xD;
	s1 =	sshrl.u32 s1, $0x2  }
0x31: {  	s3 =	sand.u32 $0x4000, s31;
	s1 =	sadd.s32 s1, s30  }
0x32: {  	s0 =	sor.u32 s3, s0;
	s1 =	sshll.u32 s1, $0x11  }
0x33: {  	s0 =	sor.u32 s1, s0  }
0x34: {  	s0 =	sadd.s32 $0x8F2B, s0  }
0x35: {  	[sflag:s0] =	ssyncadd.remote.s32 $0x1  }
0x36: {  	_ =	sfence.sel $0xFFFF  }
0x37: {  	[dreg:$0x0] =	wrdreg $0xFFFFFFFF;
	(pc) =	sbr.abs _section_cstart, $3  }
0x38: {  	[dreg:$0x1] =	wrdreg $0xFFFFFFFF  }
0x39: {  	_ =	task.clear_ibuf [dreg:s7], $0x2FFFF;
	_ =	strace $0x9FFFFFFF  }
0x3a: {  	(tm) =	ssettm $0x7FFFFFFF  }
0x3b: {  	_ =	shalt  }
tec
execute0_lowered:
.L_overlay_start_1:
0x0: {  	(tag) =	ssettag $0x1  }
0x1: {  	s0 =	srdreg.scid  }
0x2: {  	s1 =	sshll.u32 s0, $0x4  }
0x3: {  	s4 =	rddreg [dreg:$0x0];
	s0 =	stileid.u32;
	s1 =	sand.u32 $0x10, s1  }
0x4: {  	s2 =	rddreg [dreg:$0x1];
	s7 =	simm.s32 $0x1;
	s1 =	sor.u32 s0, s1  }
0x5: {  	s8 =	simm.s32 $0x2;
	s11 =	simm.s32 $0x0;
	s3 =	sshll.u32 s1, $0x7  }
0x6: {  	s10 =	simm.s32 $0x0;
	s4 =	sadd.s32 $0x800, s4;
	s6 =	ssub.s32 $0x190000, s3  }
.Ltmp0:
0x7: {  	s1 =	rddreg [dreg:$0x2];
	s5 =	sand.u32 $0xF80, s6;
	(pc) =	sbr.rel .LBB1_1-.Ltmp0, $4  }
0x8: {  	_ =	strace $0x8000004A;
	s9 =	smov.u32 s3;
	p0 =	sne.s32 s5, $0x0  }
0x9: {  	s6 =	sshrl.u32 s6, $0xC;
	s5 =	simm.s32 $0x1;
	s7 =	simm.s32 @!p0 $0x0  }
0xa: {  	[sflag:s5] =	ssyncpa.u1 $0x0;
	p0 =	por $0x0, $0x0;
	s6 =	sadd.s32 s7, s6  }
0xb: {  	[sflag:s8] =	ssyncpa.u1 $0x0;
	s8 =	simm.s32 $0xC80000;
	s7 =	sadd.s32 $0x1, s6  }
.LBB1_4:
0xc: {  	s14 =	sshll.u32 s11, $0x3  }
0xd: {  	s30 =	sand.u32 $0x7F, s11;
	s15 =	sand.u32 $0xFFFFFC00, s14  }
0xe: {  	s11 =	sor.u32 s30, s15  }
0xf: {  	s15 =	smulhi.u32 $0x51EB851F, s11  }
0x10: {  	s14 =	smulhi.u32 $0x51EB851F, s14  }
0x11: {  	s15 =	sshrl.u32 s15, $0x13  }
0x12: {  	s14 =	sshrl.u32 s14, $0x13;
	s15 =	smul.u32 $0x190000, s15  }
0x13: {  	[tilespmem:s12+$0xFFFFFFFC ss:$0x81] =	vst.msk $0xffff, v1;
	s14 =	sand.u32 $0xF, s14  }
0x14: {  	[tilespmem:s12+$0xFFFFFFFD ss:$0x81] =	vst.msk $0xffff, v2;
	s14 =	smul.u32 $0x32000, s14;
	s11 =	ssub.s32 s11, s15  }
0x15: {  	[tilespmem:s12+$0xFFFFFFFE ss:$0x81] =	vst.msk $0xffff, v0;
	s15 =	sand.u32 $0x7, s11  }
0x16: {  	[tilespmem:s12+$0xFFFFFFFF ss:$0x81] =	vst.msk $0xffff, v4;
	s14 =	sadd.s32 s2, s14;
	s11 =	sshrl.u32 s11, $0x3;
	s15 =	sshll.u32 s15, $0x12  }
0x17: {  	[tilespmem:s12+$0xFFFFFFF9 ss:$0x81] =	vst.msk $0xffff, v3;
	s11 =	sadd.s32 s11, s14;
	s31 =	sor.u32 $0x400, s15  }
0x18: {  	[hbm4b:s11+s31] =	stream.strided.scatter [tilespmem:s13], [sflag:$0x2], $0x800, s8, s31, $0x20;
	[tilespmem:$0x2020] =	vst v63  }
.LBB1_5:
0x19: {  	s13 =	sadd.s32 $0x1000, s9  }
0x1a: {  	p2 =	sgt.s32 s13, $0x18FFFF  }
0x1b: {  	s13 =	smov.u32 @p2 s3;
	p2 =	sne.s32 s10, s7  }
.Ltmp1:
0x1c: {  	p1 =	slt.u32 s10, $0x2;
	(pc) =	sbr.rel @!p2 .LBB1_6-.Ltmp1, $4  }
0x1d: {  	s12 =	simm.s32 @!p1 $0x2  }
0x1e: {  	s14 =	sadd.s32 $0x1, s10;
	_ =	swait.ge @!p1 [sflag:s12], $0x800  }
0x1f: {  	s11 =	smov.u32 s9;
	p0 =	por !p0, !p0;
	[sflag:s12] =	ssyncset.done @!p1 $0x0  }
0x20: {  	s10 =	smov.u32 s14;
	s9 =	smov.u32 s13;
	[sflag:s12] =	ssyncadd.s32 @!p1 $0xFFFFF800  }
.LBB1_1:
0x21: {  	p1 =	sge.u32 s10, s6  }
0x22: {  	s12 =	sand.u32 @!p1 $0x1FFFFFF, s9  }
0x23: {  	s13 =	smulhi.u32 @!p1 $0x147AE15, s12;
	_ =	sdelay $0x1  }
0x24: {  	s13 =	sshrl.u32 @!p1 s13, $0xD  }
0x25: {  	s13 =	smul.u32 @!p1 $0x190000, s13;
	_ =	sdelay $0x1  }
0x26: {  	s31 =	sadd.s32 $0xFFFFFFFF, s10;
	s14 =	sxor.u32 @!p1 $0xFFFFFFFF, s10;
	s12 =	ssub.s32 @!p1 s12, s13  }
0x27: {  	s15 =	simm.s32 @!p1 $0x80;
	s14 =	sshll.u32 @!p1 s14, $0xB;
	s12 =	sshll.u32 @!p1 s12, $0x4  }
0x28: {  	s13 =	sand.u32 @!p1 $0x800, s14;
	s14 =	simm.s32 @!p1 $0x10;
	s12 =	sadd.s32 @!p1 s4, s12  }
0x29: {  	[tilespmem:s13], [sflag:$0x1] =	stream.strided.gather @!p1 [hbm4b:s12+s14], $0x800, s15, s14, $0x38;
	[tilespmem:$0x2020] =	vst v63  }
0x2a: {  	p1 =	sge.u32 s31, s6  }
.Ltmp2:
0x2b: {  	_ = 	snop;
	(pc) =	sbr.rel @p1 .LBB1_5-.Ltmp2, $1  }
0x2c: {  	_ =	sdelay $0x3  }
0x2d: {  	s12 =	simm.s32 $0x1  }
0x2e: {  	_ =	swait.ge [sflag:s5], $0x800;
	s12 =	simm.s32 @!p0 $0x0  }
0x2f: {  	[sflag:s5] =	ssyncset.done $0x0;
	s13 =	sshll.u32 s12, $0xB  }
0x30: {  	[sflag:s5] =	ssyncadd.s32 $0xFFFFF800;
	s15 =	sor.u32 $0x40, s13  }
0x31: {  	v3 =	vld [tilespmem:s15+$0x30]  }
0x32: {  	s12 =	smul.u32 $0x2040, s12;
	v4 =	vld [tilespmem:s15+$0xFFFFFFD0]  }
0x33: {  	v5 =	vld [tilespmem:s15+$0xFFFFFFE0]  }
0x34: {  	s31 =	sand.u32 $0x1, s10;
	s12 =	sshrl.u32 s12, $0x2;
	v1 =	vld [tilespmem:s15+$0xFFFFFFF0]  }
0x35: {  	s13 =	smul.u32 $0x2040, s31;
	v2 =	vld [tilespmem:s15+$0x0];
	s12 =	sor.u32 $0x1007, s12  }
0x36: {  	v0 =	vld [tilespmem:s15+$0x10];
	[tilespmem:s12+$0x0 ss:$0x81] =	vst.msk $0xffff, v3  }
0x37: {  	s13 =	sshrl.u32 s13, $0x2;
	[tilespmem:s12+$0xFFFFFFFA ss:$0x81] =	vst.msk $0xffff, v4;
	v4 =	vld [tilespmem:s15+$0x20]  }
0x38: {  	s14 =	simm.s32 $0x0;
	s13 =	sor.u32 $0x1000, s13;
	v3 =	vld [tilespmem:s15+$0xFFFFFFC0];
	[tilespmem:s12+$0xFFFFFFFB ss:$0x81] =	vst.msk $0xffff, v5;
	s15 =	sadd.s32 $0x80, s15  }
.LBB1_3:
0x39: {  	v5 =	vld [tilespmem:s15+$0x30];
	s14 =	sadd.s32 $0x8, s14;
	[tilespmem:s12+$0xFFFFFFFC ss:$0x81] =	vst.msk $0xffff, v1  }
0x3a: {  	v6 =	vld [tilespmem:s15+$0xFFFFFFD0];
	p1 =	slt.u32 s14, $0x78;
	[tilespmem:s12+$0xFFFFFFFD ss:$0x81] =	vst.msk $0xffff, v2  }
0x3b: {  	v7 =	vld [tilespmem:s15+$0xFFFFFFE0];
	[tilespmem:s12+$0xFFFFFFFE ss:$0x81] =	vst.msk $0xffff, v0  }
.Ltmp3:
0x3c: {  	v1 =	vld [tilespmem:s15+$0xFFFFFFF0];
	[tilespmem:s12+$0xFFFFFFFF ss:$0x81] =	vst.msk $0xffff, v4;
	(pc) =	sbr.rel @p1 .LBB1_3-.Ltmp3, $4  }
0x3d: {  	v2 =	vld [tilespmem:s15+$0x0];
	[tilespmem:s12+$0xFFFFFFF9 ss:$0x81] =	vst.msk $0xffff, v3;
	s12 =	sadd.s32 $0x8, s12  }
0x3e: {  	v0 =	vld [tilespmem:s15+$0x10];
	[tilespmem:s12+$0x0 ss:$0x81] =	vst.msk $0xffff, v5  }
0x3f: {  	[tilespmem:s12+$0xFFFFFFFA ss:$0x81] =	vst.msk $0xffff, v6;
	v4 =	vld [tilespmem:s15+$0x20]  }
0x40: {  	v3 =	vld [tilespmem:s15+$0xFFFFFFC0];
	[tilespmem:s12+$0xFFFFFFFB ss:$0x81] =	vst.msk $0xffff, v7;
	s15 =	sadd.s32 $0x80, s15  }
.Ltmp4:
0x41: {  	_ = 	snop;
	(pc) =	sbr.rel .LBB1_4-.Ltmp4, $1  }
0x42: {  	_ =	sdelay $0x3  }
.LBB1_6:
0x43: {  	_ =	sfence.sel $0x180000  }
0x44: {  	s2 =	simm.s32 $0x1;
	[bflag:$0x0] =	sbarrier.arrive $0xFFFF  }
0x45: {  	s31 =	simm.s32 $0x2;
	[sflag:s2] =	ssyncpa.u1 $0x1  }
0x46: {  	[sflag:s31] =	ssyncpa.u1 $0x1  }
0x47: {  	p0 =	sne.s32 s0, $0x0;
	_ =	strace $0x9000004A  }
0x48: {  	s0 =	sadd.s32 @!p0 $0x100000, s1;
	[bflag:$0x2] =	sbarrier.arrive $0xFFFF  }
0x49: {  	[sflag:s0] =	ssyncadd.tile.s32 @!p0 $0x1;
	_ =	shalt  }
.Lfunc_end1:
_tile_overlayer_lowered:
.L_overlay_start_2:
0x4a: {  	(tag) =	ssettag $0x2  }
0x4b: {  	s0 =	rddreg [dreg:$0x0];
	s2 =	stileid.u32  }
0x4c: {  	s1 =	rddreg [dreg:$0x1];
	p0 =	sne.s32 s2, $0x0  }
0x4d: {  	s3 =	rddreg [dreg:$0x2];
	[bflag:$0x3] =	sbarrier.arrive $0xFFFF;
	s2 =	simm.s32 @!p0 $0x1C01  }
0x4e: {  	[timem:s3], [sflag:s2] =	dma.local @!p0 [hbm:s0], s1  }
0x4f: {  	s0 =	simm.s32 @!p0 $0x1  }
0x50: {  	_ =	swait.ge @!p0 [sflag:s0], s1  }
0x51: {  	s1 =	ssub.s32 @!p0 $0x0, s1;
	[sflag:s0] =	ssyncset.done @!p0 $0x0  }
0x52: {  	[sflag:s0] =	ssyncadd.s32 @!p0 s1  }
0x53: {  	[bflag:$0x3] =	sbarrier.arrive $0xFFFF  }
0x54: {  	_ =	shalt  }

</sc_bundles>
